<compile_context>
chip_gen: v7x
topology: tpu7x:2x2x1
jax: 0.10.2.dev20260603
libtpu: 0.0.44.dev20260713+nightly
codegen_flags: <defaults>
</compile_context>

<pallas_src>
import functools

import jax
import jax.numpy as jnp
from jax import lax
from jax.experimental import pallas as pl
from jax.experimental.pallas import tpu as pltpu
from jax.experimental.pallas import tpu_sc as plsc

N = 50000
E = 1600000
N_PAD = 50176
NW = 32
CHUNK = 256
GRP = 4
NGRP = 49
CHUNK_W = 1024
GRP_W = 7
NGRP_W = 7
E_PER_TILE = CHUNK * GRP * NGRP
E_PAD = NW * E_PER_TILE
ROWS_PER_TILE = N_PAD // 16
CP = 112
TRASH = N
K1 = 25000
K2 = 12500
BN = 1024
NBLK = N_PAD // BN

@functools.cache
def _mesh():
    return plsc.VectorSubcoreMesh(core_axis_name="c", subcore_axis_name="s")



def _deg_body(srcr, dstr, zeros1, outS0, outS1, outD0, outD1,
              degS, degD, ones_v, idx_v, buf_v, dsem):
    c = lax.axis_index("c")
    s = lax.axis_index("s")
    w = c * 16 + s

    def setones(j, _):
        ones_v[pl.ds(j * 16, 16)] = jnp.ones((16,), jnp.float32)
        return 0
    lax.fori_loop(0, CHUNK_W // 16, setones, 0)

    row0 = s * ROWS_PER_TILE
    pltpu.sync_copy(zeros1.at[pl.ds(0, CP)], buf_v)

    def zchunk(t, _):
        pltpu.sync_copy(buf_v, degS.at[pl.ds(row0 + t * CP, CP)])
        pltpu.sync_copy(buf_v, degD.at[pl.ds(row0 + t * CP, CP)])
        return 0
    lax.fori_loop(0, ROWS_PER_TILE // CP, zchunk, 0)
    plsc.subcore_barrier()

    def grp(g, _):
        pltpu.sync_copy(srcr.at[w, pl.ds(g * GRP_W, GRP_W)], idx_v)
        descs = [pltpu.async_copy(ones_v, degS.at[idx_v.at[j]], dsem,
                                  add=True) for j in range(GRP_W)]
        for dsc in descs:
            dsc.wait()
        pltpu.sync_copy(dstr.at[w, pl.ds(g * GRP_W, GRP_W)], idx_v)
        descs = [pltpu.async_copy(ones_v, degD.at[idx_v.at[j]], dsem,
                                  add=True) for j in range(GRP_W)]
        for dsc in descs:
            dsc.wait()
        return 0
    lax.fori_loop(0, NGRP_W, grp, 0)

    plsc.subcore_barrier()

    def out1(acc, dstref):
        def cp(t, _):
            sl = pl.ds(row0 + t * CP, CP)
            pltpu.sync_copy(acc.at[sl], buf_v)
            pltpu.sync_copy(buf_v, dstref.at[sl])
            return 0
        lax.fori_loop(0, ROWS_PER_TILE // CP, cp, 0)

    @pl.when(c == 0)
    def _():
        out1(degS, outS0)
        out1(degD, outD0)

    @pl.when(c == 1)
    def _():
        out1(degS, outS1)
        out1(degD, outD1)


@functools.cache
def _sc_deg_fn():
    return pl.kernel(
        _deg_body,
        out_type=[jax.ShapeDtypeStruct((N_PAD,), jnp.float32)] * 4,
        mesh=_mesh(),
        compiler_params=pltpu.CompilerParams(use_tc_tiling_on_sc=False),
        scratch_types=[
            pltpu.VMEM_SHARED((N_PAD,), jnp.float32),
            pltpu.VMEM_SHARED((N_PAD,), jnp.float32),
            pltpu.VMEM((CHUNK_W,), jnp.float32),
            pltpu.VMEM((GRP_W, CHUNK_W), jnp.int32),
            pltpu.VMEM((CP,), jnp.float32),
            pltpu.SemaphoreType.DMA,
        ],
    )


def _sc_deg(srcr, dstr, zeros1):
    return _sc_deg_fn()(srcr, dstr, zeros1)


def _agg_body(D, chk, grpn, ngrp, srcr, dstr, tab, zerosD, out, acc, idxs_v,
              idxd_v, r0_v, r1_v, buf_v, gs0, gs1, ss0, ss1):
    c = lax.axis_index("c")
    s = lax.axis_index("s")
    w = c * 16 + s

    row0 = s * ROWS_PER_TILE
    pltpu.sync_copy(zerosD.at[pl.ds(0, CP)], buf_v)

    def zchunk(t, _):
        pltpu.sync_copy(buf_v, acc.at[pl.ds(row0 + t * CP, CP)])
        return 0
    lax.fori_loop(0, ROWS_PER_TILE // CP, zchunk, 0)
    plsc.subcore_barrier()

    rows = (r0_v, r1_v)
    gsem = (gs0, gs1)
    ssem = (ss0, ss1)

    nsub = CHUNK_W // chk

    def isl(j):
        return (j // nsub, pl.ds((j % nsub) * chk, chk))

    def grp(g, _):
        pltpu.sync_copy(srcr.at[w, pl.ds(g * grpn, grpn)], idxs_v)
        pltpu.sync_copy(dstr.at[w, pl.ds(g * grpn, grpn)], idxd_v)
        nch = grpn * nsub
        gd = [None, None]
        sd = [None, None]
        gd[0] = pltpu.async_copy(tab.at[idxs_v.at[isl(0)]], rows[0], gsem[0])
        for j in range(nch):
            b = j % 2
            gd[b].wait()
            if j >= 1:
                sd[1 - b].wait()
            sd[b] = pltpu.async_copy(rows[b], acc.at[idxd_v.at[isl(j)]],
                                     ssem[b], add=True)
            if j + 1 < nch:
                gd[1 - b] = pltpu.async_copy(tab.at[idxs_v.at[isl(j + 1)]],
                                             rows[1 - b], gsem[1 - b])
        sd[(nch - 1) % 2].wait()
        return 0
    lax.fori_loop(0, ngrp, grp, 0)

    plsc.subcore_barrier()

    def cp(t, _):
        sl = pl.ds(row0 + t * CP, CP)
        pltpu.sync_copy(acc.at[sl], buf_v)
        pltpu.sync_copy(buf_v, out.at[c, sl])
        return 0
    lax.fori_loop(0, ROWS_PER_TILE // CP, cp, 0)


@functools.cache
def _sc_agg_fn(D, chk, grpn, ngrp):
    return pl.kernel(
        functools.partial(_agg_body, D, chk, grpn, ngrp),
        out_type=jax.ShapeDtypeStruct((2, N_PAD, D), jnp.float32),
        mesh=_mesh(),
        compiler_params=pltpu.CompilerParams(use_tc_tiling_on_sc=False),
        scratch_types=[
            pltpu.VMEM_SHARED((N_PAD, D), jnp.float32),
            pltpu.VMEM((grpn, CHUNK_W), jnp.int32),
            pltpu.VMEM((grpn, CHUNK_W), jnp.int32),
            pltpu.VMEM((chk, D), jnp.float32),
            pltpu.VMEM((chk, D), jnp.float32),
            pltpu.VMEM((CP, D), jnp.float32),
            pltpu.SemaphoreType.DMA,
            pltpu.SemaphoreType.DMA,
            pltpu.SemaphoreType.DMA,
            pltpu.SemaphoreType.DMA,
        ],
    )


def _sc_agg(srcr, dstr, tab, zerosD, chk):
    grpn = 1 if chk == CHUNK else GRP_W
    ngrp = NGRP_W * GRP_W // grpn
    return _sc_agg_fn(tab.shape[1], chk, grpn, ngrp)(srcr, dstr, tab, zerosD)



def _u32(y):
    u = lax.bitcast_convert_type(y, jnp.uint32)
    return jnp.where((u >> jnp.uint32(31)) > jnp.uint32(0),
                     ~u, u | jnp.uint32(0x80000000))


def _deg_tc_body(s0_ref, s1_ref, d0_ref, d1_ref, x4_ref, a0_o, b0_o, t0_o):
    ds = s0_ref[...] + s1_ref[...]
    dd = d0_ref[...] + d1_ref[...]
    a0 = jnp.where(ds > 0, lax.rsqrt(jnp.maximum(ds, 1e-12)),
                   jnp.float32(0))
    b0 = jnp.where(dd > 0, lax.rsqrt(jnp.maximum(dd, 1e-12)),
                   jnp.float32(0))
    a0_o[...] = a0
    b0_o[...] = b0
    t0_o[...] = x4_ref[...] * a0


def _tc_deg(s0, s1, d0, d1, x4):
    return pl.pallas_call(
        _deg_tc_body,
        grid=(NBLK,),
        in_specs=[
            pl.BlockSpec((BN, 1), lambda i: (i, 0)),
            pl.BlockSpec((BN, 1), lambda i: (i, 0)),
            pl.BlockSpec((BN, 1), lambda i: (i, 0)),
            pl.BlockSpec((BN, 1), lambda i: (i, 0)),
            pl.BlockSpec((BN, 4), lambda i: (i, 0)),
        ],
        out_specs=[
            pl.BlockSpec((BN, 1), lambda i: (i, 0)),
            pl.BlockSpec((BN, 1), lambda i: (i, 0)),
            pl.BlockSpec((BN, 4), lambda i: (i, 0)),
        ],
        out_shape=[
            jax.ShapeDtypeStruct((N_PAD, 1), jnp.float32),
            jax.ShapeDtypeStruct((N_PAD, 1), jnp.float32),
            jax.ShapeDtypeStruct((N_PAD, 4), jnp.float32),
        ],
    )(s0.reshape(N_PAD, 1), s1.reshape(N_PAD, 1),
      d0.reshape(N_PAD, 1), d1.reshape(N_PAD, 1), x4)


def _layer_z(aggs, w1s, bm_ref, xin_ref, w2_ref, b_ref):
    z = (jnp.dot(xin_ref[...], w2_ref[...],
                 preferred_element_type=jnp.float32) + b_ref[...])
    for ap, w1 in zip(aggs, w1s):
        agg = ap[0] + ap[1]
        z = z + jnp.dot(agg * bm_ref[...], w1[...],
                        preferred_element_type=jnp.float32)
    return z


def _crit_from_u(u, k):
    def bit(i, t):
        cand = t | (jnp.uint32(1) << jnp.uint32(31 - i))
        cnt = jnp.sum((u >= cand).astype(jnp.int32))
        return jnp.where(cnt >= k, cand, t)
    t = lax.fori_loop(0, 32, bit, jnp.uint32(0))

    cnt_gt = jnp.sum((u > t).astype(jnp.int32))
    r = k - cnt_gt
    tie = u == t
    idx = (lax.broadcasted_iota(jnp.int32, (392, 128), 0) * 128
           + lax.broadcasted_iota(jnp.int32, (392, 128), 1))

    def jbit(i, m):
        cand = m | (1 << (16 - i))
        f = jnp.sum((tie & (idx < cand)).astype(jnp.int32))
        return jnp.where(f < r, cand, m)
    m = lax.fori_loop(0, 17, jbit, jnp.int32(0))
    n_r = jnp.where(r > 0, m + 1, 0)

    lane = lax.broadcasted_iota(jnp.int32, (1, 128), 1)
    t_i = lax.bitcast_convert_type(t, jnp.int32)
    return jnp.where(lane == 0, t_i, jnp.where(lane == 1, n_r, 0))


def _layer_body(nparts, k, *refs):
    aggs = refs[:nparts]
    bm_ref, xin_ref = refs[nparts:nparts + 2]
    w1s = refs[nparts + 2:2 * nparts + 2]
    (w2_ref, b_ref, pn_ref, m_ref, h_o, y_o, crit_o, ysc) = \
        refs[2 * nparts + 2:]
    pid = pl.program_id(0)

    @pl.when(pid < NBLK)
    def _():
        h = jnp.maximum(_layer_z(aggs, w1s, bm_ref, xin_ref, w2_ref, b_ref),
                        jnp.float32(0))
        h_o[...] = h
        y = jnp.dot(h, pn_ref[...], preferred_element_type=jnp.float32)
        ym = jnp.where(m_ref[...] > 0, y, jnp.float32(-jnp.inf))
        y_o[...] = ym
        ysc[pl.ds(pid * (BN // 128), BN // 128), :] = ym.reshape(
            BN // 128, 128)

    @pl.when(pid == NBLK)
    def _():
        crit_o[...] = _crit_from_u(_u32(ysc[...]), k)


def _tc_layer(aggs, bm, xin, w1s, w2, b, pn, m, k):
    D = xin.shape[1]
    n = len(aggs)
    cl = lambda i: jnp.minimum(i, NBLK - 1)
    agg_specs = [pl.BlockSpec((2, BN, a.shape[2]), lambda i: (0, cl(i), 0))
                 for a in aggs]
    w1_specs = [pl.BlockSpec(w.shape, lambda i: (0, 0)) for w in w1s]
    return pl.pallas_call(
        functools.partial(_layer_body, n, k),
        grid=(NBLK + 1,),
        in_specs=agg_specs + [
            pl.BlockSpec((BN, 1), lambda i: (cl(i), 0)),
            pl.BlockSpec((BN, D), lambda i: (cl(i), 0)),
        ] + w1_specs + [
            pl.BlockSpec((D, 32), lambda i: (0, 0)),
            pl.BlockSpec((1, 32), lambda i: (0, 0)),
            pl.BlockSpec((32, 1), lambda i: (0, 0)),
            pl.BlockSpec((BN, 1), lambda i: (cl(i), 0)),
        ],
        out_specs=[
            pl.BlockSpec((BN, 32), lambda i: (cl(i), 0)),
            pl.BlockSpec((BN, 1), lambda i: (cl(i), 0)),
            pl.BlockSpec((1, 128), lambda i: (0, 0)),
        ],
        out_shape=[
            jax.ShapeDtypeStruct((N_PAD, 32), jnp.float32),
            jax.ShapeDtypeStruct((N_PAD, 1), jnp.float32),
            jax.ShapeDtypeStruct((1, 128), jnp.int32),
        ],
        scratch_shapes=[pltpu.VMEM((392, 128), jnp.float32)],
    )(*aggs, bm, xin, *w1s, w2, b, pn, m)


def _gate_body(y_ref, h_ref, a0_ref, b0_ref, crit_ref, T_o, H_o, bm_o, m_o):
    pid = pl.program_id(0)
    t_u = lax.bitcast_convert_type(crit_ref[0, 0], jnp.uint32)
    n_r = crit_ref[0, 1]
    y = y_ref[...]
    u = _u32(y)
    rows = pid * BN + lax.broadcasted_iota(jnp.int32, (BN, 1), 0)
    sel = (u > t_u) | ((u == t_u) & (rows < n_r))
    mf = sel.astype(jnp.float32)
    g = jnp.tanh(y) * mf
    Hrow = h_ref[...] * g
    H_o[...] = Hrow
    T_o[...] = Hrow * (a0_ref[...] * mf)
    bm_o[...] = b0_ref[...] * mf
    m_o[...] = mf


def _tc_gate(y, h, a0, b0, crit):
    return pl.pallas_call(
        _gate_body,
        grid=(NBLK,),
        in_specs=[
            pl.BlockSpec((BN, 1), lambda i: (i, 0)),
            pl.BlockSpec((BN, 32), lambda i: (i, 0)),
            pl.BlockSpec((BN, 1), lambda i: (i, 0)),
            pl.BlockSpec((BN, 1), lambda i: (i, 0)),
            pl.BlockSpec((1, 128), lambda i: (0, 0)),
        ],
        out_specs=[
            pl.BlockSpec((BN, 32), lambda i: (i, 0)),
            pl.BlockSpec((BN, 32), lambda i: (i, 0)),
            pl.BlockSpec((BN, 1), lambda i: (i, 0)),
            pl.BlockSpec((BN, 1), lambda i: (i, 0)),
        ],
        out_shape=[
            jax.ShapeDtypeStruct((N_PAD, 32), jnp.float32),
            jax.ShapeDtypeStruct((N_PAD, 32), jnp.float32),
            jax.ShapeDtypeStruct((N_PAD, 1), jnp.float32),
            jax.ShapeDtypeStruct((N_PAD, 1), jnp.float32),
        ],
    )(y, h, a0, b0, crit)


def _final_body(nparts, *refs):
    aggs = refs[:nparts]
    bm_ref, H_ref = refs[nparts:nparts + 2]
    w1s = refs[nparts + 2:2 * nparts + 2]
    m_ref, w2_ref, b_ref, wd_ref, bd_ref, out_o, acc = refs[2 * nparts + 2:]
    pid = pl.program_id(0)

    @pl.when(pid == 0)
    def _():
        acc[...] = jnp.zeros((1, 32), jnp.float32)

    z = _layer_z(aggs, w1s, bm_ref, H_ref, w2_ref, b_ref)
    h2 = jnp.maximum(z, jnp.float32(0)) * m_ref[...]
    acc[...] += jnp.sum(h2, axis=0, keepdims=True)

    @pl.when(pid == NBLK - 1)
    def _():
        pooled = acc[...] / jnp.float32(K2)
        logits = (jnp.dot(pooled, wd_ref[...],
                          preferred_element_type=jnp.float32) + bd_ref[...])
        mx = jnp.max(logits, axis=-1, keepdims=True)
        e = jnp.exp(logits - mx)
        out_o[...] = e / jnp.sum(e, axis=-1, keepdims=True)


def _tc_final(aggs, bm, H, w1s, m, w2, b, wd, bd):
    n = len(aggs)
    agg_specs = [pl.BlockSpec((2, BN, a.shape[2]), lambda i: (0, i, 0))
                 for a in aggs]
    w1_specs = [pl.BlockSpec(w.shape, lambda i: (0, 0)) for w in w1s]
    return pl.pallas_call(
        functools.partial(_final_body, n),
        grid=(NBLK,),
        in_specs=agg_specs + [
            pl.BlockSpec((BN, 1), lambda i: (i, 0)),
            pl.BlockSpec((BN, 32), lambda i: (i, 0)),
        ] + w1_specs + [
            pl.BlockSpec((BN, 1), lambda i: (i, 0)),
            pl.BlockSpec((32, 32), lambda i: (0, 0)),
            pl.BlockSpec((1, 32), lambda i: (0, 0)),
            pl.BlockSpec((32, 3), lambda i: (0, 0)),
            pl.BlockSpec((1, 3), lambda i: (0, 0)),
        ],
        out_specs=pl.BlockSpec((1, 3), lambda i: (0, 0)),
        out_shape=jax.ShapeDtypeStruct((1, 3), jnp.float32),
        scratch_shapes=[pltpu.VMEM((1, 32), jnp.float32)],
    )(*aggs, bm, H, *w1s, m, w2, b, wd, bd)



def kernel(x, W1a, W2a, ba, p, W1b, W2b, bb, W1c, W2c, bc, Wd, bd,
           edge_index, i):
    f32 = jnp.float32
    src = edge_index[0]
    dst = edge_index[1]
    pad = jnp.full((E_PAD - E,), TRASH, jnp.int32)
    srcw = jnp.concatenate([src, pad]).reshape(NW, GRP_W * NGRP_W, CHUNK_W)
    dstw = jnp.concatenate([dst, pad]).reshape(NW, GRP_W * NGRP_W, CHUNK_W)

    x4 = jnp.zeros((N_PAD, 4), f32).at[:N, :3].set(x)
    W1a4 = jnp.zeros((4, 32), f32).at[:3].set(W1a)
    W2a4 = jnp.zeros((4, 32), f32).at[:3].set(W2a)
    pn = (p / jnp.linalg.norm(p)).reshape(32, 1)
    valid = (jnp.arange(N_PAD) < N).astype(f32).reshape(N_PAD, 1)
    zeros1 = jnp.zeros((N_PAD,), f32)
    zeros4 = jnp.zeros((N_PAD, 4), f32)
    zeros32 = jnp.zeros((N_PAD, 32), f32)

    s0, s1, d0, d1 = _sc_deg(srcw, dstw, zeros1)
    a0, b0, T0 = _tc_deg(s0, s1, d0, d1, x4)
    agg0 = _sc_agg(srcw, dstw, T0, zeros4, CHUNK_W)
    h, y1, crit1 = _tc_layer([agg0], b0, x4, [W1a4], W2a4,
                             ba.reshape(1, 32), pn, valid, K1)
    T1, H1, bm1, m1 = _tc_gate(y1, h, a0, b0, crit1)
    agg1 = [_sc_agg(srcw, dstw, T1, zeros32, CHUNK)]
    h1, y2, crit2 = _tc_layer(agg1, bm1, H1, [W1b], W2b,
                              bb.reshape(1, 32), pn, m1, K2)
    T2, H2, bm2, m2 = _tc_gate(y2, h1, a0, b0, crit2)
    agg2 = [_sc_agg(srcw, dstw, T2, zeros32, CHUNK)]
    return _tc_final(agg2, bm2, H2, [W1c], m2, W2c,
                     bc.reshape(1, 32), Wd, bd.reshape(1, 3))

# --- scband reference (transcript-rebuilt; emitter-appended) ---
"""Pipeline reference for scband-net-2405181686362 (READ-ONLY COPY).

The authoritative reference and input builder live on the scoring server;
editing this copy changes nothing except your own understanding.
"""

import jax, jax.numpy as jnp
import numpy as np
import math


def _gcs_conv(x, src, dst, w, W1, W2, b):
    # Spektral GCSConv: relu(A_hat @ X @ W1 + X @ W2 + b)
    msg = x[src] * w[:, None]
    agg = jnp.zeros_like(x).at[dst].add(msg)
    return jax.nn.relu(agg @ W1 + x @ W2 + b)


def _topk_pool(x, src, dst, w, i, p, ratio):
    # Spektral TopKPool (Graph U-Net): y = Xp/||p||, keep top ceil(ratio*N),
    # gate kept nodes with tanh(y), slice adjacency a[idx][:, idx].
    N = x.shape[0]
    k = int(math.ceil(ratio * N))
    y = x @ p / jnp.linalg.norm(p)
    vals, idx = jax.lax.top_k(y, k)
    xp = x[idx] * jnp.tanh(vals)[:, None]
    mapping = jnp.full((N,), -1, dtype=src.dtype).at[idx].set(jnp.arange(k, dtype=src.dtype))
    ns = mapping[src]
    nd = mapping[dst]
    valid = (ns >= 0) & (nd >= 0)
    ns = jnp.where(valid, ns, 0)
    nd = jnp.where(valid, nd, 0)
    wp = jnp.where(valid, w, jnp.zeros_like(w))
    ip = i[idx]
    return xp, ns, nd, wp, ip


def _forward(x, W1a, W2a, ba, p, W1b, W2b, bb, W1c, W2c, bc, Wd, bd, src, dst, i):
    N = x.shape[0]
    ones_e = jnp.ones((src.shape[0],), x.dtype)
    deg_s = jnp.zeros((N,), x.dtype).at[src].add(ones_e)
    deg_d = jnp.zeros((N,), x.dtype).at[dst].add(ones_e)
    dprod = deg_s[src] * deg_d[dst]
    # NormalizeAdj transform: D^-1/2 A D^-1/2 edge weights
    w = jnp.where(dprod > 0, jax.lax.rsqrt(jnp.maximum(dprod, 1e-12)), jnp.zeros_like(dprod))
    h = _gcs_conv(x, src, dst, w, W1a, W2a, ba)
    h1, s1, d1, w1, i1 = _topk_pool(h, src, dst, w, i, p, 0.5)
    h1 = _gcs_conv(h1, s1, d1, w1, W1b, W2b, bb)
    # NOTE: original code reuses self.pool1 for the second pooling, so the
    # same projection vector p is used twice.
    h2, s2, d2, w2, i2 = _topk_pool(h1, s1, d1, w1, i1, p, 0.5)
    h2 = _gcs_conv(h2, s2, d2, w2, W1c, W2c, bc)
    sums = jax.ops.segment_sum(h2, i2, num_segments=1)
    counts = jax.ops.segment_sum(jnp.ones((h2.shape[0],), h2.dtype), i2, num_segments=1)
    pooled = sums / jnp.maximum(counts, 1.0)[:, None]
    logits = pooled @ Wd + bd
    return jax.nn.softmax(logits, axis=-1)


def setup_inputs(seed: int = 0):
    key = jax.random.key(seed)
    ks = jax.random.split(key, 14)
    N, E, F, C, L = 50000, 1600000, 3, 32, 3
    x = jax.random.uniform(ks[0], (N, F), dtype=jnp.float32)
    edge_index = jax.random.randint(ks[1], (2, E), 0, N, dtype=jnp.int32)
    i = jnp.zeros((N,), dtype=jnp.int32)
    s = 0.1
    W1a = jax.random.normal(ks[2], (F, C), jnp.float32) * s
    W2a = jax.random.normal(ks[3], (F, C), jnp.float32) * s
    ba = jnp.zeros((C,), jnp.float32)
    p = jax.random.normal(ks[4], (C,), jnp.float32) * s
    W1b = jax.random.normal(ks[5], (C, C), jnp.float32) * s
    W2b = jax.random.normal(ks[6], (C, C), jnp.float32) * s
    bb = jnp.zeros((C,), jnp.float32)
    W1c = jax.random.normal(ks[7], (C, C), jnp.float32) * s
    W2c = jax.random.normal(ks[8], (C, C), jnp.float32) * s
    bc = jnp.zeros((C,), jnp.float32)
    Wd = jax.random.normal(ks[9], (C, L), jnp.float32) * s
    bd = jnp.zeros((L,), jnp.float32)
    return {"x": x, "W1a": W1a, "W2a": W2a, "ba": ba, "p": p, "W1b": W1b, "W2b": W2b, "bb": bb, "W1c": W1c, "W2c": W2c, "bc": bc, "Wd": Wd, "bd": bd, "edge_index": edge_index, "i": i}


def reference(x, W1a, W2a, ba, p, W1b, W2b, bb, W1c, W2c, bc, Wd, bd, edge_index, i):
    src = edge_index[0]
    dst = edge_index[1]
    return _forward(x, W1a, W2a, ba, p, W1b, W2b, bb, W1c, W2c, bc, Wd, bd, src, dst, i)

if __name__ == "__main__":
    import jax
    _d = setup_inputs()
    print(jax.jit(kernel)(*tuple(_d.values())))

</pallas_src>

<mosaic_0001>
#map = affine_map<(d0, d1) -> (0, 0, 0)>
#map1 = affine_map<(d0, d1) -> (0)>
module attributes {stable_mosaic.version = 14 : i64} {
  func.func @_deg_body(%arg0: i32, %arg1: i32, %arg2: memref<32x49x1024xi32, #tpu.memory_space<hbm>>, %arg3: memref<32x49x1024xi32, #tpu.memory_space<hbm>>, %arg4: memref<50176xf32, #tpu.memory_space<hbm>>, %arg5: memref<50176xf32, #tpu.memory_space<hbm>>, %arg6: memref<50176xf32, #tpu.memory_space<hbm>>, %arg7: memref<50176xf32, #tpu.memory_space<hbm>>, %arg8: memref<50176xf32, #tpu.memory_space<hbm>>, %arg9: memref<50176xf32, #tpu.memory_space<vmem_shared>>, %arg10: memref<50176xf32, #tpu.memory_space<vmem_shared>>, %arg11: memref<1024xf32, #tpu.memory_space<vmem>>, %arg12: memref<7x1024xi32, #tpu.memory_space<vmem>>, %arg13: memref<112xf32, #tpu.memory_space<vmem>>, %arg14: memref<!tpu.dma_semaphore, #tpu.memory_space<semaphore_mem>>) attributes {dimension_semantics = [#tpu.dimension_semantics<core_parallel>, #tpu.dimension_semantics<subcore_parallel>], iteration_bounds = array<i64: 2, 16>, scalar_prefetch = 0 : i64, scratch_operands = 6 : i64, tpu.core_type = #tpu.core_type<sc_vector_subcore>, window_params = [{transform_indices = #map}, {transform_indices = #map}, {transform_indices = #map1}, {transform_indices = #map1}, {transform_indices = #map1}, {transform_indices = #map1}, {transform_indices = #map1}]} {
    %mul3A = arith.constant 16 : i32
    %mul3A_0 = arith.muli %arg0, %mul3A : i32
    %add3A = arith.addi %mul3A_0, %arg1 : i32
    %scan3A = arith.constant 0 : i32
    %scan3A_1 = arith.constant 0 : i32
    %scan3A_2 = arith.constant 64 : i32
    %scan3A_3 = arith.addi %scan3A_1, %scan3A_2 : i32
    %scan3A_4 = arith.constant 1 : i32
    %scan3A_5 = scf.for %scan3A_31 = %scan3A_1 to %scan3A_3 step %scan3A_4 iter_args(%scan3A_32 = %scan3A) -> (i32)  : i32 {
      %broadcast_in_dim3A = arith.constant 1.000000e+00 : f32
      %broadcast_in_dim3A_33 = vector.broadcast %broadcast_in_dim3A : f32 to vector<16xf32>
      %mul3A_34 = arith.constant 16 : i32
      %mul3A_35 = arith.muli %scan3A_31, %mul3A_34 : i32
      %swap3A = arith.index_cast %mul3A_35 : i32 to index
      %swap3A_36 = tpu.vector_load %arg11[%swap3A] {strides = array<i32>} : memref<1024xf32, #tpu.memory_space<vmem>>, vector<16xf32>,
      %swap3A_37 = vector.shape_cast %swap3A_36 : vector<16xf32> to vector<16xf32>
      %swap3A_38 = vector.shape_cast %broadcast_in_dim3A_33 : vector<16xf32> to vector<16xf32>
      tpu.vector_store %arg11[%swap3A], %swap3A_38 {strides = array<i32>} : memref<1024xf32, #tpu.memory_space<vmem>>, vector<16xf32>,
      %scan3A_39 = arith.constant 0 : i32
      scf.yield %scan3A_39 : i32
    }
    %scan3A_6 = arith.constant 64 : i32
    %mul3A_7 = arith.constant 3136 : i32
    %mul3A_8 = arith.muli %arg1, %mul3A_7 : i32
    "tpu.region"() ({
      %run_scoped3A = tpu.sem_alloc : memref<!tpu.dma_semaphore, #tpu.memory_space<semaphore_mem>>
      %dma_start3A = arith.constant 0 : i32
      %dma_start3A_31 = tpu.memref_slice %arg4[%dma_start3A] : memref<50176xf32, #tpu.memory_space<hbm>> -> memref<112xf32, #tpu.memory_space<hbm>>
      %dma_start3A_32 = arith.constant 0 : i32
      %dma_start3A_33 = tpu.memref_slice %arg4[%dma_start3A_32] : memref<50176xf32, #tpu.memory_space<hbm>> -> memref<112xf32, #tpu.memory_space<hbm>>
      tpu.enqueue_dma source(%dma_start3A_33 : memref<112xf32, #tpu.memory_space<hbm>>) target(%arg13 : memref<112xf32, #tpu.memory_space<vmem>>) target_semaphore(%run_scoped3A : memref<!tpu.dma_semaphore, #tpu.memory_space<semaphore_mem>>)
      %dma_wait3A = arith.constant 0 : i32
      %dma_wait3A_34 = tpu.memref_slice %arg4[%dma_wait3A] : memref<50176xf32, #tpu.memory_space<hbm>> -> memref<112xf32, #tpu.memory_space<hbm>>
      %dma_wait3A_35 = arith.constant 0 : i32
      %dma_wait3A_36 = tpu.memref_slice %arg4[%dma_wait3A_35] : memref<50176xf32, #tpu.memory_space<hbm>> -> memref<112xf32, #tpu.memory_space<hbm>>
      tpu.wait_dma2 semaphore(%run_scoped3A : memref<!tpu.dma_semaphore, #tpu.memory_space<semaphore_mem>>) src(%dma_wait3A_36 : memref<112xf32, #tpu.memory_space<hbm>>) dst(%arg13 : memref<112xf32, #tpu.memory_space<vmem>>)
      tpu.yield
    }) : () -> ()
    %scan3A_9 = arith.constant 0 : i32
    %scan3A_10 = arith.constant 0 : i32
    %scan3A_11 = arith.constant 28 : i32
    %scan3A_12 = arith.addi %scan3A_10, %scan3A_11 : i32
    %scan3A_13 = arith.constant 1 : i32
    %scan3A_14 = scf.for %scan3A_31 = %scan3A_10 to %scan3A_12 step %scan3A_13 iter_args(%scan3A_32 = %scan3A_9) -> (i32)  : i32 {
      %mul3A_33 = arith.constant 112 : i32
      %mul3A_34 = arith.muli %scan3A_31, %mul3A_33 : i32
      %add3A_35 = arith.addi %mul3A_8, %mul3A_34 : i32
      "tpu.region"() ({
        %run_scoped3A = tpu.sem_alloc : memref<!tpu.dma_semaphore, #tpu.memory_space<semaphore_mem>>
        %dma_start3A = tpu.memref_slice %arg9[%add3A_35] : memref<50176xf32, #tpu.memory_space<vmem_shared>> -> memref<112xf32, #tpu.memory_space<vmem_shared>>
        %dma_start3A_40 = tpu.memref_slice %arg9[%add3A_35] : memref<50176xf32, #tpu.memory_space<vmem_shared>> -> memref<112xf32, #tpu.memory_space<vmem_shared>>
        tpu.enqueue_dma source(%arg13 : memref<112xf32, #tpu.memory_space<vmem>>) target(%dma_start3A_40 : memref<112xf32, #tpu.memory_space<vmem_shared>>) target_semaphore(%run_scoped3A : memref<!tpu.dma_semaphore, #tpu.memory_space<semaphore_mem>>)
        %dma_wait3A = tpu.memref_slice %arg9[%add3A_35] : memref<50176xf32, #tpu.memory_space<vmem_shared>> -> memref<112xf32, #tpu.memory_space<vmem_shared>>
        %dma_wait3A_41 = tpu.memref_slice %arg9[%add3A_35] : memref<50176xf32, #tpu.memory_space<vmem_shared>> -> memref<112xf32, #tpu.memory_space<vmem_shared>>
        tpu.wait_dma2 semaphore(%run_scoped3A : memref<!tpu.dma_semaphore, #tpu.memory_space<semaphore_mem>>) src(%arg13 : memref<112xf32, #tpu.memory_space<vmem>>) dst(%dma_wait3A_41 : memref<112xf32, #tpu.memory_space<vmem_shared>>)
        tpu.yield
      }) : () -> ()
      %mul3A_36 = arith.constant 112 : i32
      %mul3A_37 = arith.muli %scan3A_31, %mul3A_36 : i32
      %add3A_38 = arith.addi %mul3A_8, %mul3A_37 : i32
      "tpu.region"() ({
        %run_scoped3A = tpu.sem_alloc : memref<!tpu.dma_semaphore, #tpu.memory_space<semaphore_mem>>
        %dma_start3A = tpu.memref_slice %arg10[%add3A_38] : memref<50176xf32, #tpu.memory_space<vmem_shared>> -> memref<112xf32, #tpu.memory_space<vmem_shared>>
        %dma_start3A_40 = tpu.memref_slice %arg10[%add3A_38] : memref<50176xf32, #tpu.memory_space<vmem_shared>> -> memref<112xf32, #tpu.memory_space<vmem_shared>>
        tpu.enqueue_dma source(%arg13 : memref<112xf32, #tpu.memory_space<vmem>>) target(%dma_start3A_40 : memref<112xf32, #tpu.memory_space<vmem_shared>>) target_semaphore(%run_scoped3A : memref<!tpu.dma_semaphore, #tpu.memory_space<semaphore_mem>>)
        %dma_wait3A = tpu.memref_slice %arg10[%add3A_38] : memref<50176xf32, #tpu.memory_space<vmem_shared>> -> memref<112xf32, #tpu.memory_space<vmem_shared>>
        %dma_wait3A_41 = tpu.memref_slice %arg10[%add3A_38] : memref<50176xf32, #tpu.memory_space<vmem_shared>> -> memref<112xf32, #tpu.memory_space<vmem_shared>>
        tpu.wait_dma2 semaphore(%run_scoped3A : memref<!tpu.dma_semaphore, #tpu.memory_space<semaphore_mem>>) src(%arg13 : memref<112xf32, #tpu.memory_space<vmem>>) dst(%dma_wait3A_41 : memref<112xf32, #tpu.memory_space<vmem_shared>>)
        tpu.yield
      }) : () -> ()
      %scan3A_39 = arith.constant 0 : i32
      scf.yield %scan3A_39 : i32
    }
    %scan3A_15 = arith.constant 28 : i32
    %barrier3A = arith.constant 0 : index
    tpu.barrier barrier_id(%barrier3A)
    %scan3A_16 = arith.constant 0 : i32
    %scan3A_17 = arith.constant 0 : i32
    %scan3A_18 = arith.constant 7 : i32
    %scan3A_19 = arith.addi %scan3A_17, %scan3A_18 : i32
    %scan3A_20 = arith.constant 1 : i32
    %scan3A_21 = scf.for %scan3A_31 = %scan3A_17 to %scan3A_19 step %scan3A_20 iter_args(%scan3A_32 = %scan3A_16) -> (i32)  : i32 {
      %mul3A_33 = arith.constant 7 : i32
      %mul3A_34 = arith.muli %scan3A_31, %mul3A_33 : i32
      "tpu.region"() ({
        %run_scoped3A = tpu.sem_alloc : memref<!tpu.dma_semaphore, #tpu.memory_space<semaphore_mem>>
        %dma_start3A_204 = arith.constant 0 : i32
        %dma_start3A_205 = tpu.memref_slice %arg2[%add3A, %mul3A_34, %dma_start3A_204] : memref<32x49x1024xi32, #tpu.memory_space<hbm>> -> memref<1x7x1024xi32, #tpu.memory_space<hbm>>
        %dma_start3A_206 = tpu.memref_squeeze %dma_start3A_205 : memref<1x7x1024xi32, #tpu.memory_space<hbm>> -> memref<7x1024xi32, #tpu.memory_space<hbm>>
        %dma_start3A_207 = arith.constant 0 : i32
        %dma_start3A_208 = tpu.memref_slice %arg2[%add3A, %mul3A_34, %dma_start3A_207] : memref<32x49x1024xi32, #tpu.memory_space<hbm>> -> memref<1x7x1024xi32, #tpu.memory_space<hbm>>
        %dma_start3A_209 = tpu.memref_squeeze %dma_start3A_208 : memref<1x7x1024xi32, #tpu.memory_space<hbm>> -> memref<7x1024xi32, #tpu.memory_space<hbm>>
        tpu.enqueue_dma source(%dma_start3A_209 : memref<7x1024xi32, #tpu.memory_space<hbm>>) target(%arg12 : memref<7x1024xi32, #tpu.memory_space<vmem>>) target_semaphore(%run_scoped3A : memref<!tpu.dma_semaphore, #tpu.memory_space<semaphore_mem>>)
        %dma_wait3A_210 = arith.constant 0 : i32
        %dma_wait3A_211 = tpu.memref_slice %arg2[%add3A, %mul3A_34, %dma_wait3A_210] : memref<32x49x1024xi32, #tpu.memory_space<hbm>> -> memref<1x7x1024xi32, #tpu.memory_space<hbm>>
        %dma_wait3A_212 = tpu.memref_squeeze %dma_wait3A_211 : memref<1x7x1024xi32, #tpu.memory_space<hbm>> -> memref<7x1024xi32, #tpu.memory_space<hbm>>
        %dma_wait3A_213 = arith.constant 0 : i32
        %dma_wait3A_214 = tpu.memref_slice %arg2[%add3A, %mul3A_34, %dma_wait3A_213] : memref<32x49x1024xi32, #tpu.memory_space<hbm>> -> memref<1x7x1024xi32, #tpu.memory_space<hbm>>
        %dma_wait3A_215 = tpu.memref_squeeze %dma_wait3A_214 : memref<1x7x1024xi32, #tpu.memory_space<hbm>> -> memref<7x1024xi32, #tpu.memory_space<hbm>>
        tpu.wait_dma2 semaphore(%run_scoped3A : memref<!tpu.dma_semaphore, #tpu.memory_space<semaphore_mem>>) src(%dma_wait3A_215 : memref<7x1024xi32, #tpu.memory_space<hbm>>) dst(%arg12 : memref<7x1024xi32, #tpu.memory_space<vmem>>)
        tpu.yield
      }) : () -> ()
      %dma_start3A = arith.constant 0 : i32
      %dma_start3A_35 = arith.constant 0 : i32
      %dma_start3A_36 = tpu.memref_slice %arg12[%dma_start3A, %dma_start3A_35] : memref<7x1024xi32, #tpu.memory_space<vmem>> -> memref<1x1024xi32, #tpu.memory_space<vmem>>
      %dma_start3A_37 = tpu.memref_squeeze %dma_start3A_36 : memref<1x1024xi32, #tpu.memory_space<vmem>> -> memref<1024xi32, #tpu.memory_space<vmem>>
      %dma_start3A_38 = arith.constant 0 : i32
      %dma_start3A_39 = tpu.memref_slice %arg9[%dma_start3A_38] : memref<50176xf32, #tpu.memory_space<vmem_shared>> -> memref<50176xf32, #tpu.memory_space<vmem_shared>>
      tpu.enqueue_indirect_dma source(%arg11 : memref<1024xf32, #tpu.memory_space<vmem>>) target(%dma_start3A_39 : memref<50176xf32, #tpu.memory_space<vmem_shared>>) offsets(%dma_start3A_37 : memref<1024xi32, #tpu.memory_space<vmem>>) semaphore(%arg14 : memref<!tpu.dma_semaphore, #tpu.memory_space<semaphore_mem>>) {add = true}
      %dma_start3A_40 = arith.constant 1 : i32
      %dma_start3A_41 = arith.constant 0 : i32
      %dma_start3A_42 = tpu.memref_slice %arg12[%dma_start3A_40, %dma_start3A_41] : memref<7x1024xi32, #tpu.memory_space<vmem>> -> memref<1x1024xi32, #tpu.memory_space<vmem>>
      %dma_start3A_43 = tpu.memref_squeeze %dma_start3A_42 : memref<1x1024xi32, #tpu.memory_space<vmem>> -> memref<1024xi32, #tpu.memory_space<vmem>>
      %dma_start3A_44 = arith.constant 0 : i32
      %dma_start3A_45 = tpu.memref_slice %arg9[%dma_start3A_44] : memref<50176xf32, #tpu.memory_space<vmem_shared>> -> memref<50176xf32, #tpu.memory_space<vmem_shared>>
      tpu.enqueue_indirect_dma source(%arg11 : memref<1024xf32, #tpu.memory_space<vmem>>) target(%dma_start3A_45 : memref<50176xf32, #tpu.memory_space<vmem_shared>>) offsets(%dma_start3A_43 : memref<1024xi32, #tpu.memory_space<vmem>>) semaphore(%arg14 : memref<!tpu.dma_semaphore, #tpu.memory_space<semaphore_mem>>) {add = true}
      %dma_start3A_46 = arith.constant 2 : i32
      %dma_start3A_47 = arith.constant 0 : i32
      %dma_start3A_48 = tpu.memref_slice %arg12[%dma_start3A_46, %dma_start3A_47] : memref<7x1024xi32, #tpu.memory_space<vmem>> -> memref<1x1024xi32, #tpu.memory_space<vmem>>
      %dma_start3A_49 = tpu.memref_squeeze %dma_start3A_48 : memref<1x1024xi32, #tpu.memory_space<vmem>> -> memref<1024xi32, #tpu.memory_space<vmem>>
      %dma_start3A_50 = arith.constant 0 : i32
      %dma_start3A_51 = tpu.memref_slice %arg9[%dma_start3A_50] : memref<50176xf32, #tpu.memory_space<vmem_shared>> -> memref<50176xf32, #tpu.memory_space<vmem_shared>>
      tpu.enqueue_indirect_dma source(%arg11 : memref<1024xf32, #tpu.memory_space<vmem>>) target(%dma_start3A_51 : memref<50176xf32, #tpu.memory_space<vmem_shared>>) offsets(%dma_start3A_49 : memref<1024xi32, #tpu.memory_space<vmem>>) semaphore(%arg14 : memref<!tpu.dma_semaphore, #tpu.memory_space<semaphore_mem>>) {add = true}
      %dma_start3A_52 = arith.constant 3 : i32
      %dma_start3A_53 = arith.constant 0 : i32
      %dma_start3A_54 = tpu.memref_slice %arg12[%dma_start3A_52, %dma_start3A_53] : memref<7x1024xi32, #tpu.memory_space<vmem>> -> memref<1x1024xi32, #tpu.memory_space<vmem>>
      %dma_start3A_55 = tpu.memref_squeeze %dma_start3A_54 : memref<1x1024xi32, #tpu.memory_space<vmem>> -> memref<1024xi32, #tpu.memory_space<vmem>>
      %dma_start3A_56 = arith.constant 0 : i32
      %dma_start3A_57 = tpu.memref_slice %arg9[%dma_start3A_56] : memref<50176xf32, #tpu.memory_space<vmem_shared>> -> memref<50176xf32, #tpu.memory_space<vmem_shared>>
      tpu.enqueue_indirect_dma source(%arg11 : memref<1024xf32, #tpu.memory_space<vmem>>) target(%dma_start3A_57 : memref<50176xf32, #tpu.memory_space<vmem_shared>>) offsets(%dma_start3A_55 : memref<1024xi32, #tpu.memory_space<vmem>>) semaphore(%arg14 : memref<!tpu.dma_semaphore, #tpu.memory_space<semaphore_mem>>) {add = true}
      %dma_start3A_58 = arith.constant 4 : i32
      %dma_start3A_59 = arith.constant 0 : i32
      %dma_start3A_60 = tpu.memref_slice %arg12[%dma_start3A_58, %dma_start3A_59] : memref<7x1024xi32, #tpu.memory_space<vmem>> -> memref<1x1024xi32, #tpu.memory_space<vmem>>
      %dma_start3A_61 = tpu.memref_squeeze %dma_start3A_60 : memref<1x1024xi32, #tpu.memory_space<vmem>> -> memref<1024xi32, #tpu.memory_space<vmem>>
      %dma_start3A_62 = arith.constant 0 : i32
      %dma_start3A_63 = tpu.memref_slice %arg9[%dma_start3A_62] : memref<50176xf32, #tpu.memory_space<vmem_shared>> -> memref<50176xf32, #tpu.memory_space<vmem_shared>>
      tpu.enqueue_indirect_dma source(%arg11 : memref<1024xf32, #tpu.memory_space<vmem>>) target(%dma_start3A_63 : memref<50176xf32, #tpu.memory_space<vmem_shared>>) offsets(%dma_start3A_61 : memref<1024xi32, #tpu.memory_space<vmem>>) semaphore(%arg14 : memref<!tpu.dma_semaphore, #tpu.memory_space<semaphore_mem>>) {add = true}
      %dma_start3A_64 = arith.constant 5 : i32
      %dma_start3A_65 = arith.constant 0 : i32
      %dma_start3A_66 = tpu.memref_slice %arg12[%dma_start3A_64, %dma_start3A_65] : memref<7x1024xi32, #tpu.memory_space<vmem>> -> memref<1x1024xi32, #tpu.memory_space<vmem>>
      %dma_start3A_67 = tpu.memref_squeeze %dma_start3A_66 : memref<1x1024xi32, #tpu.memory_space<vmem>> -> memref<1024xi32, #tpu.memory_space<vmem>>
      %dma_start3A_68 = arith.constant 0 : i32
      %dma_start3A_69 = tpu.memref_slice %arg9[%dma_start3A_68] : memref<50176xf32, #tpu.memory_space<vmem_shared>> -> memref<50176xf32, #tpu.memory_space<vmem_shared>>
      tpu.enqueue_indirect_dma source(%arg11 : memref<1024xf32, #tpu.memory_space<vmem>>) target(%dma_start3A_69 : memref<50176xf32, #tpu.memory_space<vmem_shared>>) offsets(%dma_start3A_67 : memref<1024xi32, #tpu.memory_space<vmem>>) semaphore(%arg14 : memref<!tpu.dma_semaphore, #tpu.memory_space<semaphore_mem>>) {add = true}
      %dma_start3A_70 = arith.constant 6 : i32
      %dma_start3A_71 = arith.constant 0 : i32
      %dma_start3A_72 = tpu.memref_slice %arg12[%dma_start3A_70, %dma_start3A_71] : memref<7x1024xi32, #tpu.memory_space<vmem>> -> memref<1x1024xi32, #tpu.memory_space<vmem>>
      %dma_start3A_73 = tpu.memref_squeeze %dma_start3A_72 : memref<1x1024xi32, #tpu.memory_space<vmem>> -> memref<1024xi32, #tpu.memory_space<vmem>>
      %dma_start3A_74 = arith.constant 0 : i32
      %dma_start3A_75 = tpu.memref_slice %arg9[%dma_start3A_74] : memref<50176xf32, #tpu.memory_space<vmem_shared>> -> memref<50176xf32, #tpu.memory_space<vmem_shared>>
      tpu.enqueue_indirect_dma source(%arg11 : memref<1024xf32, #tpu.memory_space<vmem>>) target(%dma_start3A_75 : memref<50176xf32, #tpu.memory_space<vmem_shared>>) offsets(%dma_start3A_73 : memref<1024xi32, #tpu.memory_space<vmem>>) semaphore(%arg14 : memref<!tpu.dma_semaphore, #tpu.memory_space<semaphore_mem>>) {add = true}
      %dma_wait3A = arith.constant 0 : i32
      %dma_wait3A_76 = arith.constant 0 : i32
      %dma_wait3A_77 = tpu.memref_slice %arg12[%dma_wait3A, %dma_wait3A_76] : memref<7x1024xi32, #tpu.memory_space<vmem>> -> memref<1x1024xi32, #tpu.memory_space<vmem>>
      %dma_wait3A_78 = tpu.memref_squeeze %dma_wait3A_77 : memref<1x1024xi32, #tpu.memory_space<vmem>> -> memref<1024xi32, #tpu.memory_space<vmem>>
      %dma_wait3A_79 = arith.constant 0 : i32
      %dma_wait3A_80 = tpu.memref_slice %arg9[%dma_wait3A_79] : memref<50176xf32, #tpu.memory_space<vmem_shared>> -> memref<50176xf32, #tpu.memory_space<vmem_shared>>
      tpu.wait_indirect_dma semaphore(%arg14 : memref<!tpu.dma_semaphore, #tpu.memory_space<semaphore_mem>>) src(%arg11 : memref<1024xf32, #tpu.memory_space<vmem>>) dst(%dma_wait3A_80 : memref<50176xf32, #tpu.memory_space<vmem_shared>>)
      %dma_wait3A_81 = arith.constant 1 : i32
      %dma_wait3A_82 = arith.constant 0 : i32
      %dma_wait3A_83 = tpu.memref_slice %arg12[%dma_wait3A_81, %dma_wait3A_82] : memref<7x1024xi32, #tpu.memory_space<vmem>> -> memref<1x1024xi32, #tpu.memory_space<vmem>>
      %dma_wait3A_84 = tpu.memref_squeeze %dma_wait3A_83 : memref<1x1024xi32, #tpu.memory_space<vmem>> -> memref<1024xi32, #tpu.memory_space<vmem>>
      %dma_wait3A_85 = arith.constant 0 : i32
      %dma_wait3A_86 = tpu.memref_slice %arg9[%dma_wait3A_85] : memref<50176xf32, #tpu.memory_space<vmem_shared>> -> memref<50176xf32, #tpu.memory_space<vmem_shared>>
      tpu.wait_indirect_dma semaphore(%arg14 : memref<!tpu.dma_semaphore, #tpu.memory_space<semaphore_mem>>) src(%arg11 : memref<1024xf32, #tpu.memory_space<vmem>>) dst(%dma_wait3A_86 : memref<50176xf32, #tpu.memory_space<vmem_shared>>)
      %dma_wait3A_87 = arith.constant 2 : i32
      %dma_wait3A_88 = arith.constant 0 : i32
      %dma_wait3A_89 = tpu.memref_slice %arg12[%dma_wait3A_87, %dma_wait3A_88] : memref<7x1024xi32, #tpu.memory_space<vmem>> -> memref<1x1024xi32, #tpu.memory_space<vmem>>
      %dma_wait3A_90 = tpu.memref_squeeze %dma_wait3A_89 : memref<1x1024xi32, #tpu.memory_space<vmem>> -> memref<1024xi32, #tpu.memory_space<vmem>>
      %dma_wait3A_91 = arith.constant 0 : i32
      %dma_wait3A_92 = tpu.memref_slice %arg9[%dma_wait3A_91] : memref<50176xf32, #tpu.memory_space<vmem_shared>> -> memref<50176xf32, #tpu.memory_space<vmem_shared>>
      tpu.wait_indirect_dma semaphore(%arg14 : memref<!tpu.dma_semaphore, #tpu.memory_space<semaphore_mem>>) src(%arg11 : memref<1024xf32, #tpu.memory_space<vmem>>) dst(%dma_wait3A_92 : memref<50176xf32, #tpu.memory_space<vmem_shared>>)
      %dma_wait3A_93 = arith.constant 3 : i32
      %dma_wait3A_94 = arith.constant 0 : i32
      %dma_wait3A_95 = tpu.memref_slice %arg12[%dma_wait3A_93, %dma_wait3A_94] : memref<7x1024xi32, #tpu.memory_space<vmem>> -> memref<1x1024xi32, #tpu.memory_space<vmem>>
      %dma_wait3A_96 = tpu.memref_squeeze %dma_wait3A_95 : memref<1x1024xi32, #tpu.memory_space<vmem>> -> memref<1024xi32, #tpu.memory_space<vmem>>
      %dma_wait3A_97 = arith.constant 0 : i32
      %dma_wait3A_98 = tpu.memref_slice %arg9[%dma_wait3A_97] : memref<50176xf32, #tpu.memory_space<vmem_shared>> -> memref<50176xf32, #tpu.memory_space<vmem_shared>>
      tpu.wait_indirect_dma semaphore(%arg14 : memref<!tpu.dma_semaphore, #tpu.memory_space<semaphore_mem>>) src(%arg11 : memref<1024xf32, #tpu.memory_space<vmem>>) dst(%dma_wait3A_98 : memref<50176xf32, #tpu.memory_space<vmem_shared>>)
      %dma_wait3A_99 = arith.constant 4 : i32
      %dma_wait3A_100 = arith.constant 0 : i32
      %dma_wait3A_101 = tpu.memref_slice %arg12[%dma_wait3A_99, %dma_wait3A_100] : memref<7x1024xi32, #tpu.memory_space<vmem>> -> memref<1x1024xi32, #tpu.memory_space<vmem>>
      %dma_wait3A_102 = tpu.memref_squeeze %dma_wait3A_101 : memref<1x1024xi32, #tpu.memory_space<vmem>> -> memref<1024xi32, #tpu.memory_space<vmem>>
      %dma_wait3A_103 = arith.constant 0 : i32
      %dma_wait3A_104 = tpu.memref_slice %arg9[%dma_wait3A_103] : memref<50176xf32, #tpu.memory_space<vmem_shared>> -> memref<50176xf32, #tpu.memory_space<vmem_shared>>
      tpu.wait_indirect_dma semaphore(%arg14 : memref<!tpu.dma_semaphore, #tpu.memory_space<semaphore_mem>>) src(%arg11 : memref<1024xf32, #tpu.memory_space<vmem>>) dst(%dma_wait3A_104 : memref<50176xf32, #tpu.memory_space<vmem_shared>>)
      %dma_wait3A_105 = arith.constant 5 : i32
      %dma_wait3A_106 = arith.constant 0 : i32
      %dma_wait3A_107 = tpu.memref_slice %arg12[%dma_wait3A_105, %dma_wait3A_106] : memref<7x1024xi32, #tpu.memory_space<vmem>> -> memref<1x1024xi32, #tpu.memory_space<vmem>>
      %dma_wait3A_108 = tpu.memref_squeeze %dma_wait3A_107 : memref<1x1024xi32, #tpu.memory_space<vmem>> -> memref<1024xi32, #tpu.memory_space<vmem>>
      %dma_wait3A_109 = arith.constant 0 : i32
      %dma_wait3A_110 = tpu.memref_slice %arg9[%dma_wait3A_109] : memref<50176xf32, #tpu.memory_space<vmem_shared>> -> memref<50176xf32, #tpu.memory_space<vmem_shared>>
      tpu.wait_indirect_dma semaphore(%arg14 : memref<!tpu.dma_semaphore, #tpu.memory_space<semaphore_mem>>) src(%arg11 : memref<1024xf32, #tpu.memory_space<vmem>>) dst(%dma_wait3A_110 : memref<50176xf32, #tpu.memory_space<vmem_shared>>)
      %dma_wait3A_111 = arith.constant 6 : i32
      %dma_wait3A_112 = arith.constant 0 : i32
      %dma_wait3A_113 = tpu.memref_slice %arg12[%dma_wait3A_111, %dma_wait3A_112] : memref<7x1024xi32, #tpu.memory_space<vmem>> -> memref<1x1024xi32, #tpu.memory_space<vmem>>
      %dma_wait3A_114 = tpu.memref_squeeze %dma_wait3A_113 : memref<1x1024xi32, #tpu.memory_space<vmem>> -> memref<1024xi32, #tpu.memory_space<vmem>>
      %dma_wait3A_115 = arith.constant 0 : i32
      %dma_wait3A_116 = tpu.memref_slice %arg9[%dma_wait3A_115] : memref<50176xf32, #tpu.memory_space<vmem_shared>> -> memref<50176xf32, #tpu.memory_space<vmem_shared>>
      tpu.wait_indirect_dma semaphore(%arg14 : memref<!tpu.dma_semaphore, #tpu.memory_space<semaphore_mem>>) src(%arg11 : memref<1024xf32, #tpu.memory_space<vmem>>) dst(%dma_wait3A_116 : memref<50176xf32, #tpu.memory_space<vmem_shared>>)
      %mul3A_117 = arith.constant 7 : i32
      %mul3A_118 = arith.muli %scan3A_31, %mul3A_117 : i32
      "tpu.region"() ({
        %run_scoped3A = tpu.sem_alloc : memref<!tpu.dma_semaphore, #tpu.memory_space<semaphore_mem>>
        %dma_start3A_204 = arith.constant 0 : i32
        %dma_start3A_205 = tpu.memref_slice %arg3[%add3A, %mul3A_118, %dma_start3A_204] : memref<32x49x1024xi32, #tpu.memory_space<hbm>> -> memref<1x7x1024xi32, #tpu.memory_space<hbm>>
        %dma_start3A_206 = tpu.memref_squeeze %dma_start3A_205 : memref<1x7x1024xi32, #tpu.memory_space<hbm>> -> memref<7x1024xi32, #tpu.memory_space<hbm>>
        %dma_start3A_207 = arith.constant 0 : i32
        %dma_start3A_208 = tpu.memref_slice %arg3[%add3A, %mul3A_118, %dma_start3A_207] : memref<32x49x1024xi32, #tpu.memory_space<hbm>> -> memref<1x7x1024xi32, #tpu.memory_space<hbm>>
        %dma_start3A_209 = tpu.memref_squeeze %dma_start3A_208 : memref<1x7x1024xi32, #tpu.memory_space<hbm>> -> memref<7x1024xi32, #tpu.memory_space<hbm>>
        tpu.enqueue_dma source(%dma_start3A_209 : memref<7x1024xi32, #tpu.memory_space<hbm>>) target(%arg12 : memref<7x1024xi32, #tpu.memory_space<vmem>>) target_semaphore(%run_scoped3A : memref<!tpu.dma_semaphore, #tpu.memory_space<semaphore_mem>>)
        %dma_wait3A_210 = arith.constant 0 : i32
        %dma_wait3A_211 = tpu.memref_slice %arg3[%add3A, %mul3A_118, %dma_wait3A_210] : memref<32x49x1024xi32, #tpu.memory_space<hbm>> -> memref<1x7x1024xi32, #tpu.memory_space<hbm>>
        %dma_wait3A_212 = tpu.memref_squeeze %dma_wait3A_211 : memref<1x7x1024xi32, #tpu.memory_space<hbm>> -> memref<7x1024xi32, #tpu.memory_space<hbm>>
        %dma_wait3A_213 = arith.constant 0 : i32
        %dma_wait3A_214 = tpu.memref_slice %arg3[%add3A, %mul3A_118, %dma_wait3A_213] : memref<32x49x1024xi32, #tpu.memory_space<hbm>> -> memref<1x7x1024xi32, #tpu.memory_space<hbm>>
        %dma_wait3A_215 = tpu.memref_squeeze %dma_wait3A_214 : memref<1x7x1024xi32, #tpu.memory_space<hbm>> -> memref<7x1024xi32, #tpu.memory_space<hbm>>
        tpu.wait_dma2 semaphore(%run_scoped3A : memref<!tpu.dma_semaphore, #tpu.memory_space<semaphore_mem>>) src(%dma_wait3A_215 : memref<7x1024xi32, #tpu.memory_space<hbm>>) dst(%arg12 : memref<7x1024xi32, #tpu.memory_space<vmem>>)
        tpu.yield
      }) : () -> ()
      %dma_start3A_119 = arith.constant 0 : i32
      %dma_start3A_120 = arith.constant 0 : i32
      %dma_start3A_121 = tpu.memref_slice %arg12[%dma_start3A_119, %dma_start3A_120] : memref<7x1024xi32, #tpu.memory_space<vmem>> -> memref<1x1024xi32, #tpu.memory_space<vmem>>
      %dma_start3A_122 = tpu.memref_squeeze %dma_start3A_121 : memref<1x1024xi32, #tpu.memory_space<vmem>> -> memref<1024xi32, #tpu.memory_space<vmem>>
      %dma_start3A_123 = arith.constant 0 : i32
      %dma_start3A_124 = tpu.memref_slice %arg10[%dma_start3A_123] : memref<50176xf32, #tpu.memory_space<vmem_shared>> -> memref<50176xf32, #tpu.memory_space<vmem_shared>>
      tpu.enqueue_indirect_dma source(%arg11 : memref<1024xf32, #tpu.memory_space<vmem>>) target(%dma_start3A_124 : memref<50176xf32, #tpu.memory_space<vmem_shared>>) offsets(%dma_start3A_122 : memref<1024xi32, #tpu.memory_space<vmem>>) semaphore(%arg14 : memref<!tpu.dma_semaphore, #tpu.memory_space<semaphore_mem>>) {add = true}
      %dma_start3A_125 = arith.constant 1 : i32
      %dma_start3A_126 = arith.constant 0 : i32
      %dma_start3A_127 = tpu.memref_slice %arg12[%dma_start3A_125, %dma_start3A_126] : memref<7x1024xi32, #tpu.memory_space<vmem>> -> memref<1x1024xi32, #tpu.memory_space<vmem>>
      %dma_start3A_128 = tpu.memref_squeeze %dma_start3A_127 : memref<1x1024xi32, #tpu.memory_space<vmem>> -> memref<1024xi32, #tpu.memory_space<vmem>>
      %dma_start3A_129 = arith.constant 0 : i32
      %dma_start3A_130 = tpu.memref_slice %arg10[%dma_start3A_129] : memref<50176xf32, #tpu.memory_space<vmem_shared>> -> memref<50176xf32, #tpu.memory_space<vmem_shared>>
      tpu.enqueue_indirect_dma source(%arg11 : memref<1024xf32, #tpu.memory_space<vmem>>) target(%dma_start3A_130 : memref<50176xf32, #tpu.memory_space<vmem_shared>>) offsets(%dma_start3A_128 : memref<1024xi32, #tpu.memory_space<vmem>>) semaphore(%arg14 : memref<!tpu.dma_semaphore, #tpu.memory_space<semaphore_mem>>) {add = true}
      %dma_start3A_131 = arith.constant 2 : i32
      %dma_start3A_132 = arith.constant 0 : i32
      %dma_start3A_133 = tpu.memref_slice %arg12[%dma_start3A_131, %dma_start3A_132] : memref<7x1024xi32, #tpu.memory_space<vmem>> -> memref<1x1024xi32, #tpu.memory_space<vmem>>
      %dma_start3A_134 = tpu.memref_squeeze %dma_start3A_133 : memref<1x1024xi32, #tpu.memory_space<vmem>> -> memref<1024xi32, #tpu.memory_space<vmem>>
      %dma_start3A_135 = arith.constant 0 : i32
      %dma_start3A_136 = tpu.memref_slice %arg10[%dma_start3A_135] : memref<50176xf32, #tpu.memory_space<vmem_shared>> -> memref<50176xf32, #tpu.memory_space<vmem_shared>>
      tpu.enqueue_indirect_dma source(%arg11 : memref<1024xf32, #tpu.memory_space<vmem>>) target(%dma_start3A_136 : memref<50176xf32, #tpu.memory_space<vmem_shared>>) offsets(%dma_start3A_134 : memref<1024xi32, #tpu.memory_space<vmem>>) semaphore(%arg14 : memref<!tpu.dma_semaphore, #tpu.memory_space<semaphore_mem>>) {add = true}
      %dma_start3A_137 = arith.constant 3 : i32
      %dma_start3A_138 = arith.constant 0 : i32
      %dma_start3A_139 = tpu.memref_slice %arg12[%dma_start3A_137, %dma_start3A_138] : memref<7x1024xi32, #tpu.memory_space<vmem>> -> memref<1x1024xi32, #tpu.memory_space<vmem>>
      %dma_start3A_140 = tpu.memref_squeeze %dma_start3A_139 : memref<1x1024xi32, #tpu.memory_space<vmem>> -> memref<1024xi32, #tpu.memory_space<vmem>>
      %dma_start3A_141 = arith.constant 0 : i32
      %dma_start3A_142 = tpu.memref_slice %arg10[%dma_start3A_141] : memref<50176xf32, #tpu.memory_space<vmem_shared>> -> memref<50176xf32, #tpu.memory_space<vmem_shared>>
      tpu.enqueue_indirect_dma source(%arg11 : memref<1024xf32, #tpu.memory_space<vmem>>) target(%dma_start3A_142 : memref<50176xf32, #tpu.memory_space<vmem_shared>>) offsets(%dma_start3A_140 : memref<1024xi32, #tpu.memory_space<vmem>>) semaphore(%arg14 : memref<!tpu.dma_semaphore, #tpu.memory_space<semaphore_mem>>) {add = true}
      %dma_start3A_143 = arith.constant 4 : i32
      %dma_start3A_144 = arith.constant 0 : i32
      %dma_start3A_145 = tpu.memref_slice %arg12[%dma_start3A_143, %dma_start3A_144] : memref<7x1024xi32, #tpu.memory_space<vmem>> -> memref<1x1024xi32, #tpu.memory_space<vmem>>
      %dma_start3A_146 = tpu.memref_squeeze %dma_start3A_145 : memref<1x1024xi32, #tpu.memory_space<vmem>> -> memref<1024xi32, #tpu.memory_space<vmem>>
      %dma_start3A_147 = arith.constant 0 : i32
      %dma_start3A_148 = tpu.memref_slice %arg10[%dma_start3A_147] : memref<50176xf32, #tpu.memory_space<vmem_shared>> -> memref<50176xf32, #tpu.memory_space<vmem_shared>>
      tpu.enqueue_indirect_dma source(%arg11 : memref<1024xf32, #tpu.memory_space<vmem>>) target(%dma_start3A_148 : memref<50176xf32, #tpu.memory_space<vmem_shared>>) offsets(%dma_start3A_146 : memref<1024xi32, #tpu.memory_space<vmem>>) semaphore(%arg14 : memref<!tpu.dma_semaphore, #tpu.memory_space<semaphore_mem>>) {add = true}
      %dma_start3A_149 = arith.constant 5 : i32
      %dma_start3A_150 = arith.constant 0 : i32
      %dma_start3A_151 = tpu.memref_slice %arg12[%dma_start3A_149, %dma_start3A_150] : memref<7x1024xi32, #tpu.memory_space<vmem>> -> memref<1x1024xi32, #tpu.memory_space<vmem>>
      %dma_start3A_152 = tpu.memref_squeeze %dma_start3A_151 : memref<1x1024xi32, #tpu.memory_space<vmem>> -> memref<1024xi32, #tpu.memory_space<vmem>>
      %dma_start3A_153 = arith.constant 0 : i32
      %dma_start3A_154 = tpu.memref_slice %arg10[%dma_start3A_153] : memref<50176xf32, #tpu.memory_space<vmem_shared>> -> memref<50176xf32, #tpu.memory_space<vmem_shared>>
      tpu.enqueue_indirect_dma source(%arg11 : memref<1024xf32, #tpu.memory_space<vmem>>) target(%dma_start3A_154 : memref<50176xf32, #tpu.memory_space<vmem_shared>>) offsets(%dma_start3A_152 : memref<1024xi32, #tpu.memory_space<vmem>>) semaphore(%arg14 : memref<!tpu.dma_semaphore, #tpu.memory_space<semaphore_mem>>) {add = true}
      %dma_start3A_155 = arith.constant 6 : i32
      %dma_start3A_156 = arith.constant 0 : i32
      %dma_start3A_157 = tpu.memref_slice %arg12[%dma_start3A_155, %dma_start3A_156] : memref<7x1024xi32, #tpu.memory_space<vmem>> -> memref<1x1024xi32, #tpu.memory_space<vmem>>
      %dma_start3A_158 = tpu.memref_squeeze %dma_start3A_157 : memref<1x1024xi32, #tpu.memory_space<vmem>> -> memref<1024xi32, #tpu.memory_space<vmem>>
      %dma_start3A_159 = arith.constant 0 : i32
      %dma_start3A_160 = tpu.memref_slice %arg10[%dma_start3A_159] : memref<50176xf32, #tpu.memory_space<vmem_shared>> -> memref<50176xf32, #tpu.memory_space<vmem_shared>>
      tpu.enqueue_indirect_dma source(%arg11 : memref<1024xf32, #tpu.memory_space<vmem>>) target(%dma_start3A_160 : memref<50176xf32, #tpu.memory_space<vmem_shared>>) offsets(%dma_start3A_158 : memref<1024xi32, #tpu.memory_space<vmem>>) semaphore(%arg14 : memref<!tpu.dma_semaphore, #tpu.memory_space<semaphore_mem>>) {add = true}
      %dma_wait3A_161 = arith.constant 0 : i32
      %dma_wait3A_162 = arith.constant 0 : i32
      %dma_wait3A_163 = tpu.memref_slice %arg12[%dma_wait3A_161, %dma_wait3A_162] : memref<7x1024xi32, #tpu.memory_space<vmem>> -> memref<1x1024xi32, #tpu.memory_space<vmem>>
      %dma_wait3A_164 = tpu.memref_squeeze %dma_wait3A_163 : memref<1x1024xi32, #tpu.memory_space<vmem>> -> memref<1024xi32, #tpu.memory_space<vmem>>
      %dma_wait3A_165 = arith.constant 0 : i32
      %dma_wait3A_166 = tpu.memref_slice %arg10[%dma_wait3A_165] : memref<50176xf32, #tpu.memory_space<vmem_shared>> -> memref<50176xf32, #tpu.memory_space<vmem_shared>>
      tpu.wait_indirect_dma semaphore(%arg14 : memref<!tpu.dma_semaphore, #tpu.memory_space<semaphore_mem>>) src(%arg11 : memref<1024xf32, #tpu.memory_space<vmem>>) dst(%dma_wait3A_166 : memref<50176xf32, #tpu.memory_space<vmem_shared>>)
      %dma_wait3A_167 = arith.constant 1 : i32
      %dma_wait3A_168 = arith.constant 0 : i32
      %dma_wait3A_169 = tpu.memref_slice %arg12[%dma_wait3A_167, %dma_wait3A_168] : memref<7x1024xi32, #tpu.memory_space<vmem>> -> memref<1x1024xi32, #tpu.memory_space<vmem>>
      %dma_wait3A_170 = tpu.memref_squeeze %dma_wait3A_169 : memref<1x1024xi32, #tpu.memory_space<vmem>> -> memref<1024xi32, #tpu.memory_space<vmem>>
      %dma_wait3A_171 = arith.constant 0 : i32
      %dma_wait3A_172 = tpu.memref_slice %arg10[%dma_wait3A_171] : memref<50176xf32, #tpu.memory_space<vmem_shared>> -> memref<50176xf32, #tpu.memory_space<vmem_shared>>
      tpu.wait_indirect_dma semaphore(%arg14 : memref<!tpu.dma_semaphore, #tpu.memory_space<semaphore_mem>>) src(%arg11 : memref<1024xf32, #tpu.memory_space<vmem>>) dst(%dma_wait3A_172 : memref<50176xf32, #tpu.memory_space<vmem_shared>>)
      %dma_wait3A_173 = arith.constant 2 : i32
      %dma_wait3A_174 = arith.constant 0 : i32
      %dma_wait3A_175 = tpu.memref_slice %arg12[%dma_wait3A_173, %dma_wait3A_174] : memref<7x1024xi32, #tpu.memory_space<vmem>> -> memref<1x1024xi32, #tpu.memory_space<vmem>>
      %dma_wait3A_176 = tpu.memref_squeeze %dma_wait3A_175 : memref<1x1024xi32, #tpu.memory_space<vmem>> -> memref<1024xi32, #tpu.memory_space<vmem>>
      %dma_wait3A_177 = arith.constant 0 : i32
      %dma_wait3A_178 = tpu.memref_slice %arg10[%dma_wait3A_177] : memref<50176xf32, #tpu.memory_space<vmem_shared>> -> memref<50176xf32, #tpu.memory_space<vmem_shared>>
      tpu.wait_indirect_dma semaphore(%arg14 : memref<!tpu.dma_semaphore, #tpu.memory_space<semaphore_mem>>) src(%arg11 : memref<1024xf32, #tpu.memory_space<vmem>>) dst(%dma_wait3A_178 : memref<50176xf32, #tpu.memory_space<vmem_shared>>)
      %dma_wait3A_179 = arith.constant 3 : i32
      %dma_wait3A_180 = arith.constant 0 : i32
      %dma_wait3A_181 = tpu.memref_slice %arg12[%dma_wait3A_179, %dma_wait3A_180] : memref<7x1024xi32, #tpu.memory_space<vmem>> -> memref<1x1024xi32, #tpu.memory_space<vmem>>
      %dma_wait3A_182 = tpu.memref_squeeze %dma_wait3A_181 : memref<1x1024xi32, #tpu.memory_space<vmem>> -> memref<1024xi32, #tpu.memory_space<vmem>>
      %dma_wait3A_183 = arith.constant 0 : i32
      %dma_wait3A_184 = tpu.memref_slice %arg10[%dma_wait3A_183] : memref<50176xf32, #tpu.memory_space<vmem_shared>> -> memref<50176xf32, #tpu.memory_space<vmem_shared>>
      tpu.wait_indirect_dma semaphore(%arg14 : memref<!tpu.dma_semaphore, #tpu.memory_space<semaphore_mem>>) src(%arg11 : memref<1024xf32, #tpu.memory_space<vmem>>) dst(%dma_wait3A_184 : memref<50176xf32, #tpu.memory_space<vmem_shared>>)
      %dma_wait3A_185 = arith.constant 4 : i32
      %dma_wait3A_186 = arith.constant 0 : i32
      %dma_wait3A_187 = tpu.memref_slice %arg12[%dma_wait3A_185, %dma_wait3A_186] : memref<7x1024xi32, #tpu.memory_space<vmem>> -> memref<1x1024xi32, #tpu.memory_space<vmem>>
      %dma_wait3A_188 = tpu.memref_squeeze %dma_wait3A_187 : memref<1x1024xi32, #tpu.memory_space<vmem>> -> memref<1024xi32, #tpu.memory_space<vmem>>
      %dma_wait3A_189 = arith.constant 0 : i32
      %dma_wait3A_190 = tpu.memref_slice %arg10[%dma_wait3A_189] : memref<50176xf32, #tpu.memory_space<vmem_shared>> -> memref<50176xf32, #tpu.memory_space<vmem_shared>>
      tpu.wait_indirect_dma semaphore(%arg14 : memref<!tpu.dma_semaphore, #tpu.memory_space<semaphore_mem>>) src(%arg11 : memref<1024xf32, #tpu.memory_space<vmem>>) dst(%dma_wait3A_190 : memref<50176xf32, #tpu.memory_space<vmem_shared>>)
      %dma_wait3A_191 = arith.constant 5 : i32
      %dma_wait3A_192 = arith.constant 0 : i32
      %dma_wait3A_193 = tpu.memref_slice %arg12[%dma_wait3A_191, %dma_wait3A_192] : memref<7x1024xi32, #tpu.memory_space<vmem>> -> memref<1x1024xi32, #tpu.memory_space<vmem>>
      %dma_wait3A_194 = tpu.memref_squeeze %dma_wait3A_193 : memref<1x1024xi32, #tpu.memory_space<vmem>> -> memref<1024xi32, #tpu.memory_space<vmem>>
      %dma_wait3A_195 = arith.constant 0 : i32
      %dma_wait3A_196 = tpu.memref_slice %arg10[%dma_wait3A_195] : memref<50176xf32, #tpu.memory_space<vmem_shared>> -> memref<50176xf32, #tpu.memory_space<vmem_shared>>
      tpu.wait_indirect_dma semaphore(%arg14 : memref<!tpu.dma_semaphore, #tpu.memory_space<semaphore_mem>>) src(%arg11 : memref<1024xf32, #tpu.memory_space<vmem>>) dst(%dma_wait3A_196 : memref<50176xf32, #tpu.memory_space<vmem_shared>>)
      %dma_wait3A_197 = arith.constant 6 : i32
      %dma_wait3A_198 = arith.constant 0 : i32
      %dma_wait3A_199 = tpu.memref_slice %arg12[%dma_wait3A_197, %dma_wait3A_198] : memref<7x1024xi32, #tpu.memory_space<vmem>> -> memref<1x1024xi32, #tpu.memory_space<vmem>>
      %dma_wait3A_200 = tpu.memref_squeeze %dma_wait3A_199 : memref<1x1024xi32, #tpu.memory_space<vmem>> -> memref<1024xi32, #tpu.memory_space<vmem>>
      %dma_wait3A_201 = arith.constant 0 : i32
      %dma_wait3A_202 = tpu.memref_slice %arg10[%dma_wait3A_201] : memref<50176xf32, #tpu.memory_space<vmem_shared>> -> memref<50176xf32, #tpu.memory_space<vmem_shared>>
      tpu.wait_indirect_dma semaphore(%arg14 : memref<!tpu.dma_semaphore, #tpu.memory_space<semaphore_mem>>) src(%arg11 : memref<1024xf32, #tpu.memory_space<vmem>>) dst(%dma_wait3A_202 : memref<50176xf32, #tpu.memory_space<vmem_shared>>)
      %scan3A_203 = arith.constant 0 : i32
      scf.yield %scan3A_203 : i32
    }
    %scan3A_22 = arith.constant 7 : i32
    %barrier3A_23 = arith.constant 0 : index
    tpu.barrier barrier_id(%barrier3A_23)
    %eq3A = arith.constant 0 : i32
    %eq3A_24 = arith.cmpi eq, %arg0, %eq3A : i32
    %convert_element_type3A = arith.extui %eq3A_24 : i1 to i32
    %cond3A = arith.constant 0 : i32
    %cond3A_25 = arith.cmpi ne, %convert_element_type3A, %cond3A : i32
    scf.if %cond3A_25 {
      %scan3A_31 = arith.constant 0 : i32
      %scan3A_32 = arith.constant 0 : i32
      %scan3A_33 = arith.constant 28 : i32
      %scan3A_34 = arith.addi %scan3A_32, %scan3A_33 : i32
      %scan3A_35 = arith.constant 1 : i32
      %scan3A_36 = scf.for %scan3A_45 = %scan3A_32 to %scan3A_34 step %scan3A_35 iter_args(%scan3A_46 = %scan3A_31) -> (i32)  : i32 {
        %mul3A_47 = arith.constant 112 : i32
        %mul3A_48 = arith.muli %scan3A_45, %mul3A_47 : i32
        %add3A_49 = arith.addi %mul3A_8, %mul3A_48 : i32
        "tpu.region"() ({
          %run_scoped3A = tpu.sem_alloc : memref<!tpu.dma_semaphore, #tpu.memory_space<semaphore_mem>>
          %dma_start3A = tpu.memref_slice %arg9[%add3A_49] : memref<50176xf32, #tpu.memory_space<vmem_shared>> -> memref<112xf32, #tpu.memory_space<vmem_shared>>
          %dma_start3A_51 = tpu.memref_slice %arg9[%add3A_49] : memref<50176xf32, #tpu.memory_space<vmem_shared>> -> memref<112xf32, #tpu.memory_space<vmem_shared>>
          tpu.enqueue_dma source(%dma_start3A_51 : memref<112xf32, #tpu.memory_space<vmem_shared>>) target(%arg13 : memref<112xf32, #tpu.memory_space<vmem>>) target_semaphore(%run_scoped3A : memref<!tpu.dma_semaphore, #tpu.memory_space<semaphore_mem>>)
          %dma_wait3A = tpu.memref_slice %arg9[%add3A_49] : memref<50176xf32, #tpu.memory_space<vmem_shared>> -> memref<112xf32, #tpu.memory_space<vmem_shared>>
          %dma_wait3A_52 = tpu.memref_slice %arg9[%add3A_49] : memref<50176xf32, #tpu.memory_space<vmem_shared>> -> memref<112xf32, #tpu.memory_space<vmem_shared>>
          tpu.wait_dma2 semaphore(%run_scoped3A : memref<!tpu.dma_semaphore, #tpu.memory_space<semaphore_mem>>) src(%dma_wait3A_52 : memref<112xf32, #tpu.memory_space<vmem_shared>>) dst(%arg13 : memref<112xf32, #tpu.memory_space<vmem>>)
          tpu.yield
        }) : () -> ()
        "tpu.region"() ({
          %run_scoped3A = tpu.sem_alloc : memref<!tpu.dma_semaphore, #tpu.memory_space<semaphore_mem>>
          %dma_start3A = tpu.memref_slice %arg5[%add3A_49] : memref<50176xf32, #tpu.memory_space<hbm>> -> memref<112xf32, #tpu.memory_space<hbm>>
          %dma_start3A_51 = tpu.memref_slice %arg5[%add3A_49] : memref<50176xf32, #tpu.memory_space<hbm>> -> memref<112xf32, #tpu.memory_space<hbm>>
          tpu.enqueue_dma source(%arg13 : memref<112xf32, #tpu.memory_space<vmem>>) target(%dma_start3A_51 : memref<112xf32, #tpu.memory_space<hbm>>) target_semaphore(%run_scoped3A : memref<!tpu.dma_semaphore, #tpu.memory_space<semaphore_mem>>)
          %dma_wait3A = tpu.memref_slice %arg5[%add3A_49] : memref<50176xf32, #tpu.memory_space<hbm>> -> memref<112xf32, #tpu.memory_space<hbm>>
          %dma_wait3A_52 = tpu.memref_slice %arg5[%add3A_49] : memref<50176xf32, #tpu.memory_space<hbm>> -> memref<112xf32, #tpu.memory_space<hbm>>
          tpu.wait_dma2 semaphore(%run_scoped3A : memref<!tpu.dma_semaphore, #tpu.memory_space<semaphore_mem>>) src(%arg13 : memref<112xf32, #tpu.memory_space<vmem>>) dst(%dma_wait3A_52 : memref<112xf32, #tpu.memory_space<hbm>>)
          tpu.yield
        }) : () -> ()
        %scan3A_50 = arith.constant 0 : i32
        scf.yield %scan3A_50 : i32
      }
      %scan3A_37 = arith.constant 28 : i32
      %scan3A_38 = arith.constant 0 : i32
      %scan3A_39 = arith.constant 0 : i32
      %scan3A_40 = arith.constant 28 : i32
      %scan3A_41 = arith.addi %scan3A_39, %scan3A_40 : i32
      %scan3A_42 = arith.constant 1 : i32
      %scan3A_43 = scf.for %scan3A_45 = %scan3A_39 to %scan3A_41 step %scan3A_42 iter_args(%scan3A_46 = %scan3A_38) -> (i32)  : i32 {
        %mul3A_47 = arith.constant 112 : i32
        %mul3A_48 = arith.muli %scan3A_45, %mul3A_47 : i32
        %add3A_49 = arith.addi %mul3A_8, %mul3A_48 : i32
        "tpu.region"() ({
          %run_scoped3A = tpu.sem_alloc : memref<!tpu.dma_semaphore, #tpu.memory_space<semaphore_mem>>
          %dma_start3A = tpu.memref_slice %arg10[%add3A_49] : memref<50176xf32, #tpu.memory_space<vmem_shared>> -> memref<112xf32, #tpu.memory_space<vmem_shared>>
          %dma_start3A_51 = tpu.memref_slice %arg10[%add3A_49] : memref<50176xf32, #tpu.memory_space<vmem_shared>> -> memref<112xf32, #tpu.memory_space<vmem_shared>>
          tpu.enqueue_dma source(%dma_start3A_51 : memref<112xf32, #tpu.memory_space<vmem_shared>>) target(%arg13 : memref<112xf32, #tpu.memory_space<vmem>>) target_semaphore(%run_scoped3A : memref<!tpu.dma_semaphore, #tpu.memory_space<semaphore_mem>>)
          %dma_wait3A = tpu.memref_slice %arg10[%add3A_49] : memref<50176xf32, #tpu.memory_space<vmem_shared>> -> memref<112xf32, #tpu.memory_space<vmem_shared>>
          %dma_wait3A_52 = tpu.memref_slice %arg10[%add3A_49] : memref<50176xf32, #tpu.memory_space<vmem_shared>> -> memref<112xf32, #tpu.memory_space<vmem_shared>>
          tpu.wait_dma2 semaphore(%run_scoped3A : memref<!tpu.dma_semaphore, #tpu.memory_space<semaphore_mem>>) src(%dma_wait3A_52 : memref<112xf32, #tpu.memory_space<vmem_shared>>) dst(%arg13 : memref<112xf32, #tpu.memory_space<vmem>>)
          tpu.yield
        }) : () -> ()
        "tpu.region"() ({
          %run_scoped3A = tpu.sem_alloc : memref<!tpu.dma_semaphore, #tpu.memory_space<semaphore_mem>>
          %dma_start3A = tpu.memref_slice %arg7[%add3A_49] : memref<50176xf32, #tpu.memory_space<hbm>> -> memref<112xf32, #tpu.memory_space<hbm>>
          %dma_start3A_51 = tpu.memref_slice %arg7[%add3A_49] : memref<50176xf32, #tpu.memory_space<hbm>> -> memref<112xf32, #tpu.memory_space<hbm>>
          tpu.enqueue_dma source(%arg13 : memref<112xf32, #tpu.memory_space<vmem>>) target(%dma_start3A_51 : memref<112xf32, #tpu.memory_space<hbm>>) target_semaphore(%run_scoped3A : memref<!tpu.dma_semaphore, #tpu.memory_space<semaphore_mem>>)
          %dma_wait3A = tpu.memref_slice %arg7[%add3A_49] : memref<50176xf32, #tpu.memory_space<hbm>> -> memref<112xf32, #tpu.memory_space<hbm>>
          %dma_wait3A_52 = tpu.memref_slice %arg7[%add3A_49] : memref<50176xf32, #tpu.memory_space<hbm>> -> memref<112xf32, #tpu.memory_space<hbm>>
          tpu.wait_dma2 semaphore(%run_scoped3A : memref<!tpu.dma_semaphore, #tpu.memory_space<semaphore_mem>>) src(%arg13 : memref<112xf32, #tpu.memory_space<vmem>>) dst(%dma_wait3A_52 : memref<112xf32, #tpu.memory_space<hbm>>)
          tpu.yield
        }) : () -> ()
        %scan3A_50 = arith.constant 0 : i32
        scf.yield %scan3A_50 : i32
      }
      %scan3A_44 = arith.constant 28 : i32
    } else {
    }
    %eq3A_26 = arith.constant 1 : i32
    %eq3A_27 = arith.cmpi eq, %arg0, %eq3A_26 : i32
    %convert_element_type3A_28 = arith.extui %eq3A_27 : i1 to i32
    %cond3A_29 = arith.constant 0 : i32
    %cond3A_30 = arith.cmpi ne, %convert_element_type3A_28, %cond3A_29 : i32
    scf.if %cond3A_30 {
      %scan3A_31 = arith.constant 0 : i32
      %scan3A_32 = arith.constant 0 : i32
      %scan3A_33 = arith.constant 28 : i32
      %scan3A_34 = arith.addi %scan3A_32, %scan3A_33 : i32
      %scan3A_35 = arith.constant 1 : i32
      %scan3A_36 = scf.for %scan3A_45 = %scan3A_32 to %scan3A_34 step %scan3A_35 iter_args(%scan3A_46 = %scan3A_31) -> (i32)  : i32 {
        %mul3A_47 = arith.constant 112 : i32
        %mul3A_48 = arith.muli %scan3A_45, %mul3A_47 : i32
        %add3A_49 = arith.addi %mul3A_8, %mul3A_48 : i32
        "tpu.region"() ({
          %run_scoped3A = tpu.sem_alloc : memref<!tpu.dma_semaphore, #tpu.memory_space<semaphore_mem>>
          %dma_start3A = tpu.memref_slice %arg9[%add3A_49] : memref<50176xf32, #tpu.memory_space<vmem_shared>> -> memref<112xf32, #tpu.memory_space<vmem_shared>>
          %dma_start3A_51 = tpu.memref_slice %arg9[%add3A_49] : memref<50176xf32, #tpu.memory_space<vmem_shared>> -> memref<112xf32, #tpu.memory_space<vmem_shared>>
          tpu.enqueue_dma source(%dma_start3A_51 : memref<112xf32, #tpu.memory_space<vmem_shared>>) target(%arg13 : memref<112xf32, #tpu.memory_space<vmem>>) target_semaphore(%run_scoped3A : memref<!tpu.dma_semaphore, #tpu.memory_space<semaphore_mem>>)
          %dma_wait3A = tpu.memref_slice %arg9[%add3A_49] : memref<50176xf32, #tpu.memory_space<vmem_shared>> -> memref<112xf32, #tpu.memory_space<vmem_shared>>
          %dma_wait3A_52 = tpu.memref_slice %arg9[%add3A_49] : memref<50176xf32, #tpu.memory_space<vmem_shared>> -> memref<112xf32, #tpu.memory_space<vmem_shared>>
          tpu.wait_dma2 semaphore(%run_scoped3A : memref<!tpu.dma_semaphore, #tpu.memory_space<semaphore_mem>>) src(%dma_wait3A_52 : memref<112xf32, #tpu.memory_space<vmem_shared>>) dst(%arg13 : memref<112xf32, #tpu.memory_space<vmem>>)
          tpu.yield
        }) : () -> ()
        "tpu.region"() ({
          %run_scoped3A = tpu.sem_alloc : memref<!tpu.dma_semaphore, #tpu.memory_space<semaphore_mem>>
          %dma_start3A = tpu.memref_slice %arg6[%add3A_49] : memref<50176xf32, #tpu.memory_space<hbm>> -> memref<112xf32, #tpu.memory_space<hbm>>
          %dma_start3A_51 = tpu.memref_slice %arg6[%add3A_49] : memref<50176xf32, #tpu.memory_space<hbm>> -> memref<112xf32, #tpu.memory_space<hbm>>
          tpu.enqueue_dma source(%arg13 : memref<112xf32, #tpu.memory_space<vmem>>) target(%dma_start3A_51 : memref<112xf32, #tpu.memory_space<hbm>>) target_semaphore(%run_scoped3A : memref<!tpu.dma_semaphore, #tpu.memory_space<semaphore_mem>>)
          %dma_wait3A = tpu.memref_slice %arg6[%add3A_49] : memref<50176xf32, #tpu.memory_space<hbm>> -> memref<112xf32, #tpu.memory_space<hbm>>
          %dma_wait3A_52 = tpu.memref_slice %arg6[%add3A_49] : memref<50176xf32, #tpu.memory_space<hbm>> -> memref<112xf32, #tpu.memory_space<hbm>>
          tpu.wait_dma2 semaphore(%run_scoped3A : memref<!tpu.dma_semaphore, #tpu.memory_space<semaphore_mem>>) src(%arg13 : memref<112xf32, #tpu.memory_space<vmem>>) dst(%dma_wait3A_52 : memref<112xf32, #tpu.memory_space<hbm>>)
          tpu.yield
        }) : () -> ()
        %scan3A_50 = arith.constant 0 : i32
        scf.yield %scan3A_50 : i32
      }
      %scan3A_37 = arith.constant 28 : i32
      %scan3A_38 = arith.constant 0 : i32
      %scan3A_39 = arith.constant 0 : i32
      %scan3A_40 = arith.constant 28 : i32
      %scan3A_41 = arith.addi %scan3A_39, %scan3A_40 : i32
      %scan3A_42 = arith.constant 1 : i32
      %scan3A_43 = scf.for %scan3A_45 = %scan3A_39 to %scan3A_41 step %scan3A_42 iter_args(%scan3A_46 = %scan3A_38) -> (i32)  : i32 {
        %mul3A_47 = arith.constant 112 : i32
        %mul3A_48 = arith.muli %scan3A_45, %mul3A_47 : i32
        %add3A_49 = arith.addi %mul3A_8, %mul3A_48 : i32
        "tpu.region"() ({
          %run_scoped3A = tpu.sem_alloc : memref<!tpu.dma_semaphore, #tpu.memory_space<semaphore_mem>>
          %dma_start3A = tpu.memref_slice %arg10[%add3A_49] : memref<50176xf32, #tpu.memory_space<vmem_shared>> -> memref<112xf32, #tpu.memory_space<vmem_shared>>
          %dma_start3A_51 = tpu.memref_slice %arg10[%add3A_49] : memref<50176xf32, #tpu.memory_space<vmem_shared>> -> memref<112xf32, #tpu.memory_space<vmem_shared>>
          tpu.enqueue_dma source(%dma_start3A_51 : memref<112xf32, #tpu.memory_space<vmem_shared>>) target(%arg13 : memref<112xf32, #tpu.memory_space<vmem>>) target_semaphore(%run_scoped3A : memref<!tpu.dma_semaphore, #tpu.memory_space<semaphore_mem>>)
          %dma_wait3A = tpu.memref_slice %arg10[%add3A_49] : memref<50176xf32, #tpu.memory_space<vmem_shared>> -> memref<112xf32, #tpu.memory_space<vmem_shared>>
          %dma_wait3A_52 = tpu.memref_slice %arg10[%add3A_49] : memref<50176xf32, #tpu.memory_space<vmem_shared>> -> memref<112xf32, #tpu.memory_space<vmem_shared>>
          tpu.wait_dma2 semaphore(%run_scoped3A : memref<!tpu.dma_semaphore, #tpu.memory_space<semaphore_mem>>) src(%dma_wait3A_52 : memref<112xf32, #tpu.memory_space<vmem_shared>>) dst(%arg13 : memref<112xf32, #tpu.memory_space<vmem>>)
          tpu.yield
        }) : () -> ()
        "tpu.region"() ({
          %run_scoped3A = tpu.sem_alloc : memref<!tpu.dma_semaphore, #tpu.memory_space<semaphore_mem>>
          %dma_start3A = tpu.memref_slice %arg8[%add3A_49] : memref<50176xf32, #tpu.memory_space<hbm>> -> memref<112xf32, #tpu.memory_space<hbm>>
          %dma_start3A_51 = tpu.memref_slice %arg8[%add3A_49] : memref<50176xf32, #tpu.memory_space<hbm>> -> memref<112xf32, #tpu.memory_space<hbm>>
          tpu.enqueue_dma source(%arg13 : memref<112xf32, #tpu.memory_space<vmem>>) target(%dma_start3A_51 : memref<112xf32, #tpu.memory_space<hbm>>) target_semaphore(%run_scoped3A : memref<!tpu.dma_semaphore, #tpu.memory_space<semaphore_mem>>)
          %dma_wait3A = tpu.memref_slice %arg8[%add3A_49] : memref<50176xf32, #tpu.memory_space<hbm>> -> memref<112xf32, #tpu.memory_space<hbm>>
          %dma_wait3A_52 = tpu.memref_slice %arg8[%add3A_49] : memref<50176xf32, #tpu.memory_space<hbm>> -> memref<112xf32, #tpu.memory_space<hbm>>
          tpu.wait_dma2 semaphore(%run_scoped3A : memref<!tpu.dma_semaphore, #tpu.memory_space<semaphore_mem>>) src(%arg13 : memref<112xf32, #tpu.memory_space<vmem>>) dst(%dma_wait3A_52 : memref<112xf32, #tpu.memory_space<hbm>>)
          tpu.yield
        }) : () -> ()
        %scan3A_50 = arith.constant 0 : i32
        scf.yield %scan3A_50 : i32
      }
      %scan3A_44 = arith.constant 28 : i32
    } else {
    }
    return
  }
}

#map = affine_map<(d0, d1) -> (0, 0, 0)>
#map1 = affine_map<(d0, d1) -> (0, 0)>
module attributes {stable_mosaic.version = 14 : i64} {
  func.func @_agg_body(%arg0: i32, %arg1: i32, %arg2: memref<32x49x1024xi32, #tpu.memory_space<hbm>>, %arg3: memref<32x49x1024xi32, #tpu.memory_space<hbm>>, %arg4: memref<50176x32xf32, #tpu.memory_space<hbm>>, %arg5: memref<50176x32xf32, #tpu.memory_space<hbm>>, %arg6: memref<2x50176x32xf32, #tpu.memory_space<hbm>>, %arg7: memref<50176x32xf32, #tpu.memory_space<vmem_shared>>, %arg8: memref<1x1024xi32, #tpu.memory_space<vmem>>, %arg9: memref<1x1024xi32, #tpu.memory_space<vmem>>, %arg10: memref<256x32xf32, #tpu.memory_space<vmem>>, %arg11: memref<256x32xf32, #tpu.memory_space<vmem>>, %arg12: memref<112x32xf32, #tpu.memory_space<vmem>>, %arg13: memref<!tpu.dma_semaphore, #tpu.memory_space<semaphore_mem>>, %arg14: memref<!tpu.dma_semaphore, #tpu.memory_space<semaphore_mem>>, %arg15: memref<!tpu.dma_semaphore, #tpu.memory_space<semaphore_mem>>, %arg16: memref<!tpu.dma_semaphore, #tpu.memory_space<semaphore_mem>>) attributes {dimension_semantics = [#tpu.dimension_semantics<core_parallel>, #tpu.dimension_semantics<subcore_parallel>], iteration_bounds = array<i64: 2, 16>, scalar_prefetch = 0 : i64, scratch_operands = 10 : i64, tpu.core_type = #tpu.core_type<sc_vector_subcore>, window_params = [{transform_indices = #map}, {transform_indices = #map}, {transform_indices = #map1}, {transform_indices = #map1}, {transform_indices = #map}]} {
    %mul3A = arith.constant 16 : i32
    %mul3A_0 = arith.muli %arg0, %mul3A : i32
    %add3A = arith.addi %mul3A_0, %arg1 : i32
    %mul3A_1 = arith.constant 3136 : i32
    %mul3A_2 = arith.muli %arg1, %mul3A_1 : i32
    "tpu.region"() ({
      %run_scoped3A = tpu.sem_alloc : memref<!tpu.dma_semaphore, #tpu.memory_space<semaphore_mem>>
      %dma_start3A = arith.constant 0 : i32
      %dma_start3A_24 = arith.constant 0 : i32
      %dma_start3A_25 = tpu.memref_slice %arg5[%dma_start3A, %dma_start3A_24] : memref<50176x32xf32, #tpu.memory_space<hbm>> -> memref<112x32xf32, #tpu.memory_space<hbm>>
      %dma_start3A_26 = arith.constant 0 : i32
      %dma_start3A_27 = arith.constant 0 : i32
      %dma_start3A_28 = tpu.memref_slice %arg5[%dma_start3A_26, %dma_start3A_27] : memref<50176x32xf32, #tpu.memory_space<hbm>> -> memref<112x32xf32, #tpu.memory_space<hbm>>
      tpu.enqueue_dma source(%dma_start3A_28 : memref<112x32xf32, #tpu.memory_space<hbm>>) target(%arg12 : memref<112x32xf32, #tpu.memory_space<vmem>>) target_semaphore(%run_scoped3A : memref<!tpu.dma_semaphore, #tpu.memory_space<semaphore_mem>>)
      %dma_wait3A = arith.constant 0 : i32
      %dma_wait3A_29 = arith.constant 0 : i32
      %dma_wait3A_30 = tpu.memref_slice %arg5[%dma_wait3A, %dma_wait3A_29] : memref<50176x32xf32, #tpu.memory_space<hbm>> -> memref<112x32xf32, #tpu.memory_space<hbm>>
      %dma_wait3A_31 = arith.constant 0 : i32
      %dma_wait3A_32 = arith.constant 0 : i32
      %dma_wait3A_33 = tpu.memref_slice %arg5[%dma_wait3A_31, %dma_wait3A_32] : memref<50176x32xf32, #tpu.memory_space<hbm>> -> memref<112x32xf32, #tpu.memory_space<hbm>>
      tpu.wait_dma2 semaphore(%run_scoped3A : memref<!tpu.dma_semaphore, #tpu.memory_space<semaphore_mem>>) src(%dma_wait3A_33 : memref<112x32xf32, #tpu.memory_space<hbm>>) dst(%arg12 : memref<112x32xf32, #tpu.memory_space<vmem>>)
      tpu.yield
    }) : () -> ()
    %scan3A = arith.constant 0 : i32
    %scan3A_3 = arith.constant 0 : i32
    %scan3A_4 = arith.constant 28 : i32
    %scan3A_5 = arith.addi %scan3A_3, %scan3A_4 : i32
    %scan3A_6 = arith.constant 1 : i32
    %scan3A_7 = scf.for %scan3A_24 = %scan3A_3 to %scan3A_5 step %scan3A_6 iter_args(%scan3A_25 = %scan3A) -> (i32)  : i32 {
      %mul3A_26 = arith.constant 112 : i32
      %mul3A_27 = arith.muli %scan3A_24, %mul3A_26 : i32
      %add3A_28 = arith.addi %mul3A_2, %mul3A_27 : i32
      "tpu.region"() ({
        %run_scoped3A = tpu.sem_alloc : memref<!tpu.dma_semaphore, #tpu.memory_space<semaphore_mem>>
        %dma_start3A = arith.constant 0 : i32
        %dma_start3A_30 = tpu.memref_slice %arg7[%add3A_28, %dma_start3A] : memref<50176x32xf32, #tpu.memory_space<vmem_shared>> -> memref<112x32xf32, #tpu.memory_space<vmem_shared>>
        %dma_start3A_31 = arith.constant 0 : i32
        %dma_start3A_32 = tpu.memref_slice %arg7[%add3A_28, %dma_start3A_31] : memref<50176x32xf32, #tpu.memory_space<vmem_shared>> -> memref<112x32xf32, #tpu.memory_space<vmem_shared>>
        tpu.enqueue_dma source(%arg12 : memref<112x32xf32, #tpu.memory_space<vmem>>) target(%dma_start3A_32 : memref<112x32xf32, #tpu.memory_space<vmem_shared>>) target_semaphore(%run_scoped3A : memref<!tpu.dma_semaphore, #tpu.memory_space<semaphore_mem>>)
        %dma_wait3A = arith.constant 0 : i32
        %dma_wait3A_33 = tpu.memref_slice %arg7[%add3A_28, %dma_wait3A] : memref<50176x32xf32, #tpu.memory_space<vmem_shared>> -> memref<112x32xf32, #tpu.memory_space<vmem_shared>>
        %dma_wait3A_34 = arith.constant 0 : i32
        %dma_wait3A_35 = tpu.memref_slice %arg7[%add3A_28, %dma_wait3A_34] : memref<50176x32xf32, #tpu.memory_space<vmem_shared>> -> memref<112x32xf32, #tpu.memory_space<vmem_shared>>
        tpu.wait_dma2 semaphore(%run_scoped3A : memref<!tpu.dma_semaphore, #tpu.memory_space<semaphore_mem>>) src(%arg12 : memref<112x32xf32, #tpu.memory_space<vmem>>) dst(%dma_wait3A_35 : memref<112x32xf32, #tpu.memory_space<vmem_shared>>)
        tpu.yield
      }) : () -> ()
      %scan3A_29 = arith.constant 0 : i32
      scf.yield %scan3A_29 : i32
    }
    %scan3A_8 = arith.constant 28 : i32
    %barrier3A = arith.constant 0 : index
    tpu.barrier barrier_id(%barrier3A)
    %scan3A_9 = arith.constant 0 : i32
    %scan3A_10 = arith.constant 0 : i32
    %scan3A_11 = arith.constant 49 : i32
    %scan3A_12 = arith.addi %scan3A_10, %scan3A_11 : i32
    %scan3A_13 = arith.constant 1 : i32
    %scan3A_14 = scf.for %scan3A_24 = %scan3A_10 to %scan3A_12 step %scan3A_13 iter_args(%scan3A_25 = %scan3A_9) -> (i32)  : i32 {
      %mul3A_26 = arith.constant 1 : i32
      %mul3A_27 = arith.muli %scan3A_24, %mul3A_26 : i32
      "tpu.region"() ({
        %run_scoped3A = tpu.sem_alloc : memref<!tpu.dma_semaphore, #tpu.memory_space<semaphore_mem>>
        %dma_start3A_141 = arith.constant 0 : i32
        %dma_start3A_142 = tpu.memref_slice %arg2[%add3A, %mul3A_27, %dma_start3A_141] : memref<32x49x1024xi32, #tpu.memory_space<hbm>> -> memref<1x1x1024xi32, #tpu.memory_space<hbm>>
        %dma_start3A_143 = tpu.memref_squeeze %dma_start3A_142 : memref<1x1x1024xi32, #tpu.memory_space<hbm>> -> memref<1x1024xi32, #tpu.memory_space<hbm>>
        %dma_start3A_144 = arith.constant 0 : i32
        %dma_start3A_145 = tpu.memref_slice %arg2[%add3A, %mul3A_27, %dma_start3A_144] : memref<32x49x1024xi32, #tpu.memory_space<hbm>> -> memref<1x1x1024xi32, #tpu.memory_space<hbm>>
        %dma_start3A_146 = tpu.memref_squeeze %dma_start3A_145 : memref<1x1x1024xi32, #tpu.memory_space<hbm>> -> memref<1x1024xi32, #tpu.memory_space<hbm>>
        tpu.enqueue_dma source(%dma_start3A_146 : memref<1x1024xi32, #tpu.memory_space<hbm>>) target(%arg8 : memref<1x1024xi32, #tpu.memory_space<vmem>>) target_semaphore(%run_scoped3A : memref<!tpu.dma_semaphore, #tpu.memory_space<semaphore_mem>>)
        %dma_wait3A_147 = arith.constant 0 : i32
        %dma_wait3A_148 = tpu.memref_slice %arg2[%add3A, %mul3A_27, %dma_wait3A_147] : memref<32x49x1024xi32, #tpu.memory_space<hbm>> -> memref<1x1x1024xi32, #tpu.memory_space<hbm>>
        %dma_wait3A_149 = tpu.memref_squeeze %dma_wait3A_148 : memref<1x1x1024xi32, #tpu.memory_space<hbm>> -> memref<1x1024xi32, #tpu.memory_space<hbm>>
        %dma_wait3A_150 = arith.constant 0 : i32
        %dma_wait3A_151 = tpu.memref_slice %arg2[%add3A, %mul3A_27, %dma_wait3A_150] : memref<32x49x1024xi32, #tpu.memory_space<hbm>> -> memref<1x1x1024xi32, #tpu.memory_space<hbm>>
        %dma_wait3A_152 = tpu.memref_squeeze %dma_wait3A_151 : memref<1x1x1024xi32, #tpu.memory_space<hbm>> -> memref<1x1024xi32, #tpu.memory_space<hbm>>
        tpu.wait_dma2 semaphore(%run_scoped3A : memref<!tpu.dma_semaphore, #tpu.memory_space<semaphore_mem>>) src(%dma_wait3A_152 : memref<1x1024xi32, #tpu.memory_space<hbm>>) dst(%arg8 : memref<1x1024xi32, #tpu.memory_space<vmem>>)
        tpu.yield
      }) : () -> ()
      %mul3A_28 = arith.constant 1 : i32
      %mul3A_29 = arith.muli %scan3A_24, %mul3A_28 : i32
      "tpu.region"() ({
        %run_scoped3A = tpu.sem_alloc : memref<!tpu.dma_semaphore, #tpu.memory_space<semaphore_mem>>
        %dma_start3A_141 = arith.constant 0 : i32
        %dma_start3A_142 = tpu.memref_slice %arg3[%add3A, %mul3A_29, %dma_start3A_141] : memref<32x49x1024xi32, #tpu.memory_space<hbm>> -> memref<1x1x1024xi32, #tpu.memory_space<hbm>>
        %dma_start3A_143 = tpu.memref_squeeze %dma_start3A_142 : memref<1x1x1024xi32, #tpu.memory_space<hbm>> -> memref<1x1024xi32, #tpu.memory_space<hbm>>
        %dma_start3A_144 = arith.constant 0 : i32
        %dma_start3A_145 = tpu.memref_slice %arg3[%add3A, %mul3A_29, %dma_start3A_144] : memref<32x49x1024xi32, #tpu.memory_space<hbm>> -> memref<1x1x1024xi32, #tpu.memory_space<hbm>>
        %dma_start3A_146 = tpu.memref_squeeze %dma_start3A_145 : memref<1x1x1024xi32, #tpu.memory_space<hbm>> -> memref<1x1024xi32, #tpu.memory_space<hbm>>
        tpu.enqueue_dma source(%dma_start3A_146 : memref<1x1024xi32, #tpu.memory_space<hbm>>) target(%arg9 : memref<1x1024xi32, #tpu.memory_space<vmem>>) target_semaphore(%run_scoped3A : memref<!tpu.dma_semaphore, #tpu.memory_space<semaphore_mem>>)
        %dma_wait3A_147 = arith.constant 0 : i32
        %dma_wait3A_148 = tpu.memref_slice %arg3[%add3A, %mul3A_29, %dma_wait3A_147] : memref<32x49x1024xi32, #tpu.memory_space<hbm>> -> memref<1x1x1024xi32, #tpu.memory_space<hbm>>
        %dma_wait3A_149 = tpu.memref_squeeze %dma_wait3A_148 : memref<1x1x1024xi32, #tpu.memory_space<hbm>> -> memref<1x1024xi32, #tpu.memory_space<hbm>>
        %dma_wait3A_150 = arith.constant 0 : i32
        %dma_wait3A_151 = tpu.memref_slice %arg3[%add3A, %mul3A_29, %dma_wait3A_150] : memref<32x49x1024xi32, #tpu.memory_space<hbm>> -> memref<1x1x1024xi32, #tpu.memory_space<hbm>>
        %dma_wait3A_152 = tpu.memref_squeeze %dma_wait3A_151 : memref<1x1x1024xi32, #tpu.memory_space<hbm>> -> memref<1x1024xi32, #tpu.memory_space<hbm>>
        tpu.wait_dma2 semaphore(%run_scoped3A : memref<!tpu.dma_semaphore, #tpu.memory_space<semaphore_mem>>) src(%dma_wait3A_152 : memref<1x1024xi32, #tpu.memory_space<hbm>>) dst(%arg9 : memref<1x1024xi32, #tpu.memory_space<vmem>>)
        tpu.yield
      }) : () -> ()
      %dma_start3A = arith.constant 0 : i32
      %dma_start3A_30 = arith.constant 0 : i32
      %dma_start3A_31 = tpu.memref_slice %arg8[%dma_start3A, %dma_start3A_30] : memref<1x1024xi32, #tpu.memory_space<vmem>> -> memref<1x256xi32, #tpu.memory_space<vmem>>
      %dma_start3A_32 = tpu.memref_squeeze %dma_start3A_31 : memref<1x256xi32, #tpu.memory_space<vmem>> -> memref<256xi32, #tpu.memory_space<vmem>>
      %dma_start3A_33 = arith.constant 0 : i32
      %dma_start3A_34 = arith.constant 0 : i32
      %dma_start3A_35 = tpu.memref_slice %arg4[%dma_start3A_33, %dma_start3A_34] : memref<50176x32xf32, #tpu.memory_space<hbm>> -> memref<50176x32xf32, #tpu.memory_space<hbm>>
      tpu.enqueue_indirect_dma source(%dma_start3A_35 : memref<50176x32xf32, #tpu.memory_space<hbm>>) target(%arg10 : memref<256x32xf32, #tpu.memory_space<vmem>>) offsets(%dma_start3A_32 : memref<256xi32, #tpu.memory_space<vmem>>) semaphore(%arg13 : memref<!tpu.dma_semaphore, #tpu.memory_space<semaphore_mem>>)
      %dma_wait3A = arith.constant 0 : i32
      %dma_wait3A_36 = arith.constant 0 : i32
      %dma_wait3A_37 = tpu.memref_slice %arg8[%dma_wait3A, %dma_wait3A_36] : memref<1x1024xi32, #tpu.memory_space<vmem>> -> memref<1x256xi32, #tpu.memory_space<vmem>>
      %dma_wait3A_38 = tpu.memref_squeeze %dma_wait3A_37 : memref<1x256xi32, #tpu.memory_space<vmem>> -> memref<256xi32, #tpu.memory_space<vmem>>
      %dma_wait3A_39 = arith.constant 0 : i32
      %dma_wait3A_40 = arith.constant 0 : i32
      %dma_wait3A_41 = tpu.memref_slice %arg4[%dma_wait3A_39, %dma_wait3A_40] : memref<50176x32xf32, #tpu.memory_space<hbm>> -> memref<50176x32xf32, #tpu.memory_space<hbm>>
      tpu.wait_indirect_dma semaphore(%arg13 : memref<!tpu.dma_semaphore, #tpu.memory_space<semaphore_mem>>) src(%dma_wait3A_41 : memref<50176x32xf32, #tpu.memory_space<hbm>>) dst(%arg10 : memref<256x32xf32, #tpu.memory_space<vmem>>)
      %dma_start3A_42 = arith.constant 0 : i32
      %dma_start3A_43 = arith.constant 0 : i32
      %dma_start3A_44 = tpu.memref_slice %arg9[%dma_start3A_42, %dma_start3A_43] : memref<1x1024xi32, #tpu.memory_space<vmem>> -> memref<1x256xi32, #tpu.memory_space<vmem>>
      %dma_start3A_45 = tpu.memref_squeeze %dma_start3A_44 : memref<1x256xi32, #tpu.memory_space<vmem>> -> memref<256xi32, #tpu.memory_space<vmem>>
      %dma_start3A_46 = arith.constant 0 : i32
      %dma_start3A_47 = arith.constant 0 : i32
      %dma_start3A_48 = tpu.memref_slice %arg7[%dma_start3A_46, %dma_start3A_47] : memref<50176x32xf32, #tpu.memory_space<vmem_shared>> -> memref<50176x32xf32, #tpu.memory_space<vmem_shared>>
      tpu.enqueue_indirect_dma source(%arg10 : memref<256x32xf32, #tpu.memory_space<vmem>>) target(%dma_start3A_48 : memref<50176x32xf32, #tpu.memory_space<vmem_shared>>) offsets(%dma_start3A_45 : memref<256xi32, #tpu.memory_space<vmem>>) semaphore(%arg15 : memref<!tpu.dma_semaphore, #tpu.memory_space<semaphore_mem>>) {add = true}
      %dma_start3A_49 = arith.constant 0 : i32
      %dma_start3A_50 = arith.constant 256 : i32
      %dma_start3A_51 = tpu.memref_slice %arg8[%dma_start3A_49, %dma_start3A_50] : memref<1x1024xi32, #tpu.memory_space<vmem>> -> memref<1x256xi32, #tpu.memory_space<vmem>>
      %dma_start3A_52 = tpu.memref_squeeze %dma_start3A_51 : memref<1x256xi32, #tpu.memory_space<vmem>> -> memref<256xi32, #tpu.memory_space<vmem>>
      %dma_start3A_53 = arith.constant 0 : i32
      %dma_start3A_54 = arith.constant 0 : i32
      %dma_start3A_55 = tpu.memref_slice %arg4[%dma_start3A_53, %dma_start3A_54] : memref<50176x32xf32, #tpu.memory_space<hbm>> -> memref<50176x32xf32, #tpu.memory_space<hbm>>
      tpu.enqueue_indirect_dma source(%dma_start3A_55 : memref<50176x32xf32, #tpu.memory_space<hbm>>) target(%arg11 : memref<256x32xf32, #tpu.memory_space<vmem>>) offsets(%dma_start3A_52 : memref<256xi32, #tpu.memory_space<vmem>>) semaphore(%arg14 : memref<!tpu.dma_semaphore, #tpu.memory_space<semaphore_mem>>)
      %dma_wait3A_56 = arith.constant 0 : i32
      %dma_wait3A_57 = arith.constant 256 : i32
      %dma_wait3A_58 = tpu.memref_slice %arg8[%dma_wait3A_56, %dma_wait3A_57] : memref<1x1024xi32, #tpu.memory_space<vmem>> -> memref<1x256xi32, #tpu.memory_space<vmem>>
      %dma_wait3A_59 = tpu.memref_squeeze %dma_wait3A_58 : memref<1x256xi32, #tpu.memory_space<vmem>> -> memref<256xi32, #tpu.memory_space<vmem>>
      %dma_wait3A_60 = arith.constant 0 : i32
      %dma_wait3A_61 = arith.constant 0 : i32
      %dma_wait3A_62 = tpu.memref_slice %arg4[%dma_wait3A_60, %dma_wait3A_61] : memref<50176x32xf32, #tpu.memory_space<hbm>> -> memref<50176x32xf32, #tpu.memory_space<hbm>>
      tpu.wait_indirect_dma semaphore(%arg14 : memref<!tpu.dma_semaphore, #tpu.memory_space<semaphore_mem>>) src(%dma_wait3A_62 : memref<50176x32xf32, #tpu.memory_space<hbm>>) dst(%arg11 : memref<256x32xf32, #tpu.memory_space<vmem>>)
      %dma_wait3A_63 = arith.constant 0 : i32
      %dma_wait3A_64 = arith.constant 0 : i32
      %dma_wait3A_65 = tpu.memref_slice %arg9[%dma_wait3A_63, %dma_wait3A_64] : memref<1x1024xi32, #tpu.memory_space<vmem>> -> memref<1x256xi32, #tpu.memory_space<vmem>>
      %dma_wait3A_66 = tpu.memref_squeeze %dma_wait3A_65 : memref<1x256xi32, #tpu.memory_space<vmem>> -> memref<256xi32, #tpu.memory_space<vmem>>
      %dma_wait3A_67 = arith.constant 0 : i32
      %dma_wait3A_68 = arith.constant 0 : i32
      %dma_wait3A_69 = tpu.memref_slice %arg7[%dma_wait3A_67, %dma_wait3A_68] : memref<50176x32xf32, #tpu.memory_space<vmem_shared>> -> memref<50176x32xf32, #tpu.memory_space<vmem_shared>>
      tpu.wait_indirect_dma semaphore(%arg15 : memref<!tpu.dma_semaphore, #tpu.memory_space<semaphore_mem>>) src(%arg10 : memref<256x32xf32, #tpu.memory_space<vmem>>) dst(%dma_wait3A_69 : memref<50176x32xf32, #tpu.memory_space<vmem_shared>>)
      %dma_start3A_70 = arith.constant 0 : i32
      %dma_start3A_71 = arith.constant 256 : i32
      %dma_start3A_72 = tpu.memref_slice %arg9[%dma_start3A_70, %dma_start3A_71] : memref<1x1024xi32, #tpu.memory_space<vmem>> -> memref<1x256xi32, #tpu.memory_space<vmem>>
      %dma_start3A_73 = tpu.memref_squeeze %dma_start3A_72 : memref<1x256xi32, #tpu.memory_space<vmem>> -> memref<256xi32, #tpu.memory_space<vmem>>
      %dma_start3A_74 = arith.constant 0 : i32
      %dma_start3A_75 = arith.constant 0 : i32
      %dma_start3A_76 = tpu.memref_slice %arg7[%dma_start3A_74, %dma_start3A_75] : memref<50176x32xf32, #tpu.memory_space<vmem_shared>> -> memref<50176x32xf32, #tpu.memory_space<vmem_shared>>
      tpu.enqueue_indirect_dma source(%arg11 : memref<256x32xf32, #tpu.memory_space<vmem>>) target(%dma_start3A_76 : memref<50176x32xf32, #tpu.memory_space<vmem_shared>>) offsets(%dma_start3A_73 : memref<256xi32, #tpu.memory_space<vmem>>) semaphore(%arg16 : memref<!tpu.dma_semaphore, #tpu.memory_space<semaphore_mem>>) {add = true}
      %dma_start3A_77 = arith.constant 0 : i32
      %dma_start3A_78 = arith.constant 512 : i32
      %dma_start3A_79 = tpu.memref_slice %arg8[%dma_start3A_77, %dma_start3A_78] : memref<1x1024xi32, #tpu.memory_space<vmem>> -> memref<1x256xi32, #tpu.memory_space<vmem>>
      %dma_start3A_80 = tpu.memref_squeeze %dma_start3A_79 : memref<1x256xi32, #tpu.memory_space<vmem>> -> memref<256xi32, #tpu.memory_space<vmem>>
      %dma_start3A_81 = arith.constant 0 : i32
      %dma_start3A_82 = arith.constant 0 : i32
      %dma_start3A_83 = tpu.memref_slice %arg4[%dma_start3A_81, %dma_start3A_82] : memref<50176x32xf32, #tpu.memory_space<hbm>> -> memref<50176x32xf32, #tpu.memory_space<hbm>>
      tpu.enqueue_indirect_dma source(%dma_start3A_83 : memref<50176x32xf32, #tpu.memory_space<hbm>>) target(%arg10 : memref<256x32xf32, #tpu.memory_space<vmem>>) offsets(%dma_start3A_80 : memref<256xi32, #tpu.memory_space<vmem>>) semaphore(%arg13 : memref<!tpu.dma_semaphore, #tpu.memory_space<semaphore_mem>>)
      %dma_wait3A_84 = arith.constant 0 : i32
      %dma_wait3A_85 = arith.constant 512 : i32
      %dma_wait3A_86 = tpu.memref_slice %arg8[%dma_wait3A_84, %dma_wait3A_85] : memref<1x1024xi32, #tpu.memory_space<vmem>> -> memref<1x256xi32, #tpu.memory_space<vmem>>
      %dma_wait3A_87 = tpu.memref_squeeze %dma_wait3A_86 : memref<1x256xi32, #tpu.memory_space<vmem>> -> memref<256xi32, #tpu.memory_space<vmem>>
      %dma_wait3A_88 = arith.constant 0 : i32
      %dma_wait3A_89 = arith.constant 0 : i32
      %dma_wait3A_90 = tpu.memref_slice %arg4[%dma_wait3A_88, %dma_wait3A_89] : memref<50176x32xf32, #tpu.memory_space<hbm>> -> memref<50176x32xf32, #tpu.memory_space<hbm>>
      tpu.wait_indirect_dma semaphore(%arg13 : memref<!tpu.dma_semaphore, #tpu.memory_space<semaphore_mem>>) src(%dma_wait3A_90 : memref<50176x32xf32, #tpu.memory_space<hbm>>) dst(%arg10 : memref<256x32xf32, #tpu.memory_space<vmem>>)
      %dma_wait3A_91 = arith.constant 0 : i32
      %dma_wait3A_92 = arith.constant 256 : i32
      %dma_wait3A_93 = tpu.memref_slice %arg9[%dma_wait3A_91, %dma_wait3A_92] : memref<1x1024xi32, #tpu.memory_space<vmem>> -> memref<1x256xi32, #tpu.memory_space<vmem>>
      %dma_wait3A_94 = tpu.memref_squeeze %dma_wait3A_93 : memref<1x256xi32, #tpu.memory_space<vmem>> -> memref<256xi32, #tpu.memory_space<vmem>>
      %dma_wait3A_95 = arith.constant 0 : i32
      %dma_wait3A_96 = arith.constant 0 : i32
      %dma_wait3A_97 = tpu.memref_slice %arg7[%dma_wait3A_95, %dma_wait3A_96] : memref<50176x32xf32, #tpu.memory_space<vmem_shared>> -> memref<50176x32xf32, #tpu.memory_space<vmem_shared>>
      tpu.wait_indirect_dma semaphore(%arg16 : memref<!tpu.dma_semaphore, #tpu.memory_space<semaphore_mem>>) src(%arg11 : memref<256x32xf32, #tpu.memory_space<vmem>>) dst(%dma_wait3A_97 : memref<50176x32xf32, #tpu.memory_space<vmem_shared>>)
      %dma_start3A_98 = arith.constant 0 : i32
      %dma_start3A_99 = arith.constant 512 : i32
      %dma_start3A_100 = tpu.memref_slice %arg9[%dma_start3A_98, %dma_start3A_99] : memref<1x1024xi32, #tpu.memory_space<vmem>> -> memref<1x256xi32, #tpu.memory_space<vmem>>
      %dma_start3A_101 = tpu.memref_squeeze %dma_start3A_100 : memref<1x256xi32, #tpu.memory_space<vmem>> -> memref<256xi32, #tpu.memory_space<vmem>>
      %dma_start3A_102 = arith.constant 0 : i32
      %dma_start3A_103 = arith.constant 0 : i32
      %dma_start3A_104 = tpu.memref_slice %arg7[%dma_start3A_102, %dma_start3A_103] : memref<50176x32xf32, #tpu.memory_space<vmem_shared>> -> memref<50176x32xf32, #tpu.memory_space<vmem_shared>>
      tpu.enqueue_indirect_dma source(%arg10 : memref<256x32xf32, #tpu.memory_space<vmem>>) target(%dma_start3A_104 : memref<50176x32xf32, #tpu.memory_space<vmem_shared>>) offsets(%dma_start3A_101 : memref<256xi32, #tpu.memory_space<vmem>>) semaphore(%arg15 : memref<!tpu.dma_semaphore, #tpu.memory_space<semaphore_mem>>) {add = true}
      %dma_start3A_105 = arith.constant 0 : i32
      %dma_start3A_106 = arith.constant 768 : i32
      %dma_start3A_107 = tpu.memref_slice %arg8[%dma_start3A_105, %dma_start3A_106] : memref<1x1024xi32, #tpu.memory_space<vmem>> -> memref<1x256xi32, #tpu.memory_space<vmem>>
      %dma_start3A_108 = tpu.memref_squeeze %dma_start3A_107 : memref<1x256xi32, #tpu.memory_space<vmem>> -> memref<256xi32, #tpu.memory_space<vmem>>
      %dma_start3A_109 = arith.constant 0 : i32
      %dma_start3A_110 = arith.constant 0 : i32
      %dma_start3A_111 = tpu.memref_slice %arg4[%dma_start3A_109, %dma_start3A_110] : memref<50176x32xf32, #tpu.memory_space<hbm>> -> memref<50176x32xf32, #tpu.memory_space<hbm>>
      tpu.enqueue_indirect_dma source(%dma_start3A_111 : memref<50176x32xf32, #tpu.memory_space<hbm>>) target(%arg11 : memref<256x32xf32, #tpu.memory_space<vmem>>) offsets(%dma_start3A_108 : memref<256xi32, #tpu.memory_space<vmem>>) semaphore(%arg14 : memref<!tpu.dma_semaphore, #tpu.memory_space<semaphore_mem>>)
      %dma_wait3A_112 = arith.constant 0 : i32
      %dma_wait3A_113 = arith.constant 768 : i32
      %dma_wait3A_114 = tpu.memref_slice %arg8[%dma_wait3A_112, %dma_wait3A_113] : memref<1x1024xi32, #tpu.memory_space<vmem>> -> memref<1x256xi32, #tpu.memory_space<vmem>>
      %dma_wait3A_115 = tpu.memref_squeeze %dma_wait3A_114 : memref<1x256xi32, #tpu.memory_space<vmem>> -> memref<256xi32, #tpu.memory_space<vmem>>
      %dma_wait3A_116 = arith.constant 0 : i32
      %dma_wait3A_117 = arith.constant 0 : i32
      %dma_wait3A_118 = tpu.memref_slice %arg4[%dma_wait3A_116, %dma_wait3A_117] : memref<50176x32xf32, #tpu.memory_space<hbm>> -> memref<50176x32xf32, #tpu.memory_space<hbm>>
      tpu.wait_indirect_dma semaphore(%arg14 : memref<!tpu.dma_semaphore, #tpu.memory_space<semaphore_mem>>) src(%dma_wait3A_118 : memref<50176x32xf32, #tpu.memory_space<hbm>>) dst(%arg11 : memref<256x32xf32, #tpu.memory_space<vmem>>)
      %dma_wait3A_119 = arith.constant 0 : i32
      %dma_wait3A_120 = arith.constant 512 : i32
      %dma_wait3A_121 = tpu.memref_slice %arg9[%dma_wait3A_119, %dma_wait3A_120] : memref<1x1024xi32, #tpu.memory_space<vmem>> -> memref<1x256xi32, #tpu.memory_space<vmem>>
      %dma_wait3A_122 = tpu.memref_squeeze %dma_wait3A_121 : memref<1x256xi32, #tpu.memory_space<vmem>> -> memref<256xi32, #tpu.memory_space<vmem>>
      %dma_wait3A_123 = arith.constant 0 : i32
      %dma_wait3A_124 = arith.constant 0 : i32
      %dma_wait3A_125 = tpu.memref_slice %arg7[%dma_wait3A_123, %dma_wait3A_124] : memref<50176x32xf32, #tpu.memory_space<vmem_shared>> -> memref<50176x32xf32, #tpu.memory_space<vmem_shared>>
      tpu.wait_indirect_dma semaphore(%arg15 : memref<!tpu.dma_semaphore, #tpu.memory_space<semaphore_mem>>) src(%arg10 : memref<256x32xf32, #tpu.memory_space<vmem>>) dst(%dma_wait3A_125 : memref<50176x32xf32, #tpu.memory_space<vmem_shared>>)
      %dma_start3A_126 = arith.constant 0 : i32
      %dma_start3A_127 = arith.constant 768 : i32
      %dma_start3A_128 = tpu.memref_slice %arg9[%dma_start3A_126, %dma_start3A_127] : memref<1x1024xi32, #tpu.memory_space<vmem>> -> memref<1x256xi32, #tpu.memory_space<vmem>>
      %dma_start3A_129 = tpu.memref_squeeze %dma_start3A_128 : memref<1x256xi32, #tpu.memory_space<vmem>> -> memref<256xi32, #tpu.memory_space<vmem>>
      %dma_start3A_130 = arith.constant 0 : i32
      %dma_start3A_131 = arith.constant 0 : i32
      %dma_start3A_132 = tpu.memref_slice %arg7[%dma_start3A_130, %dma_start3A_131] : memref<50176x32xf32, #tpu.memory_space<vmem_shared>> -> memref<50176x32xf32, #tpu.memory_space<vmem_shared>>
      tpu.enqueue_indirect_dma source(%arg11 : memref<256x32xf32, #tpu.memory_space<vmem>>) target(%dma_start3A_132 : memref<50176x32xf32, #tpu.memory_space<vmem_shared>>) offsets(%dma_start3A_129 : memref<256xi32, #tpu.memory_space<vmem>>) semaphore(%arg16 : memref<!tpu.dma_semaphore, #tpu.memory_space<semaphore_mem>>) {add = true}
      %dma_wait3A_133 = arith.constant 0 : i32
      %dma_wait3A_134 = arith.constant 768 : i32
      %dma_wait3A_135 = tpu.memref_slice %arg9[%dma_wait3A_133, %dma_wait3A_134] : memref<1x1024xi32, #tpu.memory_space<vmem>> -> memref<1x256xi32, #tpu.memory_space<vmem>>
      %dma_wait3A_136 = tpu.memref_squeeze %dma_wait3A_135 : memref<1x256xi32, #tpu.memory_space<vmem>> -> memref<256xi32, #tpu.memory_space<vmem>>
      %dma_wait3A_137 = arith.constant 0 : i32
      %dma_wait3A_138 = arith.constant 0 : i32
      %dma_wait3A_139 = tpu.memref_slice %arg7[%dma_wait3A_137, %dma_wait3A_138] : memref<50176x32xf32, #tpu.memory_space<vmem_shared>> -> memref<50176x32xf32, #tpu.memory_space<vmem_shared>>
      tpu.wait_indirect_dma semaphore(%arg16 : memref<!tpu.dma_semaphore, #tpu.memory_space<semaphore_mem>>) src(%arg11 : memref<256x32xf32, #tpu.memory_space<vmem>>) dst(%dma_wait3A_139 : memref<50176x32xf32, #tpu.memory_space<vmem_shared>>)
      %scan3A_140 = arith.constant 0 : i32
      scf.yield %scan3A_140 : i32
    }
    %scan3A_15 = arith.constant 49 : i32
    %barrier3A_16 = arith.constant 0 : index
    tpu.barrier barrier_id(%barrier3A_16)
    %scan3A_17 = arith.constant 0 : i32
    %scan3A_18 = arith.constant 0 : i32
    %scan3A_19 = arith.constant 28 : i32
    %scan3A_20 = arith.addi %scan3A_18, %scan3A_19 : i32
    %scan3A_21 = arith.constant 1 : i32
    %scan3A_22 = scf.for %scan3A_24 = %scan3A_18 to %scan3A_20 step %scan3A_21 iter_args(%scan3A_25 = %scan3A_17) -> (i32)  : i32 {
      %mul3A_26 = arith.constant 112 : i32
      %mul3A_27 = arith.muli %scan3A_24, %mul3A_26 : i32
      %add3A_28 = arith.addi %mul3A_2, %mul3A_27 : i32
      "tpu.region"() ({
        %run_scoped3A = tpu.sem_alloc : memref<!tpu.dma_semaphore, #tpu.memory_space<semaphore_mem>>
        %dma_start3A = arith.constant 0 : i32
        %dma_start3A_30 = tpu.memref_slice %arg7[%add3A_28, %dma_start3A] : memref<50176x32xf32, #tpu.memory_space<vmem_shared>> -> memref<112x32xf32, #tpu.memory_space<vmem_shared>>
        %dma_start3A_31 = arith.constant 0 : i32
        %dma_start3A_32 = tpu.memref_slice %arg7[%add3A_28, %dma_start3A_31] : memref<50176x32xf32, #tpu.memory_space<vmem_shared>> -> memref<112x32xf32, #tpu.memory_space<vmem_shared>>
        tpu.enqueue_dma source(%dma_start3A_32 : memref<112x32xf32, #tpu.memory_space<vmem_shared>>) target(%arg12 : memref<112x32xf32, #tpu.memory_space<vmem>>) target_semaphore(%run_scoped3A : memref<!tpu.dma_semaphore, #tpu.memory_space<semaphore_mem>>)
        %dma_wait3A = arith.constant 0 : i32
        %dma_wait3A_33 = tpu.memref_slice %arg7[%add3A_28, %dma_wait3A] : memref<50176x32xf32, #tpu.memory_space<vmem_shared>> -> memref<112x32xf32, #tpu.memory_space<vmem_shared>>
        %dma_wait3A_34 = arith.constant 0 : i32
        %dma_wait3A_35 = tpu.memref_slice %arg7[%add3A_28, %dma_wait3A_34] : memref<50176x32xf32, #tpu.memory_space<vmem_shared>> -> memref<112x32xf32, #tpu.memory_space<vmem_shared>>
        tpu.wait_dma2 semaphore(%run_scoped3A : memref<!tpu.dma_semaphore, #tpu.memory_space<semaphore_mem>>) src(%dma_wait3A_35 : memref<112x32xf32, #tpu.memory_space<vmem_shared>>) dst(%arg12 : memref<112x32xf32, #tpu.memory_space<vmem>>)
        tpu.yield
      }) : () -> ()
      "tpu.region"() ({
        %run_scoped3A = tpu.sem_alloc : memref<!tpu.dma_semaphore, #tpu.memory_space<semaphore_mem>>
        %dma_start3A = arith.constant 0 : i32
        %dma_start3A_30 = tpu.memref_slice %arg6[%arg0, %add3A_28, %dma_start3A] : memref<2x50176x32xf32, #tpu.memory_space<hbm>> -> memref<1x112x32xf32, #tpu.memory_space<hbm>>
        %dma_start3A_31 = tpu.memref_squeeze %dma_start3A_30 : memref<1x112x32xf32, #tpu.memory_space<hbm>> -> memref<112x32xf32, #tpu.memory_space<hbm>>
        %dma_start3A_32 = arith.constant 0 : i32
        %dma_start3A_33 = tpu.memref_slice %arg6[%arg0, %add3A_28, %dma_start3A_32] : memref<2x50176x32xf32, #tpu.memory_space<hbm>> -> memref<1x112x32xf32, #tpu.memory_space<hbm>>
        %dma_start3A_34 = tpu.memref_squeeze %dma_start3A_33 : memref<1x112x32xf32, #tpu.memory_space<hbm>> -> memref<112x32xf32, #tpu.memory_space<hbm>>
        tpu.enqueue_dma source(%arg12 : memref<112x32xf32, #tpu.memory_space<vmem>>) target(%dma_start3A_34 : memref<112x32xf32, #tpu.memory_space<hbm>>) target_semaphore(%run_scoped3A : memref<!tpu.dma_semaphore, #tpu.memory_space<semaphore_mem>>)
        %dma_wait3A = arith.constant 0 : i32
        %dma_wait3A_35 = tpu.memref_slice %arg6[%arg0, %add3A_28, %dma_wait3A] : memref<2x50176x32xf32, #tpu.memory_space<hbm>> -> memref<1x112x32xf32, #tpu.memory_space<hbm>>
        %dma_wait3A_36 = tpu.memref_squeeze %dma_wait3A_35 : memref<1x112x32xf32, #tpu.memory_space<hbm>> -> memref<112x32xf32, #tpu.memory_space<hbm>>
        %dma_wait3A_37 = arith.constant 0 : i32
        %dma_wait3A_38 = tpu.memref_slice %arg6[%arg0, %add3A_28, %dma_wait3A_37] : memref<2x50176x32xf32, #tpu.memory_space<hbm>> -> memref<1x112x32xf32, #tpu.memory_space<hbm>>
        %dma_wait3A_39 = tpu.memref_squeeze %dma_wait3A_38 : memref<1x112x32xf32, #tpu.memory_space<hbm>> -> memref<112x32xf32, #tpu.memory_space<hbm>>
        tpu.wait_dma2 semaphore(%run_scoped3A : memref<!tpu.dma_semaphore, #tpu.memory_space<semaphore_mem>>) src(%arg12 : memref<112x32xf32, #tpu.memory_space<vmem>>) dst(%dma_wait3A_39 : memref<112x32xf32, #tpu.memory_space<hbm>>)
        tpu.yield
      }) : () -> ()
      %scan3A_29 = arith.constant 0 : i32
      scf.yield %scan3A_29 : i32
    }
    %scan3A_23 = arith.constant 28 : i32
    return
  }
}

#map = affine_map<(d0, d1) -> (0, 0, 0)>
#map1 = affine_map<(d0, d1) -> (0, 0)>
module attributes {stable_mosaic.version = 14 : i64} {
  func.func @_agg_body(%arg0: i32, %arg1: i32, %arg2: memref<32x49x1024xi32, #tpu.memory_space<hbm>>, %arg3: memref<32x49x1024xi32, #tpu.memory_space<hbm>>, %arg4: memref<50176x32xf32, #tpu.memory_space<hbm>>, %arg5: memref<50176x32xf32, #tpu.memory_space<hbm>>, %arg6: memref<2x50176x32xf32, #tpu.memory_space<hbm>>, %arg7: memref<50176x32xf32, #tpu.memory_space<vmem_shared>>, %arg8: memref<1x1024xi32, #tpu.memory_space<vmem>>, %arg9: memref<1x1024xi32, #tpu.memory_space<vmem>>, %arg10: memref<256x32xf32, #tpu.memory_space<vmem>>, %arg11: memref<256x32xf32, #tpu.memory_space<vmem>>, %arg12: memref<112x32xf32, #tpu.memory_space<vmem>>, %arg13: memref<!tpu.dma_semaphore, #tpu.memory_space<semaphore_mem>>, %arg14: memref<!tpu.dma_semaphore, #tpu.memory_space<semaphore_mem>>, %arg15: memref<!tpu.dma_semaphore, #tpu.memory_space<semaphore_mem>>, %arg16: memref<!tpu.dma_semaphore, #tpu.memory_space<semaphore_mem>>) attributes {dimension_semantics = [#tpu.dimension_semantics<core_parallel>, #tpu.dimension_semantics<subcore_parallel>], iteration_bounds = array<i64: 2, 16>, scalar_prefetch = 0 : i64, scratch_operands = 10 : i64, tpu.core_type = #tpu.core_type<sc_vector_subcore>, window_params = [{transform_indices = #map}, {transform_indices = #map}, {transform_indices = #map1}, {transform_indices = #map1}, {transform_indices = #map}]} {
    %mul3A = arith.constant 16 : i32
    %mul3A_0 = arith.muli %arg0, %mul3A : i32
    %add3A = arith.addi %mul3A_0, %arg1 : i32
    %mul3A_1 = arith.constant 3136 : i32
    %mul3A_2 = arith.muli %arg1, %mul3A_1 : i32
    "tpu.region"() ({
      %run_scoped3A = tpu.sem_alloc : memref<!tpu.dma_semaphore, #tpu.memory_space<semaphore_mem>>
      %dma_start3A = arith.constant 0 : i32
      %dma_start3A_24 = arith.constant 0 : i32
      %dma_start3A_25 = tpu.memref_slice %arg5[%dma_start3A, %dma_start3A_24] : memref<50176x32xf32, #tpu.memory_space<hbm>> -> memref<112x32xf32, #tpu.memory_space<hbm>>
      %dma_start3A_26 = arith.constant 0 : i32
      %dma_start3A_27 = arith.constant 0 : i32
      %dma_start3A_28 = tpu.memref_slice %arg5[%dma_start3A_26, %dma_start3A_27] : memref<50176x32xf32, #tpu.memory_space<hbm>> -> memref<112x32xf32, #tpu.memory_space<hbm>>
      tpu.enqueue_dma source(%dma_start3A_28 : memref<112x32xf32, #tpu.memory_space<hbm>>) target(%arg12 : memref<112x32xf32, #tpu.memory_space<vmem>>) target_semaphore(%run_scoped3A : memref<!tpu.dma_semaphore, #tpu.memory_space<semaphore_mem>>)
      %dma_wait3A = arith.constant 0 : i32
      %dma_wait3A_29 = arith.constant 0 : i32
      %dma_wait3A_30 = tpu.memref_slice %arg5[%dma_wait3A, %dma_wait3A_29] : memref<50176x32xf32, #tpu.memory_space<hbm>> -> memref<112x32xf32, #tpu.memory_space<hbm>>
      %dma_wait3A_31 = arith.constant 0 : i32
      %dma_wait3A_32 = arith.constant 0 : i32
      %dma_wait3A_33 = tpu.memref_slice %arg5[%dma_wait3A_31, %dma_wait3A_32] : memref<50176x32xf32, #tpu.memory_space<hbm>> -> memref<112x32xf32, #tpu.memory_space<hbm>>
      tpu.wait_dma2 semaphore(%run_scoped3A : memref<!tpu.dma_semaphore, #tpu.memory_space<semaphore_mem>>) src(%dma_wait3A_33 : memref<112x32xf32, #tpu.memory_space<hbm>>) dst(%arg12 : memref<112x32xf32, #tpu.memory_space<vmem>>)
      tpu.yield
    }) : () -> ()
    %scan3A = arith.constant 0 : i32
    %scan3A_3 = arith.constant 0 : i32
    %scan3A_4 = arith.constant 28 : i32
    %scan3A_5 = arith.addi %scan3A_3, %scan3A_4 : i32
    %scan3A_6 = arith.constant 1 : i32
    %scan3A_7 = scf.for %scan3A_24 = %scan3A_3 to %scan3A_5 step %scan3A_6 iter_args(%scan3A_25 = %scan3A) -> (i32)  : i32 {
      %mul3A_26 = arith.constant 112 : i32
      %mul3A_27 = arith.muli %scan3A_24, %mul3A_26 : i32
      %add3A_28 = arith.addi %mul3A_2, %mul3A_27 : i32
      "tpu.region"() ({
        %run_scoped3A = tpu.sem_alloc : memref<!tpu.dma_semaphore, #tpu.memory_space<semaphore_mem>>
        %dma_start3A = arith.constant 0 : i32
        %dma_start3A_30 = tpu.memref_slice %arg7[%add3A_28, %dma_start3A] : memref<50176x32xf32, #tpu.memory_space<vmem_shared>> -> memref<112x32xf32, #tpu.memory_space<vmem_shared>>
        %dma_start3A_31 = arith.constant 0 : i32
        %dma_start3A_32 = tpu.memref_slice %arg7[%add3A_28, %dma_start3A_31] : memref<50176x32xf32, #tpu.memory_space<vmem_shared>> -> memref<112x32xf32, #tpu.memory_space<vmem_shared>>
        tpu.enqueue_dma source(%arg12 : memref<112x32xf32, #tpu.memory_space<vmem>>) target(%dma_start3A_32 : memref<112x32xf32, #tpu.memory_space<vmem_shared>>) target_semaphore(%run_scoped3A : memref<!tpu.dma_semaphore, #tpu.memory_space<semaphore_mem>>)
        %dma_wait3A = arith.constant 0 : i32
        %dma_wait3A_33 = tpu.memref_slice %arg7[%add3A_28, %dma_wait3A] : memref<50176x32xf32, #tpu.memory_space<vmem_shared>> -> memref<112x32xf32, #tpu.memory_space<vmem_shared>>
        %dma_wait3A_34 = arith.constant 0 : i32
        %dma_wait3A_35 = tpu.memref_slice %arg7[%add3A_28, %dma_wait3A_34] : memref<50176x32xf32, #tpu.memory_space<vmem_shared>> -> memref<112x32xf32, #tpu.memory_space<vmem_shared>>
        tpu.wait_dma2 semaphore(%run_scoped3A : memref<!tpu.dma_semaphore, #tpu.memory_space<semaphore_mem>>) src(%arg12 : memref<112x32xf32, #tpu.memory_space<vmem>>) dst(%dma_wait3A_35 : memref<112x32xf32, #tpu.memory_space<vmem_shared>>)
        tpu.yield
      }) : () -> ()
      %scan3A_29 = arith.constant 0 : i32
      scf.yield %scan3A_29 : i32
    }
    %scan3A_8 = arith.constant 28 : i32
    %barrier3A = arith.constant 0 : index
    tpu.barrier barrier_id(%barrier3A)
    %scan3A_9 = arith.constant 0 : i32
    %scan3A_10 = arith.constant 0 : i32
    %scan3A_11 = arith.constant 49 : i32
    %scan3A_12 = arith.addi %scan3A_10, %scan3A_11 : i32
    %scan3A_13 = arith.constant 1 : i32
    %scan3A_14 = scf.for %scan3A_24 = %scan3A_10 to %scan3A_12 step %scan3A_13 iter_args(%scan3A_25 = %scan3A_9) -> (i32)  : i32 {
      %mul3A_26 = arith.constant 1 : i32
      %mul3A_27 = arith.muli %scan3A_24, %mul3A_26 : i32
      "tpu.region"() ({
        %run_scoped3A = tpu.sem_alloc : memref<!tpu.dma_semaphore, #tpu.memory_space<semaphore_mem>>
        %dma_start3A_141 = arith.constant 0 : i32
        %dma_start3A_142 = tpu.memref_slice %arg2[%add3A, %mul3A_27, %dma_start3A_141] : memref<32x49x1024xi32, #tpu.memory_space<hbm>> -> memref<1x1x1024xi32, #tpu.memory_space<hbm>>
        %dma_start3A_143 = tpu.memref_squeeze %dma_start3A_142 : memref<1x1x1024xi32, #tpu.memory_space<hbm>> -> memref<1x1024xi32, #tpu.memory_space<hbm>>
        %dma_start3A_144 = arith.constant 0 : i32
        %dma_start3A_145 = tpu.memref_slice %arg2[%add3A, %mul3A_27, %dma_start3A_144] : memref<32x49x1024xi32, #tpu.memory_space<hbm>> -> memref<1x1x1024xi32, #tpu.memory_space<hbm>>
        %dma_start3A_146 = tpu.memref_squeeze %dma_start3A_145 : memref<1x1x1024xi32, #tpu.memory_space<hbm>> -> memref<1x1024xi32, #tpu.memory_space<hbm>>
        tpu.enqueue_dma source(%dma_start3A_146 : memref<1x1024xi32, #tpu.memory_space<hbm>>) target(%arg8 : memref<1x1024xi32, #tpu.memory_space<vmem>>) target_semaphore(%run_scoped3A : memref<!tpu.dma_semaphore, #tpu.memory_space<semaphore_mem>>)
        %dma_wait3A_147 = arith.constant 0 : i32
        %dma_wait3A_148 = tpu.memref_slice %arg2[%add3A, %mul3A_27, %dma_wait3A_147] : memref<32x49x1024xi32, #tpu.memory_space<hbm>> -> memref<1x1x1024xi32, #tpu.memory_space<hbm>>
        %dma_wait3A_149 = tpu.memref_squeeze %dma_wait3A_148 : memref<1x1x1024xi32, #tpu.memory_space<hbm>> -> memref<1x1024xi32, #tpu.memory_space<hbm>>
        %dma_wait3A_150 = arith.constant 0 : i32
        %dma_wait3A_151 = tpu.memref_slice %arg2[%add3A, %mul3A_27, %dma_wait3A_150] : memref<32x49x1024xi32, #tpu.memory_space<hbm>> -> memref<1x1x1024xi32, #tpu.memory_space<hbm>>
        %dma_wait3A_152 = tpu.memref_squeeze %dma_wait3A_151 : memref<1x1x1024xi32, #tpu.memory_space<hbm>> -> memref<1x1024xi32, #tpu.memory_space<hbm>>
        tpu.wait_dma2 semaphore(%run_scoped3A : memref<!tpu.dma_semaphore, #tpu.memory_space<semaphore_mem>>) src(%dma_wait3A_152 : memref<1x1024xi32, #tpu.memory_space<hbm>>) dst(%arg8 : memref<1x1024xi32, #tpu.memory_space<vmem>>)
        tpu.yield
      }) : () -> ()
      %mul3A_28 = arith.constant 1 : i32
      %mul3A_29 = arith.muli %scan3A_24, %mul3A_28 : i32
      "tpu.region"() ({
        %run_scoped3A = tpu.sem_alloc : memref<!tpu.dma_semaphore, #tpu.memory_space<semaphore_mem>>
        %dma_start3A_141 = arith.constant 0 : i32
        %dma_start3A_142 = tpu.memref_slice %arg3[%add3A, %mul3A_29, %dma_start3A_141] : memref<32x49x1024xi32, #tpu.memory_space<hbm>> -> memref<1x1x1024xi32, #tpu.memory_space<hbm>>
        %dma_start3A_143 = tpu.memref_squeeze %dma_start3A_142 : memref<1x1x1024xi32, #tpu.memory_space<hbm>> -> memref<1x1024xi32, #tpu.memory_space<hbm>>
        %dma_start3A_144 = arith.constant 0 : i32
        %dma_start3A_145 = tpu.memref_slice %arg3[%add3A, %mul3A_29, %dma_start3A_144] : memref<32x49x1024xi32, #tpu.memory_space<hbm>> -> memref<1x1x1024xi32, #tpu.memory_space<hbm>>
        %dma_start3A_146 = tpu.memref_squeeze %dma_start3A_145 : memref<1x1x1024xi32, #tpu.memory_space<hbm>> -> memref<1x1024xi32, #tpu.memory_space<hbm>>
        tpu.enqueue_dma source(%dma_start3A_146 : memref<1x1024xi32, #tpu.memory_space<hbm>>) target(%arg9 : memref<1x1024xi32, #tpu.memory_space<vmem>>) target_semaphore(%run_scoped3A : memref<!tpu.dma_semaphore, #tpu.memory_space<semaphore_mem>>)
        %dma_wait3A_147 = arith.constant 0 : i32
        %dma_wait3A_148 = tpu.memref_slice %arg3[%add3A, %mul3A_29, %dma_wait3A_147] : memref<32x49x1024xi32, #tpu.memory_space<hbm>> -> memref<1x1x1024xi32, #tpu.memory_space<hbm>>
        %dma_wait3A_149 = tpu.memref_squeeze %dma_wait3A_148 : memref<1x1x1024xi32, #tpu.memory_space<hbm>> -> memref<1x1024xi32, #tpu.memory_space<hbm>>
        %dma_wait3A_150 = arith.constant 0 : i32
        %dma_wait3A_151 = tpu.memref_slice %arg3[%add3A, %mul3A_29, %dma_wait3A_150] : memref<32x49x1024xi32, #tpu.memory_space<hbm>> -> memref<1x1x1024xi32, #tpu.memory_space<hbm>>
        %dma_wait3A_152 = tpu.memref_squeeze %dma_wait3A_151 : memref<1x1x1024xi32, #tpu.memory_space<hbm>> -> memref<1x1024xi32, #tpu.memory_space<hbm>>
        tpu.wait_dma2 semaphore(%run_scoped3A : memref<!tpu.dma_semaphore, #tpu.memory_space<semaphore_mem>>) src(%dma_wait3A_152 : memref<1x1024xi32, #tpu.memory_space<hbm>>) dst(%arg9 : memref<1x1024xi32, #tpu.memory_space<vmem>>)
        tpu.yield
      }) : () -> ()
      %dma_start3A = arith.constant 0 : i32
      %dma_start3A_30 = arith.constant 0 : i32
      %dma_start3A_31 = tpu.memref_slice %arg8[%dma_start3A, %dma_start3A_30] : memref<1x1024xi32, #tpu.memory_space<vmem>> -> memref<1x256xi32, #tpu.memory_space<vmem>>
      %dma_start3A_32 = tpu.memref_squeeze %dma_start3A_31 : memref<1x256xi32, #tpu.memory_space<vmem>> -> memref<256xi32, #tpu.memory_space<vmem>>
      %dma_start3A_33 = arith.constant 0 : i32
      %dma_start3A_34 = arith.constant 0 : i32
      %dma_start3A_35 = tpu.memref_slice %arg4[%dma_start3A_33, %dma_start3A_34] : memref<50176x32xf32, #tpu.memory_space<hbm>> -> memref<50176x32xf32, #tpu.memory_space<hbm>>
      tpu.enqueue_indirect_dma source(%dma_start3A_35 : memref<50176x32xf32, #tpu.memory_space<hbm>>) target(%arg10 : memref<256x32xf32, #tpu.memory_space<vmem>>) offsets(%dma_start3A_32 : memref<256xi32, #tpu.memory_space<vmem>>) semaphore(%arg13 : memref<!tpu.dma_semaphore, #tpu.memory_space<semaphore_mem>>)
      %dma_wait3A = arith.constant 0 : i32
      %dma_wait3A_36 = arith.constant 0 : i32
      %dma_wait3A_37 = tpu.memref_slice %arg8[%dma_wait3A, %dma_wait3A_36] : memref<1x1024xi32, #tpu.memory_space<vmem>> -> memref<1x256xi32, #tpu.memory_space<vmem>>
      %dma_wait3A_38 = tpu.memref_squeeze %dma_wait3A_37 : memref<1x256xi32, #tpu.memory_space<vmem>> -> memref<256xi32, #tpu.memory_space<vmem>>
      %dma_wait3A_39 = arith.constant 0 : i32
      %dma_wait3A_40 = arith.constant 0 : i32
      %dma_wait3A_41 = tpu.memref_slice %arg4[%dma_wait3A_39, %dma_wait3A_40] : memref<50176x32xf32, #tpu.memory_space<hbm>> -> memref<50176x32xf32, #tpu.memory_space<hbm>>
      tpu.wait_indirect_dma semaphore(%arg13 : memref<!tpu.dma_semaphore, #tpu.memory_space<semaphore_mem>>) src(%dma_wait3A_41 : memref<50176x32xf32, #tpu.memory_space<hbm>>) dst(%arg10 : memref<256x32xf32, #tpu.memory_space<vmem>>)
      %dma_start3A_42 = arith.constant 0 : i32
      %dma_start3A_43 = arith.constant 0 : i32
      %dma_start3A_44 = tpu.memref_slice %arg9[%dma_start3A_42, %dma_start3A_43] : memref<1x1024xi32, #tpu.memory_space<vmem>> -> memref<1x256xi32, #tpu.memory_space<vmem>>
      %dma_start3A_45 = tpu.memref_squeeze %dma_start3A_44 : memref<1x256xi32, #tpu.memory_space<vmem>> -> memref<256xi32, #tpu.memory_space<vmem>>
      %dma_start3A_46 = arith.constant 0 : i32
      %dma_start3A_47 = arith.constant 0 : i32
      %dma_start3A_48 = tpu.memref_slice %arg7[%dma_start3A_46, %dma_start3A_47] : memref<50176x32xf32, #tpu.memory_space<vmem_shared>> -> memref<50176x32xf32, #tpu.memory_space<vmem_shared>>
      tpu.enqueue_indirect_dma source(%arg10 : memref<256x32xf32, #tpu.memory_space<vmem>>) target(%dma_start3A_48 : memref<50176x32xf32, #tpu.memory_space<vmem_shared>>) offsets(%dma_start3A_45 : memref<256xi32, #tpu.memory_space<vmem>>) semaphore(%arg15 : memref<!tpu.dma_semaphore, #tpu.memory_space<semaphore_mem>>) {add = true}
      %dma_start3A_49 = arith.constant 0 : i32
      %dma_start3A_50 = arith.constant 256 : i32
      %dma_start3A_51 = tpu.memref_slice %arg8[%dma_start3A_49, %dma_start3A_50] : memref<1x1024xi32, #tpu.memory_space<vmem>> -> memref<1x256xi32, #tpu.memory_space<vmem>>
      %dma_start3A_52 = tpu.memref_squeeze %dma_start3A_51 : memref<1x256xi32, #tpu.memory_space<vmem>> -> memref<256xi32, #tpu.memory_space<vmem>>
      %dma_start3A_53 = arith.constant 0 : i32
      %dma_start3A_54 = arith.constant 0 : i32
      %dma_start3A_55 = tpu.memref_slice %arg4[%dma_start3A_53, %dma_start3A_54] : memref<50176x32xf32, #tpu.memory_space<hbm>> -> memref<50176x32xf32, #tpu.memory_space<hbm>>
      tpu.enqueue_indirect_dma source(%dma_start3A_55 : memref<50176x32xf32, #tpu.memory_space<hbm>>) target(%arg11 : memref<256x32xf32, #tpu.memory_space<vmem>>) offsets(%dma_start3A_52 : memref<256xi32, #tpu.memory_space<vmem>>) semaphore(%arg14 : memref<!tpu.dma_semaphore, #tpu.memory_space<semaphore_mem>>)
      %dma_wait3A_56 = arith.constant 0 : i32
      %dma_wait3A_57 = arith.constant 256 : i32
      %dma_wait3A_58 = tpu.memref_slice %arg8[%dma_wait3A_56, %dma_wait3A_57] : memref<1x1024xi32, #tpu.memory_space<vmem>> -> memref<1x256xi32, #tpu.memory_space<vmem>>
      %dma_wait3A_59 = tpu.memref_squeeze %dma_wait3A_58 : memref<1x256xi32, #tpu.memory_space<vmem>> -> memref<256xi32, #tpu.memory_space<vmem>>
      %dma_wait3A_60 = arith.constant 0 : i32
      %dma_wait3A_61 = arith.constant 0 : i32
      %dma_wait3A_62 = tpu.memref_slice %arg4[%dma_wait3A_60, %dma_wait3A_61] : memref<50176x32xf32, #tpu.memory_space<hbm>> -> memref<50176x32xf32, #tpu.memory_space<hbm>>
      tpu.wait_indirect_dma semaphore(%arg14 : memref<!tpu.dma_semaphore, #tpu.memory_space<semaphore_mem>>) src(%dma_wait3A_62 : memref<50176x32xf32, #tpu.memory_space<hbm>>) dst(%arg11 : memref<256x32xf32, #tpu.memory_space<vmem>>)
      %dma_wait3A_63 = arith.constant 0 : i32
      %dma_wait3A_64 = arith.constant 0 : i32
      %dma_wait3A_65 = tpu.memref_slice %arg9[%dma_wait3A_63, %dma_wait3A_64] : memref<1x1024xi32, #tpu.memory_space<vmem>> -> memref<1x256xi32, #tpu.memory_space<vmem>>
      %dma_wait3A_66 = tpu.memref_squeeze %dma_wait3A_65 : memref<1x256xi32, #tpu.memory_space<vmem>> -> memref<256xi32, #tpu.memory_space<vmem>>
      %dma_wait3A_67 = arith.constant 0 : i32
      %dma_wait3A_68 = arith.constant 0 : i32
      %dma_wait3A_69 = tpu.memref_slice %arg7[%dma_wait3A_67, %dma_wait3A_68] : memref<50176x32xf32, #tpu.memory_space<vmem_shared>> -> memref<50176x32xf32, #tpu.memory_space<vmem_shared>>
      tpu.wait_indirect_dma semaphore(%arg15 : memref<!tpu.dma_semaphore, #tpu.memory_space<semaphore_mem>>) src(%arg10 : memref<256x32xf32, #tpu.memory_space<vmem>>) dst(%dma_wait3A_69 : memref<50176x32xf32, #tpu.memory_space<vmem_shared>>)
      %dma_start3A_70 = arith.constant 0 : i32
      %dma_start3A_71 = arith.constant 256 : i32
      %dma_start3A_72 = tpu.memref_slice %arg9[%dma_start3A_70, %dma_start3A_71] : memref<1x1024xi32, #tpu.memory_space<vmem>> -> memref<1x256xi32, #tpu.memory_space<vmem>>
      %dma_start3A_73 = tpu.memref_squeeze %dma_start3A_72 : memref<1x256xi32, #tpu.memory_space<vmem>> -> memref<256xi32, #tpu.memory_space<vmem>>
      %dma_start3A_74 = arith.constant 0 : i32
      %dma_start3A_75 = arith.constant 0 : i32
      %dma_start3A_76 = tpu.memref_slice %arg7[%dma_start3A_74, %dma_start3A_75] : memref<50176x32xf32, #tpu.memory_space<vmem_shared>> -> memref<50176x32xf32, #tpu.memory_space<vmem_shared>>
      tpu.enqueue_indirect_dma source(%arg11 : memref<256x32xf32, #tpu.memory_space<vmem>>) target(%dma_start3A_76 : memref<50176x32xf32, #tpu.memory_space<vmem_shared>>) offsets(%dma_start3A_73 : memref<256xi32, #tpu.memory_space<vmem>>) semaphore(%arg16 : memref<!tpu.dma_semaphore, #tpu.memory_space<semaphore_mem>>) {add = true}
      %dma_start3A_77 = arith.constant 0 : i32
      %dma_start3A_78 = arith.constant 512 : i32
      %dma_start3A_79 = tpu.memref_slice %arg8[%dma_start3A_77, %dma_start3A_78] : memref<1x1024xi32, #tpu.memory_space<vmem>> -> memref<1x256xi32, #tpu.memory_space<vmem>>
      %dma_start3A_80 = tpu.memref_squeeze %dma_start3A_79 : memref<1x256xi32, #tpu.memory_space<vmem>> -> memref<256xi32, #tpu.memory_space<vmem>>
      %dma_start3A_81 = arith.constant 0 : i32
      %dma_start3A_82 = arith.constant 0 : i32
      %dma_start3A_83 = tpu.memref_slice %arg4[%dma_start3A_81, %dma_start3A_82] : memref<50176x32xf32, #tpu.memory_space<hbm>> -> memref<50176x32xf32, #tpu.memory_space<hbm>>
      tpu.enqueue_indirect_dma source(%dma_start3A_83 : memref<50176x32xf32, #tpu.memory_space<hbm>>) target(%arg10 : memref<256x32xf32, #tpu.memory_space<vmem>>) offsets(%dma_start3A_80 : memref<256xi32, #tpu.memory_space<vmem>>) semaphore(%arg13 : memref<!tpu.dma_semaphore, #tpu.memory_space<semaphore_mem>>)
      %dma_wait3A_84 = arith.constant 0 : i32
      %dma_wait3A_85 = arith.constant 512 : i32
      %dma_wait3A_86 = tpu.memref_slice %arg8[%dma_wait3A_84, %dma_wait3A_85] : memref<1x1024xi32, #tpu.memory_space<vmem>> -> memref<1x256xi32, #tpu.memory_space<vmem>>
      %dma_wait3A_87 = tpu.memref_squeeze %dma_wait3A_86 : memref<1x256xi32, #tpu.memory_space<vmem>> -> memref<256xi32, #tpu.memory_space<vmem>>
      %dma_wait3A_88 = arith.constant 0 : i32
      %dma_wait3A_89 = arith.constant 0 : i32
      %dma_wait3A_90 = tpu.memref_slice %arg4[%dma_wait3A_88, %dma_wait3A_89] : memref<50176x32xf32, #tpu.memory_space<hbm>> -> memref<50176x32xf32, #tpu.memory_space<hbm>>
      tpu.wait_indirect_dma semaphore(%arg13 : memref<!tpu.dma_semaphore, #tpu.memory_space<semaphore_mem>>) src(%dma_wait3A_90 : memref<50176x32xf32, #tpu.memory_space<hbm>>) dst(%arg10 : memref<256x32xf32, #tpu.memory_space<vmem>>)
      %dma_wait3A_91 = arith.constant 0 : i32
      %dma_wait3A_92 = arith.constant 256 : i32
      %dma_wait3A_93 = tpu.memref_slice %arg9[%dma_wait3A_91, %dma_wait3A_92] : memref<1x1024xi32, #tpu.memory_space<vmem>> -> memref<1x256xi32, #tpu.memory_space<vmem>>
      %dma_wait3A_94 = tpu.memref_squeeze %dma_wait3A_93 : memref<1x256xi32, #tpu.memory_space<vmem>> -> memref<256xi32, #tpu.memory_space<vmem>>
      %dma_wait3A_95 = arith.constant 0 : i32
      %dma_wait3A_96 = arith.constant 0 : i32
      %dma_wait3A_97 = tpu.memref_slice %arg7[%dma_wait3A_95, %dma_wait3A_96] : memref<50176x32xf32, #tpu.memory_space<vmem_shared>> -> memref<50176x32xf32, #tpu.memory_space<vmem_shared>>
      tpu.wait_indirect_dma semaphore(%arg16 : memref<!tpu.dma_semaphore, #tpu.memory_space<semaphore_mem>>) src(%arg11 : memref<256x32xf32, #tpu.memory_space<vmem>>) dst(%dma_wait3A_97 : memref<50176x32xf32, #tpu.memory_space<vmem_shared>>)
      %dma_start3A_98 = arith.constant 0 : i32
      %dma_start3A_99 = arith.constant 512 : i32
      %dma_start3A_100 = tpu.memref_slice %arg9[%dma_start3A_98, %dma_start3A_99] : memref<1x1024xi32, #tpu.memory_space<vmem>> -> memref<1x256xi32, #tpu.memory_space<vmem>>
      %dma_start3A_101 = tpu.memref_squeeze %dma_start3A_100 : memref<1x256xi32, #tpu.memory_space<vmem>> -> memref<256xi32, #tpu.memory_space<vmem>>
      %dma_start3A_102 = arith.constant 0 : i32
      %dma_start3A_103 = arith.constant 0 : i32
      %dma_start3A_104 = tpu.memref_slice %arg7[%dma_start3A_102, %dma_start3A_103] : memref<50176x32xf32, #tpu.memory_space<vmem_shared>> -> memref<50176x32xf32, #tpu.memory_space<vmem_shared>>
      tpu.enqueue_indirect_dma source(%arg10 : memref<256x32xf32, #tpu.memory_space<vmem>>) target(%dma_start3A_104 : memref<50176x32xf32, #tpu.memory_space<vmem_shared>>) offsets(%dma_start3A_101 : memref<256xi32, #tpu.memory_space<vmem>>) semaphore(%arg15 : memref<!tpu.dma_semaphore, #tpu.memory_space<semaphore_mem>>) {add = true}
      %dma_start3A_105 = arith.constant 0 : i32
      %dma_start3A_106 = arith.constant 768 : i32
      %dma_start3A_107 = tpu.memref_slice %arg8[%dma_start3A_105, %dma_start3A_106] : memref<1x1024xi32, #tpu.memory_space<vmem>> -> memref<1x256xi32, #tpu.memory_space<vmem>>
      %dma_start3A_108 = tpu.memref_squeeze %dma_start3A_107 : memref<1x256xi32, #tpu.memory_space<vmem>> -> memref<256xi32, #tpu.memory_space<vmem>>
      %dma_start3A_109 = arith.constant 0 : i32
      %dma_start3A_110 = arith.constant 0 : i32
      %dma_start3A_111 = tpu.memref_slice %arg4[%dma_start3A_109, %dma_start3A_110] : memref<50176x32xf32, #tpu.memory_space<hbm>> -> memref<50176x32xf32, #tpu.memory_space<hbm>>
      tpu.enqueue_indirect_dma source(%dma_start3A_111 : memref<50176x32xf32, #tpu.memory_space<hbm>>) target(%arg11 : memref<256x32xf32, #tpu.memory_space<vmem>>) offsets(%dma_start3A_108 : memref<256xi32, #tpu.memory_space<vmem>>) semaphore(%arg14 : memref<!tpu.dma_semaphore, #tpu.memory_space<semaphore_mem>>)
      %dma_wait3A_112 = arith.constant 0 : i32
      %dma_wait3A_113 = arith.constant 768 : i32
      %dma_wait3A_114 = tpu.memref_slice %arg8[%dma_wait3A_112, %dma_wait3A_113] : memref<1x1024xi32, #tpu.memory_space<vmem>> -> memref<1x256xi32, #tpu.memory_space<vmem>>
      %dma_wait3A_115 = tpu.memref_squeeze %dma_wait3A_114 : memref<1x256xi32, #tpu.memory_space<vmem>> -> memref<256xi32, #tpu.memory_space<vmem>>
      %dma_wait3A_116 = arith.constant 0 : i32
      %dma_wait3A_117 = arith.constant 0 : i32
      %dma_wait3A_118 = tpu.memref_slice %arg4[%dma_wait3A_116, %dma_wait3A_117] : memref<50176x32xf32, #tpu.memory_space<hbm>> -> memref<50176x32xf32, #tpu.memory_space<hbm>>
      tpu.wait_indirect_dma semaphore(%arg14 : memref<!tpu.dma_semaphore, #tpu.memory_space<semaphore_mem>>) src(%dma_wait3A_118 : memref<50176x32xf32, #tpu.memory_space<hbm>>) dst(%arg11 : memref<256x32xf32, #tpu.memory_space<vmem>>)
      %dma_wait3A_119 = arith.constant 0 : i32
      %dma_wait3A_120 = arith.constant 512 : i32
      %dma_wait3A_121 = tpu.memref_slice %arg9[%dma_wait3A_119, %dma_wait3A_120] : memref<1x1024xi32, #tpu.memory_space<vmem>> -> memref<1x256xi32, #tpu.memory_space<vmem>>
      %dma_wait3A_122 = tpu.memref_squeeze %dma_wait3A_121 : memref<1x256xi32, #tpu.memory_space<vmem>> -> memref<256xi32, #tpu.memory_space<vmem>>
      %dma_wait3A_123 = arith.constant 0 : i32
      %dma_wait3A_124 = arith.constant 0 : i32
      %dma_wait3A_125 = tpu.memref_slice %arg7[%dma_wait3A_123, %dma_wait3A_124] : memref<50176x32xf32, #tpu.memory_space<vmem_shared>> -> memref<50176x32xf32, #tpu.memory_space<vmem_shared>>
      tpu.wait_indirect_dma semaphore(%arg15 : memref<!tpu.dma_semaphore, #tpu.memory_space<semaphore_mem>>) src(%arg10 : memref<256x32xf32, #tpu.memory_space<vmem>>) dst(%dma_wait3A_125 : memref<50176x32xf32, #tpu.memory_space<vmem_shared>>)
      %dma_start3A_126 = arith.constant 0 : i32
      %dma_start3A_127 = arith.constant 768 : i32
      %dma_start3A_128 = tpu.memref_slice %arg9[%dma_start3A_126, %dma_start3A_127] : memref<1x1024xi32, #tpu.memory_space<vmem>> -> memref<1x256xi32, #tpu.memory_space<vmem>>
      %dma_start3A_129 = tpu.memref_squeeze %dma_start3A_128 : memref<1x256xi32, #tpu.memory_space<vmem>> -> memref<256xi32, #tpu.memory_space<vmem>>
      %dma_start3A_130 = arith.constant 0 : i32
      %dma_start3A_131 = arith.constant 0 : i32
      %dma_start3A_132 = tpu.memref_slice %arg7[%dma_start3A_130, %dma_start3A_131] : memref<50176x32xf32, #tpu.memory_space<vmem_shared>> -> memref<50176x32xf32, #tpu.memory_space<vmem_shared>>
      tpu.enqueue_indirect_dma source(%arg11 : memref<256x32xf32, #tpu.memory_space<vmem>>) target(%dma_start3A_132 : memref<50176x32xf32, #tpu.memory_space<vmem_shared>>) offsets(%dma_start3A_129 : memref<256xi32, #tpu.memory_space<vmem>>) semaphore(%arg16 : memref<!tpu.dma_semaphore, #tpu.memory_space<semaphore_mem>>) {add = true}
      %dma_wait3A_133 = arith.constant 0 : i32
      %dma_wait3A_134 = arith.constant 768 : i32
      %dma_wait3A_135 = tpu.memref_slice %arg9[%dma_wait3A_133, %dma_wait3A_134] : memref<1x1024xi32, #tpu.memory_space<vmem>> -> memref<1x256xi32, #tpu.memory_space<vmem>>
      %dma_wait3A_136 = tpu.memref_squeeze %dma_wait3A_135 : memref<1x256xi32, #tpu.memory_space<vmem>> -> memref<256xi32, #tpu.memory_space<vmem>>
      %dma_wait3A_137 = arith.constant 0 : i32
      %dma_wait3A_138 = arith.constant 0 : i32
      %dma_wait3A_139 = tpu.memref_slice %arg7[%dma_wait3A_137, %dma_wait3A_138] : memref<50176x32xf32, #tpu.memory_space<vmem_shared>> -> memref<50176x32xf32, #tpu.memory_space<vmem_shared>>
      tpu.wait_indirect_dma semaphore(%arg16 : memref<!tpu.dma_semaphore, #tpu.memory_space<semaphore_mem>>) src(%arg11 : memref<256x32xf32, #tpu.memory_space<vmem>>) dst(%dma_wait3A_139 : memref<50176x32xf32, #tpu.memory_space<vmem_shared>>)
      %scan3A_140 = arith.constant 0 : i32
      scf.yield %scan3A_140 : i32
    }
    %scan3A_15 = arith.constant 49 : i32
    %barrier3A_16 = arith.constant 0 : index
    tpu.barrier barrier_id(%barrier3A_16)
    %scan3A_17 = arith.constant 0 : i32
    %scan3A_18 = arith.constant 0 : i32
    %scan3A_19 = arith.constant 28 : i32
    %scan3A_20 = arith.addi %scan3A_18, %scan3A_19 : i32
    %scan3A_21 = arith.constant 1 : i32
    %scan3A_22 = scf.for %scan3A_24 = %scan3A_18 to %scan3A_20 step %scan3A_21 iter_args(%scan3A_25 = %scan3A_17) -> (i32)  : i32 {
      %mul3A_26 = arith.constant 112 : i32
      %mul3A_27 = arith.muli %scan3A_24, %mul3A_26 : i32
      %add3A_28 = arith.addi %mul3A_2, %mul3A_27 : i32
      "tpu.region"() ({
        %run_scoped3A = tpu.sem_alloc : memref<!tpu.dma_semaphore, #tpu.memory_space<semaphore_mem>>
        %dma_start3A = arith.constant 0 : i32
        %dma_start3A_30 = tpu.memref_slice %arg7[%add3A_28, %dma_start3A] : memref<50176x32xf32, #tpu.memory_space<vmem_shared>> -> memref<112x32xf32, #tpu.memory_space<vmem_shared>>
        %dma_start3A_31 = arith.constant 0 : i32
        %dma_start3A_32 = tpu.memref_slice %arg7[%add3A_28, %dma_start3A_31] : memref<50176x32xf32, #tpu.memory_space<vmem_shared>> -> memref<112x32xf32, #tpu.memory_space<vmem_shared>>
        tpu.enqueue_dma source(%dma_start3A_32 : memref<112x32xf32, #tpu.memory_space<vmem_shared>>) target(%arg12 : memref<112x32xf32, #tpu.memory_space<vmem>>) target_semaphore(%run_scoped3A : memref<!tpu.dma_semaphore, #tpu.memory_space<semaphore_mem>>)
        %dma_wait3A = arith.constant 0 : i32
        %dma_wait3A_33 = tpu.memref_slice %arg7[%add3A_28, %dma_wait3A] : memref<50176x32xf32, #tpu.memory_space<vmem_shared>> -> memref<112x32xf32, #tpu.memory_space<vmem_shared>>
        %dma_wait3A_34 = arith.constant 0 : i32
        %dma_wait3A_35 = tpu.memref_slice %arg7[%add3A_28, %dma_wait3A_34] : memref<50176x32xf32, #tpu.memory_space<vmem_shared>> -> memref<112x32xf32, #tpu.memory_space<vmem_shared>>
        tpu.wait_dma2 semaphore(%run_scoped3A : memref<!tpu.dma_semaphore, #tpu.memory_space<semaphore_mem>>) src(%dma_wait3A_35 : memref<112x32xf32, #tpu.memory_space<vmem_shared>>) dst(%arg12 : memref<112x32xf32, #tpu.memory_space<vmem>>)
        tpu.yield
      }) : () -> ()
      "tpu.region"() ({
        %run_scoped3A = tpu.sem_alloc : memref<!tpu.dma_semaphore, #tpu.memory_space<semaphore_mem>>
        %dma_start3A = arith.constant 0 : i32
        %dma_start3A_30 = tpu.memref_slice %arg6[%arg0, %add3A_28, %dma_start3A] : memref<2x50176x32xf32, #tpu.memory_space<hbm>> -> memref<1x112x32xf32, #tpu.memory_space<hbm>>
        %dma_start3A_31 = tpu.memref_squeeze %dma_start3A_30 : memref<1x112x32xf32, #tpu.memory_space<hbm>> -> memref<112x32xf32, #tpu.memory_space<hbm>>
        %dma_start3A_32 = arith.constant 0 : i32
        %dma_start3A_33 = tpu.memref_slice %arg6[%arg0, %add3A_28, %dma_start3A_32] : memref<2x50176x32xf32, #tpu.memory_space<hbm>> -> memref<1x112x32xf32, #tpu.memory_space<hbm>>
        %dma_start3A_34 = tpu.memref_squeeze %dma_start3A_33 : memref<1x112x32xf32, #tpu.memory_space<hbm>> -> memref<112x32xf32, #tpu.memory_space<hbm>>
        tpu.enqueue_dma source(%arg12 : memref<112x32xf32, #tpu.memory_space<vmem>>) target(%dma_start3A_34 : memref<112x32xf32, #tpu.memory_space<hbm>>) target_semaphore(%run_scoped3A : memref<!tpu.dma_semaphore, #tpu.memory_space<semaphore_mem>>)
        %dma_wait3A = arith.constant 0 : i32
        %dma_wait3A_35 = tpu.memref_slice %arg6[%arg0, %add3A_28, %dma_wait3A] : memref<2x50176x32xf32, #tpu.memory_space<hbm>> -> memref<1x112x32xf32, #tpu.memory_space<hbm>>
        %dma_wait3A_36 = tpu.memref_squeeze %dma_wait3A_35 : memref<1x112x32xf32, #tpu.memory_space<hbm>> -> memref<112x32xf32, #tpu.memory_space<hbm>>
        %dma_wait3A_37 = arith.constant 0 : i32
        %dma_wait3A_38 = tpu.memref_slice %arg6[%arg0, %add3A_28, %dma_wait3A_37] : memref<2x50176x32xf32, #tpu.memory_space<hbm>> -> memref<1x112x32xf32, #tpu.memory_space<hbm>>
        %dma_wait3A_39 = tpu.memref_squeeze %dma_wait3A_38 : memref<1x112x32xf32, #tpu.memory_space<hbm>> -> memref<112x32xf32, #tpu.memory_space<hbm>>
        tpu.wait_dma2 semaphore(%run_scoped3A : memref<!tpu.dma_semaphore, #tpu.memory_space<semaphore_mem>>) src(%arg12 : memref<112x32xf32, #tpu.memory_space<vmem>>) dst(%dma_wait3A_39 : memref<112x32xf32, #tpu.memory_space<hbm>>)
        tpu.yield
      }) : () -> ()
      %scan3A_29 = arith.constant 0 : i32
      scf.yield %scan3A_29 : i32
    }
    %scan3A_23 = arith.constant 28 : i32
    return
  }
}

#map = affine_map<(d0, d1) -> (0, 0, 0)>
#map1 = affine_map<(d0, d1) -> (0, 0)>
module attributes {stable_mosaic.version = 14 : i64} {
  func.func @_agg_body(%arg0: i32, %arg1: i32, %arg2: memref<32x49x1024xi32, #tpu.memory_space<hbm>>, %arg3: memref<32x49x1024xi32, #tpu.memory_space<hbm>>, %arg4: memref<50176x4xf32, #tpu.memory_space<hbm>>, %arg5: memref<50176x4xf32, #tpu.memory_space<hbm>>, %arg6: memref<2x50176x4xf32, #tpu.memory_space<hbm>>, %arg7: memref<50176x4xf32, #tpu.memory_space<vmem_shared>>, %arg8: memref<7x1024xi32, #tpu.memory_space<vmem>>, %arg9: memref<7x1024xi32, #tpu.memory_space<vmem>>, %arg10: memref<1024x4xf32, #tpu.memory_space<vmem>>, %arg11: memref<1024x4xf32, #tpu.memory_space<vmem>>, %arg12: memref<112x4xf32, #tpu.memory_space<vmem>>, %arg13: memref<!tpu.dma_semaphore, #tpu.memory_space<semaphore_mem>>, %arg14: memref<!tpu.dma_semaphore, #tpu.memory_space<semaphore_mem>>, %arg15: memref<!tpu.dma_semaphore, #tpu.memory_space<semaphore_mem>>, %arg16: memref<!tpu.dma_semaphore, #tpu.memory_space<semaphore_mem>>) attributes {dimension_semantics = [#tpu.dimension_semantics<core_parallel>, #tpu.dimension_semantics<subcore_parallel>], iteration_bounds = array<i64: 2, 16>, scalar_prefetch = 0 : i64, scratch_operands = 10 : i64, tpu.core_type = #tpu.core_type<sc_vector_subcore>, window_params = [{transform_indices = #map}, {transform_indices = #map}, {transform_indices = #map1}, {transform_indices = #map1}, {transform_indices = #map}]} {
    %mul3A = arith.constant 16 : i32
    %mul3A_0 = arith.muli %arg0, %mul3A : i32
    %add3A = arith.addi %mul3A_0, %arg1 : i32
    %mul3A_1 = arith.constant 3136 : i32
    %mul3A_2 = arith.muli %arg1, %mul3A_1 : i32
    "tpu.region"() ({
      %run_scoped3A = tpu.sem_alloc : memref<!tpu.dma_semaphore, #tpu.memory_space<semaphore_mem>>
      %dma_start3A = arith.constant 0 : i32
      %dma_start3A_24 = arith.constant 0 : i32
      %dma_start3A_25 = tpu.memref_slice %arg5[%dma_start3A, %dma_start3A_24] : memref<50176x4xf32, #tpu.memory_space<hbm>> -> memref<112x4xf32, #tpu.memory_space<hbm>>
      %dma_start3A_26 = arith.constant 0 : i32
      %dma_start3A_27 = arith.constant 0 : i32
      %dma_start3A_28 = tpu.memref_slice %arg5[%dma_start3A_26, %dma_start3A_27] : memref<50176x4xf32, #tpu.memory_space<hbm>> -> memref<112x4xf32, #tpu.memory_space<hbm>>
      tpu.enqueue_dma source(%dma_start3A_28 : memref<112x4xf32, #tpu.memory_space<hbm>>) target(%arg12 : memref<112x4xf32, #tpu.memory_space<vmem>>) target_semaphore(%run_scoped3A : memref<!tpu.dma_semaphore, #tpu.memory_space<semaphore_mem>>)
      %dma_wait3A = arith.constant 0 : i32
      %dma_wait3A_29 = arith.constant 0 : i32
      %dma_wait3A_30 = tpu.memref_slice %arg5[%dma_wait3A, %dma_wait3A_29] : memref<50176x4xf32, #tpu.memory_space<hbm>> -> memref<112x4xf32, #tpu.memory_space<hbm>>
      %dma_wait3A_31 = arith.constant 0 : i32
      %dma_wait3A_32 = arith.constant 0 : i32
      %dma_wait3A_33 = tpu.memref_slice %arg5[%dma_wait3A_31, %dma_wait3A_32] : memref<50176x4xf32, #tpu.memory_space<hbm>> -> memref<112x4xf32, #tpu.memory_space<hbm>>
      tpu.wait_dma2 semaphore(%run_scoped3A : memref<!tpu.dma_semaphore, #tpu.memory_space<semaphore_mem>>) src(%dma_wait3A_33 : memref<112x4xf32, #tpu.memory_space<hbm>>) dst(%arg12 : memref<112x4xf32, #tpu.memory_space<vmem>>)
      tpu.yield
    }) : () -> ()
    %scan3A = arith.constant 0 : i32
    %scan3A_3 = arith.constant 0 : i32
    %scan3A_4 = arith.constant 28 : i32
    %scan3A_5 = arith.addi %scan3A_3, %scan3A_4 : i32
    %scan3A_6 = arith.constant 1 : i32
    %scan3A_7 = scf.for %scan3A_24 = %scan3A_3 to %scan3A_5 step %scan3A_6 iter_args(%scan3A_25 = %scan3A) -> (i32)  : i32 {
      %mul3A_26 = arith.constant 112 : i32
      %mul3A_27 = arith.muli %scan3A_24, %mul3A_26 : i32
      %add3A_28 = arith.addi %mul3A_2, %mul3A_27 : i32
      "tpu.region"() ({
        %run_scoped3A = tpu.sem_alloc : memref<!tpu.dma_semaphore, #tpu.memory_space<semaphore_mem>>
        %dma_start3A = arith.constant 0 : i32
        %dma_start3A_30 = tpu.memref_slice %arg7[%add3A_28, %dma_start3A] : memref<50176x4xf32, #tpu.memory_space<vmem_shared>> -> memref<112x4xf32, #tpu.memory_space<vmem_shared>>
        %dma_start3A_31 = arith.constant 0 : i32
        %dma_start3A_32 = tpu.memref_slice %arg7[%add3A_28, %dma_start3A_31] : memref<50176x4xf32, #tpu.memory_space<vmem_shared>> -> memref<112x4xf32, #tpu.memory_space<vmem_shared>>
        tpu.enqueue_dma source(%arg12 : memref<112x4xf32, #tpu.memory_space<vmem>>) target(%dma_start3A_32 : memref<112x4xf32, #tpu.memory_space<vmem_shared>>) target_semaphore(%run_scoped3A : memref<!tpu.dma_semaphore, #tpu.memory_space<semaphore_mem>>)
        %dma_wait3A = arith.constant 0 : i32
        %dma_wait3A_33 = tpu.memref_slice %arg7[%add3A_28, %dma_wait3A] : memref<50176x4xf32, #tpu.memory_space<vmem_shared>> -> memref<112x4xf32, #tpu.memory_space<vmem_shared>>
        %dma_wait3A_34 = arith.constant 0 : i32
        %dma_wait3A_35 = tpu.memref_slice %arg7[%add3A_28, %dma_wait3A_34] : memref<50176x4xf32, #tpu.memory_space<vmem_shared>> -> memref<112x4xf32, #tpu.memory_space<vmem_shared>>
        tpu.wait_dma2 semaphore(%run_scoped3A : memref<!tpu.dma_semaphore, #tpu.memory_space<semaphore_mem>>) src(%arg12 : memref<112x4xf32, #tpu.memory_space<vmem>>) dst(%dma_wait3A_35 : memref<112x4xf32, #tpu.memory_space<vmem_shared>>)
        tpu.yield
      }) : () -> ()
      %scan3A_29 = arith.constant 0 : i32
      scf.yield %scan3A_29 : i32
    }
    %scan3A_8 = arith.constant 28 : i32
    %barrier3A = arith.constant 0 : index
    tpu.barrier barrier_id(%barrier3A)
    %scan3A_9 = arith.constant 0 : i32
    %scan3A_10 = arith.constant 0 : i32
    %scan3A_11 = arith.constant 7 : i32
    %scan3A_12 = arith.addi %scan3A_10, %scan3A_11 : i32
    %scan3A_13 = arith.constant 1 : i32
    %scan3A_14 = scf.for %scan3A_24 = %scan3A_10 to %scan3A_12 step %scan3A_13 iter_args(%scan3A_25 = %scan3A_9) -> (i32)  : i32 {
      %mul3A_26 = arith.constant 7 : i32
      %mul3A_27 = arith.muli %scan3A_24, %mul3A_26 : i32
      "tpu.region"() ({
        %run_scoped3A = tpu.sem_alloc : memref<!tpu.dma_semaphore, #tpu.memory_space<semaphore_mem>>
        %dma_start3A_225 = arith.constant 0 : i32
        %dma_start3A_226 = tpu.memref_slice %arg2[%add3A, %mul3A_27, %dma_start3A_225] : memref<32x49x1024xi32, #tpu.memory_space<hbm>> -> memref<1x7x1024xi32, #tpu.memory_space<hbm>>
        %dma_start3A_227 = tpu.memref_squeeze %dma_start3A_226 : memref<1x7x1024xi32, #tpu.memory_space<hbm>> -> memref<7x1024xi32, #tpu.memory_space<hbm>>
        %dma_start3A_228 = arith.constant 0 : i32
        %dma_start3A_229 = tpu.memref_slice %arg2[%add3A, %mul3A_27, %dma_start3A_228] : memref<32x49x1024xi32, #tpu.memory_space<hbm>> -> memref<1x7x1024xi32, #tpu.memory_space<hbm>>
        %dma_start3A_230 = tpu.memref_squeeze %dma_start3A_229 : memref<1x7x1024xi32, #tpu.memory_space<hbm>> -> memref<7x1024xi32, #tpu.memory_space<hbm>>
        tpu.enqueue_dma source(%dma_start3A_230 : memref<7x1024xi32, #tpu.memory_space<hbm>>) target(%arg8 : memref<7x1024xi32, #tpu.memory_space<vmem>>) target_semaphore(%run_scoped3A : memref<!tpu.dma_semaphore, #tpu.memory_space<semaphore_mem>>)
        %dma_wait3A_231 = arith.constant 0 : i32
        %dma_wait3A_232 = tpu.memref_slice %arg2[%add3A, %mul3A_27, %dma_wait3A_231] : memref<32x49x1024xi32, #tpu.memory_space<hbm>> -> memref<1x7x1024xi32, #tpu.memory_space<hbm>>
        %dma_wait3A_233 = tpu.memref_squeeze %dma_wait3A_232 : memref<1x7x1024xi32, #tpu.memory_space<hbm>> -> memref<7x1024xi32, #tpu.memory_space<hbm>>
        %dma_wait3A_234 = arith.constant 0 : i32
        %dma_wait3A_235 = tpu.memref_slice %arg2[%add3A, %mul3A_27, %dma_wait3A_234] : memref<32x49x1024xi32, #tpu.memory_space<hbm>> -> memref<1x7x1024xi32, #tpu.memory_space<hbm>>
        %dma_wait3A_236 = tpu.memref_squeeze %dma_wait3A_235 : memref<1x7x1024xi32, #tpu.memory_space<hbm>> -> memref<7x1024xi32, #tpu.memory_space<hbm>>
        tpu.wait_dma2 semaphore(%run_scoped3A : memref<!tpu.dma_semaphore, #tpu.memory_space<semaphore_mem>>) src(%dma_wait3A_236 : memref<7x1024xi32, #tpu.memory_space<hbm>>) dst(%arg8 : memref<7x1024xi32, #tpu.memory_space<vmem>>)
        tpu.yield
      }) : () -> ()
      %mul3A_28 = arith.constant 7 : i32
      %mul3A_29 = arith.muli %scan3A_24, %mul3A_28 : i32
      "tpu.region"() ({
        %run_scoped3A = tpu.sem_alloc : memref<!tpu.dma_semaphore, #tpu.memory_space<semaphore_mem>>
        %dma_start3A_225 = arith.constant 0 : i32
        %dma_start3A_226 = tpu.memref_slice %arg3[%add3A, %mul3A_29, %dma_start3A_225] : memref<32x49x1024xi32, #tpu.memory_space<hbm>> -> memref<1x7x1024xi32, #tpu.memory_space<hbm>>
        %dma_start3A_227 = tpu.memref_squeeze %dma_start3A_226 : memref<1x7x1024xi32, #tpu.memory_space<hbm>> -> memref<7x1024xi32, #tpu.memory_space<hbm>>
        %dma_start3A_228 = arith.constant 0 : i32
        %dma_start3A_229 = tpu.memref_slice %arg3[%add3A, %mul3A_29, %dma_start3A_228] : memref<32x49x1024xi32, #tpu.memory_space<hbm>> -> memref<1x7x1024xi32, #tpu.memory_space<hbm>>
        %dma_start3A_230 = tpu.memref_squeeze %dma_start3A_229 : memref<1x7x1024xi32, #tpu.memory_space<hbm>> -> memref<7x1024xi32, #tpu.memory_space<hbm>>
        tpu.enqueue_dma source(%dma_start3A_230 : memref<7x1024xi32, #tpu.memory_space<hbm>>) target(%arg9 : memref<7x1024xi32, #tpu.memory_space<vmem>>) target_semaphore(%run_scoped3A : memref<!tpu.dma_semaphore, #tpu.memory_space<semaphore_mem>>)
        %dma_wait3A_231 = arith.constant 0 : i32
        %dma_wait3A_232 = tpu.memref_slice %arg3[%add3A, %mul3A_29, %dma_wait3A_231] : memref<32x49x1024xi32, #tpu.memory_space<hbm>> -> memref<1x7x1024xi32, #tpu.memory_space<hbm>>
        %dma_wait3A_233 = tpu.memref_squeeze %dma_wait3A_232 : memref<1x7x1024xi32, #tpu.memory_space<hbm>> -> memref<7x1024xi32, #tpu.memory_space<hbm>>
        %dma_wait3A_234 = arith.constant 0 : i32
        %dma_wait3A_235 = tpu.memref_slice %arg3[%add3A, %mul3A_29, %dma_wait3A_234] : memref<32x49x1024xi32, #tpu.memory_space<hbm>> -> memref<1x7x1024xi32, #tpu.memory_space<hbm>>
        %dma_wait3A_236 = tpu.memref_squeeze %dma_wait3A_235 : memref<1x7x1024xi32, #tpu.memory_space<hbm>> -> memref<7x1024xi32, #tpu.memory_space<hbm>>
        tpu.wait_dma2 semaphore(%run_scoped3A : memref<!tpu.dma_semaphore, #tpu.memory_space<semaphore_mem>>) src(%dma_wait3A_236 : memref<7x1024xi32, #tpu.memory_space<hbm>>) dst(%arg9 : memref<7x1024xi32, #tpu.memory_space<vmem>>)
        tpu.yield
      }) : () -> ()
      %dma_start3A = arith.constant 0 : i32
      %dma_start3A_30 = arith.constant 0 : i32
      %dma_start3A_31 = tpu.memref_slice %arg8[%dma_start3A, %dma_start3A_30] : memref<7x1024xi32, #tpu.memory_space<vmem>> -> memref<1x1024xi32, #tpu.memory_space<vmem>>
      %dma_start3A_32 = tpu.memref_squeeze %dma_start3A_31 : memref<1x1024xi32, #tpu.memory_space<vmem>> -> memref<1024xi32, #tpu.memory_space<vmem>>
      %dma_start3A_33 = arith.constant 0 : i32
      %dma_start3A_34 = arith.constant 0 : i32
      %dma_start3A_35 = tpu.memref_slice %arg4[%dma_start3A_33, %dma_start3A_34] : memref<50176x4xf32, #tpu.memory_space<hbm>> -> memref<50176x4xf32, #tpu.memory_space<hbm>>
      tpu.enqueue_indirect_dma source(%dma_start3A_35 : memref<50176x4xf32, #tpu.memory_space<hbm>>) target(%arg10 : memref<1024x4xf32, #tpu.memory_space<vmem>>) offsets(%dma_start3A_32 : memref<1024xi32, #tpu.memory_space<vmem>>) semaphore(%arg13 : memref<!tpu.dma_semaphore, #tpu.memory_space<semaphore_mem>>)
      %dma_wait3A = arith.constant 0 : i32
      %dma_wait3A_36 = arith.constant 0 : i32
      %dma_wait3A_37 = tpu.memref_slice %arg8[%dma_wait3A, %dma_wait3A_36] : memref<7x1024xi32, #tpu.memory_space<vmem>> -> memref<1x1024xi32, #tpu.memory_space<vmem>>
      %dma_wait3A_38 = tpu.memref_squeeze %dma_wait3A_37 : memref<1x1024xi32, #tpu.memory_space<vmem>> -> memref<1024xi32, #tpu.memory_space<vmem>>
      %dma_wait3A_39 = arith.constant 0 : i32
      %dma_wait3A_40 = arith.constant 0 : i32
      %dma_wait3A_41 = tpu.memref_slice %arg4[%dma_wait3A_39, %dma_wait3A_40] : memref<50176x4xf32, #tpu.memory_space<hbm>> -> memref<50176x4xf32, #tpu.memory_space<hbm>>
      tpu.wait_indirect_dma semaphore(%arg13 : memref<!tpu.dma_semaphore, #tpu.memory_space<semaphore_mem>>) src(%dma_wait3A_41 : memref<50176x4xf32, #tpu.memory_space<hbm>>) dst(%arg10 : memref<1024x4xf32, #tpu.memory_space<vmem>>)
      %dma_start3A_42 = arith.constant 0 : i32
      %dma_start3A_43 = arith.constant 0 : i32
      %dma_start3A_44 = tpu.memref_slice %arg9[%dma_start3A_42, %dma_start3A_43] : memref<7x1024xi32, #tpu.memory_space<vmem>> -> memref<1x1024xi32, #tpu.memory_space<vmem>>
      %dma_start3A_45 = tpu.memref_squeeze %dma_start3A_44 : memref<1x1024xi32, #tpu.memory_space<vmem>> -> memref<1024xi32, #tpu.memory_space<vmem>>
      %dma_start3A_46 = arith.constant 0 : i32
      %dma_start3A_47 = arith.constant 0 : i32
      %dma_start3A_48 = tpu.memref_slice %arg7[%dma_start3A_46, %dma_start3A_47] : memref<50176x4xf32, #tpu.memory_space<vmem_shared>> -> memref<50176x4xf32, #tpu.memory_space<vmem_shared>>
      tpu.enqueue_indirect_dma source(%arg10 : memref<1024x4xf32, #tpu.memory_space<vmem>>) target(%dma_start3A_48 : memref<50176x4xf32, #tpu.memory_space<vmem_shared>>) offsets(%dma_start3A_45 : memref<1024xi32, #tpu.memory_space<vmem>>) semaphore(%arg15 : memref<!tpu.dma_semaphore, #tpu.memory_space<semaphore_mem>>) {add = true}
      %dma_start3A_49 = arith.constant 1 : i32
      %dma_start3A_50 = arith.constant 0 : i32
      %dma_start3A_51 = tpu.memref_slice %arg8[%dma_start3A_49, %dma_start3A_50] : memref<7x1024xi32, #tpu.memory_space<vmem>> -> memref<1x1024xi32, #tpu.memory_space<vmem>>
      %dma_start3A_52 = tpu.memref_squeeze %dma_start3A_51 : memref<1x1024xi32, #tpu.memory_space<vmem>> -> memref<1024xi32, #tpu.memory_space<vmem>>
      %dma_start3A_53 = arith.constant 0 : i32
      %dma_start3A_54 = arith.constant 0 : i32
      %dma_start3A_55 = tpu.memref_slice %arg4[%dma_start3A_53, %dma_start3A_54] : memref<50176x4xf32, #tpu.memory_space<hbm>> -> memref<50176x4xf32, #tpu.memory_space<hbm>>
      tpu.enqueue_indirect_dma source(%dma_start3A_55 : memref<50176x4xf32, #tpu.memory_space<hbm>>) target(%arg11 : memref<1024x4xf32, #tpu.memory_space<vmem>>) offsets(%dma_start3A_52 : memref<1024xi32, #tpu.memory_space<vmem>>) semaphore(%arg14 : memref<!tpu.dma_semaphore, #tpu.memory_space<semaphore_mem>>)
      %dma_wait3A_56 = arith.constant 1 : i32
      %dma_wait3A_57 = arith.constant 0 : i32
      %dma_wait3A_58 = tpu.memref_slice %arg8[%dma_wait3A_56, %dma_wait3A_57] : memref<7x1024xi32, #tpu.memory_space<vmem>> -> memref<1x1024xi32, #tpu.memory_space<vmem>>
      %dma_wait3A_59 = tpu.memref_squeeze %dma_wait3A_58 : memref<1x1024xi32, #tpu.memory_space<vmem>> -> memref<1024xi32, #tpu.memory_space<vmem>>
      %dma_wait3A_60 = arith.constant 0 : i32
      %dma_wait3A_61 = arith.constant 0 : i32
      %dma_wait3A_62 = tpu.memref_slice %arg4[%dma_wait3A_60, %dma_wait3A_61] : memref<50176x4xf32, #tpu.memory_space<hbm>> -> memref<50176x4xf32, #tpu.memory_space<hbm>>
      tpu.wait_indirect_dma semaphore(%arg14 : memref<!tpu.dma_semaphore, #tpu.memory_space<semaphore_mem>>) src(%dma_wait3A_62 : memref<50176x4xf32, #tpu.memory_space<hbm>>) dst(%arg11 : memref<1024x4xf32, #tpu.memory_space<vmem>>)
      %dma_wait3A_63 = arith.constant 0 : i32
      %dma_wait3A_64 = arith.constant 0 : i32
      %dma_wait3A_65 = tpu.memref_slice %arg9[%dma_wait3A_63, %dma_wait3A_64] : memref<7x1024xi32, #tpu.memory_space<vmem>> -> memref<1x1024xi32, #tpu.memory_space<vmem>>
      %dma_wait3A_66 = tpu.memref_squeeze %dma_wait3A_65 : memref<1x1024xi32, #tpu.memory_space<vmem>> -> memref<1024xi32, #tpu.memory_space<vmem>>
      %dma_wait3A_67 = arith.constant 0 : i32
      %dma_wait3A_68 = arith.constant 0 : i32
      %dma_wait3A_69 = tpu.memref_slice %arg7[%dma_wait3A_67, %dma_wait3A_68] : memref<50176x4xf32, #tpu.memory_space<vmem_shared>> -> memref<50176x4xf32, #tpu.memory_space<vmem_shared>>
      tpu.wait_indirect_dma semaphore(%arg15 : memref<!tpu.dma_semaphore, #tpu.memory_space<semaphore_mem>>) src(%arg10 : memref<1024x4xf32, #tpu.memory_space<vmem>>) dst(%dma_wait3A_69 : memref<50176x4xf32, #tpu.memory_space<vmem_shared>>)
      %dma_start3A_70 = arith.constant 1 : i32
      %dma_start3A_71 = arith.constant 0 : i32
      %dma_start3A_72 = tpu.memref_slice %arg9[%dma_start3A_70, %dma_start3A_71] : memref<7x1024xi32, #tpu.memory_space<vmem>> -> memref<1x1024xi32, #tpu.memory_space<vmem>>
      %dma_start3A_73 = tpu.memref_squeeze %dma_start3A_72 : memref<1x1024xi32, #tpu.memory_space<vmem>> -> memref<1024xi32, #tpu.memory_space<vmem>>
      %dma_start3A_74 = arith.constant 0 : i32
      %dma_start3A_75 = arith.constant 0 : i32
      %dma_start3A_76 = tpu.memref_slice %arg7[%dma_start3A_74, %dma_start3A_75] : memref<50176x4xf32, #tpu.memory_space<vmem_shared>> -> memref<50176x4xf32, #tpu.memory_space<vmem_shared>>
      tpu.enqueue_indirect_dma source(%arg11 : memref<1024x4xf32, #tpu.memory_space<vmem>>) target(%dma_start3A_76 : memref<50176x4xf32, #tpu.memory_space<vmem_shared>>) offsets(%dma_start3A_73 : memref<1024xi32, #tpu.memory_space<vmem>>) semaphore(%arg16 : memref<!tpu.dma_semaphore, #tpu.memory_space<semaphore_mem>>) {add = true}
      %dma_start3A_77 = arith.constant 2 : i32
      %dma_start3A_78 = arith.constant 0 : i32
      %dma_start3A_79 = tpu.memref_slice %arg8[%dma_start3A_77, %dma_start3A_78] : memref<7x1024xi32, #tpu.memory_space<vmem>> -> memref<1x1024xi32, #tpu.memory_space<vmem>>
      %dma_start3A_80 = tpu.memref_squeeze %dma_start3A_79 : memref<1x1024xi32, #tpu.memory_space<vmem>> -> memref<1024xi32, #tpu.memory_space<vmem>>
      %dma_start3A_81 = arith.constant 0 : i32
      %dma_start3A_82 = arith.constant 0 : i32
      %dma_start3A_83 = tpu.memref_slice %arg4[%dma_start3A_81, %dma_start3A_82] : memref<50176x4xf32, #tpu.memory_space<hbm>> -> memref<50176x4xf32, #tpu.memory_space<hbm>>
      tpu.enqueue_indirect_dma source(%dma_start3A_83 : memref<50176x4xf32, #tpu.memory_space<hbm>>) target(%arg10 : memref<1024x4xf32, #tpu.memory_space<vmem>>) offsets(%dma_start3A_80 : memref<1024xi32, #tpu.memory_space<vmem>>) semaphore(%arg13 : memref<!tpu.dma_semaphore, #tpu.memory_space<semaphore_mem>>)
      %dma_wait3A_84 = arith.constant 2 : i32
      %dma_wait3A_85 = arith.constant 0 : i32
      %dma_wait3A_86 = tpu.memref_slice %arg8[%dma_wait3A_84, %dma_wait3A_85] : memref<7x1024xi32, #tpu.memory_space<vmem>> -> memref<1x1024xi32, #tpu.memory_space<vmem>>
      %dma_wait3A_87 = tpu.memref_squeeze %dma_wait3A_86 : memref<1x1024xi32, #tpu.memory_space<vmem>> -> memref<1024xi32, #tpu.memory_space<vmem>>
      %dma_wait3A_88 = arith.constant 0 : i32
      %dma_wait3A_89 = arith.constant 0 : i32
      %dma_wait3A_90 = tpu.memref_slice %arg4[%dma_wait3A_88, %dma_wait3A_89] : memref<50176x4xf32, #tpu.memory_space<hbm>> -> memref<50176x4xf32, #tpu.memory_space<hbm>>
      tpu.wait_indirect_dma semaphore(%arg13 : memref<!tpu.dma_semaphore, #tpu.memory_space<semaphore_mem>>) src(%dma_wait3A_90 : memref<50176x4xf32, #tpu.memory_space<hbm>>) dst(%arg10 : memref<1024x4xf32, #tpu.memory_space<vmem>>)
      %dma_wait3A_91 = arith.constant 1 : i32
      %dma_wait3A_92 = arith.constant 0 : i32
      %dma_wait3A_93 = tpu.memref_slice %arg9[%dma_wait3A_91, %dma_wait3A_92] : memref<7x1024xi32, #tpu.memory_space<vmem>> -> memref<1x1024xi32, #tpu.memory_space<vmem>>
      %dma_wait3A_94 = tpu.memref_squeeze %dma_wait3A_93 : memref<1x1024xi32, #tpu.memory_space<vmem>> -> memref<1024xi32, #tpu.memory_space<vmem>>
      %dma_wait3A_95 = arith.constant 0 : i32
      %dma_wait3A_96 = arith.constant 0 : i32
      %dma_wait3A_97 = tpu.memref_slice %arg7[%dma_wait3A_95, %dma_wait3A_96] : memref<50176x4xf32, #tpu.memory_space<vmem_shared>> -> memref<50176x4xf32, #tpu.memory_space<vmem_shared>>
      tpu.wait_indirect_dma semaphore(%arg16 : memref<!tpu.dma_semaphore, #tpu.memory_space<semaphore_mem>>) src(%arg11 : memref<1024x4xf32, #tpu.memory_space<vmem>>) dst(%dma_wait3A_97 : memref<50176x4xf32, #tpu.memory_space<vmem_shared>>)
      %dma_start3A_98 = arith.constant 2 : i32
      %dma_start3A_99 = arith.constant 0 : i32
      %dma_start3A_100 = tpu.memref_slice %arg9[%dma_start3A_98, %dma_start3A_99] : memref<7x1024xi32, #tpu.memory_space<vmem>> -> memref<1x1024xi32, #tpu.memory_space<vmem>>
      %dma_start3A_101 = tpu.memref_squeeze %dma_start3A_100 : memref<1x1024xi32, #tpu.memory_space<vmem>> -> memref<1024xi32, #tpu.memory_space<vmem>>
      %dma_start3A_102 = arith.constant 0 : i32
      %dma_start3A_103 = arith.constant 0 : i32
      %dma_start3A_104 = tpu.memref_slice %arg7[%dma_start3A_102, %dma_start3A_103] : memref<50176x4xf32, #tpu.memory_space<vmem_shared>> -> memref<50176x4xf32, #tpu.memory_space<vmem_shared>>
      tpu.enqueue_indirect_dma source(%arg10 : memref<1024x4xf32, #tpu.memory_space<vmem>>) target(%dma_start3A_104 : memref<50176x4xf32, #tpu.memory_space<vmem_shared>>) offsets(%dma_start3A_101 : memref<1024xi32, #tpu.memory_space<vmem>>) semaphore(%arg15 : memref<!tpu.dma_semaphore, #tpu.memory_space<semaphore_mem>>) {add = true}
      %dma_start3A_105 = arith.constant 3 : i32
      %dma_start3A_106 = arith.constant 0 : i32
      %dma_start3A_107 = tpu.memref_slice %arg8[%dma_start3A_105, %dma_start3A_106] : memref<7x1024xi32, #tpu.memory_space<vmem>> -> memref<1x1024xi32, #tpu.memory_space<vmem>>
      %dma_start3A_108 = tpu.memref_squeeze %dma_start3A_107 : memref<1x1024xi32, #tpu.memory_space<vmem>> -> memref<1024xi32, #tpu.memory_space<vmem>>
      %dma_start3A_109 = arith.constant 0 : i32
      %dma_start3A_110 = arith.constant 0 : i32
      %dma_start3A_111 = tpu.memref_slice %arg4[%dma_start3A_109, %dma_start3A_110] : memref<50176x4xf32, #tpu.memory_space<hbm>> -> memref<50176x4xf32, #tpu.memory_space<hbm>>
      tpu.enqueue_indirect_dma source(%dma_start3A_111 : memref<50176x4xf32, #tpu.memory_space<hbm>>) target(%arg11 : memref<1024x4xf32, #tpu.memory_space<vmem>>) offsets(%dma_start3A_108 : memref<1024xi32, #tpu.memory_space<vmem>>) semaphore(%arg14 : memref<!tpu.dma_semaphore, #tpu.memory_space<semaphore_mem>>)
      %dma_wait3A_112 = arith.constant 3 : i32
      %dma_wait3A_113 = arith.constant 0 : i32
      %dma_wait3A_114 = tpu.memref_slice %arg8[%dma_wait3A_112, %dma_wait3A_113] : memref<7x1024xi32, #tpu.memory_space<vmem>> -> memref<1x1024xi32, #tpu.memory_space<vmem>>
      %dma_wait3A_115 = tpu.memref_squeeze %dma_wait3A_114 : memref<1x1024xi32, #tpu.memory_space<vmem>> -> memref<1024xi32, #tpu.memory_space<vmem>>
      %dma_wait3A_116 = arith.constant 0 : i32
      %dma_wait3A_117 = arith.constant 0 : i32
      %dma_wait3A_118 = tpu.memref_slice %arg4[%dma_wait3A_116, %dma_wait3A_117] : memref<50176x4xf32, #tpu.memory_space<hbm>> -> memref<50176x4xf32, #tpu.memory_space<hbm>>
      tpu.wait_indirect_dma semaphore(%arg14 : memref<!tpu.dma_semaphore, #tpu.memory_space<semaphore_mem>>) src(%dma_wait3A_118 : memref<50176x4xf32, #tpu.memory_space<hbm>>) dst(%arg11 : memref<1024x4xf32, #tpu.memory_space<vmem>>)
      %dma_wait3A_119 = arith.constant 2 : i32
      %dma_wait3A_120 = arith.constant 0 : i32
      %dma_wait3A_121 = tpu.memref_slice %arg9[%dma_wait3A_119, %dma_wait3A_120] : memref<7x1024xi32, #tpu.memory_space<vmem>> -> memref<1x1024xi32, #tpu.memory_space<vmem>>
      %dma_wait3A_122 = tpu.memref_squeeze %dma_wait3A_121 : memref<1x1024xi32, #tpu.memory_space<vmem>> -> memref<1024xi32, #tpu.memory_space<vmem>>
      %dma_wait3A_123 = arith.constant 0 : i32
      %dma_wait3A_124 = arith.constant 0 : i32
      %dma_wait3A_125 = tpu.memref_slice %arg7[%dma_wait3A_123, %dma_wait3A_124] : memref<50176x4xf32, #tpu.memory_space<vmem_shared>> -> memref<50176x4xf32, #tpu.memory_space<vmem_shared>>
      tpu.wait_indirect_dma semaphore(%arg15 : memref<!tpu.dma_semaphore, #tpu.memory_space<semaphore_mem>>) src(%arg10 : memref<1024x4xf32, #tpu.memory_space<vmem>>) dst(%dma_wait3A_125 : memref<50176x4xf32, #tpu.memory_space<vmem_shared>>)
      %dma_start3A_126 = arith.constant 3 : i32
      %dma_start3A_127 = arith.constant 0 : i32
      %dma_start3A_128 = tpu.memref_slice %arg9[%dma_start3A_126, %dma_start3A_127] : memref<7x1024xi32, #tpu.memory_space<vmem>> -> memref<1x1024xi32, #tpu.memory_space<vmem>>
      %dma_start3A_129 = tpu.memref_squeeze %dma_start3A_128 : memref<1x1024xi32, #tpu.memory_space<vmem>> -> memref<1024xi32, #tpu.memory_space<vmem>>
      %dma_start3A_130 = arith.constant 0 : i32
      %dma_start3A_131 = arith.constant 0 : i32
      %dma_start3A_132 = tpu.memref_slice %arg7[%dma_start3A_130, %dma_start3A_131] : memref<50176x4xf32, #tpu.memory_space<vmem_shared>> -> memref<50176x4xf32, #tpu.memory_space<vmem_shared>>
      tpu.enqueue_indirect_dma source(%arg11 : memref<1024x4xf32, #tpu.memory_space<vmem>>) target(%dma_start3A_132 : memref<50176x4xf32, #tpu.memory_space<vmem_shared>>) offsets(%dma_start3A_129 : memref<1024xi32, #tpu.memory_space<vmem>>) semaphore(%arg16 : memref<!tpu.dma_semaphore, #tpu.memory_space<semaphore_mem>>) {add = true}
      %dma_start3A_133 = arith.constant 4 : i32
      %dma_start3A_134 = arith.constant 0 : i32
      %dma_start3A_135 = tpu.memref_slice %arg8[%dma_start3A_133, %dma_start3A_134] : memref<7x1024xi32, #tpu.memory_space<vmem>> -> memref<1x1024xi32, #tpu.memory_space<vmem>>
      %dma_start3A_136 = tpu.memref_squeeze %dma_start3A_135 : memref<1x1024xi32, #tpu.memory_space<vmem>> -> memref<1024xi32, #tpu.memory_space<vmem>>
      %dma_start3A_137 = arith.constant 0 : i32
      %dma_start3A_138 = arith.constant 0 : i32
      %dma_start3A_139 = tpu.memref_slice %arg4[%dma_start3A_137, %dma_start3A_138] : memref<50176x4xf32, #tpu.memory_space<hbm>> -> memref<50176x4xf32, #tpu.memory_space<hbm>>
      tpu.enqueue_indirect_dma source(%dma_start3A_139 : memref<50176x4xf32, #tpu.memory_space<hbm>>) target(%arg10 : memref<1024x4xf32, #tpu.memory_space<vmem>>) offsets(%dma_start3A_136 : memref<1024xi32, #tpu.memory_space<vmem>>) semaphore(%arg13 : memref<!tpu.dma_semaphore, #tpu.memory_space<semaphore_mem>>)
      %dma_wait3A_140 = arith.constant 4 : i32
      %dma_wait3A_141 = arith.constant 0 : i32
      %dma_wait3A_142 = tpu.memref_slice %arg8[%dma_wait3A_140, %dma_wait3A_141] : memref<7x1024xi32, #tpu.memory_space<vmem>> -> memref<1x1024xi32, #tpu.memory_space<vmem>>
      %dma_wait3A_143 = tpu.memref_squeeze %dma_wait3A_142 : memref<1x1024xi32, #tpu.memory_space<vmem>> -> memref<1024xi32, #tpu.memory_space<vmem>>
      %dma_wait3A_144 = arith.constant 0 : i32
      %dma_wait3A_145 = arith.constant 0 : i32
      %dma_wait3A_146 = tpu.memref_slice %arg4[%dma_wait3A_144, %dma_wait3A_145] : memref<50176x4xf32, #tpu.memory_space<hbm>> -> memref<50176x4xf32, #tpu.memory_space<hbm>>
      tpu.wait_indirect_dma semaphore(%arg13 : memref<!tpu.dma_semaphore, #tpu.memory_space<semaphore_mem>>) src(%dma_wait3A_146 : memref<50176x4xf32, #tpu.memory_space<hbm>>) dst(%arg10 : memref<1024x4xf32, #tpu.memory_space<vmem>>)
      %dma_wait3A_147 = arith.constant 3 : i32
      %dma_wait3A_148 = arith.constant 0 : i32
      %dma_wait3A_149 = tpu.memref_slice %arg9[%dma_wait3A_147, %dma_wait3A_148] : memref<7x1024xi32, #tpu.memory_space<vmem>> -> memref<1x1024xi32, #tpu.memory_space<vmem>>
      %dma_wait3A_150 = tpu.memref_squeeze %dma_wait3A_149 : memref<1x1024xi32, #tpu.memory_space<vmem>> -> memref<1024xi32, #tpu.memory_space<vmem>>
      %dma_wait3A_151 = arith.constant 0 : i32
      %dma_wait3A_152 = arith.constant 0 : i32
      %dma_wait3A_153 = tpu.memref_slice %arg7[%dma_wait3A_151, %dma_wait3A_152] : memref<50176x4xf32, #tpu.memory_space<vmem_shared>> -> memref<50176x4xf32, #tpu.memory_space<vmem_shared>>
      tpu.wait_indirect_dma semaphore(%arg16 : memref<!tpu.dma_semaphore, #tpu.memory_space<semaphore_mem>>) src(%arg11 : memref<1024x4xf32, #tpu.memory_space<vmem>>) dst(%dma_wait3A_153 : memref<50176x4xf32, #tpu.memory_space<vmem_shared>>)
      %dma_start3A_154 = arith.constant 4 : i32
      %dma_start3A_155 = arith.constant 0 : i32
      %dma_start3A_156 = tpu.memref_slice %arg9[%dma_start3A_154, %dma_start3A_155] : memref<7x1024xi32, #tpu.memory_space<vmem>> -> memref<1x1024xi32, #tpu.memory_space<vmem>>
      %dma_start3A_157 = tpu.memref_squeeze %dma_start3A_156 : memref<1x1024xi32, #tpu.memory_space<vmem>> -> memref<1024xi32, #tpu.memory_space<vmem>>
      %dma_start3A_158 = arith.constant 0 : i32
      %dma_start3A_159 = arith.constant 0 : i32
      %dma_start3A_160 = tpu.memref_slice %arg7[%dma_start3A_158, %dma_start3A_159] : memref<50176x4xf32, #tpu.memory_space<vmem_shared>> -> memref<50176x4xf32, #tpu.memory_space<vmem_shared>>
      tpu.enqueue_indirect_dma source(%arg10 : memref<1024x4xf32, #tpu.memory_space<vmem>>) target(%dma_start3A_160 : memref<50176x4xf32, #tpu.memory_space<vmem_shared>>) offsets(%dma_start3A_157 : memref<1024xi32, #tpu.memory_space<vmem>>) semaphore(%arg15 : memref<!tpu.dma_semaphore, #tpu.memory_space<semaphore_mem>>) {add = true}
      %dma_start3A_161 = arith.constant 5 : i32
      %dma_start3A_162 = arith.constant 0 : i32
      %dma_start3A_163 = tpu.memref_slice %arg8[%dma_start3A_161, %dma_start3A_162] : memref<7x1024xi32, #tpu.memory_space<vmem>> -> memref<1x1024xi32, #tpu.memory_space<vmem>>
      %dma_start3A_164 = tpu.memref_squeeze %dma_start3A_163 : memref<1x1024xi32, #tpu.memory_space<vmem>> -> memref<1024xi32, #tpu.memory_space<vmem>>
      %dma_start3A_165 = arith.constant 0 : i32
      %dma_start3A_166 = arith.constant 0 : i32
      %dma_start3A_167 = tpu.memref_slice %arg4[%dma_start3A_165, %dma_start3A_166] : memref<50176x4xf32, #tpu.memory_space<hbm>> -> memref<50176x4xf32, #tpu.memory_space<hbm>>
      tpu.enqueue_indirect_dma source(%dma_start3A_167 : memref<50176x4xf32, #tpu.memory_space<hbm>>) target(%arg11 : memref<1024x4xf32, #tpu.memory_space<vmem>>) offsets(%dma_start3A_164 : memref<1024xi32, #tpu.memory_space<vmem>>) semaphore(%arg14 : memref<!tpu.dma_semaphore, #tpu.memory_space<semaphore_mem>>)
      %dma_wait3A_168 = arith.constant 5 : i32
      %dma_wait3A_169 = arith.constant 0 : i32
      %dma_wait3A_170 = tpu.memref_slice %arg8[%dma_wait3A_168, %dma_wait3A_169] : memref<7x1024xi32, #tpu.memory_space<vmem>> -> memref<1x1024xi32, #tpu.memory_space<vmem>>
      %dma_wait3A_171 = tpu.memref_squeeze %dma_wait3A_170 : memref<1x1024xi32, #tpu.memory_space<vmem>> -> memref<1024xi32, #tpu.memory_space<vmem>>
      %dma_wait3A_172 = arith.constant 0 : i32
      %dma_wait3A_173 = arith.constant 0 : i32
      %dma_wait3A_174 = tpu.memref_slice %arg4[%dma_wait3A_172, %dma_wait3A_173] : memref<50176x4xf32, #tpu.memory_space<hbm>> -> memref<50176x4xf32, #tpu.memory_space<hbm>>
      tpu.wait_indirect_dma semaphore(%arg14 : memref<!tpu.dma_semaphore, #tpu.memory_space<semaphore_mem>>) src(%dma_wait3A_174 : memref<50176x4xf32, #tpu.memory_space<hbm>>) dst(%arg11 : memref<1024x4xf32, #tpu.memory_space<vmem>>)
      %dma_wait3A_175 = arith.constant 4 : i32
      %dma_wait3A_176 = arith.constant 0 : i32
      %dma_wait3A_177 = tpu.memref_slice %arg9[%dma_wait3A_175, %dma_wait3A_176] : memref<7x1024xi32, #tpu.memory_space<vmem>> -> memref<1x1024xi32, #tpu.memory_space<vmem>>
      %dma_wait3A_178 = tpu.memref_squeeze %dma_wait3A_177 : memref<1x1024xi32, #tpu.memory_space<vmem>> -> memref<1024xi32, #tpu.memory_space<vmem>>
      %dma_wait3A_179 = arith.constant 0 : i32
      %dma_wait3A_180 = arith.constant 0 : i32
      %dma_wait3A_181 = tpu.memref_slice %arg7[%dma_wait3A_179, %dma_wait3A_180] : memref<50176x4xf32, #tpu.memory_space<vmem_shared>> -> memref<50176x4xf32, #tpu.memory_space<vmem_shared>>
      tpu.wait_indirect_dma semaphore(%arg15 : memref<!tpu.dma_semaphore, #tpu.memory_space<semaphore_mem>>) src(%arg10 : memref<1024x4xf32, #tpu.memory_space<vmem>>) dst(%dma_wait3A_181 : memref<50176x4xf32, #tpu.memory_space<vmem_shared>>)
      %dma_start3A_182 = arith.constant 5 : i32
      %dma_start3A_183 = arith.constant 0 : i32
      %dma_start3A_184 = tpu.memref_slice %arg9[%dma_start3A_182, %dma_start3A_183] : memref<7x1024xi32, #tpu.memory_space<vmem>> -> memref<1x1024xi32, #tpu.memory_space<vmem>>
      %dma_start3A_185 = tpu.memref_squeeze %dma_start3A_184 : memref<1x1024xi32, #tpu.memory_space<vmem>> -> memref<1024xi32, #tpu.memory_space<vmem>>
      %dma_start3A_186 = arith.constant 0 : i32
      %dma_start3A_187 = arith.constant 0 : i32
      %dma_start3A_188 = tpu.memref_slice %arg7[%dma_start3A_186, %dma_start3A_187] : memref<50176x4xf32, #tpu.memory_space<vmem_shared>> -> memref<50176x4xf32, #tpu.memory_space<vmem_shared>>
      tpu.enqueue_indirect_dma source(%arg11 : memref<1024x4xf32, #tpu.memory_space<vmem>>) target(%dma_start3A_188 : memref<50176x4xf32, #tpu.memory_space<vmem_shared>>) offsets(%dma_start3A_185 : memref<1024xi32, #tpu.memory_space<vmem>>) semaphore(%arg16 : memref<!tpu.dma_semaphore, #tpu.memory_space<semaphore_mem>>) {add = true}
      %dma_start3A_189 = arith.constant 6 : i32
      %dma_start3A_190 = arith.constant 0 : i32
      %dma_start3A_191 = tpu.memref_slice %arg8[%dma_start3A_189, %dma_start3A_190] : memref<7x1024xi32, #tpu.memory_space<vmem>> -> memref<1x1024xi32, #tpu.memory_space<vmem>>
      %dma_start3A_192 = tpu.memref_squeeze %dma_start3A_191 : memref<1x1024xi32, #tpu.memory_space<vmem>> -> memref<1024xi32, #tpu.memory_space<vmem>>
      %dma_start3A_193 = arith.constant 0 : i32
      %dma_start3A_194 = arith.constant 0 : i32
      %dma_start3A_195 = tpu.memref_slice %arg4[%dma_start3A_193, %dma_start3A_194] : memref<50176x4xf32, #tpu.memory_space<hbm>> -> memref<50176x4xf32, #tpu.memory_space<hbm>>
      tpu.enqueue_indirect_dma source(%dma_start3A_195 : memref<50176x4xf32, #tpu.memory_space<hbm>>) target(%arg10 : memref<1024x4xf32, #tpu.memory_space<vmem>>) offsets(%dma_start3A_192 : memref<1024xi32, #tpu.memory_space<vmem>>) semaphore(%arg13 : memref<!tpu.dma_semaphore, #tpu.memory_space<semaphore_mem>>)
      %dma_wait3A_196 = arith.constant 6 : i32
      %dma_wait3A_197 = arith.constant 0 : i32
      %dma_wait3A_198 = tpu.memref_slice %arg8[%dma_wait3A_196, %dma_wait3A_197] : memref<7x1024xi32, #tpu.memory_space<vmem>> -> memref<1x1024xi32, #tpu.memory_space<vmem>>
      %dma_wait3A_199 = tpu.memref_squeeze %dma_wait3A_198 : memref<1x1024xi32, #tpu.memory_space<vmem>> -> memref<1024xi32, #tpu.memory_space<vmem>>
      %dma_wait3A_200 = arith.constant 0 : i32
      %dma_wait3A_201 = arith.constant 0 : i32
      %dma_wait3A_202 = tpu.memref_slice %arg4[%dma_wait3A_200, %dma_wait3A_201] : memref<50176x4xf32, #tpu.memory_space<hbm>> -> memref<50176x4xf32, #tpu.memory_space<hbm>>
      tpu.wait_indirect_dma semaphore(%arg13 : memref<!tpu.dma_semaphore, #tpu.memory_space<semaphore_mem>>) src(%dma_wait3A_202 : memref<50176x4xf32, #tpu.memory_space<hbm>>) dst(%arg10 : memref<1024x4xf32, #tpu.memory_space<vmem>>)
      %dma_wait3A_203 = arith.constant 5 : i32
      %dma_wait3A_204 = arith.constant 0 : i32
      %dma_wait3A_205 = tpu.memref_slice %arg9[%dma_wait3A_203, %dma_wait3A_204] : memref<7x1024xi32, #tpu.memory_space<vmem>> -> memref<1x1024xi32, #tpu.memory_space<vmem>>
      %dma_wait3A_206 = tpu.memref_squeeze %dma_wait3A_205 : memref<1x1024xi32, #tpu.memory_space<vmem>> -> memref<1024xi32, #tpu.memory_space<vmem>>
      %dma_wait3A_207 = arith.constant 0 : i32
      %dma_wait3A_208 = arith.constant 0 : i32
      %dma_wait3A_209 = tpu.memref_slice %arg7[%dma_wait3A_207, %dma_wait3A_208] : memref<50176x4xf32, #tpu.memory_space<vmem_shared>> -> memref<50176x4xf32, #tpu.memory_space<vmem_shared>>
      tpu.wait_indirect_dma semaphore(%arg16 : memref<!tpu.dma_semaphore, #tpu.memory_space<semaphore_mem>>) src(%arg11 : memref<1024x4xf32, #tpu.memory_space<vmem>>) dst(%dma_wait3A_209 : memref<50176x4xf32, #tpu.memory_space<vmem_shared>>)
      %dma_start3A_210 = arith.constant 6 : i32
      %dma_start3A_211 = arith.constant 0 : i32
      %dma_start3A_212 = tpu.memref_slice %arg9[%dma_start3A_210, %dma_start3A_211] : memref<7x1024xi32, #tpu.memory_space<vmem>> -> memref<1x1024xi32, #tpu.memory_space<vmem>>
      %dma_start3A_213 = tpu.memref_squeeze %dma_start3A_212 : memref<1x1024xi32, #tpu.memory_space<vmem>> -> memref<1024xi32, #tpu.memory_space<vmem>>
      %dma_start3A_214 = arith.constant 0 : i32
      %dma_start3A_215 = arith.constant 0 : i32
      %dma_start3A_216 = tpu.memref_slice %arg7[%dma_start3A_214, %dma_start3A_215] : memref<50176x4xf32, #tpu.memory_space<vmem_shared>> -> memref<50176x4xf32, #tpu.memory_space<vmem_shared>>
      tpu.enqueue_indirect_dma source(%arg10 : memref<1024x4xf32, #tpu.memory_space<vmem>>) target(%dma_start3A_216 : memref<50176x4xf32, #tpu.memory_space<vmem_shared>>) offsets(%dma_start3A_213 : memref<1024xi32, #tpu.memory_space<vmem>>) semaphore(%arg15 : memref<!tpu.dma_semaphore, #tpu.memory_space<semaphore_mem>>) {add = true}
      %dma_wait3A_217 = arith.constant 6 : i32
      %dma_wait3A_218 = arith.constant 0 : i32
      %dma_wait3A_219 = tpu.memref_slice %arg9[%dma_wait3A_217, %dma_wait3A_218] : memref<7x1024xi32, #tpu.memory_space<vmem>> -> memref<1x1024xi32, #tpu.memory_space<vmem>>
      %dma_wait3A_220 = tpu.memref_squeeze %dma_wait3A_219 : memref<1x1024xi32, #tpu.memory_space<vmem>> -> memref<1024xi32, #tpu.memory_space<vmem>>
      %dma_wait3A_221 = arith.constant 0 : i32
      %dma_wait3A_222 = arith.constant 0 : i32
      %dma_wait3A_223 = tpu.memref_slice %arg7[%dma_wait3A_221, %dma_wait3A_222] : memref<50176x4xf32, #tpu.memory_space<vmem_shared>> -> memref<50176x4xf32, #tpu.memory_space<vmem_shared>>
      tpu.wait_indirect_dma semaphore(%arg15 : memref<!tpu.dma_semaphore, #tpu.memory_space<semaphore_mem>>) src(%arg10 : memref<1024x4xf32, #tpu.memory_space<vmem>>) dst(%dma_wait3A_223 : memref<50176x4xf32, #tpu.memory_space<vmem_shared>>)
      %scan3A_224 = arith.constant 0 : i32
      scf.yield %scan3A_224 : i32
    }
    %scan3A_15 = arith.constant 7 : i32
    %barrier3A_16 = arith.constant 0 : index
    tpu.barrier barrier_id(%barrier3A_16)
    %scan3A_17 = arith.constant 0 : i32
    %scan3A_18 = arith.constant 0 : i32
    %scan3A_19 = arith.constant 28 : i32
    %scan3A_20 = arith.addi %scan3A_18, %scan3A_19 : i32
    %scan3A_21 = arith.constant 1 : i32
    %scan3A_22 = scf.for %scan3A_24 = %scan3A_18 to %scan3A_20 step %scan3A_21 iter_args(%scan3A_25 = %scan3A_17) -> (i32)  : i32 {
      %mul3A_26 = arith.constant 112 : i32
      %mul3A_27 = arith.muli %scan3A_24, %mul3A_26 : i32
      %add3A_28 = arith.addi %mul3A_2, %mul3A_27 : i32
      "tpu.region"() ({
        %run_scoped3A = tpu.sem_alloc : memref<!tpu.dma_semaphore, #tpu.memory_space<semaphore_mem>>
        %dma_start3A = arith.constant 0 : i32
        %dma_start3A_30 = tpu.memref_slice %arg7[%add3A_28, %dma_start3A] : memref<50176x4xf32, #tpu.memory_space<vmem_shared>> -> memref<112x4xf32, #tpu.memory_space<vmem_shared>>
        %dma_start3A_31 = arith.constant 0 : i32
        %dma_start3A_32 = tpu.memref_slice %arg7[%add3A_28, %dma_start3A_31] : memref<50176x4xf32, #tpu.memory_space<vmem_shared>> -> memref<112x4xf32, #tpu.memory_space<vmem_shared>>
        tpu.enqueue_dma source(%dma_start3A_32 : memref<112x4xf32, #tpu.memory_space<vmem_shared>>) target(%arg12 : memref<112x4xf32, #tpu.memory_space<vmem>>) target_semaphore(%run_scoped3A : memref<!tpu.dma_semaphore, #tpu.memory_space<semaphore_mem>>)
        %dma_wait3A = arith.constant 0 : i32
        %dma_wait3A_33 = tpu.memref_slice %arg7[%add3A_28, %dma_wait3A] : memref<50176x4xf32, #tpu.memory_space<vmem_shared>> -> memref<112x4xf32, #tpu.memory_space<vmem_shared>>
        %dma_wait3A_34 = arith.constant 0 : i32
        %dma_wait3A_35 = tpu.memref_slice %arg7[%add3A_28, %dma_wait3A_34] : memref<50176x4xf32, #tpu.memory_space<vmem_shared>> -> memref<112x4xf32, #tpu.memory_space<vmem_shared>>
        tpu.wait_dma2 semaphore(%run_scoped3A : memref<!tpu.dma_semaphore, #tpu.memory_space<semaphore_mem>>) src(%dma_wait3A_35 : memref<112x4xf32, #tpu.memory_space<vmem_shared>>) dst(%arg12 : memref<112x4xf32, #tpu.memory_space<vmem>>)
        tpu.yield
      }) : () -> ()
      "tpu.region"() ({
        %run_scoped3A = tpu.sem_alloc : memref<!tpu.dma_semaphore, #tpu.memory_space<semaphore_mem>>
        %dma_start3A = arith.constant 0 : i32
        %dma_start3A_30 = tpu.memref_slice %arg6[%arg0, %add3A_28, %dma_start3A] : memref<2x50176x4xf32, #tpu.memory_space<hbm>> -> memref<1x112x4xf32, #tpu.memory_space<hbm>>
        %dma_start3A_31 = tpu.memref_squeeze %dma_start3A_30 : memref<1x112x4xf32, #tpu.memory_space<hbm>> -> memref<112x4xf32, #tpu.memory_space<hbm>>
        %dma_start3A_32 = arith.constant 0 : i32
        %dma_start3A_33 = tpu.memref_slice %arg6[%arg0, %add3A_28, %dma_start3A_32] : memref<2x50176x4xf32, #tpu.memory_space<hbm>> -> memref<1x112x4xf32, #tpu.memory_space<hbm>>
        %dma_start3A_34 = tpu.memref_squeeze %dma_start3A_33 : memref<1x112x4xf32, #tpu.memory_space<hbm>> -> memref<112x4xf32, #tpu.memory_space<hbm>>
        tpu.enqueue_dma source(%arg12 : memref<112x4xf32, #tpu.memory_space<vmem>>) target(%dma_start3A_34 : memref<112x4xf32, #tpu.memory_space<hbm>>) target_semaphore(%run_scoped3A : memref<!tpu.dma_semaphore, #tpu.memory_space<semaphore_mem>>)
        %dma_wait3A = arith.constant 0 : i32
        %dma_wait3A_35 = tpu.memref_slice %arg6[%arg0, %add3A_28, %dma_wait3A] : memref<2x50176x4xf32, #tpu.memory_space<hbm>> -> memref<1x112x4xf32, #tpu.memory_space<hbm>>
        %dma_wait3A_36 = tpu.memref_squeeze %dma_wait3A_35 : memref<1x112x4xf32, #tpu.memory_space<hbm>> -> memref<112x4xf32, #tpu.memory_space<hbm>>
        %dma_wait3A_37 = arith.constant 0 : i32
        %dma_wait3A_38 = tpu.memref_slice %arg6[%arg0, %add3A_28, %dma_wait3A_37] : memref<2x50176x4xf32, #tpu.memory_space<hbm>> -> memref<1x112x4xf32, #tpu.memory_space<hbm>>
        %dma_wait3A_39 = tpu.memref_squeeze %dma_wait3A_38 : memref<1x112x4xf32, #tpu.memory_space<hbm>> -> memref<112x4xf32, #tpu.memory_space<hbm>>
        tpu.wait_dma2 semaphore(%run_scoped3A : memref<!tpu.dma_semaphore, #tpu.memory_space<semaphore_mem>>) src(%arg12 : memref<112x4xf32, #tpu.memory_space<vmem>>) dst(%dma_wait3A_39 : memref<112x4xf32, #tpu.memory_space<hbm>>)
        tpu.yield
      }) : () -> ()
      %scan3A_29 = arith.constant 0 : i32
      scf.yield %scan3A_29 : i32
    }
    %scan3A_23 = arith.constant 28 : i32
    return
  }
}

module attributes {stable_mosaic.version = 14 : i64} {
  func.func @_deg_tc_body(%arg0: i32, %arg1: memref<1024x1xf32, #tpu.memory_space<vmem>>, %arg2: memref<1024x1xf32, #tpu.memory_space<vmem>>, %arg3: memref<1024x1xf32, #tpu.memory_space<vmem>>, %arg4: memref<1024x1xf32, #tpu.memory_space<vmem>>, %arg5: memref<1024x4xf32, #tpu.memory_space<vmem>>, %arg6: memref<1024x1xf32, #tpu.memory_space<vmem>>, %arg7: memref<1024x1xf32, #tpu.memory_space<vmem>>, %arg8: memref<1024x4xf32, #tpu.memory_space<vmem>>) attributes {dimension_semantics = [#tpu.dimension_semantics<arbitrary>], iteration_bounds = array<i64: 49>, scalar_prefetch = 0 : i64, scratch_operands = 0 : i64, tpu.core_type = #tpu.core_type<tc>, window_params = [{transform_indices = @transform_0, window_bounds = array<i64: 1024, 1>}, {transform_indices = @transform_1, window_bounds = array<i64: 1024, 1>}, {transform_indices = @transform_2, window_bounds = array<i64: 1024, 1>}, {transform_indices = @transform_3, window_bounds = array<i64: 1024, 1>}, {transform_indices = @transform_4, window_bounds = array<i64: 1024, 4>}, {transform_indices = @transform_5, window_bounds = array<i64: 1024, 1>}, {transform_indices = @transform_6, window_bounds = array<i64: 1024, 1>}, {transform_indices = @transform_7, window_bounds = array<i64: 1024, 4>}]} {
    %get3A = arith.constant 0 : index
    %get3A_0 = arith.constant 0 : index
    %get3A_1 = vector.load %arg1[%get3A, %get3A_0] : memref<1024x1xf32, #tpu.memory_space<vmem>>, vector<1024x1xf32>
    %get3A_2 = arith.constant 0 : index
    %get3A_3 = arith.constant 0 : index
    %get3A_4 = vector.load %arg2[%get3A_2, %get3A_3] : memref<1024x1xf32, #tpu.memory_space<vmem>>, vector<1024x1xf32>
    %add3A = arith.addf %get3A_1, %get3A_4 : vector<1024x1xf32>
    %get3A_5 = arith.constant 0 : index
    %get3A_6 = arith.constant 0 : index
    %get3A_7 = vector.load %arg3[%get3A_5, %get3A_6] : memref<1024x1xf32, #tpu.memory_space<vmem>>, vector<1024x1xf32>
    %get3A_8 = arith.constant 0 : index
    %get3A_9 = arith.constant 0 : index
    %get3A_10 = vector.load %arg4[%get3A_8, %get3A_9] : memref<1024x1xf32, #tpu.memory_space<vmem>>, vector<1024x1xf32>
    %add3A_11 = arith.addf %get3A_7, %get3A_10 : vector<1024x1xf32>
    %gt3A = arith.constant 0.000000e+00 : f32
    %gt3A_12 = vector.broadcast %gt3A : f32 to vector<1024x1xf32>
    %gt3A_13 = arith.cmpf ogt, %add3A, %gt3A_12 : vector<1024x1xf32>
    %max3A = arith.constant 9.99999996E-13 : f32
    %max3A_14 = vector.broadcast %max3A : f32 to vector<1024x1xf32>
    %max3A_15 = arith.maximumf %add3A, %max3A_14 : vector<1024x1xf32>
    %rsqrt3A = math.rsqrt %max3A_15 : vector<1024x1xf32>
    %jit3A = arith.constant 0.000000e+00 : f32
    %broadcast_in_dim3A = vector.broadcast %jit3A : f32 to vector<1024x1xf32>
    %select_n3A = arith.select %gt3A_13, %rsqrt3A, %broadcast_in_dim3A : vector<1024x1xi1>, vector<1024x1xf32>
    %gt3A_16 = arith.constant 0.000000e+00 : f32
    %gt3A_17 = vector.broadcast %gt3A_16 : f32 to vector<1024x1xf32>
    %gt3A_18 = arith.cmpf ogt, %add3A_11, %gt3A_17 : vector<1024x1xf32>
    %max3A_19 = arith.constant 9.99999996E-13 : f32
    %max3A_20 = vector.broadcast %max3A_19 : f32 to vector<1024x1xf32>
    %max3A_21 = arith.maximumf %add3A_11, %max3A_20 : vector<1024x1xf32>
    %rsqrt3A_22 = math.rsqrt %max3A_21 : vector<1024x1xf32>
    %jit3A_23 = arith.constant 0.000000e+00 : f32
    %broadcast_in_dim3A_24 = vector.broadcast %jit3A_23 : f32 to vector<1024x1xf32>
    %select_n3A_25 = arith.select %gt3A_18, %rsqrt3A_22, %broadcast_in_dim3A_24 : vector<1024x1xi1>, vector<1024x1xf32>
    %swap3A = arith.constant 0 : index
    %swap3A_26 = arith.constant 0 : index
    %swap3A_27 = vector.load %arg6[%swap3A, %swap3A_26] : memref<1024x1xf32, #tpu.memory_space<vmem>>, vector<1024x1xf32>
    tpu.vector_store %arg6[%swap3A, %swap3A_26], %select_n3A {strides = array<i32>} : memref<1024x1xf32, #tpu.memory_space<vmem>>, vector<1024x1xf32>,
    %swap3A_28 = arith.constant 0 : index
    %swap3A_29 = arith.constant 0 : index
    %swap3A_30 = vector.load %arg7[%swap3A_28, %swap3A_29] : memref<1024x1xf32, #tpu.memory_space<vmem>>, vector<1024x1xf32>
    tpu.vector_store %arg7[%swap3A_28, %swap3A_29], %select_n3A_25 {strides = array<i32>} : memref<1024x1xf32, #tpu.memory_space<vmem>>, vector<1024x1xf32>,
    %get3A_31 = arith.constant 0 : index
    %get3A_32 = arith.constant 0 : index
    %get3A_33 = vector.load %arg5[%get3A_31, %get3A_32] : memref<1024x4xf32, #tpu.memory_space<vmem>>, vector<1024x4xf32>
    %mul3A = vector.broadcast %select_n3A : vector<1024x1xf32> to vector<1024x4xf32>
    %mul3A_34 = arith.mulf %get3A_33, %mul3A : vector<1024x4xf32>
    %swap3A_35 = arith.constant 0 : index
    %swap3A_36 = arith.constant 0 : index
    %swap3A_37 = vector.load %arg8[%swap3A_35, %swap3A_36] : memref<1024x4xf32, #tpu.memory_space<vmem>>, vector<1024x4xf32>
    tpu.vector_store %arg8[%swap3A_35, %swap3A_36], %mul3A_34 {strides = array<i32>} : memref<1024x4xf32, #tpu.memory_space<vmem>>, vector<1024x4xf32>,
    return
  }
  func.func @transform_0(%arg0: i32) -> (i32, i32) {
    %c0_i32 = arith.constant 0 : i32
    %c0_i32_0 = arith.constant 0 : i32
    return %arg0, %c0_i32 : i32, i32
  }
  func.func @transform_1(%arg0: i32) -> (i32, i32) {
    %c0_i32 = arith.constant 0 : i32
    %c0_i32_0 = arith.constant 0 : i32
    return %arg0, %c0_i32 : i32, i32
  }
  func.func @transform_2(%arg0: i32) -> (i32, i32) {
    %c0_i32 = arith.constant 0 : i32
    %c0_i32_0 = arith.constant 0 : i32
    return %arg0, %c0_i32 : i32, i32
  }
  func.func @transform_3(%arg0: i32) -> (i32, i32) {
    %c0_i32 = arith.constant 0 : i32
    %c0_i32_0 = arith.constant 0 : i32
    return %arg0, %c0_i32 : i32, i32
  }
  func.func @transform_4(%arg0: i32) -> (i32, i32) {
    %c0_i32 = arith.constant 0 : i32
    %c0_i32_0 = arith.constant 0 : i32
    return %arg0, %c0_i32 : i32, i32
  }
  func.func @transform_5(%arg0: i32) -> (i32, i32) {
    %c0_i32 = arith.constant 0 : i32
    %c0_i32_0 = arith.constant 0 : i32
    return %arg0, %c0_i32 : i32, i32
  }
  func.func @transform_6(%arg0: i32) -> (i32, i32) {
    %c0_i32 = arith.constant 0 : i32
    %c0_i32_0 = arith.constant 0 : i32
    return %arg0, %c0_i32 : i32, i32
  }
  func.func @transform_7(%arg0: i32) -> (i32, i32) {
    %c0_i32 = arith.constant 0 : i32
    %c0_i32_0 = arith.constant 0 : i32
    return %arg0, %c0_i32 : i32, i32
  }
}

module attributes {stable_mosaic.version = 14 : i64} {
  func.func @_layer_body(%arg0: i32, %arg1: memref<2x1024x4xf32, #tpu.memory_space<vmem>>, %arg2: memref<1024x1xf32, #tpu.memory_space<vmem>>, %arg3: memref<1024x4xf32, #tpu.memory_space<vmem>>, %arg4: memref<4x32xf32, #tpu.memory_space<vmem>>, %arg5: memref<4x32xf32, #tpu.memory_space<vmem>>, %arg6: memref<1x32xf32, #tpu.memory_space<vmem>>, %arg7: memref<32x1xf32, #tpu.memory_space<vmem>>, %arg8: memref<1024x1xf32, #tpu.memory_space<vmem>>, %arg9: memref<1024x32xf32, #tpu.memory_space<vmem>>, %arg10: memref<1024x1xf32, #tpu.memory_space<vmem>>, %arg11: memref<1x128xi32, #tpu.memory_space<vmem>>, %arg12: memref<392x128xf32, #tpu.memory_space<vmem>>) attributes {dimension_semantics = [#tpu.dimension_semantics<arbitrary>], iteration_bounds = array<i64: 50>, scalar_prefetch = 0 : i64, scratch_operands = 1 : i64, tpu.core_type = #tpu.core_type<tc>, window_params = [{transform_indices = @transform_0, window_bounds = array<i64: 2, 1024, 4>}, {transform_indices = @transform_1, window_bounds = array<i64: 1024, 1>}, {transform_indices = @transform_2, window_bounds = array<i64: 1024, 4>}, {pipeline_mode = #tpu.pipeline_mode<synchronous>, transform_indices = @transform_3, window_bounds = array<i64: 4, 32>}, {pipeline_mode = #tpu.pipeline_mode<synchronous>, transform_indices = @transform_4, window_bounds = array<i64: 4, 32>}, {pipeline_mode = #tpu.pipeline_mode<synchronous>, transform_indices = @transform_5, window_bounds = array<i64: 1, 32>}, {pipeline_mode = #tpu.pipeline_mode<synchronous>, transform_indices = @transform_6, window_bounds = array<i64: 32, 1>}, {transform_indices = @transform_7, window_bounds = array<i64: 1024, 1>}, {transform_indices = @transform_8, window_bounds = array<i64: 1024, 32>}, {transform_indices = @transform_9, window_bounds = array<i64: 1024, 1>}, {pipeline_mode = #tpu.pipeline_mode<synchronous>, transform_indices = @transform_10, window_bounds = array<i64: 1, 128>}]} {
    %lt3A = arith.constant 49 : i32
    %lt3A_0 = arith.cmpi slt, %arg0, %lt3A : i32
    %convert_element_type3A = arith.extui %lt3A_0 : i1 to i32
    %cond3A = arith.constant 0 : i32
    %cond3A_1 = arith.cmpi ne, %convert_element_type3A, %cond3A : i32
    scf.if %cond3A_1 {
      %get3A = arith.constant 0 : index
      %get3A_6 = arith.constant 0 : index
      %get3A_7 = vector.load %arg3[%get3A, %get3A_6] : memref<1024x4xf32, #tpu.memory_space<vmem>>, vector<1024x4xf32>
      %get3A_8 = arith.constant 0 : index
      %get3A_9 = arith.constant 0 : index
      %get3A_10 = vector.load %arg5[%get3A_8, %get3A_9] : memref<4x32xf32, #tpu.memory_space<vmem>>, vector<4x32xf32>
      %dot_general3A = arith.constant dense<0.000000e+00> : vector<1024x32xf32>
      %dot_general3A_11 = tpu.matmul %get3A_7, %get3A_10, %dot_general3A {dimension_numbers = #tpu.dot_dimension_numbers<[1], [0], [0], [1], [0, 0, 1, 1], [], []>, transpose_lhs_hint = false} : vector<1024x4xf32>, vector<4x32xf32>, vector<1024x32xf32> -> vector<1024x32xf32>
      %get3A_12 = arith.constant 0 : index
      %get3A_13 = arith.constant 0 : index
      %get3A_14 = vector.load %arg6[%get3A_12, %get3A_13] : memref<1x32xf32, #tpu.memory_space<vmem>>, vector<1x32xf32>
      %add3A = vector.broadcast %get3A_14 : vector<1x32xf32> to vector<1024x32xf32>
      %add3A_15 = arith.addf %dot_general3A_11, %add3A : vector<1024x32xf32>
      %get3A_16 = arith.constant 0 : index
      %get3A_17 = arith.constant 0 : index
      %get3A_18 = arith.constant 0 : index
      %get3A_19 = vector.load %arg1[%get3A_16, %get3A_17, %get3A_18] : memref<2x1024x4xf32, #tpu.memory_space<vmem>>, vector<1x1024x4xf32>
      %get3A_20 = vector.shape_cast %get3A_19 : vector<1x1024x4xf32> to vector<1024x4xf32>
      %get3A_21 = arith.constant 1 : index
      %get3A_22 = arith.constant 0 : index
      %get3A_23 = arith.constant 0 : index
      %get3A_24 = vector.load %arg1[%get3A_21, %get3A_22, %get3A_23] : memref<2x1024x4xf32, #tpu.memory_space<vmem>>, vector<1x1024x4xf32>
      %get3A_25 = vector.shape_cast %get3A_24 : vector<1x1024x4xf32> to vector<1024x4xf32>
      %add3A_26 = arith.addf %get3A_20, %get3A_25 : vector<1024x4xf32>
      %get3A_27 = arith.constant 0 : index
      %get3A_28 = arith.constant 0 : index
      %get3A_29 = vector.load %arg2[%get3A_27, %get3A_28] : memref<1024x1xf32, #tpu.memory_space<vmem>>, vector<1024x1xf32>
      %mul3A = vector.broadcast %get3A_29 : vector<1024x1xf32> to vector<1024x4xf32>
      %mul3A_30 = arith.mulf %add3A_26, %mul3A : vector<1024x4xf32>
      %get3A_31 = arith.constant 0 : index
      %get3A_32 = arith.constant 0 : index
      %get3A_33 = vector.load %arg4[%get3A_31, %get3A_32] : memref<4x32xf32, #tpu.memory_space<vmem>>, vector<4x32xf32>
      %dot_general3A_34 = arith.constant dense<0.000000e+00> : vector<1024x32xf32>
      %dot_general3A_35 = tpu.matmul %mul3A_30, %get3A_33, %dot_general3A_34 {dimension_numbers = #tpu.dot_dimension_numbers<[1], [0], [0], [1], [0, 0, 1, 1], [], []>, transpose_lhs_hint = false} : vector<1024x4xf32>, vector<4x32xf32>, vector<1024x32xf32> -> vector<1024x32xf32>
      %add3A_36 = arith.addf %add3A_15, %dot_general3A_35 : vector<1024x32xf32>
      %max3A = arith.constant 0.000000e+00 : f32
      %max3A_37 = vector.broadcast %max3A : f32 to vector<1024x32xf32>
      %max3A_38 = arith.maximumf %add3A_36, %max3A_37 : vector<1024x32xf32>
      %swap3A = arith.constant 0 : index
      %swap3A_39 = arith.constant 0 : index
      %swap3A_40 = vector.load %arg9[%swap3A, %swap3A_39] : memref<1024x32xf32, #tpu.memory_space<vmem>>, vector<1024x32xf32>
      tpu.vector_store %arg9[%swap3A, %swap3A_39], %max3A_38 {strides = array<i32>} : memref<1024x32xf32, #tpu.memory_space<vmem>>, vector<1024x32xf32>,
      %get3A_41 = arith.constant 0 : index
      %get3A_42 = arith.constant 0 : index
      %get3A_43 = vector.load %arg7[%get3A_41, %get3A_42] : memref<32x1xf32, #tpu.memory_space<vmem>>, vector<32x1xf32>
      %dot_general3A_44 = arith.constant dense<0.000000e+00> : vector<1024x1xf32>
      %dot_general3A_45 = tpu.matmul %max3A_38, %get3A_43, %dot_general3A_44 {dimension_numbers = #tpu.dot_dimension_numbers<[1], [0], [0], [1], [0, 0, 1, 1], [], []>, transpose_lhs_hint = false} : vector<1024x32xf32>, vector<32x1xf32>, vector<1024x1xf32> -> vector<1024x1xf32>
      %get3A_46 = arith.constant 0 : index
      %get3A_47 = arith.constant 0 : index
      %get3A_48 = vector.load %arg8[%get3A_46, %get3A_47] : memref<1024x1xf32, #tpu.memory_space<vmem>>, vector<1024x1xf32>
      %gt3A = arith.constant 0.000000e+00 : f32
      %gt3A_49 = vector.broadcast %gt3A : f32 to vector<1024x1xf32>
      %gt3A_50 = arith.cmpf ogt, %get3A_48, %gt3A_49 : vector<1024x1xf32>
      %jit3A = arith.constant 0xFF800000 : f32
      %broadcast_in_dim3A = vector.broadcast %jit3A : f32 to vector<1024x1xf32>
      %select_n3A = arith.select %gt3A_50, %dot_general3A_45, %broadcast_in_dim3A : vector<1024x1xi1>, vector<1024x1xf32>
      %swap3A_51 = arith.constant 0 : index
      %swap3A_52 = arith.constant 0 : index
      %swap3A_53 = vector.load %arg10[%swap3A_51, %swap3A_52] : memref<1024x1xf32, #tpu.memory_space<vmem>>, vector<1024x1xf32>
      tpu.vector_store %arg10[%swap3A_51, %swap3A_52], %select_n3A {strides = array<i32>} : memref<1024x1xf32, #tpu.memory_space<vmem>>, vector<1024x1xf32>,
      %reshape3A = vector.shape_cast %select_n3A : vector<1024x1xf32> to vector<8x128xf32>
      %mul3A_54 = arith.constant 8 : i32
      %mul3A_55 = arith.muli %arg0, %mul3A_54 : i32
      %swap3A_56 = arith.index_cast %mul3A_55 : i32 to index
      %swap3A_57 = arith.constant 0 : index
      %swap3A_58 = vector.load %arg12[%swap3A_56, %swap3A_57] : memref<392x128xf32, #tpu.memory_space<vmem>>, vector<8x128xf32>
      tpu.vector_store %arg12[%swap3A_56, %swap3A_57], %reshape3A {strides = array<i32>} : memref<392x128xf32, #tpu.memory_space<vmem>>, vector<8x128xf32>,
    } else {
    }
    %eq3A = arith.constant 49 : i32
    %eq3A_2 = arith.cmpi eq, %arg0, %eq3A : i32
    %convert_element_type3A_3 = arith.extui %eq3A_2 : i1 to i32
    %cond3A_4 = arith.constant 0 : i32
    %cond3A_5 = arith.cmpi ne, %convert_element_type3A_3, %cond3A_4 : i32
    scf.if %cond3A_5 {
      %get3A = arith.constant 0 : index
      %get3A_6 = arith.constant 0 : index
      %get3A_7 = vector.load %arg12[%get3A, %get3A_6] : memref<392x128xf32, #tpu.memory_space<vmem>>, vector<392x128xf32>
      %bitcast_convert_type3A = tpu.bitcast %get3A_7 : vector<392x128xf32> -> vector<392x128xi32>
      %shift_right_logical3A = arith.constant 31 : i32
      %shift_right_logical3A_8 = vector.broadcast %shift_right_logical3A : i32 to vector<392x128xi32>
      %shift_right_logical3A_9 = arith.shrui %bitcast_convert_type3A, %shift_right_logical3A_8 : vector<392x128xi32>
      %gt3A = arith.constant 0 : i32
      %gt3A_10 = vector.broadcast %gt3A : i32 to vector<392x128xi32>
      %gt3A_11 = arith.cmpi ugt, %shift_right_logical3A_9, %gt3A_10 : vector<392x128xi32>
      %not3A = arith.constant dense<-1> : vector<392x128xi32>
      %not3A_12 = arith.xori %bitcast_convert_type3A, %not3A : vector<392x128xi32>
      %or3A = arith.constant -2147483648 : i32
      %or3A_13 = vector.broadcast %or3A : i32 to vector<392x128xi32>
      %or3A_14 = arith.ori %bitcast_convert_type3A, %or3A_13 : vector<392x128xi32>
      %select_n3A = arith.select %gt3A_11, %not3A_12, %or3A_14 : vector<392x128xi1>, vector<392x128xi32>
      %scan3A = arith.constant 0 : i32
      %scan3A_15 = arith.constant 0 : i32
      %scan3A_16 = arith.constant 32 : i32
      %scan3A_17 = arith.addi %scan3A_15, %scan3A_16 : i32
      %scan3A_18 = arith.constant 1 : i32
      %scan3A_19 = scf.for %scan3A_61 = %scan3A_15 to %scan3A_17 step %scan3A_18 iter_args(%scan3A_62 = %scan3A) -> (i32)  : i32 {
        %sub3A_63 = arith.constant 31 : i32
        %sub3A_64 = arith.subi %sub3A_63, %scan3A_61 : i32
        %shift_left3A = arith.constant 1 : i32
        %shift_left3A_65 = arith.shli %shift_left3A, %sub3A_64 : i32
        %or3A_66 = arith.ori %scan3A_62, %shift_left3A_65 : i32
        %ge3A = vector.broadcast %or3A_66 : i32 to vector<392x128xi32>
        %ge3A_67 = arith.cmpi uge, %select_n3A, %ge3A : vector<392x128xi32>
        %convert_element_type3A_68 = arith.extui %ge3A_67 : vector<392x128xi1> to vector<392x128xi32>
        %reduce_sum3A_69 = vector.shape_cast %convert_element_type3A_68 : vector<392x128xi32> to vector<1x392x128xi32>
        %reduce_sum3A_70 = arith.constant dense<0> : vector<1xi32>
        %reduce_sum3A_71 = vector.multi_reduction <add>, %reduce_sum3A_69, %reduce_sum3A_70 [1, 2] : vector<1x392x128xi32> to vector<1xi32>
        %reduce_sum3A_72 = vector.shape_cast %reduce_sum3A_71 : vector<1xi32> to vector<1x1x1xi32>
        %reduce_sum3A_73 = vector.extract %reduce_sum3A_72[0, 0, 0] : i32 from vector<1x1x1xi32>
        %ge3A_74 = arith.constant 25000 : i32
        %ge3A_75 = arith.cmpi sge, %reduce_sum3A_73, %ge3A_74 : i32
        %select_n3A_76 = arith.select %ge3A_75, %or3A_66, %scan3A_62 : i32
        scf.yield %select_n3A_76 : i32
      }
      %scan3A_20 = arith.constant 32 : i32
      %gt3A_21 = vector.broadcast %scan3A_19 : i32 to vector<392x128xi32>
      %gt3A_22 = arith.cmpi ugt, %select_n3A, %gt3A_21 : vector<392x128xi32>
      %convert_element_type3A_23 = arith.extui %gt3A_22 : vector<392x128xi1> to vector<392x128xi32>
      %reduce_sum3A = vector.shape_cast %convert_element_type3A_23 : vector<392x128xi32> to vector<1x392x128xi32>
      %reduce_sum3A_24 = arith.constant dense<0> : vector<1xi32>
      %reduce_sum3A_25 = vector.multi_reduction <add>, %reduce_sum3A, %reduce_sum3A_24 [1, 2] : vector<1x392x128xi32> to vector<1xi32>
      %reduce_sum3A_26 = vector.shape_cast %reduce_sum3A_25 : vector<1xi32> to vector<1x1x1xi32>
      %reduce_sum3A_27 = vector.extract %reduce_sum3A_26[0, 0, 0] : i32 from vector<1x1x1xi32>
      %sub3A = arith.constant 25000 : i32
      %sub3A_28 = arith.subi %sub3A, %reduce_sum3A_27 : i32
      %eq3A_29 = vector.broadcast %scan3A_19 : i32 to vector<392x128xi32>
      %eq3A_30 = arith.cmpi eq, %select_n3A, %eq3A_29 : vector<392x128xi32>
      %iota3A = tpu.iota {dimensions = array<i32: 0>} : vector<392x128xi32>
      %mul3A = arith.constant 128 : i32
      %mul3A_31 = vector.broadcast %mul3A : i32 to vector<392x128xi32>
      %mul3A_32 = arith.muli %iota3A, %mul3A_31 : vector<392x128xi32>
      %iota3A_33 = tpu.iota {dimensions = array<i32: 1>} : vector<392x128xi32>
      %add3A = arith.addi %mul3A_32, %iota3A_33 : vector<392x128xi32>
      %scan3A_34 = arith.constant 0 : i32
      %scan3A_35 = arith.constant 0 : i32
      %scan3A_36 = arith.constant 17 : i32
      %scan3A_37 = arith.addi %scan3A_35, %scan3A_36 : i32
      %scan3A_38 = arith.constant 1 : i32
      %scan3A_39 = scf.for %scan3A_61 = %scan3A_35 to %scan3A_37 step %scan3A_38 iter_args(%scan3A_62 = %scan3A_34) -> (i32)  : i32 {
        %sub3A_63 = arith.constant 16 : i32
        %sub3A_64 = arith.subi %sub3A_63, %scan3A_61 : i32
        %shift_left3A = arith.constant 1 : i32
        %shift_left3A_65 = arith.shli %shift_left3A, %sub3A_64 : i32
        %or3A_66 = arith.ori %scan3A_62, %shift_left3A_65 : i32
        %lt3A_67 = vector.broadcast %or3A_66 : i32 to vector<392x128xi32>
        %lt3A_68 = arith.cmpi slt, %add3A, %lt3A_67 : vector<392x128xi32>
        %and3A = arith.andi %eq3A_30, %lt3A_68 : vector<392x128xi1>
        %convert_element_type3A_69 = arith.extui %and3A : vector<392x128xi1> to vector<392x128xi32>
        %reduce_sum3A_70 = vector.shape_cast %convert_element_type3A_69 : vector<392x128xi32> to vector<1x392x128xi32>
        %reduce_sum3A_71 = arith.constant dense<0> : vector<1xi32>
        %reduce_sum3A_72 = vector.multi_reduction <add>, %reduce_sum3A_70, %reduce_sum3A_71 [1, 2] : vector<1x392x128xi32> to vector<1xi32>
        %reduce_sum3A_73 = vector.shape_cast %reduce_sum3A_72 : vector<1xi32> to vector<1x1x1xi32>
        %reduce_sum3A_74 = vector.extract %reduce_sum3A_73[0, 0, 0] : i32 from vector<1x1x1xi32>
        %lt3A_75 = arith.cmpi slt, %reduce_sum3A_74, %sub3A_28 : i32
        %select_n3A_76 = arith.select %lt3A_75, %or3A_66, %scan3A_62 : i32
        scf.yield %select_n3A_76 : i32
      }
      %scan3A_40 = arith.constant 17 : i32
      %gt3A_41 = arith.constant 0 : i32
      %gt3A_42 = arith.cmpi sgt, %sub3A_28, %gt3A_41 : i32
      %add3A_43 = arith.constant 1 : i32
      %add3A_44 = arith.addi %scan3A_39, %add3A_43 : i32
      %jit3A = arith.constant 0 : i32
      %select_n3A_45 = arith.select %gt3A_42, %add3A_44, %jit3A : i32
      %iota3A_46 = tpu.iota {dimensions = array<i32: 1>} : vector<1x128xi32>
      %bitcast_convert_type3A_47 = arith.bitcast %scan3A_19 : i32 to i32
      %eq3A_48 = arith.constant 0 : i32
      %eq3A_49 = vector.broadcast %eq3A_48 : i32 to vector<1x128xi32>
      %eq3A_50 = arith.cmpi eq, %iota3A_46, %eq3A_49 : vector<1x128xi32>
      %eq3A_51 = arith.constant 1 : i32
      %eq3A_52 = vector.broadcast %eq3A_51 : i32 to vector<1x128xi32>
      %eq3A_53 = arith.cmpi eq, %iota3A_46, %eq3A_52 : vector<1x128xi32>
      %jit3A_54 = arith.constant 0 : i32
      %broadcast_in_dim3A = vector.broadcast %select_n3A_45 : i32 to vector<1x128xi32>
      %broadcast_in_dim3A_55 = vector.broadcast %jit3A_54 : i32 to vector<1x128xi32>
      %select_n3A_56 = arith.select %eq3A_53, %broadcast_in_dim3A, %broadcast_in_dim3A_55 : vector<1x128xi1>, vector<1x128xi32>
      %broadcast_in_dim3A_57 = vector.broadcast %bitcast_convert_type3A_47 : i32 to vector<1x128xi32>
      %select_n3A_58 = arith.select %eq3A_50, %broadcast_in_dim3A_57, %select_n3A_56 : vector<1x128xi1>, vector<1x128xi32>
      %swap3A = arith.constant 0 : index
      %swap3A_59 = arith.constant 0 : index
      %swap3A_60 = vector.load %arg11[%swap3A, %swap3A_59] : memref<1x128xi32, #tpu.memory_space<vmem>>, vector<1x128xi32>
      tpu.vector_store %arg11[%swap3A, %swap3A_59], %select_n3A_58 {strides = array<i32>} : memref<1x128xi32, #tpu.memory_space<vmem>>, vector<1x128xi32>,
    } else {
    }
    return
  }
  func.func @transform_0(%arg0: i32) -> (i32, i32, i32) {
    %min3A = arith.constant 48 : i32
    %min3A_0 = arith.minsi %arg0, %min3A : i32
    %c0_i32 = arith.constant 0 : i32
    %c0_i32_1 = arith.constant 0 : i32
    %c0_i32_2 = arith.constant 0 : i32
    return %c0_i32, %min3A_0, %c0_i32_1 : i32, i32, i32
  }
  func.func @transform_1(%arg0: i32) -> (i32, i32) {
    %min3A = arith.constant 48 : i32
    %min3A_0 = arith.minsi %arg0, %min3A : i32
    %c0_i32 = arith.constant 0 : i32
    %c0_i32_1 = arith.constant 0 : i32
    return %min3A_0, %c0_i32 : i32, i32
  }
  func.func @transform_2(%arg0: i32) -> (i32, i32) {
    %min3A = arith.constant 48 : i32
    %min3A_0 = arith.minsi %arg0, %min3A : i32
    %c0_i32 = arith.constant 0 : i32
    %c0_i32_1 = arith.constant 0 : i32
    return %min3A_0, %c0_i32 : i32, i32
  }
  func.func @transform_3(%arg0: i32) -> (i32, i32) {
    %c0_i32 = arith.constant 0 : i32
    %c0_i32_0 = arith.constant 0 : i32
    %c0_i32_1 = arith.constant 0 : i32
    return %c0_i32, %c0_i32_0 : i32, i32
  }
  func.func @transform_4(%arg0: i32) -> (i32, i32) {
    %c0_i32 = arith.constant 0 : i32
    %c0_i32_0 = arith.constant 0 : i32
    %c0_i32_1 = arith.constant 0 : i32
    return %c0_i32, %c0_i32_0 : i32, i32
  }
  func.func @transform_5(%arg0: i32) -> (i32, i32) {
    %c0_i32 = arith.constant 0 : i32
    %c0_i32_0 = arith.constant 0 : i32
    %c0_i32_1 = arith.constant 0 : i32
    return %c0_i32, %c0_i32_0 : i32, i32
  }
  func.func @transform_6(%arg0: i32) -> (i32, i32) {
    %c0_i32 = arith.constant 0 : i32
    %c0_i32_0 = arith.constant 0 : i32
    %c0_i32_1 = arith.constant 0 : i32
    return %c0_i32, %c0_i32_0 : i32, i32
  }
  func.func @transform_7(%arg0: i32) -> (i32, i32) {
    %min3A = arith.constant 48 : i32
    %min3A_0 = arith.minsi %arg0, %min3A : i32
    %c0_i32 = arith.constant 0 : i32
    %c0_i32_1 = arith.constant 0 : i32
    return %min3A_0, %c0_i32 : i32, i32
  }
  func.func @transform_8(%arg0: i32) -> (i32, i32) {
    %min3A = arith.constant 48 : i32
    %min3A_0 = arith.minsi %arg0, %min3A : i32
    %c0_i32 = arith.constant 0 : i32
    %c0_i32_1 = arith.constant 0 : i32
    return %min3A_0, %c0_i32 : i32, i32
  }
  func.func @transform_9(%arg0: i32) -> (i32, i32) {
    %min3A = arith.constant 48 : i32
    %min3A_0 = arith.minsi %arg0, %min3A : i32
    %c0_i32 = arith.constant 0 : i32
    %c0_i32_1 = arith.constant 0 : i32
    return %min3A_0, %c0_i32 : i32, i32
  }
  func.func @transform_10(%arg0: i32) -> (i32, i32) {
    %c0_i32 = arith.constant 0 : i32
    %c0_i32_0 = arith.constant 0 : i32
    %c0_i32_1 = arith.constant 0 : i32
    return %c0_i32, %c0_i32_0 : i32, i32
  }
}

module attributes {stable_mosaic.version = 14 : i64} {
  func.func @_gate_body(%arg0: i32, %arg1: memref<1024x1xf32, #tpu.memory_space<vmem>>, %arg2: memref<1024x32xf32, #tpu.memory_space<vmem>>, %arg3: memref<1024x1xf32, #tpu.memory_space<vmem>>, %arg4: memref<1024x1xf32, #tpu.memory_space<vmem>>, %arg5: memref<1x128xi32, #tpu.memory_space<vmem>>, %arg6: memref<1024x32xf32, #tpu.memory_space<vmem>>, %arg7: memref<1024x32xf32, #tpu.memory_space<vmem>>, %arg8: memref<1024x1xf32, #tpu.memory_space<vmem>>, %arg9: memref<1024x1xf32, #tpu.memory_space<vmem>>) attributes {dimension_semantics = [#tpu.dimension_semantics<arbitrary>], iteration_bounds = array<i64: 49>, scalar_prefetch = 0 : i64, scratch_operands = 0 : i64, tpu.core_type = #tpu.core_type<tc>, window_params = [{transform_indices = @transform_0, window_bounds = array<i64: 1024, 1>}, {transform_indices = @transform_1, window_bounds = array<i64: 1024, 32>}, {transform_indices = @transform_2, window_bounds = array<i64: 1024, 1>}, {transform_indices = @transform_3, window_bounds = array<i64: 1024, 1>}, {pipeline_mode = #tpu.pipeline_mode<synchronous>, transform_indices = @transform_4, window_bounds = array<i64: 1, 128>}, {transform_indices = @transform_5, window_bounds = array<i64: 1024, 32>}, {transform_indices = @transform_6, window_bounds = array<i64: 1024, 32>}, {transform_indices = @transform_7, window_bounds = array<i64: 1024, 1>}, {transform_indices = @transform_8, window_bounds = array<i64: 1024, 1>}]} {
    %get3A = arith.constant 0 : index
    %get3A_0 = arith.constant 0 : index
    %get3A_1 = vector.load %arg5[%get3A, %get3A_0] : memref<1x128xi32, #tpu.memory_space<vmem>>, vector<1x1xi32>
    %get3A_2 = vector.extract %get3A_1[0, 0] : i32 from vector<1x1xi32>
    %bitcast_convert_type3A = arith.bitcast %get3A_2 : i32 to i32
    %get3A_3 = arith.constant 0 : index
    %get3A_4 = arith.constant 1 : index
    %get3A_5 = vector.load %arg5[%get3A_3, %get3A_4] : memref<1x128xi32, #tpu.memory_space<vmem>>, vector<1x1xi32>
    %get3A_6 = vector.extract %get3A_5[0, 0] : i32 from vector<1x1xi32>
    %get3A_7 = arith.constant 0 : index
    %get3A_8 = arith.constant 0 : index
    %get3A_9 = vector.load %arg1[%get3A_7, %get3A_8] : memref<1024x1xf32, #tpu.memory_space<vmem>>, vector<1024x1xf32>
    %bitcast_convert_type3A_10 = tpu.bitcast %get3A_9 : vector<1024x1xf32> -> vector<1024x1xi32>
    %shift_right_logical3A = arith.constant 31 : i32
    %shift_right_logical3A_11 = vector.broadcast %shift_right_logical3A : i32 to vector<1024x1xi32>
    %shift_right_logical3A_12 = arith.shrui %bitcast_convert_type3A_10, %shift_right_logical3A_11 : vector<1024x1xi32>
    %gt3A = arith.constant 0 : i32
    %gt3A_13 = vector.broadcast %gt3A : i32 to vector<1024x1xi32>
    %gt3A_14 = arith.cmpi ugt, %shift_right_logical3A_12, %gt3A_13 : vector<1024x1xi32>
    %not3A = arith.constant dense<-1> : vector<1024x1xi32>
    %not3A_15 = arith.xori %bitcast_convert_type3A_10, %not3A : vector<1024x1xi32>
    %or3A = arith.constant -2147483648 : i32
    %or3A_16 = vector.broadcast %or3A : i32 to vector<1024x1xi32>
    %or3A_17 = arith.ori %bitcast_convert_type3A_10, %or3A_16 : vector<1024x1xi32>
    %select_n3A = arith.select %gt3A_14, %not3A_15, %or3A_17 : vector<1024x1xi1>, vector<1024x1xi32>
    %mul3A = arith.constant 1024 : i32
    %mul3A_18 = arith.muli %arg0, %mul3A : i32
    %iota3A = tpu.iota {dimensions = array<i32: 0>} : vector<1024x1xi32>
    %add3A = vector.broadcast %mul3A_18 : i32 to vector<1024x1xi32>
    %add3A_19 = arith.addi %add3A, %iota3A : vector<1024x1xi32>
    %gt3A_20 = vector.broadcast %bitcast_convert_type3A : i32 to vector<1024x1xi32>
    %gt3A_21 = arith.cmpi ugt, %select_n3A, %gt3A_20 : vector<1024x1xi32>
    %eq3A = vector.broadcast %bitcast_convert_type3A : i32 to vector<1024x1xi32>
    %eq3A_22 = arith.cmpi eq, %select_n3A, %eq3A : vector<1024x1xi32>
    %lt3A = vector.broadcast %get3A_6 : i32 to vector<1024x1xi32>
    %lt3A_23 = arith.cmpi slt, %add3A_19, %lt3A : vector<1024x1xi32>
    %and3A = arith.andi %eq3A_22, %lt3A_23 : vector<1024x1xi1>
    %or3A_24 = arith.ori %gt3A_21, %and3A : vector<1024x1xi1>
    %convert_element_type3A = arith.extui %or3A_24 : vector<1024x1xi1> to vector<1024x1xi32>
    %convert_element_type3A_25 = arith.sitofp %convert_element_type3A : vector<1024x1xi32> to vector<1024x1xf32>
    %tanh3A = math.tanh %get3A_9 : vector<1024x1xf32>
    %mul3A_26 = arith.mulf %tanh3A, %convert_element_type3A_25 : vector<1024x1xf32>
    %get3A_27 = arith.constant 0 : index
    %get3A_28 = arith.constant 0 : index
    %get3A_29 = vector.load %arg2[%get3A_27, %get3A_28] : memref<1024x32xf32, #tpu.memory_space<vmem>>, vector<1024x32xf32>
    %mul3A_30 = vector.broadcast %mul3A_26 : vector<1024x1xf32> to vector<1024x32xf32>
    %mul3A_31 = arith.mulf %get3A_29, %mul3A_30 : vector<1024x32xf32>
    %swap3A = arith.constant 0 : index
    %swap3A_32 = arith.constant 0 : index
    %swap3A_33 = vector.load %arg7[%swap3A, %swap3A_32] : memref<1024x32xf32, #tpu.memory_space<vmem>>, vector<1024x32xf32>
    tpu.vector_store %arg7[%swap3A, %swap3A_32], %mul3A_31 {strides = array<i32>} : memref<1024x32xf32, #tpu.memory_space<vmem>>, vector<1024x32xf32>,
    %get3A_34 = arith.constant 0 : index
    %get3A_35 = arith.constant 0 : index
    %get3A_36 = vector.load %arg3[%get3A_34, %get3A_35] : memref<1024x1xf32, #tpu.memory_space<vmem>>, vector<1024x1xf32>
    %mul3A_37 = arith.mulf %get3A_36, %convert_element_type3A_25 : vector<1024x1xf32>
    %mul3A_38 = vector.broadcast %mul3A_37 : vector<1024x1xf32> to vector<1024x32xf32>
    %mul3A_39 = arith.mulf %mul3A_31, %mul3A_38 : vector<1024x32xf32>
    %swap3A_40 = arith.constant 0 : index
    %swap3A_41 = arith.constant 0 : index
    %swap3A_42 = vector.load %arg6[%swap3A_40, %swap3A_41] : memref<1024x32xf32, #tpu.memory_space<vmem>>, vector<1024x32xf32>
    tpu.vector_store %arg6[%swap3A_40, %swap3A_41], %mul3A_39 {strides = array<i32>} : memref<1024x32xf32, #tpu.memory_space<vmem>>, vector<1024x32xf32>,
    %get3A_43 = arith.constant 0 : index
    %get3A_44 = arith.constant 0 : index
    %get3A_45 = vector.load %arg4[%get3A_43, %get3A_44] : memref<1024x1xf32, #tpu.memory_space<vmem>>, vector<1024x1xf32>
    %mul3A_46 = arith.mulf %get3A_45, %convert_element_type3A_25 : vector<1024x1xf32>
    %swap3A_47 = arith.constant 0 : index
    %swap3A_48 = arith.constant 0 : index
    %swap3A_49 = vector.load %arg8[%swap3A_47, %swap3A_48] : memref<1024x1xf32, #tpu.memory_space<vmem>>, vector<1024x1xf32>
    tpu.vector_store %arg8[%swap3A_47, %swap3A_48], %mul3A_46 {strides = array<i32>} : memref<1024x1xf32, #tpu.memory_space<vmem>>, vector<1024x1xf32>,
    %swap3A_50 = arith.constant 0 : index
    %swap3A_51 = arith.constant 0 : index
    %swap3A_52 = vector.load %arg9[%swap3A_50, %swap3A_51] : memref<1024x1xf32, #tpu.memory_space<vmem>>, vector<1024x1xf32>
    tpu.vector_store %arg9[%swap3A_50, %swap3A_51], %convert_element_type3A_25 {strides = array<i32>} : memref<1024x1xf32, #tpu.memory_space<vmem>>, vector<1024x1xf32>,
    return
  }
  func.func @transform_0(%arg0: i32) -> (i32, i32) {
    %c0_i32 = arith.constant 0 : i32
    %c0_i32_0 = arith.constant 0 : i32
    return %arg0, %c0_i32 : i32, i32
  }
  func.func @transform_1(%arg0: i32) -> (i32, i32) {
    %c0_i32 = arith.constant 0 : i32
    %c0_i32_0 = arith.constant 0 : i32
    return %arg0, %c0_i32 : i32, i32
  }
  func.func @transform_2(%arg0: i32) -> (i32, i32) {
    %c0_i32 = arith.constant 0 : i32
    %c0_i32_0 = arith.constant 0 : i32
    return %arg0, %c0_i32 : i32, i32
  }
  func.func @transform_3(%arg0: i32) -> (i32, i32) {
    %c0_i32 = arith.constant 0 : i32
    %c0_i32_0 = arith.constant 0 : i32
    return %arg0, %c0_i32 : i32, i32
  }
  func.func @transform_4(%arg0: i32) -> (i32, i32) {
    %c0_i32 = arith.constant 0 : i32
    %c0_i32_0 = arith.constant 0 : i32
    %c0_i32_1 = arith.constant 0 : i32
    return %c0_i32, %c0_i32_0 : i32, i32
  }
  func.func @transform_5(%arg0: i32) -> (i32, i32) {
    %c0_i32 = arith.constant 0 : i32
    %c0_i32_0 = arith.constant 0 : i32
    return %arg0, %c0_i32 : i32, i32
  }
  func.func @transform_6(%arg0: i32) -> (i32, i32) {
    %c0_i32 = arith.constant 0 : i32
    %c0_i32_0 = arith.constant 0 : i32
    return %arg0, %c0_i32 : i32, i32
  }
  func.func @transform_7(%arg0: i32) -> (i32, i32) {
    %c0_i32 = arith.constant 0 : i32
    %c0_i32_0 = arith.constant 0 : i32
    return %arg0, %c0_i32 : i32, i32
  }
  func.func @transform_8(%arg0: i32) -> (i32, i32) {
    %c0_i32 = arith.constant 0 : i32
    %c0_i32_0 = arith.constant 0 : i32
    return %arg0, %c0_i32 : i32, i32
  }
}

module attributes {stable_mosaic.version = 14 : i64} {
  func.func @_layer_body(%arg0: i32, %arg1: memref<2x1024x32xf32, #tpu.memory_space<vmem>>, %arg2: memref<1024x1xf32, #tpu.memory_space<vmem>>, %arg3: memref<1024x32xf32, #tpu.memory_space<vmem>>, %arg4: memref<32x32xf32, #tpu.memory_space<vmem>>, %arg5: memref<32x32xf32, #tpu.memory_space<vmem>>, %arg6: memref<1x32xf32, #tpu.memory_space<vmem>>, %arg7: memref<32x1xf32, #tpu.memory_space<vmem>>, %arg8: memref<1024x1xf32, #tpu.memory_space<vmem>>, %arg9: memref<1024x32xf32, #tpu.memory_space<vmem>>, %arg10: memref<1024x1xf32, #tpu.memory_space<vmem>>, %arg11: memref<1x128xi32, #tpu.memory_space<vmem>>, %arg12: memref<392x128xf32, #tpu.memory_space<vmem>>) attributes {dimension_semantics = [#tpu.dimension_semantics<arbitrary>], iteration_bounds = array<i64: 50>, scalar_prefetch = 0 : i64, scratch_operands = 1 : i64, tpu.core_type = #tpu.core_type<tc>, window_params = [{transform_indices = @transform_0, window_bounds = array<i64: 2, 1024, 32>}, {transform_indices = @transform_1, window_bounds = array<i64: 1024, 1>}, {transform_indices = @transform_2, window_bounds = array<i64: 1024, 32>}, {pipeline_mode = #tpu.pipeline_mode<synchronous>, transform_indices = @transform_3, window_bounds = array<i64: 32, 32>}, {pipeline_mode = #tpu.pipeline_mode<synchronous>, transform_indices = @transform_4, window_bounds = array<i64: 32, 32>}, {pipeline_mode = #tpu.pipeline_mode<synchronous>, transform_indices = @transform_5, window_bounds = array<i64: 1, 32>}, {pipeline_mode = #tpu.pipeline_mode<synchronous>, transform_indices = @transform_6, window_bounds = array<i64: 32, 1>}, {transform_indices = @transform_7, window_bounds = array<i64: 1024, 1>}, {transform_indices = @transform_8, window_bounds = array<i64: 1024, 32>}, {transform_indices = @transform_9, window_bounds = array<i64: 1024, 1>}, {pipeline_mode = #tpu.pipeline_mode<synchronous>, transform_indices = @transform_10, window_bounds = array<i64: 1, 128>}]} {
    %lt3A = arith.constant 49 : i32
    %lt3A_0 = arith.cmpi slt, %arg0, %lt3A : i32
    %convert_element_type3A = arith.extui %lt3A_0 : i1 to i32
    %cond3A = arith.constant 0 : i32
    %cond3A_1 = arith.cmpi ne, %convert_element_type3A, %cond3A : i32
    scf.if %cond3A_1 {
      %get3A = arith.constant 0 : index
      %get3A_6 = arith.constant 0 : index
      %get3A_7 = vector.load %arg3[%get3A, %get3A_6] : memref<1024x32xf32, #tpu.memory_space<vmem>>, vector<1024x32xf32>
      %get3A_8 = arith.constant 0 : index
      %get3A_9 = arith.constant 0 : index
      %get3A_10 = vector.load %arg5[%get3A_8, %get3A_9] : memref<32x32xf32, #tpu.memory_space<vmem>>, vector<32x32xf32>
      %dot_general3A = arith.constant dense<0.000000e+00> : vector<1024x32xf32>
      %dot_general3A_11 = tpu.matmul %get3A_7, %get3A_10, %dot_general3A {dimension_numbers = #tpu.dot_dimension_numbers<[1], [0], [0], [1], [0, 0, 1, 1], [], []>, transpose_lhs_hint = false} : vector<1024x32xf32>, vector<32x32xf32>, vector<1024x32xf32> -> vector<1024x32xf32>
      %get3A_12 = arith.constant 0 : index
      %get3A_13 = arith.constant 0 : index
      %get3A_14 = vector.load %arg6[%get3A_12, %get3A_13] : memref<1x32xf32, #tpu.memory_space<vmem>>, vector<1x32xf32>
      %add3A = vector.broadcast %get3A_14 : vector<1x32xf32> to vector<1024x32xf32>
      %add3A_15 = arith.addf %dot_general3A_11, %add3A : vector<1024x32xf32>
      %get3A_16 = arith.constant 0 : index
      %get3A_17 = arith.constant 0 : index
      %get3A_18 = arith.constant 0 : index
      %get3A_19 = vector.load %arg1[%get3A_16, %get3A_17, %get3A_18] : memref<2x1024x32xf32, #tpu.memory_space<vmem>>, vector<1x1024x32xf32>
      %get3A_20 = vector.shape_cast %get3A_19 : vector<1x1024x32xf32> to vector<1024x32xf32>
      %get3A_21 = arith.constant 1 : index
      %get3A_22 = arith.constant 0 : index
      %get3A_23 = arith.constant 0 : index
      %get3A_24 = vector.load %arg1[%get3A_21, %get3A_22, %get3A_23] : memref<2x1024x32xf32, #tpu.memory_space<vmem>>, vector<1x1024x32xf32>
      %get3A_25 = vector.shape_cast %get3A_24 : vector<1x1024x32xf32> to vector<1024x32xf32>
      %add3A_26 = arith.addf %get3A_20, %get3A_25 : vector<1024x32xf32>
      %get3A_27 = arith.constant 0 : index
      %get3A_28 = arith.constant 0 : index
      %get3A_29 = vector.load %arg2[%get3A_27, %get3A_28] : memref<1024x1xf32, #tpu.memory_space<vmem>>, vector<1024x1xf32>
      %mul3A = vector.broadcast %get3A_29 : vector<1024x1xf32> to vector<1024x32xf32>
      %mul3A_30 = arith.mulf %add3A_26, %mul3A : vector<1024x32xf32>
      %get3A_31 = arith.constant 0 : index
      %get3A_32 = arith.constant 0 : index
      %get3A_33 = vector.load %arg4[%get3A_31, %get3A_32] : memref<32x32xf32, #tpu.memory_space<vmem>>, vector<32x32xf32>
      %dot_general3A_34 = arith.constant dense<0.000000e+00> : vector<1024x32xf32>
      %dot_general3A_35 = tpu.matmul %mul3A_30, %get3A_33, %dot_general3A_34 {dimension_numbers = #tpu.dot_dimension_numbers<[1], [0], [0], [1], [0, 0, 1, 1], [], []>, transpose_lhs_hint = false} : vector<1024x32xf32>, vector<32x32xf32>, vector<1024x32xf32> -> vector<1024x32xf32>
      %add3A_36 = arith.addf %add3A_15, %dot_general3A_35 : vector<1024x32xf32>
      %max3A = arith.constant 0.000000e+00 : f32
      %max3A_37 = vector.broadcast %max3A : f32 to vector<1024x32xf32>
      %max3A_38 = arith.maximumf %add3A_36, %max3A_37 : vector<1024x32xf32>
      %swap3A = arith.constant 0 : index
      %swap3A_39 = arith.constant 0 : index
      %swap3A_40 = vector.load %arg9[%swap3A, %swap3A_39] : memref<1024x32xf32, #tpu.memory_space<vmem>>, vector<1024x32xf32>
      tpu.vector_store %arg9[%swap3A, %swap3A_39], %max3A_38 {strides = array<i32>} : memref<1024x32xf32, #tpu.memory_space<vmem>>, vector<1024x32xf32>,
      %get3A_41 = arith.constant 0 : index
      %get3A_42 = arith.constant 0 : index
      %get3A_43 = vector.load %arg7[%get3A_41, %get3A_42] : memref<32x1xf32, #tpu.memory_space<vmem>>, vector<32x1xf32>
      %dot_general3A_44 = arith.constant dense<0.000000e+00> : vector<1024x1xf32>
      %dot_general3A_45 = tpu.matmul %max3A_38, %get3A_43, %dot_general3A_44 {dimension_numbers = #tpu.dot_dimension_numbers<[1], [0], [0], [1], [0, 0, 1, 1], [], []>, transpose_lhs_hint = false} : vector<1024x32xf32>, vector<32x1xf32>, vector<1024x1xf32> -> vector<1024x1xf32>
      %get3A_46 = arith.constant 0 : index
      %get3A_47 = arith.constant 0 : index
      %get3A_48 = vector.load %arg8[%get3A_46, %get3A_47] : memref<1024x1xf32, #tpu.memory_space<vmem>>, vector<1024x1xf32>
      %gt3A = arith.constant 0.000000e+00 : f32
      %gt3A_49 = vector.broadcast %gt3A : f32 to vector<1024x1xf32>
      %gt3A_50 = arith.cmpf ogt, %get3A_48, %gt3A_49 : vector<1024x1xf32>
      %jit3A = arith.constant 0xFF800000 : f32
      %broadcast_in_dim3A = vector.broadcast %jit3A : f32 to vector<1024x1xf32>
      %select_n3A = arith.select %gt3A_50, %dot_general3A_45, %broadcast_in_dim3A : vector<1024x1xi1>, vector<1024x1xf32>
      %swap3A_51 = arith.constant 0 : index
      %swap3A_52 = arith.constant 0 : index
      %swap3A_53 = vector.load %arg10[%swap3A_51, %swap3A_52] : memref<1024x1xf32, #tpu.memory_space<vmem>>, vector<1024x1xf32>
      tpu.vector_store %arg10[%swap3A_51, %swap3A_52], %select_n3A {strides = array<i32>} : memref<1024x1xf32, #tpu.memory_space<vmem>>, vector<1024x1xf32>,
      %reshape3A = vector.shape_cast %select_n3A : vector<1024x1xf32> to vector<8x128xf32>
      %mul3A_54 = arith.constant 8 : i32
      %mul3A_55 = arith.muli %arg0, %mul3A_54 : i32
      %swap3A_56 = arith.index_cast %mul3A_55 : i32 to index
      %swap3A_57 = arith.constant 0 : index
      %swap3A_58 = vector.load %arg12[%swap3A_56, %swap3A_57] : memref<392x128xf32, #tpu.memory_space<vmem>>, vector<8x128xf32>
      tpu.vector_store %arg12[%swap3A_56, %swap3A_57], %reshape3A {strides = array<i32>} : memref<392x128xf32, #tpu.memory_space<vmem>>, vector<8x128xf32>,
    } else {
    }
    %eq3A = arith.constant 49 : i32
    %eq3A_2 = arith.cmpi eq, %arg0, %eq3A : i32
    %convert_element_type3A_3 = arith.extui %eq3A_2 : i1 to i32
    %cond3A_4 = arith.constant 0 : i32
    %cond3A_5 = arith.cmpi ne, %convert_element_type3A_3, %cond3A_4 : i32
    scf.if %cond3A_5 {
      %get3A = arith.constant 0 : index
      %get3A_6 = arith.constant 0 : index
      %get3A_7 = vector.load %arg12[%get3A, %get3A_6] : memref<392x128xf32, #tpu.memory_space<vmem>>, vector<392x128xf32>
      %bitcast_convert_type3A = tpu.bitcast %get3A_7 : vector<392x128xf32> -> vector<392x128xi32>
      %shift_right_logical3A = arith.constant 31 : i32
      %shift_right_logical3A_8 = vector.broadcast %shift_right_logical3A : i32 to vector<392x128xi32>
      %shift_right_logical3A_9 = arith.shrui %bitcast_convert_type3A, %shift_right_logical3A_8 : vector<392x128xi32>
      %gt3A = arith.constant 0 : i32
      %gt3A_10 = vector.broadcast %gt3A : i32 to vector<392x128xi32>
      %gt3A_11 = arith.cmpi ugt, %shift_right_logical3A_9, %gt3A_10 : vector<392x128xi32>
      %not3A = arith.constant dense<-1> : vector<392x128xi32>
      %not3A_12 = arith.xori %bitcast_convert_type3A, %not3A : vector<392x128xi32>
      %or3A = arith.constant -2147483648 : i32
      %or3A_13 = vector.broadcast %or3A : i32 to vector<392x128xi32>
      %or3A_14 = arith.ori %bitcast_convert_type3A, %or3A_13 : vector<392x128xi32>
      %select_n3A = arith.select %gt3A_11, %not3A_12, %or3A_14 : vector<392x128xi1>, vector<392x128xi32>
      %scan3A = arith.constant 0 : i32
      %scan3A_15 = arith.constant 0 : i32
      %scan3A_16 = arith.constant 32 : i32
      %scan3A_17 = arith.addi %scan3A_15, %scan3A_16 : i32
      %scan3A_18 = arith.constant 1 : i32
      %scan3A_19 = scf.for %scan3A_61 = %scan3A_15 to %scan3A_17 step %scan3A_18 iter_args(%scan3A_62 = %scan3A) -> (i32)  : i32 {
        %sub3A_63 = arith.constant 31 : i32
        %sub3A_64 = arith.subi %sub3A_63, %scan3A_61 : i32
        %shift_left3A = arith.constant 1 : i32
        %shift_left3A_65 = arith.shli %shift_left3A, %sub3A_64 : i32
        %or3A_66 = arith.ori %scan3A_62, %shift_left3A_65 : i32
        %ge3A = vector.broadcast %or3A_66 : i32 to vector<392x128xi32>
        %ge3A_67 = arith.cmpi uge, %select_n3A, %ge3A : vector<392x128xi32>
        %convert_element_type3A_68 = arith.extui %ge3A_67 : vector<392x128xi1> to vector<392x128xi32>
        %reduce_sum3A_69 = vector.shape_cast %convert_element_type3A_68 : vector<392x128xi32> to vector<1x392x128xi32>
        %reduce_sum3A_70 = arith.constant dense<0> : vector<1xi32>
        %reduce_sum3A_71 = vector.multi_reduction <add>, %reduce_sum3A_69, %reduce_sum3A_70 [1, 2] : vector<1x392x128xi32> to vector<1xi32>
        %reduce_sum3A_72 = vector.shape_cast %reduce_sum3A_71 : vector<1xi32> to vector<1x1x1xi32>
        %reduce_sum3A_73 = vector.extract %reduce_sum3A_72[0, 0, 0] : i32 from vector<1x1x1xi32>
        %ge3A_74 = arith.constant 12500 : i32
        %ge3A_75 = arith.cmpi sge, %reduce_sum3A_73, %ge3A_74 : i32
        %select_n3A_76 = arith.select %ge3A_75, %or3A_66, %scan3A_62 : i32
        scf.yield %select_n3A_76 : i32
      }
      %scan3A_20 = arith.constant 32 : i32
      %gt3A_21 = vector.broadcast %scan3A_19 : i32 to vector<392x128xi32>
      %gt3A_22 = arith.cmpi ugt, %select_n3A, %gt3A_21 : vector<392x128xi32>
      %convert_element_type3A_23 = arith.extui %gt3A_22 : vector<392x128xi1> to vector<392x128xi32>
      %reduce_sum3A = vector.shape_cast %convert_element_type3A_23 : vector<392x128xi32> to vector<1x392x128xi32>
      %reduce_sum3A_24 = arith.constant dense<0> : vector<1xi32>
      %reduce_sum3A_25 = vector.multi_reduction <add>, %reduce_sum3A, %reduce_sum3A_24 [1, 2] : vector<1x392x128xi32> to vector<1xi32>
      %reduce_sum3A_26 = vector.shape_cast %reduce_sum3A_25 : vector<1xi32> to vector<1x1x1xi32>
      %reduce_sum3A_27 = vector.extract %reduce_sum3A_26[0, 0, 0] : i32 from vector<1x1x1xi32>
      %sub3A = arith.constant 12500 : i32
      %sub3A_28 = arith.subi %sub3A, %reduce_sum3A_27 : i32
      %eq3A_29 = vector.broadcast %scan3A_19 : i32 to vector<392x128xi32>
      %eq3A_30 = arith.cmpi eq, %select_n3A, %eq3A_29 : vector<392x128xi32>
      %iota3A = tpu.iota {dimensions = array<i32: 0>} : vector<392x128xi32>
      %mul3A = arith.constant 128 : i32
      %mul3A_31 = vector.broadcast %mul3A : i32 to vector<392x128xi32>
      %mul3A_32 = arith.muli %iota3A, %mul3A_31 : vector<392x128xi32>
      %iota3A_33 = tpu.iota {dimensions = array<i32: 1>} : vector<392x128xi32>
      %add3A = arith.addi %mul3A_32, %iota3A_33 : vector<392x128xi32>
      %scan3A_34 = arith.constant 0 : i32
      %scan3A_35 = arith.constant 0 : i32
      %scan3A_36 = arith.constant 17 : i32
      %scan3A_37 = arith.addi %scan3A_35, %scan3A_36 : i32
      %scan3A_38 = arith.constant 1 : i32
      %scan3A_39 = scf.for %scan3A_61 = %scan3A_35 to %scan3A_37 step %scan3A_38 iter_args(%scan3A_62 = %scan3A_34) -> (i32)  : i32 {
        %sub3A_63 = arith.constant 16 : i32
        %sub3A_64 = arith.subi %sub3A_63, %scan3A_61 : i32
        %shift_left3A = arith.constant 1 : i32
        %shift_left3A_65 = arith.shli %shift_left3A, %sub3A_64 : i32
        %or3A_66 = arith.ori %scan3A_62, %shift_left3A_65 : i32
        %lt3A_67 = vector.broadcast %or3A_66 : i32 to vector<392x128xi32>
        %lt3A_68 = arith.cmpi slt, %add3A, %lt3A_67 : vector<392x128xi32>
        %and3A = arith.andi %eq3A_30, %lt3A_68 : vector<392x128xi1>
        %convert_element_type3A_69 = arith.extui %and3A : vector<392x128xi1> to vector<392x128xi32>
        %reduce_sum3A_70 = vector.shape_cast %convert_element_type3A_69 : vector<392x128xi32> to vector<1x392x128xi32>
        %reduce_sum3A_71 = arith.constant dense<0> : vector<1xi32>
        %reduce_sum3A_72 = vector.multi_reduction <add>, %reduce_sum3A_70, %reduce_sum3A_71 [1, 2] : vector<1x392x128xi32> to vector<1xi32>
        %reduce_sum3A_73 = vector.shape_cast %reduce_sum3A_72 : vector<1xi32> to vector<1x1x1xi32>
        %reduce_sum3A_74 = vector.extract %reduce_sum3A_73[0, 0, 0] : i32 from vector<1x1x1xi32>
        %lt3A_75 = arith.cmpi slt, %reduce_sum3A_74, %sub3A_28 : i32
        %select_n3A_76 = arith.select %lt3A_75, %or3A_66, %scan3A_62 : i32
        scf.yield %select_n3A_76 : i32
      }
      %scan3A_40 = arith.constant 17 : i32
      %gt3A_41 = arith.constant 0 : i32
      %gt3A_42 = arith.cmpi sgt, %sub3A_28, %gt3A_41 : i32
      %add3A_43 = arith.constant 1 : i32
      %add3A_44 = arith.addi %scan3A_39, %add3A_43 : i32
      %jit3A = arith.constant 0 : i32
      %select_n3A_45 = arith.select %gt3A_42, %add3A_44, %jit3A : i32
      %iota3A_46 = tpu.iota {dimensions = array<i32: 1>} : vector<1x128xi32>
      %bitcast_convert_type3A_47 = arith.bitcast %scan3A_19 : i32 to i32
      %eq3A_48 = arith.constant 0 : i32
      %eq3A_49 = vector.broadcast %eq3A_48 : i32 to vector<1x128xi32>
      %eq3A_50 = arith.cmpi eq, %iota3A_46, %eq3A_49 : vector<1x128xi32>
      %eq3A_51 = arith.constant 1 : i32
      %eq3A_52 = vector.broadcast %eq3A_51 : i32 to vector<1x128xi32>
      %eq3A_53 = arith.cmpi eq, %iota3A_46, %eq3A_52 : vector<1x128xi32>
      %jit3A_54 = arith.constant 0 : i32
      %broadcast_in_dim3A = vector.broadcast %select_n3A_45 : i32 to vector<1x128xi32>
      %broadcast_in_dim3A_55 = vector.broadcast %jit3A_54 : i32 to vector<1x128xi32>
      %select_n3A_56 = arith.select %eq3A_53, %broadcast_in_dim3A, %broadcast_in_dim3A_55 : vector<1x128xi1>, vector<1x128xi32>
      %broadcast_in_dim3A_57 = vector.broadcast %bitcast_convert_type3A_47 : i32 to vector<1x128xi32>
      %select_n3A_58 = arith.select %eq3A_50, %broadcast_in_dim3A_57, %select_n3A_56 : vector<1x128xi1>, vector<1x128xi32>
      %swap3A = arith.constant 0 : index
      %swap3A_59 = arith.constant 0 : index
      %swap3A_60 = vector.load %arg11[%swap3A, %swap3A_59] : memref<1x128xi32, #tpu.memory_space<vmem>>, vector<1x128xi32>
      tpu.vector_store %arg11[%swap3A, %swap3A_59], %select_n3A_58 {strides = array<i32>} : memref<1x128xi32, #tpu.memory_space<vmem>>, vector<1x128xi32>,
    } else {
    }
    return
  }
  func.func @transform_0(%arg0: i32) -> (i32, i32, i32) {
    %min3A = arith.constant 48 : i32
    %min3A_0 = arith.minsi %arg0, %min3A : i32
    %c0_i32 = arith.constant 0 : i32
    %c0_i32_1 = arith.constant 0 : i32
    %c0_i32_2 = arith.constant 0 : i32
    return %c0_i32, %min3A_0, %c0_i32_1 : i32, i32, i32
  }
  func.func @transform_1(%arg0: i32) -> (i32, i32) {
    %min3A = arith.constant 48 : i32
    %min3A_0 = arith.minsi %arg0, %min3A : i32
    %c0_i32 = arith.constant 0 : i32
    %c0_i32_1 = arith.constant 0 : i32
    return %min3A_0, %c0_i32 : i32, i32
  }
  func.func @transform_2(%arg0: i32) -> (i32, i32) {
    %min3A = arith.constant 48 : i32
    %min3A_0 = arith.minsi %arg0, %min3A : i32
    %c0_i32 = arith.constant 0 : i32
    %c0_i32_1 = arith.constant 0 : i32
    return %min3A_0, %c0_i32 : i32, i32
  }
  func.func @transform_3(%arg0: i32) -> (i32, i32) {
    %c0_i32 = arith.constant 0 : i32
    %c0_i32_0 = arith.constant 0 : i32
    %c0_i32_1 = arith.constant 0 : i32
    return %c0_i32, %c0_i32_0 : i32, i32
  }
  func.func @transform_4(%arg0: i32) -> (i32, i32) {
    %c0_i32 = arith.constant 0 : i32
    %c0_i32_0 = arith.constant 0 : i32
    %c0_i32_1 = arith.constant 0 : i32
    return %c0_i32, %c0_i32_0 : i32, i32
  }
  func.func @transform_5(%arg0: i32) -> (i32, i32) {
    %c0_i32 = arith.constant 0 : i32
    %c0_i32_0 = arith.constant 0 : i32
    %c0_i32_1 = arith.constant 0 : i32
    return %c0_i32, %c0_i32_0 : i32, i32
  }
  func.func @transform_6(%arg0: i32) -> (i32, i32) {
    %c0_i32 = arith.constant 0 : i32
    %c0_i32_0 = arith.constant 0 : i32
    %c0_i32_1 = arith.constant 0 : i32
    return %c0_i32, %c0_i32_0 : i32, i32
  }
  func.func @transform_7(%arg0: i32) -> (i32, i32) {
    %min3A = arith.constant 48 : i32
    %min3A_0 = arith.minsi %arg0, %min3A : i32
    %c0_i32 = arith.constant 0 : i32
    %c0_i32_1 = arith.constant 0 : i32
    return %min3A_0, %c0_i32 : i32, i32
  }
  func.func @transform_8(%arg0: i32) -> (i32, i32) {
    %min3A = arith.constant 48 : i32
    %min3A_0 = arith.minsi %arg0, %min3A : i32
    %c0_i32 = arith.constant 0 : i32
    %c0_i32_1 = arith.constant 0 : i32
    return %min3A_0, %c0_i32 : i32, i32
  }
  func.func @transform_9(%arg0: i32) -> (i32, i32) {
    %min3A = arith.constant 48 : i32
    %min3A_0 = arith.minsi %arg0, %min3A : i32
    %c0_i32 = arith.constant 0 : i32
    %c0_i32_1 = arith.constant 0 : i32
    return %min3A_0, %c0_i32 : i32, i32
  }
  func.func @transform_10(%arg0: i32) -> (i32, i32) {
    %c0_i32 = arith.constant 0 : i32
    %c0_i32_0 = arith.constant 0 : i32
    %c0_i32_1 = arith.constant 0 : i32
    return %c0_i32, %c0_i32_0 : i32, i32
  }
}

module attributes {stable_mosaic.version = 14 : i64} {
  func.func @_final_body(%arg0: i32, %arg1: memref<2x1024x32xf32, #tpu.memory_space<vmem>>, %arg2: memref<1024x1xf32, #tpu.memory_space<vmem>>, %arg3: memref<1024x32xf32, #tpu.memory_space<vmem>>, %arg4: memref<32x32xf32, #tpu.memory_space<vmem>>, %arg5: memref<1024x1xf32, #tpu.memory_space<vmem>>, %arg6: memref<32x32xf32, #tpu.memory_space<vmem>>, %arg7: memref<1x32xf32, #tpu.memory_space<vmem>>, %arg8: memref<32x3xf32, #tpu.memory_space<vmem>>, %arg9: memref<1x3xf32, #tpu.memory_space<vmem>>, %arg10: memref<1x3xf32, #tpu.memory_space<vmem>>, %arg11: memref<1x32xf32, #tpu.memory_space<vmem>>) attributes {dimension_semantics = [#tpu.dimension_semantics<arbitrary>], iteration_bounds = array<i64: 49>, scalar_prefetch = 0 : i64, scratch_operands = 1 : i64, tpu.core_type = #tpu.core_type<tc>, window_params = [{transform_indices = @transform_0, window_bounds = array<i64: 2, 1024, 32>}, {transform_indices = @transform_1, window_bounds = array<i64: 1024, 1>}, {transform_indices = @transform_2, window_bounds = array<i64: 1024, 32>}, {pipeline_mode = #tpu.pipeline_mode<synchronous>, transform_indices = @transform_3, window_bounds = array<i64: 32, 32>}, {transform_indices = @transform_4, window_bounds = array<i64: 1024, 1>}, {pipeline_mode = #tpu.pipeline_mode<synchronous>, transform_indices = @transform_5, window_bounds = array<i64: 32, 32>}, {pipeline_mode = #tpu.pipeline_mode<synchronous>, transform_indices = @transform_6, window_bounds = array<i64: 1, 32>}, {pipeline_mode = #tpu.pipeline_mode<synchronous>, transform_indices = @transform_7, window_bounds = array<i64: 32, 3>}, {pipeline_mode = #tpu.pipeline_mode<synchronous>, transform_indices = @transform_8, window_bounds = array<i64: 1, 3>}, {pipeline_mode = #tpu.pipeline_mode<synchronous>, transform_indices = @transform_9, window_bounds = array<i64: 1, 3>}]} {
    %eq3A = arith.constant 0 : i32
    %eq3A_0 = arith.cmpi eq, %arg0, %eq3A : i32
    %convert_element_type3A = arith.extui %eq3A_0 : i1 to i32
    %cond3A = arith.constant 0 : i32
    %cond3A_1 = arith.cmpi ne, %convert_element_type3A, %cond3A : i32
    scf.if %cond3A_1 {
      %broadcast_in_dim3A_52 = arith.constant 0.000000e+00 : f32
      %broadcast_in_dim3A_53 = vector.broadcast %broadcast_in_dim3A_52 : f32 to vector<1x32xf32>
      %swap3A_54 = arith.constant 0 : index
      %swap3A_55 = arith.constant 0 : index
      %swap3A_56 = vector.load %arg11[%swap3A_54, %swap3A_55] : memref<1x32xf32, #tpu.memory_space<vmem>>, vector<1x32xf32>
      tpu.vector_store %arg11[%swap3A_54, %swap3A_55], %broadcast_in_dim3A_53 {strides = array<i32>} : memref<1x32xf32, #tpu.memory_space<vmem>>, vector<1x32xf32>,
    } else {
    }
    %get3A = arith.constant 0 : index
    %get3A_2 = arith.constant 0 : index
    %get3A_3 = vector.load %arg3[%get3A, %get3A_2] : memref<1024x32xf32, #tpu.memory_space<vmem>>, vector<1024x32xf32>
    %get3A_4 = arith.constant 0 : index
    %get3A_5 = arith.constant 0 : index
    %get3A_6 = vector.load %arg6[%get3A_4, %get3A_5] : memref<32x32xf32, #tpu.memory_space<vmem>>, vector<32x32xf32>
    %dot_general3A = arith.constant dense<0.000000e+00> : vector<1024x32xf32>
    %dot_general3A_7 = tpu.matmul %get3A_3, %get3A_6, %dot_general3A {dimension_numbers = #tpu.dot_dimension_numbers<[1], [0], [0], [1], [0, 0, 1, 1], [], []>, transpose_lhs_hint = false} : vector<1024x32xf32>, vector<32x32xf32>, vector<1024x32xf32> -> vector<1024x32xf32>
    %get3A_8 = arith.constant 0 : index
    %get3A_9 = arith.constant 0 : index
    %get3A_10 = vector.load %arg7[%get3A_8, %get3A_9] : memref<1x32xf32, #tpu.memory_space<vmem>>, vector<1x32xf32>
    %add3A = vector.broadcast %get3A_10 : vector<1x32xf32> to vector<1024x32xf32>
    %add3A_11 = arith.addf %dot_general3A_7, %add3A : vector<1024x32xf32>
    %get3A_12 = arith.constant 0 : index
    %get3A_13 = arith.constant 0 : index
    %get3A_14 = arith.constant 0 : index
    %get3A_15 = vector.load %arg1[%get3A_12, %get3A_13, %get3A_14] : memref<2x1024x32xf32, #tpu.memory_space<vmem>>, vector<1x1024x32xf32>
    %get3A_16 = vector.shape_cast %get3A_15 : vector<1x1024x32xf32> to vector<1024x32xf32>
    %get3A_17 = arith.constant 1 : index
    %get3A_18 = arith.constant 0 : index
    %get3A_19 = arith.constant 0 : index
    %get3A_20 = vector.load %arg1[%get3A_17, %get3A_18, %get3A_19] : memref<2x1024x32xf32, #tpu.memory_space<vmem>>, vector<1x1024x32xf32>
    %get3A_21 = vector.shape_cast %get3A_20 : vector<1x1024x32xf32> to vector<1024x32xf32>
    %add3A_22 = arith.addf %get3A_16, %get3A_21 : vector<1024x32xf32>
    %get3A_23 = arith.constant 0 : index
    %get3A_24 = arith.constant 0 : index
    %get3A_25 = vector.load %arg2[%get3A_23, %get3A_24] : memref<1024x1xf32, #tpu.memory_space<vmem>>, vector<1024x1xf32>
    %mul3A = vector.broadcast %get3A_25 : vector<1024x1xf32> to vector<1024x32xf32>
    %mul3A_26 = arith.mulf %add3A_22, %mul3A : vector<1024x32xf32>
    %get3A_27 = arith.constant 0 : index
    %get3A_28 = arith.constant 0 : index
    %get3A_29 = vector.load %arg4[%get3A_27, %get3A_28] : memref<32x32xf32, #tpu.memory_space<vmem>>, vector<32x32xf32>
    %dot_general3A_30 = arith.constant dense<0.000000e+00> : vector<1024x32xf32>
    %dot_general3A_31 = tpu.matmul %mul3A_26, %get3A_29, %dot_general3A_30 {dimension_numbers = #tpu.dot_dimension_numbers<[1], [0], [0], [1], [0, 0, 1, 1], [], []>, transpose_lhs_hint = false} : vector<1024x32xf32>, vector<32x32xf32>, vector<1024x32xf32> -> vector<1024x32xf32>
    %add3A_32 = arith.addf %add3A_11, %dot_general3A_31 : vector<1024x32xf32>
    %max3A = arith.constant 0.000000e+00 : f32
    %max3A_33 = vector.broadcast %max3A : f32 to vector<1024x32xf32>
    %max3A_34 = arith.maximumf %add3A_32, %max3A_33 : vector<1024x32xf32>
    %get3A_35 = arith.constant 0 : index
    %get3A_36 = arith.constant 0 : index
    %get3A_37 = vector.load %arg5[%get3A_35, %get3A_36] : memref<1024x1xf32, #tpu.memory_space<vmem>>, vector<1024x1xf32>
    %mul3A_38 = vector.broadcast %get3A_37 : vector<1024x1xf32> to vector<1024x32xf32>
    %mul3A_39 = arith.mulf %max3A_34, %mul3A_38 : vector<1024x32xf32>
    %get3A_40 = arith.constant 0 : index
    %get3A_41 = arith.constant 0 : index
    %get3A_42 = vector.load %arg11[%get3A_40, %get3A_41] : memref<1x32xf32, #tpu.memory_space<vmem>>, vector<1x32xf32>
    %reduce_sum3A = arith.constant dense<0.000000e+00> : vector<32xf32>
    %reduce_sum3A_43 = vector.multi_reduction <add>, %mul3A_39, %reduce_sum3A [0] : vector<1024x32xf32> to vector<32xf32>
    %broadcast_in_dim3A = vector.shape_cast %reduce_sum3A_43 : vector<32xf32> to vector<1x32xf32>
    %add3A_44 = arith.addf %get3A_42, %broadcast_in_dim3A : vector<1x32xf32>
    %swap3A = arith.constant 0 : index
    %swap3A_45 = arith.constant 0 : index
    %swap3A_46 = vector.load %arg11[%swap3A, %swap3A_45] : memref<1x32xf32, #tpu.memory_space<vmem>>, vector<1x32xf32>
    tpu.vector_store %arg11[%swap3A, %swap3A_45], %add3A_44 {strides = array<i32>} : memref<1x32xf32, #tpu.memory_space<vmem>>, vector<1x32xf32>,
    %eq3A_47 = arith.constant 48 : i32
    %eq3A_48 = arith.cmpi eq, %arg0, %eq3A_47 : i32
    %convert_element_type3A_49 = arith.extui %eq3A_48 : i1 to i32
    %cond3A_50 = arith.constant 0 : i32
    %cond3A_51 = arith.cmpi ne, %convert_element_type3A_49, %cond3A_50 : i32
    scf.if %cond3A_51 {
      %get3A_52 = arith.constant 0 : index
      %get3A_53 = arith.constant 0 : index
      %get3A_54 = vector.load %arg11[%get3A_52, %get3A_53] : memref<1x32xf32, #tpu.memory_space<vmem>>, vector<1x32xf32>
      %div3A = arith.constant 1.250000e+04 : f32
      %div3A_55 = vector.broadcast %div3A : f32 to vector<1x32xf32>
      %div3A_56 = arith.divf %get3A_54, %div3A_55 : vector<1x32xf32>
      %get3A_57 = arith.constant 0 : index
      %get3A_58 = arith.constant 0 : index
      %get3A_59 = vector.load %arg8[%get3A_57, %get3A_58] : memref<32x3xf32, #tpu.memory_space<vmem>>, vector<32x3xf32>
      %dot_general3A_60 = arith.constant dense<0.000000e+00> : vector<1x3xf32>
      %dot_general3A_61 = tpu.matmul %div3A_56, %get3A_59, %dot_general3A_60 {dimension_numbers = #tpu.dot_dimension_numbers<[1], [0], [0], [1], [0, 0, 1, 1], [], []>, transpose_lhs_hint = false} : vector<1x32xf32>, vector<32x3xf32>, vector<1x3xf32> -> vector<1x3xf32>
      %get3A_62 = arith.constant 0 : index
      %get3A_63 = arith.constant 0 : index
      %get3A_64 = vector.load %arg9[%get3A_62, %get3A_63] : memref<1x3xf32, #tpu.memory_space<vmem>>, vector<1x3xf32>
      %add3A_65 = arith.addf %dot_general3A_61, %get3A_64 : vector<1x3xf32>
      %reduce_max3A = arith.constant dense<0xFF800000> : vector<1xf32>
      %reduce_max3A_66 = vector.multi_reduction <maximumf>, %add3A_65, %reduce_max3A [1] : vector<1x3xf32> to vector<1xf32>
      %broadcast_in_dim3A_67 = vector.shape_cast %reduce_max3A_66 : vector<1xf32> to vector<1x1xf32>
      %sub3A = vector.broadcast %broadcast_in_dim3A_67 : vector<1x1xf32> to vector<1x3xf32>
      %sub3A_68 = arith.subf %add3A_65, %sub3A : vector<1x3xf32>
      %exp3A = math.exp %sub3A_68 : vector<1x3xf32>
      %reduce_sum3A_69 = arith.constant dense<0.000000e+00> : vector<1xf32>
      %reduce_sum3A_70 = vector.multi_reduction <add>, %exp3A, %reduce_sum3A_69 [1] : vector<1x3xf32> to vector<1xf32>
      %broadcast_in_dim3A_71 = vector.shape_cast %reduce_sum3A_70 : vector<1xf32> to vector<1x1xf32>
      %div3A_72 = vector.broadcast %broadcast_in_dim3A_71 : vector<1x1xf32> to vector<1x3xf32>
      %div3A_73 = arith.divf %exp3A, %div3A_72 : vector<1x3xf32>
      %swap3A_74 = arith.constant 0 : index
      %swap3A_75 = arith.constant 0 : index
      %swap3A_76 = vector.load %arg10[%swap3A_74, %swap3A_75] : memref<1x3xf32, #tpu.memory_space<vmem>>, vector<1x3xf32>
      tpu.vector_store %arg10[%swap3A_74, %swap3A_75], %div3A_73 {strides = array<i32>} : memref<1x3xf32, #tpu.memory_space<vmem>>, vector<1x3xf32>,
    } else {
    }
    return
  }
  func.func @transform_0(%arg0: i32) -> (i32, i32, i32) {
    %c0_i32 = arith.constant 0 : i32
    %c0_i32_0 = arith.constant 0 : i32
    %c0_i32_1 = arith.constant 0 : i32
    return %c0_i32, %arg0, %c0_i32_0 : i32, i32, i32
  }
  func.func @transform_1(%arg0: i32) -> (i32, i32) {
    %c0_i32 = arith.constant 0 : i32
    %c0_i32_0 = arith.constant 0 : i32
    return %arg0, %c0_i32 : i32, i32
  }
  func.func @transform_2(%arg0: i32) -> (i32, i32) {
    %c0_i32 = arith.constant 0 : i32
    %c0_i32_0 = arith.constant 0 : i32
    return %arg0, %c0_i32 : i32, i32
  }
  func.func @transform_3(%arg0: i32) -> (i32, i32) {
    %c0_i32 = arith.constant 0 : i32
    %c0_i32_0 = arith.constant 0 : i32
    %c0_i32_1 = arith.constant 0 : i32
    return %c0_i32, %c0_i32_0 : i32, i32
  }
  func.func @transform_4(%arg0: i32) -> (i32, i32) {
    %c0_i32 = arith.constant 0 : i32
    %c0_i32_0 = arith.constant 0 : i32
    return %arg0, %c0_i32 : i32, i32
  }
  func.func @transform_5(%arg0: i32) -> (i32, i32) {
    %c0_i32 = arith.constant 0 : i32
    %c0_i32_0 = arith.constant 0 : i32
    %c0_i32_1 = arith.constant 0 : i32
    return %c0_i32, %c0_i32_0 : i32, i32
  }
  func.func @transform_6(%arg0: i32) -> (i32, i32) {
    %c0_i32 = arith.constant 0 : i32
    %c0_i32_0 = arith.constant 0 : i32
    %c0_i32_1 = arith.constant 0 : i32
    return %c0_i32, %c0_i32_0 : i32, i32
  }
  func.func @transform_7(%arg0: i32) -> (i32, i32) {
    %c0_i32 = arith.constant 0 : i32
    %c0_i32_0 = arith.constant 0 : i32
    %c0_i32_1 = arith.constant 0 : i32
    return %c0_i32, %c0_i32_0 : i32, i32
  }
  func.func @transform_8(%arg0: i32) -> (i32, i32) {
    %c0_i32 = arith.constant 0 : i32
    %c0_i32_0 = arith.constant 0 : i32
    %c0_i32_1 = arith.constant 0 : i32
    return %c0_i32, %c0_i32_0 : i32, i32
  }
  func.func @transform_9(%arg0: i32) -> (i32, i32) {
    %c0_i32 = arith.constant 0 : i32
    %c0_i32_0 = arith.constant 0 : i32
    %c0_i32_1 = arith.constant 0 : i32
    return %c0_i32, %c0_i32_0 : i32, i32
  }
}

</mosaic_0001>

<sc_bundles>
// kernel: kernel.12.cloned.1.call-start
scs
__scs_entry_jumppad:
0x0: {  	(pc) =	sbr.rel $0x88, $3  }
0x1: {  	(tag) =	ssettag $0x0;
	lr =	simm.s32 $0x1  }
0x2: {  	[smem:$0x3F93] =	sst lr;
	_ =	strace $0xD0000000  }
0x3: {  	_ = 	snop  }
0x4: {  	_ = 	snop  }
0x5: {  	_ = 	snop  }
0x6: {  	_ = 	snop  }
0x7: {  	_ = 	snop  }
__scs_overlays_trampoline_lowered:
0x8: {  	[smem:$0x3FA2] =	sst s0  }
0x9: {  	[smem:$0x3FA3] =	sst s1  }
0xa: {  	[smem:$0x3FA4] =	sst s2  }
0xb: {  	[smem:$0x3FA5] =	sst s3  }
0xc: {  	[smem:$0x3FA6] =	sst s4  }
0xd: {  	[smem:$0x3FA7] =	sst s5  }
0xe: {  	[smem:$0x3FA8] =	sst s6  }
0xf: {  	[smem:$0x3FA9] =	sst s7  }
0x10: {  	[smem:$0x3FAA] =	sst s8  }
0x11: {  	[smem:$0x3FAB] =	sst s9;
	s0 =	simm.s32 @!p0 $0x0  }
0x12: {  	s1 =	sld [smem:$0x3F91];
	s0 =	simm.s32 @p0 $0x1  }
0x13: {  	[smem:$0x3FAC] =	sst s0;
	s0 =	simm.s32 @!p1 $0x0  }
0x14: {  	s2 =	sld [smem:$0x3F90];
	s0 =	simm.s32 @p1 $0x1  }
0x15: {  	[smem:$0x3FAD] =	sst s0;
	s0 =	simm.s32 @!p2 $0x0  }
0x16: {  	s3 =	sld [smem:$0x3FDB];
	s0 =	simm.s32 @p2 $0x1  }
0x17: {  	s4 =	simm.s32 $0x1BF5;
	[smem:$0x3FAF] =	sst s0  }
0x18: {  	s0 =	sld [smem:$0x3F92];
	_ =	swait.ge [sflag:s4], $0x0  }
0x19: {  	s7 =	sld [smem:$0x3F93]  }
0x1a: {  	s8 =	sadd.s32 $0xFFFFE003, lr  }
0x1b: {  	s9 =	sadd.s32 $0xFFFFFEF7, lr;
	s5 =	simm.s32 $0xFFFFFFFF;
	p2 =	slt.u32 s8, $0xFFFFF086  }
0x1c: {  	p1 =	slt.u32 s9, $0xF7A;
	s5 =	simm.s32 @!p2 $0x0  }
0x1d: {  	s5 =	simm.s32 @p1 $0x1;
	p0 =	seq.s32 s7, s2  }
0x1e: {  	s7 =	smul.u32 @!p0 $0xF7A, s2;
	p2 =	seq.s32 @!p0 s5, $0x0  }
0x1f: {  	s9 =	smul.u32 $0xF7A, s1;
	s8 =	simm.s32 @!p0 $0x1BF5;
	p2 =	por !p2, p0  }
0x20: {  	[sflag:s8] =	ssyncset.s32 @!p0 $0xFFFFF086;
	s6 =	sadd.s32 @!p0 s3, s7;
	s7 =	simm.s32 @!p0 $0x108  }
0x21: {  	s3 =	sadd.s32 s3, s9;
	s6 =	sadd.s32 @!p0 $0x88, s6;
	s7 =	simm.s32 @p2 $0x1082  }
0x22: {  	[simem:s7], [sflag:s8] =	dma.local @!p0 [hbm:s6], $0xF7A  }
0x23: {  	s9 =	sor.u32 $0xD0000000, s2;
	s6 =	simm.s32 $0x108;
	_ =	swait.ge @!p0 [sflag:s8], $0x0  }
0x24: {  	s3 =	sadd.s32 $0x88, s3;
	s6 =	simm.s32 @!p1 $0x1082;
	[sflag:s4] =	ssyncset.s32 $0xFFFFF086  }
0x25: {  	[simem:s6], [sflag:s4] =	dma.local [hbm:s3], $0xF7A  }
0x26: {  	[smem:$0x3F93] =	sst s1;
	(tag) =	ssettag s2;
	_ =	strace s9  }
0x27: {  	s1 =	sld [smem:$0x3FA3]  }
0x28: {  	s2 =	sld [smem:$0x3FA4]  }
0x29: {  	s4 =	sld [smem:$0x3FA6]  }
0x2a: {  	p0 =	seq.s32 s5, $0x0;
	s5 =	sld [smem:$0x3FA7]  }
0x2b: {  	s6 =	sld [smem:$0x3FA8]  }
0x2c: {  	s7 =	sld [smem:$0x3FA9]  }
0x2d: {  	s3 =	simm.s32 $0x108;
	s8 =	sld [smem:$0x3FAA]  }
0x2e: {  	s3 =	simm.s32 @!p0 $0x1082;
	s9 =	sld [smem:$0x3FAB]  }
0x2f: {  	lr =	sadd.s32 s0, s3;
	s0 =	sld [smem:$0x3FA2]  }
0x30: {  	s3 =	sld [smem:$0x3FA5]  }
0x31: {  	[smem:$0x3FAE] =	sst s10  }
0x32: {  	s10 =	sld [smem:$0x3FAC];
	_ =	sdelay $0x3  }
0x33: {  	p0 =	seq.s32 s10, $0x1;
	s10 =	sld [smem:$0x3FAE];
	_ =	sdelay $0x3  }
0x34: {  	[smem:$0x3FAE] =	sst s10  }
0x35: {  	s10 =	sld [smem:$0x3FAD];
	_ =	sdelay $0x3  }
0x36: {  	p1 =	seq.s32 s10, $0x1;
	s10 =	sld [smem:$0x3FAE];
	_ =	sdelay $0x3  }
0x37: {  	[smem:$0x3FAE] =	sst s10  }
0x38: {  	s10 =	sld [smem:$0x3FAF]  }
0x39: {  	_ = 	snop;
	(pc) =	sbr.ind lr, $3  }
0x3a: {  	_ = 	snop  }
0x3b: {  	_ = 	snop  }
0x3c: {  	p2 =	seq.s32 s10, $0x1;
	s10 =	sld [smem:$0x3FAE]  }
0x3d: {  	_ =	shalt  }
0x3e: {  	_ =	shalt  }
0x3f: {  	_ =	shalt  }
0x40: {  	_ =	shalt  }
0x41: {  	_ =	shalt  }
0x42: {  	_ =	shalt  }
0x43: {  	_ =	shalt  }
0x44: {  	_ =	shalt  }
0x45: {  	_ =	shalt  }
0x46: {  	_ =	shalt  }
0x47: {  	_ =	shalt  }
0x48: {  	_ =	shalt  }
0x49: {  	_ =	shalt  }
0x4a: {  	_ =	shalt  }
0x4b: {  	_ =	shalt  }
0x4c: {  	_ =	shalt  }
0x4d: {  	_ =	shalt  }
0x4e: {  	_ =	shalt  }
0x4f: {  	_ =	shalt  }
0x50: {  	_ =	shalt  }
0x51: {  	_ =	shalt  }
0x52: {  	_ =	shalt  }
0x53: {  	_ =	shalt  }
0x54: {  	_ =	shalt  }
0x55: {  	_ =	shalt  }
0x56: {  	_ =	shalt  }
0x57: {  	_ =	shalt  }
0x58: {  	_ =	shalt  }
0x59: {  	_ =	shalt  }
0x5a: {  	_ =	shalt  }
0x5b: {  	_ =	shalt  }
0x5c: {  	_ =	shalt  }
0x5d: {  	_ =	shalt  }
0x5e: {  	_ =	shalt  }
0x5f: {  	_ =	shalt  }
0x60: {  	_ =	shalt  }
0x61: {  	_ =	shalt  }
0x62: {  	_ =	shalt  }
0x63: {  	_ =	shalt  }
0x64: {  	_ =	shalt  }
0x65: {  	_ =	shalt  }
0x66: {  	_ =	shalt  }
0x67: {  	_ =	shalt  }
0x68: {  	_ =	shalt  }
0x69: {  	_ =	shalt  }
0x6a: {  	_ =	shalt  }
0x6b: {  	_ =	shalt  }
0x6c: {  	_ =	shalt  }
0x6d: {  	_ =	shalt  }
0x6e: {  	_ =	shalt  }
0x6f: {  	_ =	shalt  }
0x70: {  	_ =	shalt  }
0x71: {  	_ =	shalt  }
0x72: {  	_ =	shalt  }
0x73: {  	_ =	shalt  }
0x74: {  	_ =	shalt  }
0x75: {  	_ =	shalt  }
0x76: {  	_ =	shalt  }
0x77: {  	_ =	shalt  }
0x78: {  	_ =	shalt  }
0x79: {  	_ =	shalt  }
0x7a: {  	_ =	shalt  }
0x7b: {  	_ =	shalt  }
0x7c: {  	_ =	shalt  }
0x7d: {  	_ =	shalt  }
0x7e: {  	_ =	shalt  }
0x7f: {  	_ =	shalt  }
0x80: {  	_ =	shalt  }
0x81: {  	_ =	shalt  }
0x82: {  	_ =	shalt  }
0x83: {  	_ =	shalt  }
0x84: {  	_ =	shalt  }
0x85: {  	_ =	shalt  }
0x86: {  	_ =	shalt  }
0x87: {  	_ =	shalt  }
.Lfunc_end0:
.L_simem_size_0:
called_computation_lowered:
.L_overlay_start_0:
0x88: {  	s2 =	sld [smem:$0x3FD9]  }
0x89: {  	s3 =	sld [smem:$0x3FFE];
	_ =	sdelay $0x1  }
0x8a: {  	s1 =	srdreg.scid  }
0x8b: {  	s0 =	sand.u32 $0x1, s1  }
0x8c: {  	s16 =	sshll.u32 s0, $0xA;
	s2 =	sadd.s32 s3, s2  }
0x8d: {  	s2 =	sadd.s32 s2, s16  }
0x8e: {  	[smem:$0x3FBA] =	sst s2  }
0x8f: {  	_ = 	snop  }
0x90: {  	(tm) =	ssettm $0x1  }
0x91: {  	s17 =	sld [smem:$0x3FFB];
	_ =	sdelay $0x3  }
0x92: {  	_ =	strace s17  }
0x93: {  	s2 =	sld [smem:$0x3FFC];
	_ =	sdelay $0x3  }
0x94: {  	_ =	strace s2  }
0x95: {  	s2 =	sld [smem:$0x3FFD];
	_ =	sdelay $0x3  }
0x96: {  	_ =	strace s2  }
0x97: {  	_ =	strace $0x8FFFFFFF  }
0x98: {  	s18 =	sld [smem:$0x3FDB];
	_ =	sdelay $0x1  }
0x99: {  	s19 =	simm.s32 $_scs_section_size  }
0x9a: {  	s4 =	simm.s32 $_size__tile_overlayer_lowered;
	s5 =	simm.s32 $_tile_overlayer_lowered  }
0x9b: {  	s22 =	simm.s32 $0x1BFF;
	s21 =	sshll.u32 s5, $0x1;
	s2 =	sadd.s32 s19, s18  }
0x9c: {  	s6 =	simm.s32 $0x0;
	s20 =	sshll.u32 s4, $0x1;
	s4 =	sadd.s32 s21, s2  }
0x9d: {  	[timem:s6], [sflag:s22] =	dma.local [hbm:s4], s20  }
0x9e: {  	_ =	swait.ge [sflag:s22], s20  }
0x9f: {  	s3 =	ssub.s32 $0x0, s20;
	[sflag:s22] =	ssyncset.done $0x0  }
0xa0: {  	[sflag:s22] =	ssyncadd.s32 s3;
	_ =	sdelay $0x1  }
0xa1: {  	s23 =	simm.s32 $0x1B8B  }
0xa2: {  	_ =	swait.ge [sflag:s23], $0x1  }
0xa3: {  	[sflag:s23] =	ssyncset.done $0x0  }
0xa4: {  	s25 =	simm.s32 $0x1B8E;
	s24 =	sld [smem:$0x3FFE];
	[sflag:s23] =	ssyncadd.s32 $0xFFFFFFFF  }
0xa5: {  	s26 =	simm.s32 $execute0_lowered;
	[smem:$0x3FD2] =	sst s25  }
0xa6: {  	s4 =	sshll.u32 s26, $0x1;
	_ =	strace $0x80000046;
	[dreg:$0x1] =	wrdreg $0xFFFFFFFF  }
0xa7: {  	s28 =	simm.s32 $_size_execute0_lowered;
	s2 =	sadd.s32 s2, s4;
	[dreg:$0x0] =	wrdreg $0x0  }
0xa8: {  	s4 =	sshll.u32 s28, $0x1;
	[dreg:$0x2] =	wrdreg s2  }
0xa9: {  	[dreg:$0x3] =	wrdreg s4  }
0xaa: {  	[dreg:$0x4] =	wrdreg $0xC0  }
0xab: {  	_ =	task [dreg:s6], $0x5FFFF  }
0xac: {  	[dreg:$0x1] =	wrdreg $0xFFFFFFFF  }
0xad: {  	[dreg:$0x0] =	wrdreg $0x60  }
0xae: {  	[dreg:$0x2] =	wrdreg s24  }
0xaf: {  	[dreg:$0x3] =	wrdreg $0x0  }
0xb0: {  	[dreg:$0x4] =	wrdreg $0xC400  }
0xb1: {  	[dreg:$0x5] =	wrdreg $0x9  }
0xb2: {  	_ =	task.clear_ibuf [dreg:s6], $0x6FFFF;
	_ =	strace $0x90000046  }
0xb3: {  	s29 =	simm.s32 $0x9;
	_ =	strace $0x80000048  }
0xb4: {  	_ =	swait.ge [sflag:s29], $0x1  }
0xb5: {  	[sflag:s29] =	ssyncadd.s32 $0xFFFFFFFF  }
0xb6: {  	_ =	strace $0x90000048  }
0xb7: {  	_ =	sfence  }
0xb8: {  	s30 =	sld [smem:$0x0];
	_ =	sdelay $0x2  }
0xb9: {  	s31 =	sshll.u32 s1, $0xD;
	s1 =	sshrl.u32 s1, $0x2  }
0xba: {  	s3 =	sand.u32 $0x4000, s31;
	s1 =	sadd.s32 s1, s30  }
0xbb: {  	s0 =	sor.u32 s3, s0;
	s1 =	sshll.u32 s1, $0x11  }
0xbc: {  	s0 =	sor.u32 s1, s0  }
0xbd: {  	s0 =	sadd.s32 $0x8F2B, s0  }
0xbe: {  	[sflag:s0] =	ssyncadd.remote.s32 $0x1  }
0xbf: {  	_ =	sfence.sel $0xFFFF  }
0xc0: {  	[dreg:$0x0] =	wrdreg $0xFFFFFFFF;
	(pc) =	sbr.abs _section_cstart, $3  }
0xc1: {  	[dreg:$0x1] =	wrdreg $0xFFFFFFFF  }
0xc2: {  	_ =	task.clear_ibuf [dreg:s6], $0x2FFFF;
	_ =	strace $0x9FFFFFFF  }
0xc3: {  	(tm) =	ssettm $0x7FFFFFFF  }
tec
execute0_lowered:
.L_overlay_start_1:
0x0: {  	(tag) =	ssettag $0x1  }
0x1: {  	s0 =	rddreg [dreg:$0x0]  }
0x2: {  	s2 =	rddreg [dreg:$0x1]  }
0x3: {  	s1 =	srdreg.scid;
	s3 =	rddreg [dreg:$0x2]  }
0x4: {  	s26 =	stileid.u32;
	s4 =	simm.s32 $0x0;
	s15 =	simm.s32 $0x3880  }
0x5: {  	s16 =	simm.s32 $0x2;
	s17 =	simm.s32 $0x1C80;
	s18 =	simm.s32 $0x400  }
0x6: {  	s19 =	simm.s32 $0x1880;
	s20 =	simm.s32 $0x2080;
	s21 =	simm.s32 $0x2480  }
0x7: {  	s22 =	simm.s32 $0x2880;
	s23 =	simm.s32 $0x2C80;
	s7 =	smul.u32 $0xC400, s26  }
0x8: {  	s24 =	simm.s32 $0x3080;
	s25 =	simm.s32 $0x3480;
	s29 =	smul.u32 $0x188, s26  }
0x9: {  	s28 =	simm.s32 $0x0;
	s6 =	sand.u32 $0x1, s1;
	s11 =	smul.u32 $0x3100, s26  }
0xa: {  	[smem:$0x7FF] =	sst s4;
	s26 =	simm.s32 $0x1;
	s5 =	smul.u32 $0xC4000, s6  }
0xb: {  	_ =	strace $0x80000047;
	s8 =	ssub.s32 $0x2, s6;
	p0 =	seq.s32 s6, $0x1  }
0xc: {  	s9 =	sshrl.u32 s8, $0x1;
	s31 =	sshrl.u32 s11, $0x2;
	s5 =	sadd.s32 s7, s5  }
.Ltmp0:
0xd: {  	s30 =	ssub.s32 s8, s9;
	s7 =	sadd.s32 s31, s2;
	(pc) =	sbr.rel .LBB2_1-.Ltmp0, $4  }
0xe: {  	s8 =	sadd.s32 s31, s3;
	s5 =	sshrl.u32 s5, $0x3;
	s6 =	smax.u32 s30, $0x1  }
0xf: {  	s10 =	sadd.s32 s5, s0;
	s5 =	sadd.s32 $0x65000, s0;
	s0 =	sadd.s32 s29, s0  }
0x10: {  	s9 =	sadd.s32 $0x3000, s10;
	s10 =	sadd.s32 $0x34000, s10;
	s11 =	sadd.s32 $0x66A00, s0  }
0x11: {  	v0 =	vimm.f32 $1.000000000e+00;
	s12 =	sadd.s32 $0x69E00, s0;
	s13 =	sadd.s32 $0x68400, s0;
	s14 =	sadd.s32 $0x6B800, s0  }
.LBB2_12:
0x12: {  	[sflag:s16] =	ssyncadd.s32 $0xFFFFFF90  }
.LBB2_18:
0x13: {  	s28 =	sadd.s32 $0x1, s28  }
0x14: {  	p1 =	sne.s32 s28, s6  }
.Ltmp1:
0x15: {  	_ = 	snop;
	(pc) =	sbr.rel @!p1 .LBB2_19-.Ltmp1, $1  }
0x16: {  	_ =	sdelay $0x3  }
.LBB2_1:
0x17: {  	s29 =	simm.s32 $0x40;
	s0 =	simm.s32 $0x0  }
.LBB2_2:
0x18: {  	p1 =	sne.s32 s29, $0xFC0;
	[tilespmem:s0+$0x1880] =	vst v0;
	s0 =	smov.u32 s29;
	s29 =	sadd.s32 $0x40, s29  }
.Ltmp2:
0x19: {  	(pc) =	sbr.rel @p1 .LBB2_2-.Ltmp2, $2  }
0x1a: {  	_ =	sdelay $0x2  }
0x1b: {  	s0 =	sshra.s32 s0, $0x2  }
0x1c: {  	[tilespmem:s0+$0x1880] =	vst v0;
	s31 =	simm.s32 $0x0  }
0x1d: {  	[tilespmem:s15], [sflag:$0x2] =	stream.linear.gather [hbm4b:s5+s31], $0x70, $0x38;
	[tilespmem:$0x38F0] =	vst v63  }
0x1e: {  	_ =	swait.ge [sflag:s16], $0x70  }
0x1f: {  	[sflag:s16] =	ssyncset.done $0x0  }
0x20: {  	s1 =	sadd.s32 $0x0, s7;
	[sflag:s16] =	ssyncadd.s32 $0xFFFFFF90  }
0x21: {  	[spmem:s1] =	stream.linear.scatter [tilespmem:s15], [sflag:$0x2], $0x70, $0x38;
	[tilespmem:$0x38F0] =	vst v63  }
0x22: {  	_ =	swait.ge [sflag:s16], $0x70  }
0x23: {  	[sflag:s16] =	ssyncset.done $0x0  }
0x24: {  	s31 =	sadd.s32 $0x0, s8;
	[sflag:s16] =	ssyncadd.s32 $0xFFFFFF90  }
0x25: {  	[spmem:s31] =	stream.linear.scatter [tilespmem:s15], [sflag:$0x2], $0x70, $0x38;
	[tilespmem:$0x38F0] =	vst v63  }
0x26: {  	_ =	swait.ge [sflag:s16], $0x70  }
0x27: {  	s30 =	simm.s32 $0x380;
	s29 =	simm.s32 $0x70;
	[sflag:s16] =	ssyncset.done $0x0  }
.LBB2_4:
0x28: {  	s0 =	sadd.s32 s29, s7  }
0x29: {  	[sflag:s16] =	ssyncadd.s32 $0xFFFFFF90;
	s31 =	smov.u32 s30;
	s1 =	sadd.s32 $0x1C0, s30  }
0x2a: {  	[spmem:s0] =	stream.linear.scatter [tilespmem:s15], [sflag:$0x2], $0x70, $0x38;
	[tilespmem:$0x38F0] =	vst v63  }
0x2b: {  	p1 =	sne.s32 s30, $0x2F40;
	_ =	swait.ge [sflag:s16], $0x70  }
.Ltmp3:
0x2c: {  	[sflag:s16] =	ssyncset.done $0x0;
	(pc) =	sbr.rel @p1 .LBB2_4-.Ltmp3, $4  }
0x2d: {  	s0 =	sadd.s32 s29, s8;
	[sflag:s16] =	ssyncadd.s32 $0xFFFFFF90  }
0x2e: {  	[spmem:s0] =	stream.linear.scatter [tilespmem:s15], [sflag:$0x2], $0x70, $0x38;
	[tilespmem:$0x38F0] =	vst v63  }
0x2f: {  	_ =	swait.ge [sflag:s16], $0x70  }
0x30: {  	s29 =	sshra.s32 s31, $0x2;
	s30 =	smov.u32 s1;
	[sflag:s16] =	ssyncset.done $0x0  }
0x31: {  	s0 =	sadd.s32 s29, s7;
	[sflag:s16] =	ssyncadd.s32 $0xFFFFFF90  }
0x32: {  	[spmem:s0] =	stream.linear.scatter [tilespmem:s15], [sflag:$0x2], $0x70, $0x38;
	[tilespmem:$0x38F0] =	vst v63  }
0x33: {  	_ =	swait.ge [sflag:s16], $0x70  }
0x34: {  	[sflag:s16] =	ssyncset.done $0x0  }
0x35: {  	s31 =	sadd.s32 s29, s8;
	[sflag:s16] =	ssyncadd.s32 $0xFFFFFF90  }
0x36: {  	[spmem:s31] =	stream.linear.scatter [tilespmem:s15], [sflag:$0x2], $0x70, $0x38;
	[tilespmem:$0x38F0] =	vst v63  }
0x37: {  	_ =	swait.ge [sflag:s16], $0x70  }
0x38: {  	[sflag:s16] =	ssyncset.done $0x0  }
0x39: {  	[sflag:s16] =	ssyncadd.s32 $0xFFFFFF90  }
0x3a: {  	s1 =	sadd.s32 $0x0, s10;
	[bflag:$0x0] =	sbarrier.arrive $0xFFFF  }
0x3b: {  	[tilespmem:s17], [sflag:$0x2] =	stream.linear.gather [hbm4b:s1+s4], $0x1C00, $0x38;
	[tilespmem:$0x38F0] =	vst v63  }
0x3c: {  	_ =	swait.ge [sflag:s16], $0x1C00  }
0x3d: {  	[sflag:s16] =	ssyncset.done $0x0  }
0x3e: {  	[sflag:s16] =	ssyncadd.s32 $0xFFFFE400  }
0x3f: {  	[spmem:s2] =	stream.indirect.scatter.add.f32 [tilespmem:s19], [sflag:$0x1], $0x1, s17, s18, $0xb8;
	[tilespmem:$0x38F0] =	vst v63  }
0x40: {  	_ = 	snop  }
0x41: {  	[spmem:s2] =	stream.indirect.scatter.add.f32 [tilespmem:s19], [sflag:$0x1], $0x1, s20, s18, $0xb8;
	[tilespmem:$0x38F0] =	vst v63  }
0x42: {  	_ = 	snop  }
0x43: {  	[spmem:s2] =	stream.indirect.scatter.add.f32 [tilespmem:s19], [sflag:$0x1], $0x1, s21, s18, $0xb8;
	[tilespmem:$0x38F0] =	vst v63  }
0x44: {  	_ = 	snop  }
0x45: {  	[spmem:s2] =	stream.indirect.scatter.add.f32 [tilespmem:s19], [sflag:$0x1], $0x1, s22, s18, $0xb8;
	[tilespmem:$0x38F0] =	vst v63  }
0x46: {  	_ = 	snop  }
0x47: {  	[spmem:s2] =	stream.indirect.scatter.add.f32 [tilespmem:s19], [sflag:$0x1], $0x1, s23, s18, $0xb8;
	[tilespmem:$0x38F0] =	vst v63  }
0x48: {  	_ = 	snop  }
0x49: {  	[spmem:s2] =	stream.indirect.scatter.add.f32 [tilespmem:s19], [sflag:$0x1], $0x1, s24, s18, $0xb8;
	[tilespmem:$0x38F0] =	vst v63  }
0x4a: {  	_ = 	snop  }
0x4b: {  	[spmem:s2] =	stream.indirect.scatter.add.f32 [tilespmem:s19], [sflag:$0x1], $0x1, s25, s18, $0xb8;
	[tilespmem:$0x38F0] =	vst v63  }
0x4c: {  	_ =	swait.ge [sflag:s26], $0x400  }
0x4d: {  	[sflag:s26] =	ssyncset.done $0x0  }
0x4e: {  	[sflag:s26] =	ssyncadd.s32 $0xFFFFFC00  }
0x4f: {  	_ =	swait.ge [sflag:s26], $0x400  }
0x50: {  	[sflag:s26] =	ssyncset.done $0x0  }
0x51: {  	[sflag:s26] =	ssyncadd.s32 $0xFFFFFC00  }
0x52: {  	_ =	swait.ge [sflag:s26], $0x400  }
0x53: {  	[sflag:s26] =	ssyncset.done $0x0  }
0x54: {  	[sflag:s26] =	ssyncadd.s32 $0xFFFFFC00  }
0x55: {  	_ =	swait.ge [sflag:s26], $0x400  }
0x56: {  	[sflag:s26] =	ssyncset.done $0x0  }
0x57: {  	[sflag:s26] =	ssyncadd.s32 $0xFFFFFC00  }
0x58: {  	_ =	swait.ge [sflag:s26], $0x400  }
0x59: {  	[sflag:s26] =	ssyncset.done $0x0  }
0x5a: {  	[sflag:s26] =	ssyncadd.s32 $0xFFFFFC00  }
0x5b: {  	_ =	swait.ge [sflag:s26], $0x400  }
0x5c: {  	[sflag:s26] =	ssyncset.done $0x0  }
0x5d: {  	[sflag:s26] =	ssyncadd.s32 $0xFFFFFC00  }
0x5e: {  	_ =	swait.ge [sflag:s26], $0x400  }
0x5f: {  	[sflag:s26] =	ssyncset.done $0x0  }
0x60: {  	s31 =	sadd.s32 $0x0, s9;
	[sflag:s26] =	ssyncadd.s32 $0xFFFFFC00  }
0x61: {  	[tilespmem:s17], [sflag:$0x2] =	stream.linear.gather [hbm4b:s31+s4], $0x1C00, $0x38;
	[tilespmem:$0x38F0] =	vst v63  }
0x62: {  	_ =	swait.ge [sflag:s16], $0x1C00  }
0x63: {  	[sflag:s16] =	ssyncset.done $0x0  }
0x64: {  	[sflag:s16] =	ssyncadd.s32 $0xFFFFE400  }
0x65: {  	[spmem:s3] =	stream.indirect.scatter.add.f32 [tilespmem:s19], [sflag:$0x1], $0x1, s17, s18, $0xb8;
	[tilespmem:$0x38F0] =	vst v63  }
0x66: {  	_ = 	snop  }
0x67: {  	[spmem:s3] =	stream.indirect.scatter.add.f32 [tilespmem:s19], [sflag:$0x1], $0x1, s20, s18, $0xb8;
	[tilespmem:$0x38F0] =	vst v63  }
0x68: {  	_ = 	snop  }
0x69: {  	[spmem:s3] =	stream.indirect.scatter.add.f32 [tilespmem:s19], [sflag:$0x1], $0x1, s21, s18, $0xb8;
	[tilespmem:$0x38F0] =	vst v63  }
0x6a: {  	_ = 	snop  }
0x6b: {  	[spmem:s3] =	stream.indirect.scatter.add.f32 [tilespmem:s19], [sflag:$0x1], $0x1, s22, s18, $0xb8;
	[tilespmem:$0x38F0] =	vst v63  }
0x6c: {  	_ = 	snop  }
0x6d: {  	[spmem:s3] =	stream.indirect.scatter.add.f32 [tilespmem:s19], [sflag:$0x1], $0x1, s23, s18, $0xb8;
	[tilespmem:$0x38F0] =	vst v63  }
0x6e: {  	_ = 	snop  }
0x6f: {  	[spmem:s3] =	stream.indirect.scatter.add.f32 [tilespmem:s19], [sflag:$0x1], $0x1, s24, s18, $0xb8;
	[tilespmem:$0x38F0] =	vst v63  }
0x70: {  	_ = 	snop  }
0x71: {  	[spmem:s3] =	stream.indirect.scatter.add.f32 [tilespmem:s19], [sflag:$0x1], $0x1, s25, s18, $0xb8;
	[tilespmem:$0x38F0] =	vst v63  }
0x72: {  	_ =	swait.ge [sflag:s26], $0x400  }
0x73: {  	[sflag:s26] =	ssyncset.done $0x0  }
0x74: {  	[sflag:s26] =	ssyncadd.s32 $0xFFFFFC00  }
0x75: {  	_ =	swait.ge [sflag:s26], $0x400  }
0x76: {  	[sflag:s26] =	ssyncset.done $0x0  }
0x77: {  	[sflag:s26] =	ssyncadd.s32 $0xFFFFFC00  }
0x78: {  	_ =	swait.ge [sflag:s26], $0x400  }
0x79: {  	[sflag:s26] =	ssyncset.done $0x0  }
0x7a: {  	[sflag:s26] =	ssyncadd.s32 $0xFFFFFC00  }
0x7b: {  	_ =	swait.ge [sflag:s26], $0x400  }
0x7c: {  	[sflag:s26] =	ssyncset.done $0x0  }
0x7d: {  	[sflag:s26] =	ssyncadd.s32 $0xFFFFFC00  }
0x7e: {  	_ =	swait.ge [sflag:s26], $0x400  }
0x7f: {  	[sflag:s26] =	ssyncset.done $0x0  }
0x80: {  	[sflag:s26] =	ssyncadd.s32 $0xFFFFFC00  }
0x81: {  	_ =	swait.ge [sflag:s26], $0x400  }
0x82: {  	[sflag:s26] =	ssyncset.done $0x0  }
0x83: {  	[sflag:s26] =	ssyncadd.s32 $0xFFFFFC00  }
0x84: {  	_ =	swait.ge [sflag:s26], $0x400  }
0x85: {  	s29 =	simm.s32 $0x380;
	s30 =	simm.s32 $0x700;
	[sflag:s26] =	ssyncset.done $0x0  }
.LBB2_6:
0x86: {  	s1 =	sadd.s32 s29, s10  }
0x87: {  	[sflag:s26] =	ssyncadd.s32 $0xFFFFFC00;
	s31 =	smov.u32 s30;
	s0 =	sadd.s32 $0x380, s30  }
0x88: {  	[tilespmem:s17], [sflag:$0x2] =	stream.linear.gather [hbm4b:s1+s4], $0x1C00, $0x38;
	[tilespmem:$0x38F0] =	vst v63  }
0x89: {  	p1 =	sne.s32 s30, $0x1500;
	_ =	swait.ge [sflag:s16], $0x1C00  }
0x8a: {  	[sflag:s16] =	ssyncset.done $0x0  }
0x8b: {  	[sflag:s16] =	ssyncadd.s32 $0xFFFFE400  }
0x8c: {  	[spmem:s2] =	stream.indirect.scatter.add.f32 [tilespmem:s19], [sflag:$0x1], $0x1, s17, s18, $0xb8;
	[tilespmem:$0x38F0] =	vst v63  }
0x8d: {  	_ = 	snop  }
0x8e: {  	[spmem:s2] =	stream.indirect.scatter.add.f32 [tilespmem:s19], [sflag:$0x1], $0x1, s20, s18, $0xb8;
	[tilespmem:$0x38F0] =	vst v63  }
0x8f: {  	_ = 	snop  }
0x90: {  	[spmem:s2] =	stream.indirect.scatter.add.f32 [tilespmem:s19], [sflag:$0x1], $0x1, s21, s18, $0xb8;
	[tilespmem:$0x38F0] =	vst v63  }
0x91: {  	_ = 	snop  }
0x92: {  	[spmem:s2] =	stream.indirect.scatter.add.f32 [tilespmem:s19], [sflag:$0x1], $0x1, s22, s18, $0xb8;
	[tilespmem:$0x38F0] =	vst v63  }
0x93: {  	_ = 	snop  }
0x94: {  	[spmem:s2] =	stream.indirect.scatter.add.f32 [tilespmem:s19], [sflag:$0x1], $0x1, s23, s18, $0xb8;
	[tilespmem:$0x38F0] =	vst v63  }
0x95: {  	_ = 	snop  }
0x96: {  	[spmem:s2] =	stream.indirect.scatter.add.f32 [tilespmem:s19], [sflag:$0x1], $0x1, s24, s18, $0xb8;
	[tilespmem:$0x38F0] =	vst v63  }
0x97: {  	_ = 	snop  }
0x98: {  	[spmem:s2] =	stream.indirect.scatter.add.f32 [tilespmem:s19], [sflag:$0x1], $0x1, s25, s18, $0xb8;
	[tilespmem:$0x38F0] =	vst v63  }
0x99: {  	_ =	swait.ge [sflag:s26], $0x400  }
0x9a: {  	[sflag:s26] =	ssyncset.done $0x0  }
0x9b: {  	[sflag:s26] =	ssyncadd.s32 $0xFFFFFC00  }
0x9c: {  	_ =	swait.ge [sflag:s26], $0x400  }
0x9d: {  	[sflag:s26] =	ssyncset.done $0x0  }
0x9e: {  	[sflag:s26] =	ssyncadd.s32 $0xFFFFFC00  }
0x9f: {  	_ =	swait.ge [sflag:s26], $0x400  }
0xa0: {  	[sflag:s26] =	ssyncset.done $0x0  }
0xa1: {  	[sflag:s26] =	ssyncadd.s32 $0xFFFFFC00  }
0xa2: {  	_ =	swait.ge [sflag:s26], $0x400  }
0xa3: {  	[sflag:s26] =	ssyncset.done $0x0  }
0xa4: {  	[sflag:s26] =	ssyncadd.s32 $0xFFFFFC00  }
0xa5: {  	_ =	swait.ge [sflag:s26], $0x400  }
0xa6: {  	[sflag:s26] =	ssyncset.done $0x0  }
0xa7: {  	[sflag:s26] =	ssyncadd.s32 $0xFFFFFC00  }
0xa8: {  	_ =	swait.ge [sflag:s26], $0x400  }
0xa9: {  	[sflag:s26] =	ssyncset.done $0x0  }
0xaa: {  	[sflag:s26] =	ssyncadd.s32 $0xFFFFFC00  }
0xab: {  	_ =	swait.ge [sflag:s26], $0x400  }
0xac: {  	[sflag:s26] =	ssyncset.done $0x0  }
0xad: {  	s1 =	sadd.s32 s29, s9;
	s29 =	smov.u32 s31;
	[sflag:s26] =	ssyncadd.s32 $0xFFFFFC00  }
0xae: {  	[tilespmem:s17], [sflag:$0x2] =	stream.linear.gather [hbm4b:s1+s4], $0x1C00, $0x38;
	[tilespmem:$0x38F0] =	vst v63  }
0xaf: {  	_ =	swait.ge [sflag:s16], $0x1C00  }
0xb0: {  	[sflag:s16] =	ssyncset.done $0x0  }
0xb1: {  	[sflag:s16] =	ssyncadd.s32 $0xFFFFE400  }
0xb2: {  	[spmem:s3] =	stream.indirect.scatter.add.f32 [tilespmem:s19], [sflag:$0x1], $0x1, s17, s18, $0xb8;
	[tilespmem:$0x38F0] =	vst v63  }
0xb3: {  	_ = 	snop  }
0xb4: {  	[spmem:s3] =	stream.indirect.scatter.add.f32 [tilespmem:s19], [sflag:$0x1], $0x1, s20, s18, $0xb8;
	[tilespmem:$0x38F0] =	vst v63  }
0xb5: {  	_ = 	snop  }
0xb6: {  	[spmem:s3] =	stream.indirect.scatter.add.f32 [tilespmem:s19], [sflag:$0x1], $0x1, s21, s18, $0xb8;
	[tilespmem:$0x38F0] =	vst v63  }
0xb7: {  	_ = 	snop  }
0xb8: {  	[spmem:s3] =	stream.indirect.scatter.add.f32 [tilespmem:s19], [sflag:$0x1], $0x1, s22, s18, $0xb8;
	[tilespmem:$0x38F0] =	vst v63  }
0xb9: {  	_ = 	snop  }
0xba: {  	[spmem:s3] =	stream.indirect.scatter.add.f32 [tilespmem:s19], [sflag:$0x1], $0x1, s23, s18, $0xb8;
	[tilespmem:$0x38F0] =	vst v63  }
0xbb: {  	_ = 	snop  }
0xbc: {  	[spmem:s3] =	stream.indirect.scatter.add.f32 [tilespmem:s19], [sflag:$0x1], $0x1, s24, s18, $0xb8;
	[tilespmem:$0x38F0] =	vst v63  }
0xbd: {  	_ = 	snop  }
0xbe: {  	[spmem:s3] =	stream.indirect.scatter.add.f32 [tilespmem:s19], [sflag:$0x1], $0x1, s25, s18, $0xb8;
	[tilespmem:$0x38F0] =	vst v63  }
0xbf: {  	_ =	swait.ge [sflag:s26], $0x400  }
0xc0: {  	[sflag:s26] =	ssyncset.done $0x0  }
0xc1: {  	[sflag:s26] =	ssyncadd.s32 $0xFFFFFC00  }
0xc2: {  	_ =	swait.ge [sflag:s26], $0x400  }
0xc3: {  	[sflag:s26] =	ssyncset.done $0x0  }
0xc4: {  	[sflag:s26] =	ssyncadd.s32 $0xFFFFFC00  }
0xc5: {  	_ =	swait.ge [sflag:s26], $0x400  }
0xc6: {  	[sflag:s26] =	ssyncset.done $0x0  }
0xc7: {  	[sflag:s26] =	ssyncadd.s32 $0xFFFFFC00  }
0xc8: {  	_ =	swait.ge [sflag:s26], $0x400  }
0xc9: {  	[sflag:s26] =	ssyncset.done $0x0  }
0xca: {  	[sflag:s26] =	ssyncadd.s32 $0xFFFFFC00  }
0xcb: {  	_ =	swait.ge [sflag:s26], $0x400  }
0xcc: {  	[sflag:s26] =	ssyncset.done $0x0  }
0xcd: {  	[sflag:s26] =	ssyncadd.s32 $0xFFFFFC00  }
.Ltmp4:
0xce: {  	_ =	swait.ge [sflag:s26], $0x400;
	(pc) =	sbr.rel @p1 .LBB2_6-.Ltmp4, $4  }
0xcf: {  	[sflag:s26] =	ssyncset.done $0x0  }
0xd0: {  	[sflag:s26] =	ssyncadd.s32 $0xFFFFFC00  }
0xd1: {  	_ =	swait.ge [sflag:s26], $0x400  }
0xd2: {  	s30 =	smov.u32 s0;
	[sflag:s26] =	ssyncset.done $0x0  }
0xd3: {  	s0 =	sadd.s32 s29, s10;
	[sflag:s26] =	ssyncadd.s32 $0xFFFFFC00  }
0xd4: {  	[tilespmem:s17], [sflag:$0x2] =	stream.linear.gather [hbm4b:s0+s4], $0x1C00, $0x38;
	[tilespmem:$0x38F0] =	vst v63  }
0xd5: {  	_ =	swait.ge [sflag:s16], $0x1C00  }
0xd6: {  	[sflag:s16] =	ssyncset.done $0x0  }
0xd7: {  	[sflag:s16] =	ssyncadd.s32 $0xFFFFE400  }
0xd8: {  	[spmem:s2] =	stream.indirect.scatter.add.f32 [tilespmem:s19], [sflag:$0x1], $0x1, s17, s18, $0xb8;
	[tilespmem:$0x38F0] =	vst v63  }
0xd9: {  	_ = 	snop  }
0xda: {  	[spmem:s2] =	stream.indirect.scatter.add.f32 [tilespmem:s19], [sflag:$0x1], $0x1, s20, s18, $0xb8;
	[tilespmem:$0x38F0] =	vst v63  }
0xdb: {  	_ = 	snop  }
0xdc: {  	[spmem:s2] =	stream.indirect.scatter.add.f32 [tilespmem:s19], [sflag:$0x1], $0x1, s21, s18, $0xb8;
	[tilespmem:$0x38F0] =	vst v63  }
0xdd: {  	_ = 	snop  }
0xde: {  	[spmem:s2] =	stream.indirect.scatter.add.f32 [tilespmem:s19], [sflag:$0x1], $0x1, s22, s18, $0xb8;
	[tilespmem:$0x38F0] =	vst v63  }
0xdf: {  	_ = 	snop  }
0xe0: {  	[spmem:s2] =	stream.indirect.scatter.add.f32 [tilespmem:s19], [sflag:$0x1], $0x1, s23, s18, $0xb8;
	[tilespmem:$0x38F0] =	vst v63  }
0xe1: {  	_ = 	snop  }
0xe2: {  	[spmem:s2] =	stream.indirect.scatter.add.f32 [tilespmem:s19], [sflag:$0x1], $0x1, s24, s18, $0xb8;
	[tilespmem:$0x38F0] =	vst v63  }
0xe3: {  	_ = 	snop  }
0xe4: {  	[spmem:s2] =	stream.indirect.scatter.add.f32 [tilespmem:s19], [sflag:$0x1], $0x1, s25, s18, $0xb8;
	[tilespmem:$0x38F0] =	vst v63  }
0xe5: {  	_ =	swait.ge [sflag:s26], $0x400  }
0xe6: {  	[sflag:s26] =	ssyncset.done $0x0  }
0xe7: {  	[sflag:s26] =	ssyncadd.s32 $0xFFFFFC00  }
0xe8: {  	_ =	swait.ge [sflag:s26], $0x400  }
0xe9: {  	[sflag:s26] =	ssyncset.done $0x0  }
0xea: {  	[sflag:s26] =	ssyncadd.s32 $0xFFFFFC00  }
0xeb: {  	_ =	swait.ge [sflag:s26], $0x400  }
0xec: {  	[sflag:s26] =	ssyncset.done $0x0  }
0xed: {  	[sflag:s26] =	ssyncadd.s32 $0xFFFFFC00  }
0xee: {  	_ =	swait.ge [sflag:s26], $0x400  }
0xef: {  	[sflag:s26] =	ssyncset.done $0x0  }
0xf0: {  	[sflag:s26] =	ssyncadd.s32 $0xFFFFFC00  }
0xf1: {  	_ =	swait.ge [sflag:s26], $0x400  }
0xf2: {  	[sflag:s26] =	ssyncset.done $0x0  }
0xf3: {  	[sflag:s26] =	ssyncadd.s32 $0xFFFFFC00  }
0xf4: {  	_ =	swait.ge [sflag:s26], $0x400  }
0xf5: {  	[sflag:s26] =	ssyncset.done $0x0  }
0xf6: {  	[sflag:s26] =	ssyncadd.s32 $0xFFFFFC00  }
0xf7: {  	_ =	swait.ge [sflag:s26], $0x400  }
0xf8: {  	[sflag:s26] =	ssyncset.done $0x0  }
0xf9: {  	s31 =	sadd.s32 s29, s9;
	[sflag:s26] =	ssyncadd.s32 $0xFFFFFC00  }
0xfa: {  	[tilespmem:s17], [sflag:$0x2] =	stream.linear.gather [hbm4b:s31+s4], $0x1C00, $0x38;
	[tilespmem:$0x38F0] =	vst v63  }
0xfb: {  	_ =	swait.ge [sflag:s16], $0x1C00  }
0xfc: {  	[sflag:s16] =	ssyncset.done $0x0  }
0xfd: {  	[sflag:s16] =	ssyncadd.s32 $0xFFFFE400  }
0xfe: {  	[spmem:s3] =	stream.indirect.scatter.add.f32 [tilespmem:s19], [sflag:$0x1], $0x1, s17, s18, $0xb8;
	[tilespmem:$0x38F0] =	vst v63  }
0xff: {  	_ = 	snop  }
0x100: {  	[spmem:s3] =	stream.indirect.scatter.add.f32 [tilespmem:s19], [sflag:$0x1], $0x1, s20, s18, $0xb8;
	[tilespmem:$0x38F0] =	vst v63  }
0x101: {  	_ = 	snop  }
0x102: {  	[spmem:s3] =	stream.indirect.scatter.add.f32 [tilespmem:s19], [sflag:$0x1], $0x1, s21, s18, $0xb8;
	[tilespmem:$0x38F0] =	vst v63  }
0x103: {  	_ = 	snop  }
0x104: {  	[spmem:s3] =	stream.indirect.scatter.add.f32 [tilespmem:s19], [sflag:$0x1], $0x1, s22, s18, $0xb8;
	[tilespmem:$0x38F0] =	vst v63  }
0x105: {  	_ = 	snop  }
0x106: {  	[spmem:s3] =	stream.indirect.scatter.add.f32 [tilespmem:s19], [sflag:$0x1], $0x1, s23, s18, $0xb8;
	[tilespmem:$0x38F0] =	vst v63  }
0x107: {  	_ = 	snop  }
0x108: {  	[spmem:s3] =	stream.indirect.scatter.add.f32 [tilespmem:s19], [sflag:$0x1], $0x1, s24, s18, $0xb8;
	[tilespmem:$0x38F0] =	vst v63  }
0x109: {  	_ = 	snop  }
0x10a: {  	[spmem:s3] =	stream.indirect.scatter.add.f32 [tilespmem:s19], [sflag:$0x1], $0x1, s25, s18, $0xb8;
	[tilespmem:$0x38F0] =	vst v63  }
0x10b: {  	_ =	swait.ge [sflag:s26], $0x400  }
0x10c: {  	[sflag:s26] =	ssyncset.done $0x0  }
0x10d: {  	[sflag:s26] =	ssyncadd.s32 $0xFFFFFC00  }
0x10e: {  	_ =	swait.ge [sflag:s26], $0x400  }
0x10f: {  	[sflag:s26] =	ssyncset.done $0x0  }
0x110: {  	[sflag:s26] =	ssyncadd.s32 $0xFFFFFC00  }
0x111: {  	_ =	swait.ge [sflag:s26], $0x400  }
0x112: {  	[sflag:s26] =	ssyncset.done $0x0  }
0x113: {  	[sflag:s26] =	ssyncadd.s32 $0xFFFFFC00  }
0x114: {  	_ =	swait.ge [sflag:s26], $0x400  }
0x115: {  	[sflag:s26] =	ssyncset.done $0x0  }
0x116: {  	[sflag:s26] =	ssyncadd.s32 $0xFFFFFC00  }
0x117: {  	_ =	swait.ge [sflag:s26], $0x400  }
0x118: {  	[sflag:s26] =	ssyncset.done $0x0  }
0x119: {  	[sflag:s26] =	ssyncadd.s32 $0xFFFFFC00  }
0x11a: {  	_ =	swait.ge [sflag:s26], $0x400  }
0x11b: {  	[sflag:s26] =	ssyncset.done $0x0  }
0x11c: {  	[sflag:s26] =	ssyncadd.s32 $0xFFFFFC00  }
.Ltmp5:
0x11d: {  	_ =	swait.ge [sflag:s26], $0x400;
	(pc) =	sbr.rel @!p0 .LBB2_8-.Ltmp5, $4  }
0x11e: {  	[sflag:s26] =	ssyncset.done $0x0  }
0x11f: {  	[sflag:s26] =	ssyncadd.s32 $0xFFFFFC00  }
0x120: {  	[bflag:$0x0] =	sbarrier.arrive $0xFFFF  }
0x121: {  	s29 =	simm.s32 $0x0  }
0x122: {  	[tilespmem:s15], [sflag:$0x2] =	stream.linear.gather [spmem:s7], $0x70, $0x38;
	[tilespmem:$0x38F0] =	vst v63  }
0x123: {  	_ =	swait.ge [sflag:s16], $0x70  }
0x124: {  	[sflag:s16] =	ssyncset.done $0x0  }
0x125: {  	s0 =	sadd.s32 $0x0, s13;
	[sflag:s16] =	ssyncadd.s32 $0xFFFFFF90  }
0x126: {  	[hbm4b:s0+s29] =	stream.linear.scatter [tilespmem:s15], [sflag:$0x2], $0x70, $0x38;
	[tilespmem:$0x38F0] =	vst v63  }
0x127: {  	_ =	swait.ge [sflag:s16], $0x70  }
0x128: {  	s30 =	simm.s32 $0xE;
	s31 =	smov.u32 s7;
	[sflag:s16] =	ssyncset.done $0x0  }
.LBB2_14:
0x129: {  	p1 =	sne.s32 s30, $0x17A;
	[sflag:s16] =	ssyncadd.s32 $0xFFFFFF90;
	s31 =	sadd.s32 $0x70, s31  }
0x12a: {  	[tilespmem:s15], [sflag:$0x2] =	stream.linear.gather [spmem:s31], $0x70, $0x38;
	[tilespmem:$0x38F0] =	vst v63  }
0x12b: {  	s0 =	smov.u32 s30;
	s30 =	sadd.s32 $0xE, s30;
	_ =	swait.ge [sflag:s16], $0x70  }
.Ltmp6:
0x12c: {  	[sflag:s16] =	ssyncset.done $0x0;
	(pc) =	sbr.rel @p1 .LBB2_14-.Ltmp6, $4  }
0x12d: {  	s0 =	sadd.s32 s0, s13;
	[sflag:s16] =	ssyncadd.s32 $0xFFFFFF90  }
0x12e: {  	[hbm4b:s0+s29] =	stream.linear.scatter [tilespmem:s15], [sflag:$0x2], $0x70, $0x38;
	[tilespmem:$0x38F0] =	vst v63  }
0x12f: {  	_ =	swait.ge [sflag:s16], $0x70  }
0x130: {  	[sflag:s16] =	ssyncset.done $0x0  }
0x131: {  	[sflag:s16] =	ssyncadd.s32 $0xFFFFFF90  }
0x132: {  	[tilespmem:s15], [sflag:$0x2] =	stream.linear.gather [spmem:s8], $0x70, $0x38;
	[tilespmem:$0x38F0] =	vst v63  }
0x133: {  	_ =	swait.ge [sflag:s16], $0x70  }
0x134: {  	[sflag:s16] =	ssyncset.done $0x0  }
0x135: {  	s0 =	sadd.s32 $0x0, s14;
	[sflag:s16] =	ssyncadd.s32 $0xFFFFFF90  }
0x136: {  	[hbm4b:s0+s4] =	stream.linear.scatter [tilespmem:s15], [sflag:$0x2], $0x70, $0x38;
	[tilespmem:$0x38F0] =	vst v63  }
0x137: {  	_ =	swait.ge [sflag:s16], $0x70  }
0x138: {  	s29 =	simm.s32 $0xE;
	s30 =	smov.u32 s8;
	[sflag:s16] =	ssyncset.done $0x0  }
.LBB2_16:
0x139: {  	p1 =	sne.s32 s29, $0x17A;
	[sflag:s16] =	ssyncadd.s32 $0xFFFFFF90;
	s30 =	sadd.s32 $0x70, s30  }
0x13a: {  	[tilespmem:s15], [sflag:$0x2] =	stream.linear.gather [spmem:s30], $0x70, $0x38;
	[tilespmem:$0x38F0] =	vst v63  }
0x13b: {  	s0 =	smov.u32 s29;
	s29 =	sadd.s32 $0xE, s29;
	_ =	swait.ge [sflag:s16], $0x70  }
.Ltmp7:
0x13c: {  	[sflag:s16] =	ssyncset.done $0x0;
	(pc) =	sbr.rel @p1 .LBB2_16-.Ltmp7, $4  }
0x13d: {  	s0 =	sadd.s32 s0, s14;
	[sflag:s16] =	ssyncadd.s32 $0xFFFFFF90  }
0x13e: {  	[hbm4b:s0+s4] =	stream.linear.scatter [tilespmem:s15], [sflag:$0x2], $0x70, $0x38;
	[tilespmem:$0x38F0] =	vst v63  }
0x13f: {  	_ =	swait.ge [sflag:s16], $0x70  }
0x140: {  	[sflag:s16] =	ssyncset.done $0x0  }
.Ltmp8:
0x141: {  	(pc) =	sbr.rel .LBB2_18-.Ltmp8, $2  }
0x142: {  	_ =	sdelay $0x2  }
0x143: {  	[sflag:s16] =	ssyncadd.s32 $0xFFFFFF90  }
.LBB2_8:
0x144: {  	[tilespmem:s15], [sflag:$0x2] =	stream.linear.gather [spmem:s7], $0x70, $0x38;
	[tilespmem:$0x38F0] =	vst v63  }
0x145: {  	_ =	swait.ge [sflag:s16], $0x70  }
0x146: {  	[sflag:s16] =	ssyncset.done $0x0  }
0x147: {  	s0 =	sadd.s32 $0x0, s11;
	[sflag:s16] =	ssyncadd.s32 $0xFFFFFF90  }
0x148: {  	[hbm4b:s0+s29] =	stream.linear.scatter [tilespmem:s15], [sflag:$0x2], $0x70, $0x38;
	[tilespmem:$0x38F0] =	vst v63  }
0x149: {  	_ =	swait.ge [sflag:s16], $0x70  }
0x14a: {  	s30 =	simm.s32 $0xE;
	s31 =	smov.u32 s7;
	[sflag:s16] =	ssyncset.done $0x0  }
.LBB2_9:
0x14b: {  	p1 =	sne.s32 s30, $0x17A;
	[sflag:s16] =	ssyncadd.s32 $0xFFFFFF90;
	s31 =	sadd.s32 $0x70, s31  }
0x14c: {  	[tilespmem:s15], [sflag:$0x2] =	stream.linear.gather [spmem:s31], $0x70, $0x38;
	[tilespmem:$0x38F0] =	vst v63  }
0x14d: {  	s0 =	smov.u32 s30;
	s30 =	sadd.s32 $0xE, s30;
	_ =	swait.ge [sflag:s16], $0x70  }
.Ltmp9:
0x14e: {  	[sflag:s16] =	ssyncset.done $0x0;
	(pc) =	sbr.rel @p1 .LBB2_9-.Ltmp9, $4  }
0x14f: {  	s0 =	sadd.s32 s0, s11;
	[sflag:s16] =	ssyncadd.s32 $0xFFFFFF90  }
0x150: {  	[hbm4b:s0+s29] =	stream.linear.scatter [tilespmem:s15], [sflag:$0x2], $0x70, $0x38;
	[tilespmem:$0x38F0] =	vst v63  }
0x151: {  	_ =	swait.ge [sflag:s16], $0x70  }
0x152: {  	[sflag:s16] =	ssyncset.done $0x0  }
0x153: {  	[sflag:s16] =	ssyncadd.s32 $0xFFFFFF90  }
0x154: {  	[tilespmem:s15], [sflag:$0x2] =	stream.linear.gather [spmem:s8], $0x70, $0x38;
	[tilespmem:$0x38F0] =	vst v63  }
0x155: {  	_ =	swait.ge [sflag:s16], $0x70  }
0x156: {  	[sflag:s16] =	ssyncset.done $0x0  }
0x157: {  	s0 =	sadd.s32 $0x0, s12;
	[sflag:s16] =	ssyncadd.s32 $0xFFFFFF90  }
0x158: {  	[hbm4b:s0+s4] =	stream.linear.scatter [tilespmem:s15], [sflag:$0x2], $0x70, $0x38;
	[tilespmem:$0x38F0] =	vst v63  }
0x159: {  	_ =	swait.ge [sflag:s16], $0x70  }
0x15a: {  	s29 =	simm.s32 $0xE;
	s30 =	smov.u32 s8;
	[sflag:s16] =	ssyncset.done $0x0  }
.LBB2_11:
0x15b: {  	p1 =	seq.s32 s29, $0x17A;
	[sflag:s16] =	ssyncadd.s32 $0xFFFFFF90;
	s30 =	sadd.s32 $0x70, s30  }
0x15c: {  	[tilespmem:s15], [sflag:$0x2] =	stream.linear.gather [spmem:s30], $0x70, $0x38;
	[tilespmem:$0x38F0] =	vst v63  }
0x15d: {  	s0 =	smov.u32 s29;
	s29 =	sadd.s32 $0xE, s29;
	_ =	swait.ge [sflag:s16], $0x70  }
.Ltmp10:
0x15e: {  	[sflag:s16] =	ssyncset.done $0x0;
	(pc) =	sbr.rel @!p1 .LBB2_11-.Ltmp10, $4  }
0x15f: {  	s0 =	sadd.s32 s0, s12;
	[sflag:s16] =	ssyncadd.s32 $0xFFFFFF90  }
0x160: {  	[hbm4b:s0+s4] =	stream.linear.scatter [tilespmem:s15], [sflag:$0x2], $0x70, $0x38;
	[tilespmem:$0x38F0] =	vst v63  }
0x161: {  	_ =	swait.ge [sflag:s16], $0x70  }
0x162: {  	[sflag:s16] =	ssyncset.done $0x0  }
.Ltmp11:
0x163: {  	_ = 	snop;
	(pc) =	sbr.rel .LBB2_12-.Ltmp11, $1  }
0x164: {  	_ =	sdelay $0x3  }
.LBB2_19:
0x165: {  	_ =	sfence.sel $0x180000  }
0x166: {  	[bflag:$0x0] =	sbarrier.arrive $0xFFFF  }
0x167: {  	_ =	strace $0x90000047  }
0x168: {  	s0 =	stileid.u32;
	[bflag:$0x2] =	sbarrier.arrive $0xFFFF  }
0x169: {  	p0 =	sne.s32 s0, $0x0;
	s0 =	rddreg [dreg:$0x3]  }
0x16a: {  	s0 =	sadd.s32 @!p0 $0x100000, s0  }
0x16b: {  	[sflag:s0] =	ssyncadd.tile.s32 @!p0 $0x1;
	_ =	shalt  }
.Lfunc_end2:
_tile_overlayer_lowered:
.L_overlay_start_2:
0x16c: {  	(tag) =	ssettag $0x2  }
0x16d: {  	s0 =	rddreg [dreg:$0x0];
	s2 =	stileid.u32  }
0x16e: {  	s1 =	rddreg [dreg:$0x1];
	p0 =	sne.s32 s2, $0x0  }
0x16f: {  	s3 =	rddreg [dreg:$0x2];
	[bflag:$0x3] =	sbarrier.arrive $0xFFFF;
	s2 =	simm.s32 @!p0 $0x1C02  }
0x170: {  	[timem:s3], [sflag:s2] =	dma.local @!p0 [hbm:s0], s1  }
0x171: {  	s0 =	simm.s32 @!p0 $0x2  }
0x172: {  	_ =	swait.ge @!p0 [sflag:s0], s1  }
0x173: {  	s1 =	ssub.s32 @!p0 $0x0, s1;
	[sflag:s0] =	ssyncset.done @!p0 $0x0  }
0x174: {  	[sflag:s0] =	ssyncadd.s32 @!p0 s1  }
0x175: {  	[bflag:$0x3] =	sbarrier.arrive $0xFFFF  }
0x176: {  	_ =	shalt  }

// kernel: kernel.15.cloned.1.call-start
scs
__scs_entry_jumppad:
0x0: {  	(pc) =	sbr.rel $0x88, $3  }
0x1: {  	(tag) =	ssettag $0x0;
	lr =	simm.s32 $0x1  }
0x2: {  	[smem:$0x3F93] =	sst lr;
	_ =	strace $0xD0000000  }
0x3: {  	_ = 	snop  }
0x4: {  	_ = 	snop  }
0x5: {  	_ = 	snop  }
0x6: {  	_ = 	snop  }
0x7: {  	_ = 	snop  }
__scs_overlays_trampoline_lowered:
0x8: {  	[smem:$0x3FA2] =	sst s0  }
0x9: {  	[smem:$0x3FA3] =	sst s1  }
0xa: {  	[smem:$0x3FA4] =	sst s2  }
0xb: {  	[smem:$0x3FA5] =	sst s3  }
0xc: {  	[smem:$0x3FA6] =	sst s4  }
0xd: {  	[smem:$0x3FA7] =	sst s5  }
0xe: {  	[smem:$0x3FA8] =	sst s6  }
0xf: {  	[smem:$0x3FA9] =	sst s7  }
0x10: {  	[smem:$0x3FAA] =	sst s8  }
0x11: {  	[smem:$0x3FAB] =	sst s9;
	s0 =	simm.s32 @!p0 $0x0  }
0x12: {  	s1 =	sld [smem:$0x3F91];
	s0 =	simm.s32 @p0 $0x1  }
0x13: {  	[smem:$0x3FAC] =	sst s0;
	s0 =	simm.s32 @!p1 $0x0  }
0x14: {  	s2 =	sld [smem:$0x3F90];
	s0 =	simm.s32 @p1 $0x1  }
0x15: {  	[smem:$0x3FAD] =	sst s0;
	s0 =	simm.s32 @!p2 $0x0  }
0x16: {  	s3 =	sld [smem:$0x3FDB];
	s0 =	simm.s32 @p2 $0x1  }
0x17: {  	s4 =	simm.s32 $0x1BF5;
	[smem:$0x3FAF] =	sst s0  }
0x18: {  	s0 =	sld [smem:$0x3F92];
	_ =	swait.ge [sflag:s4], $0x0  }
0x19: {  	s7 =	sld [smem:$0x3F93]  }
0x1a: {  	s8 =	sadd.s32 $0xFFFFE003, lr  }
0x1b: {  	s9 =	sadd.s32 $0xFFFFFEF7, lr;
	s5 =	simm.s32 $0xFFFFFFFF;
	p2 =	slt.u32 s8, $0xFFFFF086  }
0x1c: {  	p1 =	slt.u32 s9, $0xF7A;
	s5 =	simm.s32 @!p2 $0x0  }
0x1d: {  	s5 =	simm.s32 @p1 $0x1;
	p0 =	seq.s32 s7, s2  }
0x1e: {  	s7 =	smul.u32 @!p0 $0xF7A, s2;
	p2 =	seq.s32 @!p0 s5, $0x0  }
0x1f: {  	s9 =	smul.u32 $0xF7A, s1;
	s8 =	simm.s32 @!p0 $0x1BF5;
	p2 =	por !p2, p0  }
0x20: {  	[sflag:s8] =	ssyncset.s32 @!p0 $0xFFFFF086;
	s6 =	sadd.s32 @!p0 s3, s7;
	s7 =	simm.s32 @!p0 $0x108  }
0x21: {  	s3 =	sadd.s32 s3, s9;
	s6 =	sadd.s32 @!p0 $0x88, s6;
	s7 =	simm.s32 @p2 $0x1082  }
0x22: {  	[simem:s7], [sflag:s8] =	dma.local @!p0 [hbm:s6], $0xF7A  }
0x23: {  	s9 =	sor.u32 $0xD0000000, s2;
	s6 =	simm.s32 $0x108;
	_ =	swait.ge @!p0 [sflag:s8], $0x0  }
0x24: {  	s3 =	sadd.s32 $0x88, s3;
	s6 =	simm.s32 @!p1 $0x1082;
	[sflag:s4] =	ssyncset.s32 $0xFFFFF086  }
0x25: {  	[simem:s6], [sflag:s4] =	dma.local [hbm:s3], $0xF7A  }
0x26: {  	[smem:$0x3F93] =	sst s1;
	(tag) =	ssettag s2;
	_ =	strace s9  }
0x27: {  	s1 =	sld [smem:$0x3FA3]  }
0x28: {  	s2 =	sld [smem:$0x3FA4]  }
0x29: {  	s4 =	sld [smem:$0x3FA6]  }
0x2a: {  	p0 =	seq.s32 s5, $0x0;
	s5 =	sld [smem:$0x3FA7]  }
0x2b: {  	s6 =	sld [smem:$0x3FA8]  }
0x2c: {  	s7 =	sld [smem:$0x3FA9]  }
0x2d: {  	s3 =	simm.s32 $0x108;
	s8 =	sld [smem:$0x3FAA]  }
0x2e: {  	s3 =	simm.s32 @!p0 $0x1082;
	s9 =	sld [smem:$0x3FAB]  }
0x2f: {  	lr =	sadd.s32 s0, s3;
	s0 =	sld [smem:$0x3FA2]  }
0x30: {  	s3 =	sld [smem:$0x3FA5]  }
0x31: {  	[smem:$0x3FAE] =	sst s10  }
0x32: {  	s10 =	sld [smem:$0x3FAC];
	_ =	sdelay $0x3  }
0x33: {  	p0 =	seq.s32 s10, $0x1;
	s10 =	sld [smem:$0x3FAE];
	_ =	sdelay $0x3  }
0x34: {  	[smem:$0x3FAE] =	sst s10  }
0x35: {  	s10 =	sld [smem:$0x3FAD];
	_ =	sdelay $0x3  }
0x36: {  	p1 =	seq.s32 s10, $0x1;
	s10 =	sld [smem:$0x3FAE];
	_ =	sdelay $0x3  }
0x37: {  	[smem:$0x3FAE] =	sst s10  }
0x38: {  	s10 =	sld [smem:$0x3FAF]  }
0x39: {  	_ = 	snop;
	(pc) =	sbr.ind lr, $3  }
0x3a: {  	_ = 	snop  }
0x3b: {  	_ = 	snop  }
0x3c: {  	p2 =	seq.s32 s10, $0x1;
	s10 =	sld [smem:$0x3FAE]  }
0x3d: {  	_ =	shalt  }
0x3e: {  	_ =	shalt  }
0x3f: {  	_ =	shalt  }
0x40: {  	_ =	shalt  }
0x41: {  	_ =	shalt  }
0x42: {  	_ =	shalt  }
0x43: {  	_ =	shalt  }
0x44: {  	_ =	shalt  }
0x45: {  	_ =	shalt  }
0x46: {  	_ =	shalt  }
0x47: {  	_ =	shalt  }
0x48: {  	_ =	shalt  }
0x49: {  	_ =	shalt  }
0x4a: {  	_ =	shalt  }
0x4b: {  	_ =	shalt  }
0x4c: {  	_ =	shalt  }
0x4d: {  	_ =	shalt  }
0x4e: {  	_ =	shalt  }
0x4f: {  	_ =	shalt  }
0x50: {  	_ =	shalt  }
0x51: {  	_ =	shalt  }
0x52: {  	_ =	shalt  }
0x53: {  	_ =	shalt  }
0x54: {  	_ =	shalt  }
0x55: {  	_ =	shalt  }
0x56: {  	_ =	shalt  }
0x57: {  	_ =	shalt  }
0x58: {  	_ =	shalt  }
0x59: {  	_ =	shalt  }
0x5a: {  	_ =	shalt  }
0x5b: {  	_ =	shalt  }
0x5c: {  	_ =	shalt  }
0x5d: {  	_ =	shalt  }
0x5e: {  	_ =	shalt  }
0x5f: {  	_ =	shalt  }
0x60: {  	_ =	shalt  }
0x61: {  	_ =	shalt  }
0x62: {  	_ =	shalt  }
0x63: {  	_ =	shalt  }
0x64: {  	_ =	shalt  }
0x65: {  	_ =	shalt  }
0x66: {  	_ =	shalt  }
0x67: {  	_ =	shalt  }
0x68: {  	_ =	shalt  }
0x69: {  	_ =	shalt  }
0x6a: {  	_ =	shalt  }
0x6b: {  	_ =	shalt  }
0x6c: {  	_ =	shalt  }
0x6d: {  	_ =	shalt  }
0x6e: {  	_ =	shalt  }
0x6f: {  	_ =	shalt  }
0x70: {  	_ =	shalt  }
0x71: {  	_ =	shalt  }
0x72: {  	_ =	shalt  }
0x73: {  	_ =	shalt  }
0x74: {  	_ =	shalt  }
0x75: {  	_ =	shalt  }
0x76: {  	_ =	shalt  }
0x77: {  	_ =	shalt  }
0x78: {  	_ =	shalt  }
0x79: {  	_ =	shalt  }
0x7a: {  	_ =	shalt  }
0x7b: {  	_ =	shalt  }
0x7c: {  	_ =	shalt  }
0x7d: {  	_ =	shalt  }
0x7e: {  	_ =	shalt  }
0x7f: {  	_ =	shalt  }
0x80: {  	_ =	shalt  }
0x81: {  	_ =	shalt  }
0x82: {  	_ =	shalt  }
0x83: {  	_ =	shalt  }
0x84: {  	_ =	shalt  }
0x85: {  	_ =	shalt  }
0x86: {  	_ =	shalt  }
0x87: {  	_ =	shalt  }
.Lfunc_end0:
.L_simem_size_0:
called_computation.1_lowered:
.L_overlay_start_0:
0x88: {  	s2 =	sld [smem:$0x3FD9]  }
0x89: {  	s3 =	sld [smem:$0x3FFE];
	_ =	sdelay $0x1  }
0x8a: {  	s1 =	srdreg.scid  }
0x8b: {  	s0 =	sand.u32 $0x1, s1  }
0x8c: {  	s16 =	sshll.u32 s0, $0xA;
	s2 =	sadd.s32 s3, s2  }
0x8d: {  	s2 =	sadd.s32 s2, s16  }
0x8e: {  	[smem:$0x3FBA] =	sst s2  }
0x8f: {  	_ = 	snop  }
0x90: {  	(tm) =	ssettm $0x1  }
0x91: {  	s17 =	sld [smem:$0x3FFB];
	_ =	sdelay $0x3  }
0x92: {  	_ =	strace s17  }
0x93: {  	s2 =	sld [smem:$0x3FFC];
	_ =	sdelay $0x3  }
0x94: {  	_ =	strace s2  }
0x95: {  	s2 =	sld [smem:$0x3FFD];
	_ =	sdelay $0x3  }
0x96: {  	_ =	strace s2  }
0x97: {  	_ =	strace $0x8FFFFFFF  }
0x98: {  	s18 =	sld [smem:$0x3FDB];
	_ =	sdelay $0x1  }
0x99: {  	s19 =	simm.s32 $_scs_section_size  }
0x9a: {  	s4 =	simm.s32 $_size__tile_overlayer_lowered;
	s5 =	simm.s32 $_tile_overlayer_lowered  }
0x9b: {  	s22 =	simm.s32 $0x1BFF;
	s21 =	sshll.u32 s5, $0x1;
	s2 =	sadd.s32 s19, s18  }
0x9c: {  	s6 =	simm.s32 $0x0;
	s20 =	sshll.u32 s4, $0x1;
	s4 =	sadd.s32 s21, s2  }
0x9d: {  	[timem:s6], [sflag:s22] =	dma.local [hbm:s4], s20  }
0x9e: {  	_ =	swait.ge [sflag:s22], s20  }
0x9f: {  	s3 =	ssub.s32 $0x0, s20;
	[sflag:s22] =	ssyncset.done $0x0  }
0xa0: {  	[sflag:s22] =	ssyncadd.s32 s3;
	_ =	sdelay $0x1  }
0xa1: {  	s23 =	simm.s32 $0x1B8B  }
0xa2: {  	_ =	swait.ge [sflag:s23], $0x1  }
0xa3: {  	[sflag:s23] =	ssyncset.done $0x0  }
0xa4: {  	s25 =	simm.s32 $0x1B8E;
	s24 =	sld [smem:$0x3FFE];
	[sflag:s23] =	ssyncadd.s32 $0xFFFFFFFF  }
0xa5: {  	s26 =	simm.s32 $execute0_lowered;
	[smem:$0x3FD2] =	sst s25  }
0xa6: {  	s4 =	sshll.u32 s26, $0x1;
	_ =	strace $0x80000049;
	[dreg:$0x1] =	wrdreg $0xFFFFFFFF  }
0xa7: {  	s28 =	simm.s32 $_size_execute0_lowered;
	s2 =	sadd.s32 s2, s4;
	[dreg:$0x0] =	wrdreg $0x0  }
0xa8: {  	s4 =	sshll.u32 s28, $0x1;
	[dreg:$0x2] =	wrdreg s2  }
0xa9: {  	[dreg:$0x3] =	wrdreg s4  }
0xaa: {  	[dreg:$0x4] =	wrdreg $0xC0  }
0xab: {  	_ =	task [dreg:s6], $0x5FFFF  }
0xac: {  	[dreg:$0x1] =	wrdreg $0xFFFFFFFF  }
0xad: {  	[dreg:$0x0] =	wrdreg $0x60  }
0xae: {  	[dreg:$0x2] =	wrdreg s24  }
0xaf: {  	[dreg:$0x3] =	wrdreg $0x0  }
0xb0: {  	[dreg:$0x4] =	wrdreg $0x9  }
0xb1: {  	_ =	task.clear_ibuf [dreg:s6], $0x5FFFF;
	_ =	strace $0x90000049  }
0xb2: {  	s29 =	simm.s32 $0x9;
	_ =	strace $0x8000004B  }
0xb3: {  	_ =	swait.ge [sflag:s29], $0x1  }
0xb4: {  	[sflag:s29] =	ssyncadd.s32 $0xFFFFFFFF  }
0xb5: {  	_ =	strace $0x9000004B  }
0xb6: {  	_ =	sfence  }
0xb7: {  	s30 =	sld [smem:$0x0];
	_ =	sdelay $0x2  }
0xb8: {  	s31 =	sshll.u32 s1, $0xD;
	s1 =	sshrl.u32 s1, $0x2  }
0xb9: {  	s3 =	sand.u32 $0x4000, s31;
	s1 =	sadd.s32 s1, s30  }
0xba: {  	s0 =	sor.u32 s3, s0;
	s1 =	sshll.u32 s1, $0x11  }
0xbb: {  	s0 =	sor.u32 s1, s0  }
0xbc: {  	s0 =	sadd.s32 $0x8F2B, s0  }
0xbd: {  	[sflag:s0] =	ssyncadd.remote.s32 $0x1  }
0xbe: {  	_ =	sfence.sel $0xFFFF  }
0xbf: {  	[dreg:$0x0] =	wrdreg $0xFFFFFFFF;
	(pc) =	sbr.abs _section_cstart, $3  }
0xc0: {  	[dreg:$0x1] =	wrdreg $0xFFFFFFFF  }
0xc1: {  	_ =	task.clear_ibuf [dreg:s6], $0x2FFFF;
	_ =	strace $0x9FFFFFFF  }
0xc2: {  	(tm) =	ssettm $0x7FFFFFFF  }
0xc3: {  	_ =	shalt  }
tec
execute0_lowered:
.L_overlay_start_1:
0x0: {  	(tag) =	ssettag $0x1  }
0x1: {  	s0 =	srdreg.scid;
	s1 =	rddreg [dreg:$0x0]  }
0x2: {  	s9 =	stileid.u32;
	s2 =	rddreg [dreg:$0x1];
	s3 =	simm.s32 $0x0  }
0x3: {  	s11 =	simm.s32 $0x5;
	s12 =	simm.s32 $0x3100;
	s13 =	simm.s32 $0x4D00  }
0x4: {  	s14 =	simm.s32 $0x400;
	s15 =	simm.s32 $0x6900;
	s16 =	simm.s32 $0x1  }
0x5: {  	s21 =	simm.s32 $0x3500;
	s18 =	simm.s32 $0x8900;
	s19 =	simm.s32 $0x2  }
0x6: {  	s20 =	simm.s32 $0x3;
	s22 =	simm.s32 $0x5100;
	s17 =	simm.s32 $0x3900  }
0x7: {  	s23 =	simm.s32 $0x4;
	s28 =	simm.s32 $0x4100;
	s5 =	smul.u32 $0xC400, s9  }
0x8: {  	s29 =	simm.s32 $0x5D00;
	s30 =	simm.s32 $0x4500;
	s8 =	smul.u32 $0x18800, s9  }
0x9: {  	s31 =	simm.s32 $0x6500;
	s0 =	sand.u32 $0x1, s0;
	s9 =	smul.u32 $0xC40, s9  }
0xa: {  	[smem:$0x7FF] =	sst s3;
	s10 =	sadd.s32 $0x131200, s1;
	s4 =	smul.u32 $0xC4000, s0  }
0xb: {  	_ =	strace $0x8000004A;
	s6 =	smul.u32 $0xC400, s0;
	s0 =	ssub.s32 $0x2, s0  }
0xc: {  	[dreg:$0x4] =	wrdreg s10;
	s10 =	simm.s32 $0xA900;
	s7 =	sshrl.u32 s0, $0x1  }
0xd: {  	s25 =	sshrl.u32 s8, $0x2;
	s4 =	sadd.s32 s5, s4;
	s0 =	ssub.s32 s0, s7  }
0xe: {  	s7 =	sadd.s32 s25, s2;
	s25 =	simm.s32 $0x3D00;
	s4 =	sshrl.u32 s4, $0x3  }
0xf: {  	s0 =	smax.u32 s0, $0x1;
	s24 =	sadd.s32 s4, s1;
	s4 =	sadd.s32 $0x13D600, s1  }
0x10: {  	s1 =	sadd.s32 s6, s1;
	[dreg:$0x5] =	wrdreg s0;
	s0 =	simm.s32 $0x4900  }
0x11: {  	s6 =	simm.s32 $0x0;
	s26 =	sadd.s32 $0x3000, s24;
	s1 =	sadd.s32 s9, s1  }
0x12: {  	s8 =	sadd.s32 $0x34000, s24;
	s24 =	simm.s32 $0x5500;
	[dreg:$0x3] =	wrdreg s26  }
0x13: {  	s9 =	sadd.s32 $0x149A00, s1;
	s26 =	simm.s32 $0x5900;
	s1 =	simm.s32 $0x6100  }
.LBB2_1:
0x14: {  	[dreg:$0x6] =	wrdreg s6  }
0x15: {  	s5 =	rddreg [dreg:$0x4]  }
0x16: {  	[tilespmem:s10], [sflag:$0x5] =	stream.linear.gather [hbm4b:s5+s3], $0x380, $0x38;
	[tilespmem:$0xAC80] =	vst v63  }
0x17: {  	_ =	swait.ge [sflag:s11], $0x380  }
0x18: {  	[sflag:s11] =	ssyncset.done $0x0  }
0x19: {  	s6 =	sadd.s32 $0x0, s7;
	[sflag:s11] =	ssyncadd.s32 $0xFFFFFC80  }
0x1a: {  	[spmem:s6] =	stream.linear.scatter [tilespmem:s10], [sflag:$0x5], $0x380, $0x38;
	[tilespmem:$0xAC80] =	vst v63  }
0x1b: {  	s5 =	simm.s32 $0xE00;
	_ =	swait.ge [sflag:s11], $0x380  }
.LBB2_2:
0x1c: {  	s6 =	sshra.s32 s5, $0x2;
	[sflag:s11] =	ssyncset.done $0x0;
	p0 =	sne.s32 s5, $0x17A00  }
.Ltmp0:
0x1d: {  	s6 =	sadd.s32 s6, s7;
	[sflag:s11] =	ssyncadd.s32 $0xFFFFFC80;
	(pc) =	sbr.rel @p0 .LBB2_2-.Ltmp0, $3  }
0x1e: {  	[spmem:s6] =	stream.linear.scatter [tilespmem:s10], [sflag:$0x5], $0x380, $0x38;
	[tilespmem:$0xAC80] =	vst v63  }
0x1f: {  	s5 =	sadd.s32 $0xE00, s5;
	_ =	sdelay $0x1  }
0x20: {  	_ =	swait.ge [sflag:s11], $0x380  }
0x21: {  	[sflag:s11] =	ssyncset.done $0x0  }
0x22: {  	[sflag:s11] =	ssyncadd.s32 $0xFFFFFC80  }
0x23: {  	s5 =	sadd.s32 $0x0, s8;
	[bflag:$0x0] =	sbarrier.arrive $0xFFFF  }
0x24: {  	[tilespmem:s12], [sflag:$0x5] =	stream.linear.gather [hbm4b:s5+s3], $0x1C00, $0x38;
	[tilespmem:$0xAC80] =	vst v63  }
0x25: {  	_ =	swait.ge [sflag:s11], $0x1C00  }
0x26: {  	s6 =	rddreg [dreg:$0x3];
	[sflag:s11] =	ssyncset.done $0x0  }
0x27: {  	[sflag:s11] =	ssyncadd.s32 $0xFFFFE400;
	s5 =	sadd.s32 $0x0, s6  }
0x28: {  	[tilespmem:s13], [sflag:$0x5] =	stream.linear.gather [hbm4b:s5+s3], $0x1C00, $0x38;
	[tilespmem:$0xAC80] =	vst v63  }
0x29: {  	_ =	swait.ge [sflag:s11], $0x1C00  }
0x2a: {  	[sflag:s11] =	ssyncset.done $0x0  }
0x2b: {  	[sflag:s11] =	ssyncadd.s32 $0xFFFFE400  }
0x2c: {  	[tilespmem:s15], [sflag:$0x1] =	stream.indirect.gather [hbm4b:s4+s14], $0x4, s12, s14, $0xb8;
	[tilespmem:$0xAC80] =	vst v63  }
0x2d: {  	_ =	swait.ge [sflag:s16], $0x1000  }
0x2e: {  	[sflag:s16] =	ssyncset.done $0x0  }
0x2f: {  	[sflag:s16] =	ssyncadd.s32 $0xFFFFF000  }
0x30: {  	[spmem:s2] =	stream.indirect.scatter.add.f32 [tilespmem:s15], [sflag:$0x3], $0x4, s13, s14, $0xb8;
	[tilespmem:$0xAC80] =	vst v63  }
0x31: {  	_ = 	snop  }
0x32: {  	[tilespmem:s18], [sflag:$0x2] =	stream.indirect.gather [hbm4b:s4+s14], $0x4, s21, s14, $0xb8;
	[tilespmem:$0xAC80] =	vst v63  }
0x33: {  	_ =	swait.ge [sflag:s19], $0x1000  }
0x34: {  	[sflag:s19] =	ssyncset.done $0x0  }
0x35: {  	[sflag:s19] =	ssyncadd.s32 $0xFFFFF000  }
0x36: {  	_ =	swait.ge [sflag:s20], $0x1000  }
0x37: {  	[sflag:s20] =	ssyncset.done $0x0  }
0x38: {  	[sflag:s20] =	ssyncadd.s32 $0xFFFFF000  }
0x39: {  	[spmem:s2] =	stream.indirect.scatter.add.f32 [tilespmem:s18], [sflag:$0x4], $0x4, s22, s14, $0xb8;
	[tilespmem:$0xAC80] =	vst v63  }
0x3a: {  	_ = 	snop  }
0x3b: {  	[tilespmem:s15], [sflag:$0x1] =	stream.indirect.gather [hbm4b:s4+s14], $0x4, s17, s14, $0xb8;
	[tilespmem:$0xAC80] =	vst v63  }
0x3c: {  	_ =	swait.ge [sflag:s16], $0x1000  }
0x3d: {  	[sflag:s16] =	ssyncset.done $0x0  }
0x3e: {  	[sflag:s16] =	ssyncadd.s32 $0xFFFFF000  }
0x3f: {  	_ =	swait.ge [sflag:s23], $0x1000  }
0x40: {  	[sflag:s23] =	ssyncset.done $0x0  }
0x41: {  	[sflag:s23] =	ssyncadd.s32 $0xFFFFF000  }
0x42: {  	[spmem:s2] =	stream.indirect.scatter.add.f32 [tilespmem:s15], [sflag:$0x3], $0x4, s24, s14, $0xb8;
	[tilespmem:$0xAC80] =	vst v63  }
0x43: {  	_ = 	snop  }
0x44: {  	[tilespmem:s18], [sflag:$0x2] =	stream.indirect.gather [hbm4b:s4+s14], $0x4, s25, s14, $0xb8;
	[tilespmem:$0xAC80] =	vst v63  }
0x45: {  	_ =	swait.ge [sflag:s19], $0x1000  }
0x46: {  	[sflag:s19] =	ssyncset.done $0x0  }
0x47: {  	[sflag:s19] =	ssyncadd.s32 $0xFFFFF000  }
0x48: {  	_ =	swait.ge [sflag:s20], $0x1000  }
0x49: {  	[sflag:s20] =	ssyncset.done $0x0  }
0x4a: {  	[sflag:s20] =	ssyncadd.s32 $0xFFFFF000  }
0x4b: {  	[spmem:s2] =	stream.indirect.scatter.add.f32 [tilespmem:s18], [sflag:$0x4], $0x4, s26, s14, $0xb8;
	[tilespmem:$0xAC80] =	vst v63  }
0x4c: {  	_ = 	snop  }
0x4d: {  	[tilespmem:s15], [sflag:$0x1] =	stream.indirect.gather [hbm4b:s4+s14], $0x4, s28, s14, $0xb8;
	[tilespmem:$0xAC80] =	vst v63  }
0x4e: {  	_ =	swait.ge [sflag:s16], $0x1000  }
0x4f: {  	[sflag:s16] =	ssyncset.done $0x0  }
0x50: {  	[sflag:s16] =	ssyncadd.s32 $0xFFFFF000  }
0x51: {  	_ =	swait.ge [sflag:s23], $0x1000  }
0x52: {  	[sflag:s23] =	ssyncset.done $0x0  }
0x53: {  	[sflag:s23] =	ssyncadd.s32 $0xFFFFF000  }
0x54: {  	[spmem:s2] =	stream.indirect.scatter.add.f32 [tilespmem:s15], [sflag:$0x3], $0x4, s29, s14, $0xb8;
	[tilespmem:$0xAC80] =	vst v63  }
0x55: {  	_ = 	snop  }
0x56: {  	[tilespmem:s18], [sflag:$0x2] =	stream.indirect.gather [hbm4b:s4+s14], $0x4, s30, s14, $0xb8;
	[tilespmem:$0xAC80] =	vst v63  }
0x57: {  	_ =	swait.ge [sflag:s19], $0x1000  }
0x58: {  	[sflag:s19] =	ssyncset.done $0x0  }
0x59: {  	[sflag:s19] =	ssyncadd.s32 $0xFFFFF000  }
0x5a: {  	_ =	swait.ge [sflag:s20], $0x1000  }
0x5b: {  	[sflag:s20] =	ssyncset.done $0x0  }
0x5c: {  	[sflag:s20] =	ssyncadd.s32 $0xFFFFF000  }
0x5d: {  	[spmem:s2] =	stream.indirect.scatter.add.f32 [tilespmem:s18], [sflag:$0x4], $0x4, s1, s14, $0xb8;
	[tilespmem:$0xAC80] =	vst v63  }
0x5e: {  	_ = 	snop  }
0x5f: {  	[tilespmem:s15], [sflag:$0x1] =	stream.indirect.gather [hbm4b:s4+s14], $0x4, s0, s14, $0xb8;
	[tilespmem:$0xAC80] =	vst v63  }
0x60: {  	_ =	swait.ge [sflag:s16], $0x1000  }
0x61: {  	[sflag:s16] =	ssyncset.done $0x0  }
0x62: {  	s6 =	simm.s32 $0x380;
	[sflag:s16] =	ssyncadd.s32 $0xFFFFF000  }
0x63: {  	s5 =	simm.s32 $0x700;
	s24 =	simm.s32 $0x3900;
	_ =	swait.ge [sflag:s23], $0x1000  }
0x64: {  	s25 =	simm.s32 $0x5500;
	s26 =	simm.s32 $0x3D00;
	[sflag:s23] =	ssyncset.done $0x0  }
0x65: {  	s28 =	simm.s32 $0x5900;
	s29 =	simm.s32 $0x4100;
	[sflag:s23] =	ssyncadd.s32 $0xFFFFF000  }
0x66: {  	[spmem:s2] =	stream.indirect.scatter.add.f32 [tilespmem:s15], [sflag:$0x3], $0x4, s31, s14, $0xb8;
	[tilespmem:$0xAC80] =	vst v63  }
0x67: {  	s30 =	simm.s32 $0x5D00;
	s1 =	simm.s32 $0x6100;
	_ =	swait.ge [sflag:s20], $0x1000  }
0x68: {  	s0 =	simm.s32 $0x4900;
	s31 =	simm.s32 $0x4500;
	[sflag:s20] =	ssyncset.done $0x0  }
.LBB2_4:
0x69: {  	s21 =	sadd.s32 s6, s8;
	[sflag:s20] =	ssyncadd.s32 $0xFFFFF000  }
0x6a: {  	[tilespmem:s12], [sflag:$0x5] =	stream.linear.gather [hbm4b:s21+s3], $0x1C00, $0x38;
	[tilespmem:$0xAC80] =	vst v63  }
0x6b: {  	s22 =	smov.u32 s5;
	s17 =	sadd.s32 $0x380, s5;
	_ =	swait.ge [sflag:s11], $0x1C00  }
0x6c: {  	p0 =	sne.s32 s5, $0x1500;
	s5 =	rddreg [dreg:$0x3];
	[sflag:s11] =	ssyncset.done $0x0  }
0x6d: {  	[sflag:s11] =	ssyncadd.s32 $0xFFFFE400;
	s5 =	sadd.s32 s6, s5  }
0x6e: {  	[tilespmem:s13], [sflag:$0x5] =	stream.linear.gather [hbm4b:s5+s3], $0x1C00, $0x38;
	[tilespmem:$0xAC80] =	vst v63  }
0x6f: {  	_ =	swait.ge [sflag:s11], $0x1C00  }
0x70: {  	[sflag:s11] =	ssyncset.done $0x0  }
0x71: {  	[sflag:s11] =	ssyncadd.s32 $0xFFFFE400  }
0x72: {  	[tilespmem:s15], [sflag:$0x1] =	stream.indirect.gather [hbm4b:s4+s14], $0x4, s12, s14, $0xb8;
	[tilespmem:$0xAC80] =	vst v63  }
0x73: {  	_ =	swait.ge [sflag:s16], $0x1000  }
0x74: {  	[sflag:s16] =	ssyncset.done $0x0  }
0x75: {  	[sflag:s16] =	ssyncadd.s32 $0xFFFFF000  }
0x76: {  	[spmem:s2] =	stream.indirect.scatter.add.f32 [tilespmem:s15], [sflag:$0x3], $0x4, s13, s14, $0xb8;
	[tilespmem:$0xAC80] =	vst v63  }
0x77: {  	s21 =	simm.s32 $0x3500  }
0x78: {  	[tilespmem:s18], [sflag:$0x2] =	stream.indirect.gather [hbm4b:s4+s14], $0x4, s21, s14, $0xb8;
	[tilespmem:$0xAC80] =	vst v63  }
0x79: {  	_ =	swait.ge [sflag:s19], $0x1000  }
0x7a: {  	[sflag:s19] =	ssyncset.done $0x0  }
0x7b: {  	[sflag:s19] =	ssyncadd.s32 $0xFFFFF000  }
0x7c: {  	_ =	swait.ge [sflag:s20], $0x1000  }
0x7d: {  	[sflag:s20] =	ssyncset.done $0x0  }
0x7e: {  	s6 =	smov.u32 s22;
	s22 =	simm.s32 $0x5100;
	[sflag:s20] =	ssyncadd.s32 $0xFFFFF000  }
0x7f: {  	[spmem:s2] =	stream.indirect.scatter.add.f32 [tilespmem:s18], [sflag:$0x4], $0x4, s22, s14, $0xb8;
	[tilespmem:$0xAC80] =	vst v63  }
0x80: {  	_ = 	snop  }
0x81: {  	[tilespmem:s15], [sflag:$0x1] =	stream.indirect.gather [hbm4b:s4+s14], $0x4, s24, s14, $0xb8;
	[tilespmem:$0xAC80] =	vst v63  }
0x82: {  	_ =	swait.ge [sflag:s16], $0x1000  }
0x83: {  	[sflag:s16] =	ssyncset.done $0x0  }
0x84: {  	[sflag:s16] =	ssyncadd.s32 $0xFFFFF000  }
0x85: {  	_ =	swait.ge [sflag:s23], $0x1000  }
0x86: {  	[sflag:s23] =	ssyncset.done $0x0  }
0x87: {  	[sflag:s23] =	ssyncadd.s32 $0xFFFFF000  }
0x88: {  	[spmem:s2] =	stream.indirect.scatter.add.f32 [tilespmem:s15], [sflag:$0x3], $0x4, s25, s14, $0xb8;
	[tilespmem:$0xAC80] =	vst v63  }
0x89: {  	_ = 	snop  }
0x8a: {  	[tilespmem:s18], [sflag:$0x2] =	stream.indirect.gather [hbm4b:s4+s14], $0x4, s26, s14, $0xb8;
	[tilespmem:$0xAC80] =	vst v63  }
0x8b: {  	_ =	swait.ge [sflag:s19], $0x1000  }
0x8c: {  	[sflag:s19] =	ssyncset.done $0x0  }
0x8d: {  	[sflag:s19] =	ssyncadd.s32 $0xFFFFF000  }
0x8e: {  	_ =	swait.ge [sflag:s20], $0x1000  }
0x8f: {  	[sflag:s20] =	ssyncset.done $0x0  }
0x90: {  	[sflag:s20] =	ssyncadd.s32 $0xFFFFF000  }
0x91: {  	[spmem:s2] =	stream.indirect.scatter.add.f32 [tilespmem:s18], [sflag:$0x4], $0x4, s28, s14, $0xb8;
	[tilespmem:$0xAC80] =	vst v63  }
0x92: {  	_ = 	snop  }
0x93: {  	[tilespmem:s15], [sflag:$0x1] =	stream.indirect.gather [hbm4b:s4+s14], $0x4, s29, s14, $0xb8;
	[tilespmem:$0xAC80] =	vst v63  }
0x94: {  	_ =	swait.ge [sflag:s16], $0x1000  }
0x95: {  	[sflag:s16] =	ssyncset.done $0x0  }
0x96: {  	[sflag:s16] =	ssyncadd.s32 $0xFFFFF000  }
0x97: {  	_ =	swait.ge [sflag:s23], $0x1000  }
0x98: {  	[sflag:s23] =	ssyncset.done $0x0  }
0x99: {  	[sflag:s23] =	ssyncadd.s32 $0xFFFFF000  }
0x9a: {  	[spmem:s2] =	stream.indirect.scatter.add.f32 [tilespmem:s15], [sflag:$0x3], $0x4, s30, s14, $0xb8;
	[tilespmem:$0xAC80] =	vst v63  }
0x9b: {  	_ = 	snop  }
0x9c: {  	[tilespmem:s18], [sflag:$0x2] =	stream.indirect.gather [hbm4b:s4+s14], $0x4, s31, s14, $0xb8;
	[tilespmem:$0xAC80] =	vst v63  }
0x9d: {  	_ =	swait.ge [sflag:s19], $0x1000  }
0x9e: {  	[sflag:s19] =	ssyncset.done $0x0  }
0x9f: {  	[sflag:s19] =	ssyncadd.s32 $0xFFFFF000  }
0xa0: {  	_ =	swait.ge [sflag:s20], $0x1000  }
0xa1: {  	[sflag:s20] =	ssyncset.done $0x0  }
0xa2: {  	[sflag:s20] =	ssyncadd.s32 $0xFFFFF000  }
0xa3: {  	[spmem:s2] =	stream.indirect.scatter.add.f32 [tilespmem:s18], [sflag:$0x4], $0x4, s1, s14, $0xb8;
	[tilespmem:$0xAC80] =	vst v63  }
0xa4: {  	_ = 	snop  }
0xa5: {  	[tilespmem:s15], [sflag:$0x1] =	stream.indirect.gather [hbm4b:s4+s14], $0x4, s0, s14, $0xb8;
	[tilespmem:$0xAC80] =	vst v63  }
0xa6: {  	_ =	swait.ge [sflag:s16], $0x1000  }
0xa7: {  	[sflag:s16] =	ssyncset.done $0x0  }
0xa8: {  	[sflag:s16] =	ssyncadd.s32 $0xFFFFF000  }
0xa9: {  	_ =	swait.ge [sflag:s23], $0x1000  }
.Ltmp1:
0xaa: {  	[sflag:s23] =	ssyncset.done $0x0;
	(pc) =	sbr.rel @p0 .LBB2_4-.Ltmp1, $4  }
0xab: {  	s5 =	simm.s32 $0x6500;
	[sflag:s23] =	ssyncadd.s32 $0xFFFFF000  }
0xac: {  	[spmem:s2] =	stream.indirect.scatter.add.f32 [tilespmem:s15], [sflag:$0x3], $0x4, s5, s14, $0xb8;
	[tilespmem:$0xAC80] =	vst v63  }
0xad: {  	_ =	swait.ge [sflag:s20], $0x1000  }
0xae: {  	s5 =	smov.u32 s17;
	[sflag:s20] =	ssyncset.done $0x0  }
0xaf: {  	s5 =	sadd.s32 s6, s8;
	[sflag:s20] =	ssyncadd.s32 $0xFFFFF000  }
0xb0: {  	[tilespmem:s12], [sflag:$0x5] =	stream.linear.gather [hbm4b:s5+s3], $0x1C00, $0x38;
	[tilespmem:$0xAC80] =	vst v63  }
0xb1: {  	_ =	swait.ge [sflag:s11], $0x1C00  }
0xb2: {  	s17 =	rddreg [dreg:$0x3];
	[sflag:s11] =	ssyncset.done $0x0  }
0xb3: {  	[sflag:s11] =	ssyncadd.s32 $0xFFFFE400;
	s5 =	sadd.s32 s6, s17  }
0xb4: {  	[tilespmem:s13], [sflag:$0x5] =	stream.linear.gather [hbm4b:s5+s3], $0x1C00, $0x38;
	[tilespmem:$0xAC80] =	vst v63  }
0xb5: {  	_ =	swait.ge [sflag:s11], $0x1C00  }
0xb6: {  	[sflag:s11] =	ssyncset.done $0x0  }
0xb7: {  	[sflag:s11] =	ssyncadd.s32 $0xFFFFE400  }
0xb8: {  	[tilespmem:s15], [sflag:$0x1] =	stream.indirect.gather [hbm4b:s4+s14], $0x4, s12, s14, $0xb8;
	[tilespmem:$0xAC80] =	vst v63  }
0xb9: {  	_ =	swait.ge [sflag:s16], $0x1000  }
0xba: {  	[sflag:s16] =	ssyncset.done $0x0  }
0xbb: {  	[sflag:s16] =	ssyncadd.s32 $0xFFFFF000  }
0xbc: {  	[spmem:s2] =	stream.indirect.scatter.add.f32 [tilespmem:s15], [sflag:$0x3], $0x4, s13, s14, $0xb8;
	[tilespmem:$0xAC80] =	vst v63  }
0xbd: {  	_ = 	snop  }
0xbe: {  	[tilespmem:s18], [sflag:$0x2] =	stream.indirect.gather [hbm4b:s4+s14], $0x4, s21, s14, $0xb8;
	[tilespmem:$0xAC80] =	vst v63  }
0xbf: {  	_ =	swait.ge [sflag:s19], $0x1000  }
0xc0: {  	[sflag:s19] =	ssyncset.done $0x0  }
0xc1: {  	[sflag:s19] =	ssyncadd.s32 $0xFFFFF000  }
0xc2: {  	_ =	swait.ge [sflag:s20], $0x1000  }
0xc3: {  	[sflag:s20] =	ssyncset.done $0x0  }
0xc4: {  	[sflag:s20] =	ssyncadd.s32 $0xFFFFF000  }
0xc5: {  	[spmem:s2] =	stream.indirect.scatter.add.f32 [tilespmem:s18], [sflag:$0x4], $0x4, s22, s14, $0xb8;
	[tilespmem:$0xAC80] =	vst v63  }
0xc6: {  	_ = 	snop  }
0xc7: {  	[tilespmem:s15], [sflag:$0x1] =	stream.indirect.gather [hbm4b:s4+s14], $0x4, s24, s14, $0xb8;
	[tilespmem:$0xAC80] =	vst v63  }
0xc8: {  	_ =	swait.ge [sflag:s16], $0x1000  }
0xc9: {  	[sflag:s16] =	ssyncset.done $0x0  }
0xca: {  	[sflag:s16] =	ssyncadd.s32 $0xFFFFF000  }
0xcb: {  	_ =	swait.ge [sflag:s23], $0x1000  }
0xcc: {  	[sflag:s23] =	ssyncset.done $0x0  }
0xcd: {  	[sflag:s23] =	ssyncadd.s32 $0xFFFFF000  }
0xce: {  	[spmem:s2] =	stream.indirect.scatter.add.f32 [tilespmem:s15], [sflag:$0x3], $0x4, s25, s14, $0xb8;
	[tilespmem:$0xAC80] =	vst v63  }
0xcf: {  	_ = 	snop  }
0xd0: {  	[tilespmem:s18], [sflag:$0x2] =	stream.indirect.gather [hbm4b:s4+s14], $0x4, s26, s14, $0xb8;
	[tilespmem:$0xAC80] =	vst v63  }
0xd1: {  	_ =	swait.ge [sflag:s19], $0x1000  }
0xd2: {  	[sflag:s19] =	ssyncset.done $0x0  }
0xd3: {  	[sflag:s19] =	ssyncadd.s32 $0xFFFFF000  }
0xd4: {  	_ =	swait.ge [sflag:s20], $0x1000  }
0xd5: {  	[sflag:s20] =	ssyncset.done $0x0  }
0xd6: {  	[sflag:s20] =	ssyncadd.s32 $0xFFFFF000  }
0xd7: {  	[spmem:s2] =	stream.indirect.scatter.add.f32 [tilespmem:s18], [sflag:$0x4], $0x4, s28, s14, $0xb8;
	[tilespmem:$0xAC80] =	vst v63  }
0xd8: {  	_ = 	snop  }
0xd9: {  	[tilespmem:s15], [sflag:$0x1] =	stream.indirect.gather [hbm4b:s4+s14], $0x4, s29, s14, $0xb8;
	[tilespmem:$0xAC80] =	vst v63  }
0xda: {  	_ =	swait.ge [sflag:s16], $0x1000  }
0xdb: {  	[sflag:s16] =	ssyncset.done $0x0  }
0xdc: {  	[sflag:s16] =	ssyncadd.s32 $0xFFFFF000  }
0xdd: {  	_ =	swait.ge [sflag:s23], $0x1000  }
0xde: {  	[sflag:s23] =	ssyncset.done $0x0  }
0xdf: {  	[sflag:s23] =	ssyncadd.s32 $0xFFFFF000  }
0xe0: {  	[spmem:s2] =	stream.indirect.scatter.add.f32 [tilespmem:s15], [sflag:$0x3], $0x4, s30, s14, $0xb8;
	[tilespmem:$0xAC80] =	vst v63  }
0xe1: {  	_ = 	snop  }
0xe2: {  	[tilespmem:s18], [sflag:$0x2] =	stream.indirect.gather [hbm4b:s4+s14], $0x4, s31, s14, $0xb8;
	[tilespmem:$0xAC80] =	vst v63  }
0xe3: {  	_ =	swait.ge [sflag:s19], $0x1000  }
0xe4: {  	[sflag:s19] =	ssyncset.done $0x0  }
0xe5: {  	[sflag:s19] =	ssyncadd.s32 $0xFFFFF000  }
0xe6: {  	_ =	swait.ge [sflag:s20], $0x1000  }
0xe7: {  	[sflag:s20] =	ssyncset.done $0x0  }
0xe8: {  	[sflag:s20] =	ssyncadd.s32 $0xFFFFF000  }
0xe9: {  	[spmem:s2] =	stream.indirect.scatter.add.f32 [tilespmem:s18], [sflag:$0x4], $0x4, s1, s14, $0xb8;
	[tilespmem:$0xAC80] =	vst v63  }
0xea: {  	_ = 	snop  }
0xeb: {  	[tilespmem:s15], [sflag:$0x1] =	stream.indirect.gather [hbm4b:s4+s14], $0x4, s0, s14, $0xb8;
	[tilespmem:$0xAC80] =	vst v63  }
0xec: {  	_ =	swait.ge [sflag:s16], $0x1000  }
0xed: {  	[sflag:s16] =	ssyncset.done $0x0  }
0xee: {  	[sflag:s16] =	ssyncadd.s32 $0xFFFFF000  }
0xef: {  	_ =	swait.ge [sflag:s23], $0x1000  }
0xf0: {  	[sflag:s23] =	ssyncset.done $0x0  }
0xf1: {  	s25 =	simm.s32 $0x6500;
	[sflag:s23] =	ssyncadd.s32 $0xFFFFF000  }
0xf2: {  	[spmem:s2] =	stream.indirect.scatter.add.f32 [tilespmem:s15], [sflag:$0x3], $0x4, s25, s14, $0xb8;
	[tilespmem:$0xAC80] =	vst v63  }
0xf3: {  	_ =	swait.ge [sflag:s20], $0x1000  }
0xf4: {  	[sflag:s20] =	ssyncset.done $0x0  }
0xf5: {  	[sflag:s20] =	ssyncadd.s32 $0xFFFFF000  }
0xf6: {  	s6 =	smov.u32 s7;
	s5 =	simm.s32 $0x70;
	[bflag:$0x0] =	sbarrier.arrive $0xFFFF  }
0xf7: {  	[tilespmem:s10], [sflag:$0x5] =	stream.linear.gather [spmem:s7], $0x380, $0x38;
	[tilespmem:$0xAC80] =	vst v63  }
0xf8: {  	s24 =	simm.s32 $0x5500;
	s26 =	sadd.s32 $0x0, s9;
	_ =	swait.ge [sflag:s11], $0x380  }
0xf9: {  	s28 =	simm.s32 $0x4100;
	s29 =	simm.s32 $0x5D00;
	[sflag:s11] =	ssyncset.done $0x0  }
0xfa: {  	s30 =	simm.s32 $0x4500;
	s31 =	simm.s32 $0x6500;
	[sflag:s11] =	ssyncadd.s32 $0xFFFFFC80  }
0xfb: {  	[hbm4b:s26+s3] =	stream.linear.scatter [tilespmem:s10], [sflag:$0x5], $0x380, $0x38;
	[tilespmem:$0xAC80] =	vst v63  }
0xfc: {  	s1 =	simm.s32 $0x6100;
	s0 =	simm.s32 $0x4900;
	_ =	swait.ge [sflag:s11], $0x380  }
0xfd: {  	s25 =	simm.s32 $0x3D00;
	s26 =	simm.s32 $0x5900;
	[sflag:s11] =	ssyncset.done $0x0  }
.LBB2_6:
0xfe: {  	p0 =	sne.s32 s5, $0xBD0;
	[sflag:s11] =	ssyncadd.s32 $0xFFFFFC80;
	s6 =	sadd.s32 $0x380, s6  }
0xff: {  	[tilespmem:s10], [sflag:$0x5] =	stream.linear.gather [spmem:s6], $0x380, $0x38;
	[tilespmem:$0xAC80] =	vst v63  }
0x100: {  	s17 =	smov.u32 s5;
	s5 =	sadd.s32 $0x70, s5;
	_ =	swait.ge [sflag:s11], $0x380  }
.Ltmp2:
0x101: {  	[sflag:s11] =	ssyncset.done $0x0;
	(pc) =	sbr.rel @p0 .LBB2_6-.Ltmp2, $4  }
0x102: {  	s17 =	sadd.s32 s17, s9;
	[sflag:s11] =	ssyncadd.s32 $0xFFFFFC80  }
0x103: {  	[hbm4b:s17+s3] =	stream.linear.scatter [tilespmem:s10], [sflag:$0x5], $0x380, $0x38;
	[tilespmem:$0xAC80] =	vst v63  }
0x104: {  	_ =	swait.ge [sflag:s11], $0x380  }
0x105: {  	[sflag:s11] =	ssyncset.done $0x0  }
0x106: {  	s6 =	rddreg [dreg:$0x6]  }
0x107: {  	s5 =	rddreg [dreg:$0x5];
	s6 =	sadd.s32 $0x1, s6  }
0x108: {  	p0 =	sne.s32 s6, s5  }
.Ltmp3:
0x109: {  	_ = 	snop;
	(pc) =	sbr.rel @p0 .LBB2_1-.Ltmp3, $2  }
0x10a: {  	_ =	sdelay $0x2  }
0x10b: {  	[sflag:s11] =	ssyncadd.s32 $0xFFFFFC80;
	s17 =	simm.s32 $0x3900  }
0x10c: {  	_ =	sfence.sel $0x180000  }
0x10d: {  	[bflag:$0x0] =	sbarrier.arrive $0xFFFF  }
0x10e: {  	_ =	strace $0x9000004A  }
0x10f: {  	s0 =	stileid.u32;
	[bflag:$0x2] =	sbarrier.arrive $0xFFFF  }
0x110: {  	p0 =	sne.s32 s0, $0x0;
	s0 =	rddreg [dreg:$0x2]  }
0x111: {  	s0 =	sadd.s32 @!p0 $0x100000, s0  }
0x112: {  	[sflag:s0] =	ssyncadd.tile.s32 @!p0 $0x1;
	_ =	shalt  }
.Lfunc_end2:
_tile_overlayer_lowered:
.L_overlay_start_2:
0x113: {  	(tag) =	ssettag $0x2  }
0x114: {  	s0 =	rddreg [dreg:$0x0];
	s2 =	stileid.u32  }
0x115: {  	s1 =	rddreg [dreg:$0x1];
	p0 =	sne.s32 s2, $0x0  }
0x116: {  	s3 =	rddreg [dreg:$0x2];
	[bflag:$0x3] =	sbarrier.arrive $0xFFFF;
	s2 =	simm.s32 @!p0 $0x1C05  }
0x117: {  	[timem:s3], [sflag:s2] =	dma.local @!p0 [hbm:s0], s1  }
0x118: {  	s0 =	simm.s32 @!p0 $0x5  }
0x119: {  	_ =	swait.ge @!p0 [sflag:s0], s1  }
0x11a: {  	s1 =	ssub.s32 @!p0 $0x0, s1;
	[sflag:s0] =	ssyncset.done @!p0 $0x0  }
0x11b: {  	[sflag:s0] =	ssyncadd.s32 @!p0 s1  }
0x11c: {  	[bflag:$0x3] =	sbarrier.arrive $0xFFFF  }
0x11d: {  	_ =	shalt  }

// kernel: kernel.18.cloned.1.call-start
scs
__scs_entry_jumppad:
0x0: {  	(pc) =	sbr.rel $0x88, $3  }
0x1: {  	(tag) =	ssettag $0x0;
	lr =	simm.s32 $0x1  }
0x2: {  	[smem:$0x3F93] =	sst lr;
	_ =	strace $0xD0000000  }
0x3: {  	_ = 	snop  }
0x4: {  	_ = 	snop  }
0x5: {  	_ = 	snop  }
0x6: {  	_ = 	snop  }
0x7: {  	_ = 	snop  }
__scs_overlays_trampoline_lowered:
0x8: {  	[smem:$0x3FA2] =	sst s0  }
0x9: {  	[smem:$0x3FA3] =	sst s1  }
0xa: {  	[smem:$0x3FA4] =	sst s2  }
0xb: {  	[smem:$0x3FA5] =	sst s3  }
0xc: {  	[smem:$0x3FA6] =	sst s4  }
0xd: {  	[smem:$0x3FA7] =	sst s5  }
0xe: {  	[smem:$0x3FA8] =	sst s6  }
0xf: {  	[smem:$0x3FA9] =	sst s7  }
0x10: {  	[smem:$0x3FAA] =	sst s8  }
0x11: {  	[smem:$0x3FAB] =	sst s9;
	s0 =	simm.s32 @!p0 $0x0  }
0x12: {  	s1 =	sld [smem:$0x3F91];
	s0 =	simm.s32 @p0 $0x1  }
0x13: {  	[smem:$0x3FAC] =	sst s0;
	s0 =	simm.s32 @!p1 $0x0  }
0x14: {  	s2 =	sld [smem:$0x3F90];
	s0 =	simm.s32 @p1 $0x1  }
0x15: {  	[smem:$0x3FAD] =	sst s0;
	s0 =	simm.s32 @!p2 $0x0  }
0x16: {  	s3 =	sld [smem:$0x3FDB];
	s0 =	simm.s32 @p2 $0x1  }
0x17: {  	s4 =	simm.s32 $0x1BF5;
	[smem:$0x3FAF] =	sst s0  }
0x18: {  	s0 =	sld [smem:$0x3F92];
	_ =	swait.ge [sflag:s4], $0x0  }
0x19: {  	s7 =	sld [smem:$0x3F93]  }
0x1a: {  	s8 =	sadd.s32 $0xFFFFE003, lr  }
0x1b: {  	s9 =	sadd.s32 $0xFFFFFEF7, lr;
	s5 =	simm.s32 $0xFFFFFFFF;
	p2 =	slt.u32 s8, $0xFFFFF086  }
0x1c: {  	p1 =	slt.u32 s9, $0xF7A;
	s5 =	simm.s32 @!p2 $0x0  }
0x1d: {  	s5 =	simm.s32 @p1 $0x1;
	p0 =	seq.s32 s7, s2  }
0x1e: {  	s7 =	smul.u32 @!p0 $0xF7A, s2;
	p2 =	seq.s32 @!p0 s5, $0x0  }
0x1f: {  	s9 =	smul.u32 $0xF7A, s1;
	s8 =	simm.s32 @!p0 $0x1BF5;
	p2 =	por !p2, p0  }
0x20: {  	[sflag:s8] =	ssyncset.s32 @!p0 $0xFFFFF086;
	s6 =	sadd.s32 @!p0 s3, s7;
	s7 =	simm.s32 @!p0 $0x108  }
0x21: {  	s3 =	sadd.s32 s3, s9;
	s6 =	sadd.s32 @!p0 $0x88, s6;
	s7 =	simm.s32 @p2 $0x1082  }
0x22: {  	[simem:s7], [sflag:s8] =	dma.local @!p0 [hbm:s6], $0xF7A  }
0x23: {  	s9 =	sor.u32 $0xD0000000, s2;
	s6 =	simm.s32 $0x108;
	_ =	swait.ge @!p0 [sflag:s8], $0x0  }
0x24: {  	s3 =	sadd.s32 $0x88, s3;
	s6 =	simm.s32 @!p1 $0x1082;
	[sflag:s4] =	ssyncset.s32 $0xFFFFF086  }
0x25: {  	[simem:s6], [sflag:s4] =	dma.local [hbm:s3], $0xF7A  }
0x26: {  	[smem:$0x3F93] =	sst s1;
	(tag) =	ssettag s2;
	_ =	strace s9  }
0x27: {  	s1 =	sld [smem:$0x3FA3]  }
0x28: {  	s2 =	sld [smem:$0x3FA4]  }
0x29: {  	s4 =	sld [smem:$0x3FA6]  }
0x2a: {  	p0 =	seq.s32 s5, $0x0;
	s5 =	sld [smem:$0x3FA7]  }
0x2b: {  	s6 =	sld [smem:$0x3FA8]  }
0x2c: {  	s7 =	sld [smem:$0x3FA9]  }
0x2d: {  	s3 =	simm.s32 $0x108;
	s8 =	sld [smem:$0x3FAA]  }
0x2e: {  	s3 =	simm.s32 @!p0 $0x1082;
	s9 =	sld [smem:$0x3FAB]  }
0x2f: {  	lr =	sadd.s32 s0, s3;
	s0 =	sld [smem:$0x3FA2]  }
0x30: {  	s3 =	sld [smem:$0x3FA5]  }
0x31: {  	[smem:$0x3FAE] =	sst s10  }
0x32: {  	s10 =	sld [smem:$0x3FAC];
	_ =	sdelay $0x3  }
0x33: {  	p0 =	seq.s32 s10, $0x1;
	s10 =	sld [smem:$0x3FAE];
	_ =	sdelay $0x3  }
0x34: {  	[smem:$0x3FAE] =	sst s10  }
0x35: {  	s10 =	sld [smem:$0x3FAD];
	_ =	sdelay $0x3  }
0x36: {  	p1 =	seq.s32 s10, $0x1;
	s10 =	sld [smem:$0x3FAE];
	_ =	sdelay $0x3  }
0x37: {  	[smem:$0x3FAE] =	sst s10  }
0x38: {  	s10 =	sld [smem:$0x3FAF]  }
0x39: {  	_ = 	snop;
	(pc) =	sbr.ind lr, $3  }
0x3a: {  	_ = 	snop  }
0x3b: {  	_ = 	snop  }
0x3c: {  	p2 =	seq.s32 s10, $0x1;
	s10 =	sld [smem:$0x3FAE]  }
0x3d: {  	_ =	shalt  }
0x3e: {  	_ =	shalt  }
0x3f: {  	_ =	shalt  }
0x40: {  	_ =	shalt  }
0x41: {  	_ =	shalt  }
0x42: {  	_ =	shalt  }
0x43: {  	_ =	shalt  }
0x44: {  	_ =	shalt  }
0x45: {  	_ =	shalt  }
0x46: {  	_ =	shalt  }
0x47: {  	_ =	shalt  }
0x48: {  	_ =	shalt  }
0x49: {  	_ =	shalt  }
0x4a: {  	_ =	shalt  }
0x4b: {  	_ =	shalt  }
0x4c: {  	_ =	shalt  }
0x4d: {  	_ =	shalt  }
0x4e: {  	_ =	shalt  }
0x4f: {  	_ =	shalt  }
0x50: {  	_ =	shalt  }
0x51: {  	_ =	shalt  }
0x52: {  	_ =	shalt  }
0x53: {  	_ =	shalt  }
0x54: {  	_ =	shalt  }
0x55: {  	_ =	shalt  }
0x56: {  	_ =	shalt  }
0x57: {  	_ =	shalt  }
0x58: {  	_ =	shalt  }
0x59: {  	_ =	shalt  }
0x5a: {  	_ =	shalt  }
0x5b: {  	_ =	shalt  }
0x5c: {  	_ =	shalt  }
0x5d: {  	_ =	shalt  }
0x5e: {  	_ =	shalt  }
0x5f: {  	_ =	shalt  }
0x60: {  	_ =	shalt  }
0x61: {  	_ =	shalt  }
0x62: {  	_ =	shalt  }
0x63: {  	_ =	shalt  }
0x64: {  	_ =	shalt  }
0x65: {  	_ =	shalt  }
0x66: {  	_ =	shalt  }
0x67: {  	_ =	shalt  }
0x68: {  	_ =	shalt  }
0x69: {  	_ =	shalt  }
0x6a: {  	_ =	shalt  }
0x6b: {  	_ =	shalt  }
0x6c: {  	_ =	shalt  }
0x6d: {  	_ =	shalt  }
0x6e: {  	_ =	shalt  }
0x6f: {  	_ =	shalt  }
0x70: {  	_ =	shalt  }
0x71: {  	_ =	shalt  }
0x72: {  	_ =	shalt  }
0x73: {  	_ =	shalt  }
0x74: {  	_ =	shalt  }
0x75: {  	_ =	shalt  }
0x76: {  	_ =	shalt  }
0x77: {  	_ =	shalt  }
0x78: {  	_ =	shalt  }
0x79: {  	_ =	shalt  }
0x7a: {  	_ =	shalt  }
0x7b: {  	_ =	shalt  }
0x7c: {  	_ =	shalt  }
0x7d: {  	_ =	shalt  }
0x7e: {  	_ =	shalt  }
0x7f: {  	_ =	shalt  }
0x80: {  	_ =	shalt  }
0x81: {  	_ =	shalt  }
0x82: {  	_ =	shalt  }
0x83: {  	_ =	shalt  }
0x84: {  	_ =	shalt  }
0x85: {  	_ =	shalt  }
0x86: {  	_ =	shalt  }
0x87: {  	_ =	shalt  }
.Lfunc_end0:
.L_simem_size_0:
called_computation.2_lowered:
.L_overlay_start_0:
0x88: {  	s2 =	sld [smem:$0x3FD9]  }
0x89: {  	s3 =	sld [smem:$0x3FFE];
	_ =	sdelay $0x1  }
0x8a: {  	s1 =	srdreg.scid  }
0x8b: {  	s0 =	sand.u32 $0x1, s1  }
0x8c: {  	s16 =	sshll.u32 s0, $0xA;
	s2 =	sadd.s32 s3, s2  }
0x8d: {  	s2 =	sadd.s32 s2, s16  }
0x8e: {  	[smem:$0x3FBA] =	sst s2  }
0x8f: {  	_ = 	snop  }
0x90: {  	(tm) =	ssettm $0x1  }
0x91: {  	s17 =	sld [smem:$0x3FFB];
	_ =	sdelay $0x3  }
0x92: {  	_ =	strace s17  }
0x93: {  	s2 =	sld [smem:$0x3FFC];
	_ =	sdelay $0x3  }
0x94: {  	_ =	strace s2  }
0x95: {  	s2 =	sld [smem:$0x3FFD];
	_ =	sdelay $0x3  }
0x96: {  	_ =	strace s2  }
0x97: {  	_ =	strace $0x8FFFFFFF  }
0x98: {  	s18 =	sld [smem:$0x3FDB];
	_ =	sdelay $0x1  }
0x99: {  	s19 =	simm.s32 $_scs_section_size  }
0x9a: {  	s4 =	simm.s32 $_size__tile_overlayer_lowered;
	s5 =	simm.s32 $_tile_overlayer_lowered  }
0x9b: {  	s22 =	simm.s32 $0x1BFF;
	s21 =	sshll.u32 s5, $0x1;
	s2 =	sadd.s32 s19, s18  }
0x9c: {  	s6 =	simm.s32 $0x0;
	s20 =	sshll.u32 s4, $0x1;
	s4 =	sadd.s32 s21, s2  }
0x9d: {  	[timem:s6], [sflag:s22] =	dma.local [hbm:s4], s20  }
0x9e: {  	_ =	swait.ge [sflag:s22], s20  }
0x9f: {  	s3 =	ssub.s32 $0x0, s20;
	[sflag:s22] =	ssyncset.done $0x0  }
0xa0: {  	[sflag:s22] =	ssyncadd.s32 s3;
	_ =	sdelay $0x1  }
0xa1: {  	s23 =	simm.s32 $0x1B8B  }
0xa2: {  	_ =	swait.ge [sflag:s23], $0x1  }
0xa3: {  	[sflag:s23] =	ssyncset.done $0x0  }
0xa4: {  	s25 =	simm.s32 $0x1B8E;
	s24 =	sld [smem:$0x3FFE];
	[sflag:s23] =	ssyncadd.s32 $0xFFFFFFFF  }
0xa5: {  	s26 =	simm.s32 $execute0_lowered;
	[smem:$0x3FD2] =	sst s25  }
0xa6: {  	s4 =	sshll.u32 s26, $0x1;
	_ =	strace $0x8000004C;
	[dreg:$0x1] =	wrdreg $0xFFFFFFFF  }
0xa7: {  	s28 =	simm.s32 $_size_execute0_lowered;
	s2 =	sadd.s32 s2, s4;
	[dreg:$0x0] =	wrdreg $0x0  }
0xa8: {  	s4 =	sshll.u32 s28, $0x1;
	[dreg:$0x2] =	wrdreg s2  }
0xa9: {  	[dreg:$0x3] =	wrdreg s4  }
0xaa: {  	[dreg:$0x4] =	wrdreg $0xC0  }
0xab: {  	_ =	task [dreg:s6], $0x5FFFF  }
0xac: {  	[dreg:$0x1] =	wrdreg $0xFFFFFFFF  }
0xad: {  	[dreg:$0x0] =	wrdreg $0x60  }
0xae: {  	[dreg:$0x2] =	wrdreg s24  }
0xaf: {  	[dreg:$0x3] =	wrdreg $0x0  }
0xb0: {  	[dreg:$0x4] =	wrdreg $0x9  }
0xb1: {  	_ =	task.clear_ibuf [dreg:s6], $0x5FFFF;
	_ =	strace $0x9000004C  }
0xb2: {  	s29 =	simm.s32 $0x9;
	_ =	strace $0x8000004E  }
0xb3: {  	_ =	swait.ge [sflag:s29], $0x1  }
0xb4: {  	[sflag:s29] =	ssyncadd.s32 $0xFFFFFFFF  }
0xb5: {  	_ =	strace $0x9000004E  }
0xb6: {  	_ =	sfence  }
0xb7: {  	s30 =	sld [smem:$0x0];
	_ =	sdelay $0x2  }
0xb8: {  	s31 =	sshll.u32 s1, $0xD;
	s1 =	sshrl.u32 s1, $0x2  }
0xb9: {  	s3 =	sand.u32 $0x4000, s31;
	s1 =	sadd.s32 s1, s30  }
0xba: {  	s0 =	sor.u32 s3, s0;
	s1 =	sshll.u32 s1, $0x11  }
0xbb: {  	s0 =	sor.u32 s1, s0  }
0xbc: {  	s0 =	sadd.s32 $0x8F2B, s0  }
0xbd: {  	[sflag:s0] =	ssyncadd.remote.s32 $0x1  }
0xbe: {  	_ =	sfence.sel $0xFFFF  }
0xbf: {  	[dreg:$0x0] =	wrdreg $0xFFFFFFFF;
	(pc) =	sbr.abs _section_cstart, $3  }
0xc0: {  	[dreg:$0x1] =	wrdreg $0xFFFFFFFF  }
0xc1: {  	_ =	task.clear_ibuf [dreg:s6], $0x2FFFF;
	_ =	strace $0x9FFFFFFF  }
0xc2: {  	(tm) =	ssettm $0x7FFFFFFF  }
0xc3: {  	_ =	shalt  }
tec
execute0_lowered:
.L_overlay_start_1:
0x0: {  	(tag) =	ssettag $0x1  }
0x1: {  	s0 =	srdreg.scid;
	s6 =	rddreg [dreg:$0x0]  }
0x2: {  	s24 =	stileid.u32;
	s2 =	rddreg [dreg:$0x1]  }
0x3: {  	s3 =	simm.s32 $0x0;
	s11 =	simm.s32 $0x1D000;
	s12 =	simm.s32 $0x5  }
0x4: {  	s13 =	simm.s32 $0x18800;
	s14 =	simm.s32 $0x18C00;
	s15 =	simm.s32 $0x100  }
0x5: {  	s16 =	simm.s32 $0x19000;
	s17 =	simm.s32 $0x1;
	s18 =	simm.s32 $0x18900  }
0x6: {  	s19 =	simm.s32 $0x1B000;
	s20 =	simm.s32 $0x2;
	s21 =	simm.s32 $0x3  }
0x7: {  	s22 =	simm.s32 $0x18D00;
	s23 =	simm.s32 $0x18A00;
	s5 =	smul.u32 $0xC400, s24  }
0x8: {  	s28 =	simm.s32 $0x18F00;
	s29 =	simm.s32 $0x0;
	s8 =	smul.u32 $0x18800, s24  }
0x9: {  	s1 =	sand.u32 $0x1, s0;
	[smem:$0x7FF] =	sst s3;
	s10 =	smul.u32 $0x62000, s24  }
0xa: {  	s25 =	sadd.s32 $0x65000, s6;
	s24 =	simm.s32 $0x4;
	s4 =	smul.u32 $0xC4000, s1  }
0xb: {  	s7 =	smul.u32 $0x188000, s1;
	_ =	strace $0x8000004D;
	s1 =	ssub.s32 $0x2, s1  }
0xc: {  	[dreg:$0x3] =	wrdreg s25;
	s25 =	simm.s32 $0x18E00;
	s26 =	sshrl.u32 s1, $0x1  }
0xd: {  	s30 =	sshrl.u32 s10, $0x2;
	s4 =	sadd.s32 s5, s4;
	s7 =	sadd.s32 s8, s7  }
0xe: {  	s1 =	ssub.s32 s1, s26;
	s26 =	simm.s32 $0x18B00;
	s4 =	sshrl.u32 s4, $0x3  }
0xf: {  	s7 =	sshrl.u32 s7, $0x3;
	s9 =	sadd.s32 s4, s6;
	s4 =	sadd.s32 $0x375000, s6  }
0x10: {  	s31 =	sadd.s32 s7, s6;
	s6 =	smax.u32 s1, $0x1;
	s7 =	sadd.s32 s30, s2  }
0x11: {  	s8 =	sadd.s32 $0x3000, s9;
	s9 =	sadd.s32 $0x34000, s9;
	s10 =	sadd.s32 $0x96000, s31  }
.LBB2_1:
0x12: {  	s0 =	rddreg [dreg:$0x3]  }
0x13: {  	[tilespmem:s11], [sflag:$0x5] =	stream.linear.gather [hbm4b:s0+s3], $0xE00, $0x38;
	[tilespmem:$0x1DE00] =	vst v63  }
0x14: {  	_ =	swait.ge [sflag:s12], $0xE00  }
0x15: {  	[sflag:s12] =	ssyncset.done $0x0  }
0x16: {  	s1 =	sadd.s32 $0x0, s7;
	[sflag:s12] =	ssyncadd.s32 $0xFFFFF200  }
0x17: {  	[spmem:s1] =	stream.linear.scatter [tilespmem:s11], [sflag:$0x5], $0xE00, $0x38;
	[tilespmem:$0x1DE00] =	vst v63  }
0x18: {  	s30 =	simm.s32 $0x3800;
	_ =	swait.ge [sflag:s12], $0xE00  }
.LBB2_2:
0x19: {  	s1 =	sshra.s32 s30, $0x2;
	[sflag:s12] =	ssyncset.done $0x0;
	p0 =	sne.s32 s30, $0x5E800  }
.Ltmp0:
0x1a: {  	s1 =	sadd.s32 s1, s7;
	[sflag:s12] =	ssyncadd.s32 $0xFFFFF200;
	(pc) =	sbr.rel @p0 .LBB2_2-.Ltmp0, $3  }
0x1b: {  	[spmem:s1] =	stream.linear.scatter [tilespmem:s11], [sflag:$0x5], $0xE00, $0x38;
	[tilespmem:$0x1DE00] =	vst v63  }
0x1c: {  	s30 =	sadd.s32 $0x3800, s30;
	_ =	sdelay $0x1  }
0x1d: {  	_ =	swait.ge [sflag:s12], $0xE00  }
0x1e: {  	[sflag:s12] =	ssyncset.done $0x0  }
0x1f: {  	[sflag:s12] =	ssyncadd.s32 $0xFFFFF200  }
0x20: {  	s1 =	sadd.s32 $0x0, s9;
	[bflag:$0x0] =	sbarrier.arrive $0xFFFF  }
0x21: {  	[tilespmem:s13], [sflag:$0x5] =	stream.linear.gather [hbm4b:s1+s3], $0x400, $0x38;
	[tilespmem:$0x1DE00] =	vst v63  }
0x22: {  	_ =	swait.ge [sflag:s12], $0x400  }
0x23: {  	[sflag:s12] =	ssyncset.done $0x0  }
0x24: {  	s5 =	sadd.s32 $0x0, s8;
	[sflag:s12] =	ssyncadd.s32 $0xFFFFFC00  }
0x25: {  	[tilespmem:s14], [sflag:$0x5] =	stream.linear.gather [hbm4b:s5+s3], $0x400, $0x38;
	[tilespmem:$0x1DE00] =	vst v63  }
0x26: {  	_ =	swait.ge [sflag:s12], $0x400  }
0x27: {  	[sflag:s12] =	ssyncset.done $0x0  }
0x28: {  	[sflag:s12] =	ssyncadd.s32 $0xFFFFFC00  }
0x29: {  	[tilespmem:s16], [sflag:$0x1] =	stream.indirect.gather [hbm4b:s4+s15], $0x20, s13, s15, $0xb8;
	[tilespmem:$0x1DE00] =	vst v63  }
0x2a: {  	_ =	swait.ge [sflag:s17], $0x2000  }
0x2b: {  	[sflag:s17] =	ssyncset.done $0x0  }
0x2c: {  	[sflag:s17] =	ssyncadd.s32 $0xFFFFE000  }
0x2d: {  	[spmem:s2] =	stream.indirect.scatter.add.f32 [tilespmem:s16], [sflag:$0x3], $0x20, s14, s15, $0xb8;
	[tilespmem:$0x1DE00] =	vst v63  }
0x2e: {  	_ = 	snop  }
0x2f: {  	[tilespmem:s19], [sflag:$0x2] =	stream.indirect.gather [hbm4b:s4+s15], $0x20, s18, s15, $0xb8;
	[tilespmem:$0x1DE00] =	vst v63  }
0x30: {  	_ =	swait.ge [sflag:s20], $0x2000  }
0x31: {  	[sflag:s20] =	ssyncset.done $0x0  }
0x32: {  	[sflag:s20] =	ssyncadd.s32 $0xFFFFE000  }
0x33: {  	_ =	swait.ge [sflag:s21], $0x2000  }
0x34: {  	[sflag:s21] =	ssyncset.done $0x0  }
0x35: {  	[sflag:s21] =	ssyncadd.s32 $0xFFFFE000  }
0x36: {  	[spmem:s2] =	stream.indirect.scatter.add.f32 [tilespmem:s19], [sflag:$0x4], $0x20, s22, s15, $0xb8;
	[tilespmem:$0x1DE00] =	vst v63  }
0x37: {  	_ = 	snop  }
0x38: {  	[tilespmem:s16], [sflag:$0x1] =	stream.indirect.gather [hbm4b:s4+s15], $0x20, s23, s15, $0xb8;
	[tilespmem:$0x1DE00] =	vst v63  }
0x39: {  	_ =	swait.ge [sflag:s17], $0x2000  }
0x3a: {  	[sflag:s17] =	ssyncset.done $0x0  }
0x3b: {  	[sflag:s17] =	ssyncadd.s32 $0xFFFFE000  }
0x3c: {  	_ =	swait.ge [sflag:s24], $0x2000  }
0x3d: {  	[sflag:s24] =	ssyncset.done $0x0  }
0x3e: {  	[sflag:s24] =	ssyncadd.s32 $0xFFFFE000  }
0x3f: {  	[spmem:s2] =	stream.indirect.scatter.add.f32 [tilespmem:s16], [sflag:$0x3], $0x20, s25, s15, $0xb8;
	[tilespmem:$0x1DE00] =	vst v63  }
0x40: {  	_ = 	snop  }
0x41: {  	[tilespmem:s19], [sflag:$0x2] =	stream.indirect.gather [hbm4b:s4+s15], $0x20, s26, s15, $0xb8;
	[tilespmem:$0x1DE00] =	vst v63  }
0x42: {  	_ =	swait.ge [sflag:s20], $0x2000  }
0x43: {  	[sflag:s20] =	ssyncset.done $0x0  }
0x44: {  	[sflag:s20] =	ssyncadd.s32 $0xFFFFE000  }
0x45: {  	_ =	swait.ge [sflag:s21], $0x2000  }
0x46: {  	[sflag:s21] =	ssyncset.done $0x0  }
0x47: {  	[sflag:s21] =	ssyncadd.s32 $0xFFFFE000  }
0x48: {  	[spmem:s2] =	stream.indirect.scatter.add.f32 [tilespmem:s19], [sflag:$0x4], $0x20, s28, s15, $0xb8;
	[tilespmem:$0x1DE00] =	vst v63  }
0x49: {  	_ =	swait.ge [sflag:s24], $0x2000  }
0x4a: {  	s30 =	simm.s32 $0x80;
	s31 =	simm.s32 $0x100;
	[sflag:s24] =	ssyncset.done $0x0  }
.LBB2_4:
0x4b: {  	s0 =	sadd.s32 s30, s9  }
0x4c: {  	[sflag:s24] =	ssyncadd.s32 $0xFFFFE000;
	s5 =	smov.u32 s31;
	s1 =	sadd.s32 $0x80, s31  }
0x4d: {  	[tilespmem:s13], [sflag:$0x5] =	stream.linear.gather [hbm4b:s0+s3], $0x400, $0x38;
	[tilespmem:$0x1DE00] =	vst v63  }
0x4e: {  	p0 =	sne.s32 s31, $0x1800;
	_ =	swait.ge [sflag:s12], $0x400  }
0x4f: {  	[sflag:s12] =	ssyncset.done $0x0  }
0x50: {  	s0 =	sadd.s32 s30, s8;
	s30 =	smov.u32 s5;
	[sflag:s12] =	ssyncadd.s32 $0xFFFFFC00  }
0x51: {  	[tilespmem:s14], [sflag:$0x5] =	stream.linear.gather [hbm4b:s0+s3], $0x400, $0x38;
	[tilespmem:$0x1DE00] =	vst v63  }
0x52: {  	_ =	swait.ge [sflag:s12], $0x400  }
0x53: {  	[sflag:s12] =	ssyncset.done $0x0  }
0x54: {  	[sflag:s12] =	ssyncadd.s32 $0xFFFFFC00  }
0x55: {  	[tilespmem:s16], [sflag:$0x1] =	stream.indirect.gather [hbm4b:s4+s15], $0x20, s13, s15, $0xb8;
	[tilespmem:$0x1DE00] =	vst v63  }
0x56: {  	_ =	swait.ge [sflag:s17], $0x2000  }
0x57: {  	[sflag:s17] =	ssyncset.done $0x0  }
0x58: {  	[sflag:s17] =	ssyncadd.s32 $0xFFFFE000  }
0x59: {  	[spmem:s2] =	stream.indirect.scatter.add.f32 [tilespmem:s16], [sflag:$0x3], $0x20, s14, s15, $0xb8;
	[tilespmem:$0x1DE00] =	vst v63  }
0x5a: {  	_ = 	snop  }
0x5b: {  	[tilespmem:s19], [sflag:$0x2] =	stream.indirect.gather [hbm4b:s4+s15], $0x20, s18, s15, $0xb8;
	[tilespmem:$0x1DE00] =	vst v63  }
0x5c: {  	_ =	swait.ge [sflag:s20], $0x2000  }
0x5d: {  	[sflag:s20] =	ssyncset.done $0x0  }
0x5e: {  	[sflag:s20] =	ssyncadd.s32 $0xFFFFE000  }
0x5f: {  	_ =	swait.ge [sflag:s21], $0x2000  }
0x60: {  	[sflag:s21] =	ssyncset.done $0x0  }
0x61: {  	[sflag:s21] =	ssyncadd.s32 $0xFFFFE000  }
0x62: {  	[spmem:s2] =	stream.indirect.scatter.add.f32 [tilespmem:s19], [sflag:$0x4], $0x20, s22, s15, $0xb8;
	[tilespmem:$0x1DE00] =	vst v63  }
0x63: {  	_ = 	snop  }
0x64: {  	[tilespmem:s16], [sflag:$0x1] =	stream.indirect.gather [hbm4b:s4+s15], $0x20, s23, s15, $0xb8;
	[tilespmem:$0x1DE00] =	vst v63  }
0x65: {  	_ =	swait.ge [sflag:s17], $0x2000  }
0x66: {  	[sflag:s17] =	ssyncset.done $0x0  }
0x67: {  	[sflag:s17] =	ssyncadd.s32 $0xFFFFE000  }
0x68: {  	_ =	swait.ge [sflag:s24], $0x2000  }
0x69: {  	[sflag:s24] =	ssyncset.done $0x0  }
0x6a: {  	[sflag:s24] =	ssyncadd.s32 $0xFFFFE000  }
0x6b: {  	[spmem:s2] =	stream.indirect.scatter.add.f32 [tilespmem:s16], [sflag:$0x3], $0x20, s25, s15, $0xb8;
	[tilespmem:$0x1DE00] =	vst v63  }
0x6c: {  	_ = 	snop  }
0x6d: {  	[tilespmem:s19], [sflag:$0x2] =	stream.indirect.gather [hbm4b:s4+s15], $0x20, s26, s15, $0xb8;
	[tilespmem:$0x1DE00] =	vst v63  }
0x6e: {  	_ =	swait.ge [sflag:s20], $0x2000  }
0x6f: {  	[sflag:s20] =	ssyncset.done $0x0  }
0x70: {  	[sflag:s20] =	ssyncadd.s32 $0xFFFFE000  }
0x71: {  	_ =	swait.ge [sflag:s21], $0x2000  }
.Ltmp1:
0x72: {  	[sflag:s21] =	ssyncset.done $0x0;
	(pc) =	sbr.rel @p0 .LBB2_4-.Ltmp1, $4  }
0x73: {  	[sflag:s21] =	ssyncadd.s32 $0xFFFFE000  }
0x74: {  	[spmem:s2] =	stream.indirect.scatter.add.f32 [tilespmem:s19], [sflag:$0x4], $0x20, s28, s15, $0xb8;
	[tilespmem:$0x1DE00] =	vst v63  }
0x75: {  	_ =	swait.ge [sflag:s24], $0x2000  }
0x76: {  	s31 =	smov.u32 s1;
	[sflag:s24] =	ssyncset.done $0x0  }
0x77: {  	s0 =	sadd.s32 s30, s9;
	[sflag:s24] =	ssyncadd.s32 $0xFFFFE000  }
0x78: {  	[tilespmem:s13], [sflag:$0x5] =	stream.linear.gather [hbm4b:s0+s3], $0x400, $0x38;
	[tilespmem:$0x1DE00] =	vst v63  }
0x79: {  	_ =	swait.ge [sflag:s12], $0x400  }
0x7a: {  	[sflag:s12] =	ssyncset.done $0x0  }
0x7b: {  	s1 =	sadd.s32 s30, s8;
	[sflag:s12] =	ssyncadd.s32 $0xFFFFFC00  }
0x7c: {  	[tilespmem:s14], [sflag:$0x5] =	stream.linear.gather [hbm4b:s1+s3], $0x400, $0x38;
	[tilespmem:$0x1DE00] =	vst v63  }
0x7d: {  	_ =	swait.ge [sflag:s12], $0x400  }
0x7e: {  	[sflag:s12] =	ssyncset.done $0x0  }
0x7f: {  	[sflag:s12] =	ssyncadd.s32 $0xFFFFFC00  }
0x80: {  	[tilespmem:s16], [sflag:$0x1] =	stream.indirect.gather [hbm4b:s4+s15], $0x20, s13, s15, $0xb8;
	[tilespmem:$0x1DE00] =	vst v63  }
0x81: {  	_ =	swait.ge [sflag:s17], $0x2000  }
0x82: {  	[sflag:s17] =	ssyncset.done $0x0  }
0x83: {  	[sflag:s17] =	ssyncadd.s32 $0xFFFFE000  }
0x84: {  	[spmem:s2] =	stream.indirect.scatter.add.f32 [tilespmem:s16], [sflag:$0x3], $0x20, s14, s15, $0xb8;
	[tilespmem:$0x1DE00] =	vst v63  }
0x85: {  	_ = 	snop  }
0x86: {  	[tilespmem:s19], [sflag:$0x2] =	stream.indirect.gather [hbm4b:s4+s15], $0x20, s18, s15, $0xb8;
	[tilespmem:$0x1DE00] =	vst v63  }
0x87: {  	_ =	swait.ge [sflag:s20], $0x2000  }
0x88: {  	[sflag:s20] =	ssyncset.done $0x0  }
0x89: {  	[sflag:s20] =	ssyncadd.s32 $0xFFFFE000  }
0x8a: {  	_ =	swait.ge [sflag:s21], $0x2000  }
0x8b: {  	[sflag:s21] =	ssyncset.done $0x0  }
0x8c: {  	[sflag:s21] =	ssyncadd.s32 $0xFFFFE000  }
0x8d: {  	[spmem:s2] =	stream.indirect.scatter.add.f32 [tilespmem:s19], [sflag:$0x4], $0x20, s22, s15, $0xb8;
	[tilespmem:$0x1DE00] =	vst v63  }
0x8e: {  	_ = 	snop  }
0x8f: {  	[tilespmem:s16], [sflag:$0x1] =	stream.indirect.gather [hbm4b:s4+s15], $0x20, s23, s15, $0xb8;
	[tilespmem:$0x1DE00] =	vst v63  }
0x90: {  	_ =	swait.ge [sflag:s17], $0x2000  }
0x91: {  	[sflag:s17] =	ssyncset.done $0x0  }
0x92: {  	[sflag:s17] =	ssyncadd.s32 $0xFFFFE000  }
0x93: {  	_ =	swait.ge [sflag:s24], $0x2000  }
0x94: {  	[sflag:s24] =	ssyncset.done $0x0  }
0x95: {  	[sflag:s24] =	ssyncadd.s32 $0xFFFFE000  }
0x96: {  	[spmem:s2] =	stream.indirect.scatter.add.f32 [tilespmem:s16], [sflag:$0x3], $0x20, s25, s15, $0xb8;
	[tilespmem:$0x1DE00] =	vst v63  }
0x97: {  	_ = 	snop  }
0x98: {  	[tilespmem:s19], [sflag:$0x2] =	stream.indirect.gather [hbm4b:s4+s15], $0x20, s26, s15, $0xb8;
	[tilespmem:$0x1DE00] =	vst v63  }
0x99: {  	_ =	swait.ge [sflag:s20], $0x2000  }
0x9a: {  	[sflag:s20] =	ssyncset.done $0x0  }
0x9b: {  	[sflag:s20] =	ssyncadd.s32 $0xFFFFE000  }
0x9c: {  	_ =	swait.ge [sflag:s21], $0x2000  }
0x9d: {  	[sflag:s21] =	ssyncset.done $0x0  }
0x9e: {  	[sflag:s21] =	ssyncadd.s32 $0xFFFFE000  }
0x9f: {  	[spmem:s2] =	stream.indirect.scatter.add.f32 [tilespmem:s19], [sflag:$0x4], $0x20, s28, s15, $0xb8;
	[tilespmem:$0x1DE00] =	vst v63  }
0xa0: {  	_ =	swait.ge [sflag:s24], $0x2000  }
0xa1: {  	[sflag:s24] =	ssyncset.done $0x0  }
0xa2: {  	[sflag:s24] =	ssyncadd.s32 $0xFFFFE000  }
0xa3: {  	[bflag:$0x0] =	sbarrier.arrive $0xFFFF  }
0xa4: {  	[tilespmem:s11], [sflag:$0x5] =	stream.linear.gather [spmem:s7], $0xE00, $0x38;
	[tilespmem:$0x1DE00] =	vst v63  }
0xa5: {  	_ =	swait.ge [sflag:s12], $0xE00  }
0xa6: {  	[sflag:s12] =	ssyncset.done $0x0  }
0xa7: {  	s5 =	sadd.s32 $0x0, s10;
	[sflag:s12] =	ssyncadd.s32 $0xFFFFF200  }
0xa8: {  	[hbm4b:s5+s3] =	stream.linear.scatter [tilespmem:s11], [sflag:$0x5], $0xE00, $0x38;
	[tilespmem:$0x1DE00] =	vst v63  }
0xa9: {  	_ =	swait.ge [sflag:s12], $0xE00  }
0xaa: {  	s30 =	simm.s32 $0x1C0;
	s31 =	smov.u32 s7;
	[sflag:s12] =	ssyncset.done $0x0  }
.LBB2_6:
0xab: {  	p0 =	sne.s32 s30, $0x2F40;
	[sflag:s12] =	ssyncadd.s32 $0xFFFFF200;
	s31 =	sadd.s32 $0xE00, s31  }
0xac: {  	[tilespmem:s11], [sflag:$0x5] =	stream.linear.gather [spmem:s31], $0xE00, $0x38;
	[tilespmem:$0x1DE00] =	vst v63  }
0xad: {  	s0 =	smov.u32 s30;
	s30 =	sadd.s32 $0x1C0, s30;
	_ =	swait.ge [sflag:s12], $0xE00  }
.Ltmp2:
0xae: {  	[sflag:s12] =	ssyncset.done $0x0;
	(pc) =	sbr.rel @p0 .LBB2_6-.Ltmp2, $4  }
0xaf: {  	s0 =	sadd.s32 s0, s10;
	[sflag:s12] =	ssyncadd.s32 $0xFFFFF200  }
0xb0: {  	[hbm4b:s0+s3] =	stream.linear.scatter [tilespmem:s11], [sflag:$0x5], $0xE00, $0x38;
	[tilespmem:$0x1DE00] =	vst v63  }
0xb1: {  	_ =	swait.ge [sflag:s12], $0xE00  }
0xb2: {  	[sflag:s12] =	ssyncset.done $0x0  }
0xb3: {  	s29 =	sadd.s32 $0x1, s29  }
0xb4: {  	p0 =	sne.s32 s29, s6  }
.Ltmp3:
0xb5: {  	_ = 	snop;
	(pc) =	sbr.rel @p0 .LBB2_1-.Ltmp3, $2  }
0xb6: {  	_ =	sdelay $0x2  }
0xb7: {  	[sflag:s12] =	ssyncadd.s32 $0xFFFFF200  }
0xb8: {  	_ =	sfence.sel $0x180000  }
0xb9: {  	[bflag:$0x0] =	sbarrier.arrive $0xFFFF  }
0xba: {  	_ =	strace $0x9000004D  }
0xbb: {  	s0 =	stileid.u32;
	[bflag:$0x2] =	sbarrier.arrive $0xFFFF  }
0xbc: {  	p0 =	sne.s32 s0, $0x0;
	s0 =	rddreg [dreg:$0x2]  }
0xbd: {  	s0 =	sadd.s32 @!p0 $0x100000, s0  }
0xbe: {  	[sflag:s0] =	ssyncadd.tile.s32 @!p0 $0x1;
	_ =	shalt  }
.Lfunc_end2:
_tile_overlayer_lowered:
.L_overlay_start_2:
0xbf: {  	(tag) =	ssettag $0x2  }
0xc0: {  	s0 =	rddreg [dreg:$0x0];
	s2 =	stileid.u32  }
0xc1: {  	s1 =	rddreg [dreg:$0x1];
	p0 =	sne.s32 s2, $0x0  }
0xc2: {  	s3 =	rddreg [dreg:$0x2];
	[bflag:$0x3] =	sbarrier.arrive $0xFFFF;
	s2 =	simm.s32 @!p0 $0x1C05  }
0xc3: {  	[timem:s3], [sflag:s2] =	dma.local @!p0 [hbm:s0], s1  }
0xc4: {  	s0 =	simm.s32 @!p0 $0x5  }
0xc5: {  	_ =	swait.ge @!p0 [sflag:s0], s1  }
0xc6: {  	s1 =	ssub.s32 @!p0 $0x0, s1;
	[sflag:s0] =	ssyncset.done @!p0 $0x0  }
0xc7: {  	[sflag:s0] =	ssyncadd.s32 @!p0 s1  }
0xc8: {  	[bflag:$0x3] =	sbarrier.arrive $0xFFFF  }
0xc9: {  	_ =	shalt  }

// kernel: kernel.21.cloned.1.call-start
scs
__scs_entry_jumppad:
0x0: {  	(pc) =	sbr.rel $0x88, $3  }
0x1: {  	(tag) =	ssettag $0x0;
	lr =	simm.s32 $0x1  }
0x2: {  	[smem:$0x3F93] =	sst lr;
	_ =	strace $0xD0000000  }
0x3: {  	_ = 	snop  }
0x4: {  	_ = 	snop  }
0x5: {  	_ = 	snop  }
0x6: {  	_ = 	snop  }
0x7: {  	_ = 	snop  }
__scs_overlays_trampoline_lowered:
0x8: {  	[smem:$0x3FA2] =	sst s0  }
0x9: {  	[smem:$0x3FA3] =	sst s1  }
0xa: {  	[smem:$0x3FA4] =	sst s2  }
0xb: {  	[smem:$0x3FA5] =	sst s3  }
0xc: {  	[smem:$0x3FA6] =	sst s4  }
0xd: {  	[smem:$0x3FA7] =	sst s5  }
0xe: {  	[smem:$0x3FA8] =	sst s6  }
0xf: {  	[smem:$0x3FA9] =	sst s7  }
0x10: {  	[smem:$0x3FAA] =	sst s8  }
0x11: {  	[smem:$0x3FAB] =	sst s9;
	s0 =	simm.s32 @!p0 $0x0  }
0x12: {  	s1 =	sld [smem:$0x3F91];
	s0 =	simm.s32 @p0 $0x1  }
0x13: {  	[smem:$0x3FAC] =	sst s0;
	s0 =	simm.s32 @!p1 $0x0  }
0x14: {  	s2 =	sld [smem:$0x3F90];
	s0 =	simm.s32 @p1 $0x1  }
0x15: {  	[smem:$0x3FAD] =	sst s0;
	s0 =	simm.s32 @!p2 $0x0  }
0x16: {  	s3 =	sld [smem:$0x3FDB];
	s0 =	simm.s32 @p2 $0x1  }
0x17: {  	s4 =	simm.s32 $0x1BF5;
	[smem:$0x3FAF] =	sst s0  }
0x18: {  	s0 =	sld [smem:$0x3F92];
	_ =	swait.ge [sflag:s4], $0x0  }
0x19: {  	s7 =	sld [smem:$0x3F93]  }
0x1a: {  	s8 =	sadd.s32 $0xFFFFE003, lr  }
0x1b: {  	s9 =	sadd.s32 $0xFFFFFEF7, lr;
	s5 =	simm.s32 $0xFFFFFFFF;
	p2 =	slt.u32 s8, $0xFFFFF086  }
0x1c: {  	p1 =	slt.u32 s9, $0xF7A;
	s5 =	simm.s32 @!p2 $0x0  }
0x1d: {  	s5 =	simm.s32 @p1 $0x1;
	p0 =	seq.s32 s7, s2  }
0x1e: {  	s7 =	smul.u32 @!p0 $0xF7A, s2;
	p2 =	seq.s32 @!p0 s5, $0x0  }
0x1f: {  	s9 =	smul.u32 $0xF7A, s1;
	s8 =	simm.s32 @!p0 $0x1BF5;
	p2 =	por !p2, p0  }
0x20: {  	[sflag:s8] =	ssyncset.s32 @!p0 $0xFFFFF086;
	s6 =	sadd.s32 @!p0 s3, s7;
	s7 =	simm.s32 @!p0 $0x108  }
0x21: {  	s3 =	sadd.s32 s3, s9;
	s6 =	sadd.s32 @!p0 $0x88, s6;
	s7 =	simm.s32 @p2 $0x1082  }
0x22: {  	[simem:s7], [sflag:s8] =	dma.local @!p0 [hbm:s6], $0xF7A  }
0x23: {  	s9 =	sor.u32 $0xD0000000, s2;
	s6 =	simm.s32 $0x108;
	_ =	swait.ge @!p0 [sflag:s8], $0x0  }
0x24: {  	s3 =	sadd.s32 $0x88, s3;
	s6 =	simm.s32 @!p1 $0x1082;
	[sflag:s4] =	ssyncset.s32 $0xFFFFF086  }
0x25: {  	[simem:s6], [sflag:s4] =	dma.local [hbm:s3], $0xF7A  }
0x26: {  	[smem:$0x3F93] =	sst s1;
	(tag) =	ssettag s2;
	_ =	strace s9  }
0x27: {  	s1 =	sld [smem:$0x3FA3]  }
0x28: {  	s2 =	sld [smem:$0x3FA4]  }
0x29: {  	s4 =	sld [smem:$0x3FA6]  }
0x2a: {  	p0 =	seq.s32 s5, $0x0;
	s5 =	sld [smem:$0x3FA7]  }
0x2b: {  	s6 =	sld [smem:$0x3FA8]  }
0x2c: {  	s7 =	sld [smem:$0x3FA9]  }
0x2d: {  	s3 =	simm.s32 $0x108;
	s8 =	sld [smem:$0x3FAA]  }
0x2e: {  	s3 =	simm.s32 @!p0 $0x1082;
	s9 =	sld [smem:$0x3FAB]  }
0x2f: {  	lr =	sadd.s32 s0, s3;
	s0 =	sld [smem:$0x3FA2]  }
0x30: {  	s3 =	sld [smem:$0x3FA5]  }
0x31: {  	[smem:$0x3FAE] =	sst s10  }
0x32: {  	s10 =	sld [smem:$0x3FAC];
	_ =	sdelay $0x3  }
0x33: {  	p0 =	seq.s32 s10, $0x1;
	s10 =	sld [smem:$0x3FAE];
	_ =	sdelay $0x3  }
0x34: {  	[smem:$0x3FAE] =	sst s10  }
0x35: {  	s10 =	sld [smem:$0x3FAD];
	_ =	sdelay $0x3  }
0x36: {  	p1 =	seq.s32 s10, $0x1;
	s10 =	sld [smem:$0x3FAE];
	_ =	sdelay $0x3  }
0x37: {  	[smem:$0x3FAE] =	sst s10  }
0x38: {  	s10 =	sld [smem:$0x3FAF]  }
0x39: {  	_ = 	snop;
	(pc) =	sbr.ind lr, $3  }
0x3a: {  	_ = 	snop  }
0x3b: {  	_ = 	snop  }
0x3c: {  	p2 =	seq.s32 s10, $0x1;
	s10 =	sld [smem:$0x3FAE]  }
0x3d: {  	_ =	shalt  }
0x3e: {  	_ =	shalt  }
0x3f: {  	_ =	shalt  }
0x40: {  	_ =	shalt  }
0x41: {  	_ =	shalt  }
0x42: {  	_ =	shalt  }
0x43: {  	_ =	shalt  }
0x44: {  	_ =	shalt  }
0x45: {  	_ =	shalt  }
0x46: {  	_ =	shalt  }
0x47: {  	_ =	shalt  }
0x48: {  	_ =	shalt  }
0x49: {  	_ =	shalt  }
0x4a: {  	_ =	shalt  }
0x4b: {  	_ =	shalt  }
0x4c: {  	_ =	shalt  }
0x4d: {  	_ =	shalt  }
0x4e: {  	_ =	shalt  }
0x4f: {  	_ =	shalt  }
0x50: {  	_ =	shalt  }
0x51: {  	_ =	shalt  }
0x52: {  	_ =	shalt  }
0x53: {  	_ =	shalt  }
0x54: {  	_ =	shalt  }
0x55: {  	_ =	shalt  }
0x56: {  	_ =	shalt  }
0x57: {  	_ =	shalt  }
0x58: {  	_ =	shalt  }
0x59: {  	_ =	shalt  }
0x5a: {  	_ =	shalt  }
0x5b: {  	_ =	shalt  }
0x5c: {  	_ =	shalt  }
0x5d: {  	_ =	shalt  }
0x5e: {  	_ =	shalt  }
0x5f: {  	_ =	shalt  }
0x60: {  	_ =	shalt  }
0x61: {  	_ =	shalt  }
0x62: {  	_ =	shalt  }
0x63: {  	_ =	shalt  }
0x64: {  	_ =	shalt  }
0x65: {  	_ =	shalt  }
0x66: {  	_ =	shalt  }
0x67: {  	_ =	shalt  }
0x68: {  	_ =	shalt  }
0x69: {  	_ =	shalt  }
0x6a: {  	_ =	shalt  }
0x6b: {  	_ =	shalt  }
0x6c: {  	_ =	shalt  }
0x6d: {  	_ =	shalt  }
0x6e: {  	_ =	shalt  }
0x6f: {  	_ =	shalt  }
0x70: {  	_ =	shalt  }
0x71: {  	_ =	shalt  }
0x72: {  	_ =	shalt  }
0x73: {  	_ =	shalt  }
0x74: {  	_ =	shalt  }
0x75: {  	_ =	shalt  }
0x76: {  	_ =	shalt  }
0x77: {  	_ =	shalt  }
0x78: {  	_ =	shalt  }
0x79: {  	_ =	shalt  }
0x7a: {  	_ =	shalt  }
0x7b: {  	_ =	shalt  }
0x7c: {  	_ =	shalt  }
0x7d: {  	_ =	shalt  }
0x7e: {  	_ =	shalt  }
0x7f: {  	_ =	shalt  }
0x80: {  	_ =	shalt  }
0x81: {  	_ =	shalt  }
0x82: {  	_ =	shalt  }
0x83: {  	_ =	shalt  }
0x84: {  	_ =	shalt  }
0x85: {  	_ =	shalt  }
0x86: {  	_ =	shalt  }
0x87: {  	_ =	shalt  }
.Lfunc_end0:
.L_simem_size_0:
called_computation.3_lowered:
.L_overlay_start_0:
0x88: {  	s2 =	sld [smem:$0x3FD9]  }
0x89: {  	s3 =	sld [smem:$0x3FFE];
	_ =	sdelay $0x1  }
0x8a: {  	s1 =	srdreg.scid  }
0x8b: {  	s0 =	sand.u32 $0x1, s1  }
0x8c: {  	s16 =	sshll.u32 s0, $0xA;
	s2 =	sadd.s32 s3, s2  }
0x8d: {  	s2 =	sadd.s32 s2, s16  }
0x8e: {  	[smem:$0x3FBA] =	sst s2  }
0x8f: {  	_ = 	snop  }
0x90: {  	(tm) =	ssettm $0x1  }
0x91: {  	s17 =	sld [smem:$0x3FFB];
	_ =	sdelay $0x3  }
0x92: {  	_ =	strace s17  }
0x93: {  	s2 =	sld [smem:$0x3FFC];
	_ =	sdelay $0x3  }
0x94: {  	_ =	strace s2  }
0x95: {  	s2 =	sld [smem:$0x3FFD];
	_ =	sdelay $0x3  }
0x96: {  	_ =	strace s2  }
0x97: {  	_ =	strace $0x8FFFFFFF  }
0x98: {  	s18 =	sld [smem:$0x3FDB];
	_ =	sdelay $0x1  }
0x99: {  	s19 =	simm.s32 $_scs_section_size  }
0x9a: {  	s4 =	simm.s32 $_size__tile_overlayer_lowered;
	s5 =	simm.s32 $_tile_overlayer_lowered  }
0x9b: {  	s22 =	simm.s32 $0x1BFF;
	s21 =	sshll.u32 s5, $0x1;
	s2 =	sadd.s32 s19, s18  }
0x9c: {  	s6 =	simm.s32 $0x0;
	s20 =	sshll.u32 s4, $0x1;
	s4 =	sadd.s32 s21, s2  }
0x9d: {  	[timem:s6], [sflag:s22] =	dma.local [hbm:s4], s20  }
0x9e: {  	_ =	swait.ge [sflag:s22], s20  }
0x9f: {  	s3 =	ssub.s32 $0x0, s20;
	[sflag:s22] =	ssyncset.done $0x0  }
0xa0: {  	[sflag:s22] =	ssyncadd.s32 s3;
	_ =	sdelay $0x1  }
0xa1: {  	s23 =	simm.s32 $0x1B8B  }
0xa2: {  	_ =	swait.ge [sflag:s23], $0x1  }
0xa3: {  	[sflag:s23] =	ssyncset.done $0x0  }
0xa4: {  	s25 =	simm.s32 $0x1B8E;
	s24 =	sld [smem:$0x3FFE];
	[sflag:s23] =	ssyncadd.s32 $0xFFFFFFFF  }
0xa5: {  	s26 =	simm.s32 $execute0_lowered;
	[smem:$0x3FD2] =	sst s25  }
0xa6: {  	s4 =	sshll.u32 s26, $0x1;
	_ =	strace $0x8000004F;
	[dreg:$0x1] =	wrdreg $0xFFFFFFFF  }
0xa7: {  	s28 =	simm.s32 $_size_execute0_lowered;
	s2 =	sadd.s32 s2, s4;
	[dreg:$0x0] =	wrdreg $0x0  }
0xa8: {  	s4 =	sshll.u32 s28, $0x1;
	[dreg:$0x2] =	wrdreg s2  }
0xa9: {  	[dreg:$0x3] =	wrdreg s4  }
0xaa: {  	[dreg:$0x4] =	wrdreg $0xC0  }
0xab: {  	_ =	task [dreg:s6], $0x5FFFF  }
0xac: {  	[dreg:$0x1] =	wrdreg $0xFFFFFFFF  }
0xad: {  	[dreg:$0x0] =	wrdreg $0x60  }
0xae: {  	[dreg:$0x2] =	wrdreg s24  }
0xaf: {  	[dreg:$0x3] =	wrdreg $0x0  }
0xb0: {  	[dreg:$0x4] =	wrdreg $0x9  }
0xb1: {  	_ =	task.clear_ibuf [dreg:s6], $0x5FFFF;
	_ =	strace $0x9000004F  }
0xb2: {  	s29 =	simm.s32 $0x9;
	_ =	strace $0x80000051  }
0xb3: {  	_ =	swait.ge [sflag:s29], $0x1  }
0xb4: {  	[sflag:s29] =	ssyncadd.s32 $0xFFFFFFFF  }
0xb5: {  	_ =	strace $0x90000051  }
0xb6: {  	_ =	sfence  }
0xb7: {  	s30 =	sld [smem:$0x0];
	_ =	sdelay $0x2  }
0xb8: {  	s31 =	sshll.u32 s1, $0xD;
	s1 =	sshrl.u32 s1, $0x2  }
0xb9: {  	s3 =	sand.u32 $0x4000, s31;
	s1 =	sadd.s32 s1, s30  }
0xba: {  	s0 =	sor.u32 s3, s0;
	s1 =	sshll.u32 s1, $0x11  }
0xbb: {  	s0 =	sor.u32 s1, s0  }
0xbc: {  	s0 =	sadd.s32 $0x8F2B, s0  }
0xbd: {  	[sflag:s0] =	ssyncadd.remote.s32 $0x1  }
0xbe: {  	_ =	sfence.sel $0xFFFF  }
0xbf: {  	[dreg:$0x0] =	wrdreg $0xFFFFFFFF;
	(pc) =	sbr.abs _section_cstart, $3  }
0xc0: {  	[dreg:$0x1] =	wrdreg $0xFFFFFFFF  }
0xc1: {  	_ =	task.clear_ibuf [dreg:s6], $0x2FFFF;
	_ =	strace $0x9FFFFFFF  }
0xc2: {  	(tm) =	ssettm $0x7FFFFFFF  }
0xc3: {  	_ =	shalt  }
tec
execute0_lowered:
.L_overlay_start_1:
0x0: {  	(tag) =	ssettag $0x1  }
0x1: {  	s0 =	srdreg.scid;
	s6 =	rddreg [dreg:$0x0]  }
0x2: {  	s24 =	stileid.u32;
	s2 =	rddreg [dreg:$0x1]  }
0x3: {  	s3 =	simm.s32 $0x0;
	s11 =	simm.s32 $0x1D000;
	s12 =	simm.s32 $0x5  }
0x4: {  	s13 =	simm.s32 $0x18800;
	s14 =	simm.s32 $0x18C00;
	s15 =	simm.s32 $0x100  }
0x5: {  	s16 =	simm.s32 $0x19000;
	s17 =	simm.s32 $0x1;
	s18 =	simm.s32 $0x18900  }
0x6: {  	s19 =	simm.s32 $0x1B000;
	s20 =	simm.s32 $0x2;
	s21 =	simm.s32 $0x3  }
0x7: {  	s22 =	simm.s32 $0x18D00;
	s23 =	simm.s32 $0x18A00;
	s5 =	smul.u32 $0xC400, s24  }
0x8: {  	s28 =	simm.s32 $0x18F00;
	s29 =	simm.s32 $0x0;
	s8 =	smul.u32 $0x18800, s24  }
0x9: {  	s1 =	sand.u32 $0x1, s0;
	[smem:$0x7FF] =	sst s3;
	s10 =	smul.u32 $0x62000, s24  }
0xa: {  	s25 =	sadd.s32 $0x65000, s6;
	s24 =	simm.s32 $0x4;
	s4 =	smul.u32 $0xC4000, s1  }
0xb: {  	s7 =	smul.u32 $0x188000, s1;
	_ =	strace $0x80000050;
	s1 =	ssub.s32 $0x2, s1  }
0xc: {  	[dreg:$0x3] =	wrdreg s25;
	s25 =	simm.s32 $0x18E00;
	s26 =	sshrl.u32 s1, $0x1  }
0xd: {  	s30 =	sshrl.u32 s10, $0x2;
	s4 =	sadd.s32 s5, s4;
	s7 =	sadd.s32 s8, s7  }
0xe: {  	s1 =	ssub.s32 s1, s26;
	s26 =	simm.s32 $0x18B00;
	s4 =	sshrl.u32 s4, $0x3  }
0xf: {  	s7 =	sshrl.u32 s7, $0x3;
	s9 =	sadd.s32 s4, s6;
	s4 =	sadd.s32 $0x3A6000, s6  }
0x10: {  	s31 =	sadd.s32 s7, s6;
	s6 =	smax.u32 s1, $0x1;
	s7 =	sadd.s32 s30, s2  }
0x11: {  	s8 =	sadd.s32 $0x3000, s9;
	s9 =	sadd.s32 $0x34000, s9;
	s10 =	sadd.s32 $0x96000, s31  }
.LBB2_1:
0x12: {  	s0 =	rddreg [dreg:$0x3]  }
0x13: {  	[tilespmem:s11], [sflag:$0x5] =	stream.linear.gather [hbm4b:s0+s3], $0xE00, $0x38;
	[tilespmem:$0x1DE00] =	vst v63  }
0x14: {  	_ =	swait.ge [sflag:s12], $0xE00  }
0x15: {  	[sflag:s12] =	ssyncset.done $0x0  }
0x16: {  	s1 =	sadd.s32 $0x0, s7;
	[sflag:s12] =	ssyncadd.s32 $0xFFFFF200  }
0x17: {  	[spmem:s1] =	stream.linear.scatter [tilespmem:s11], [sflag:$0x5], $0xE00, $0x38;
	[tilespmem:$0x1DE00] =	vst v63  }
0x18: {  	s30 =	simm.s32 $0x3800;
	_ =	swait.ge [sflag:s12], $0xE00  }
.LBB2_2:
0x19: {  	s1 =	sshra.s32 s30, $0x2;
	[sflag:s12] =	ssyncset.done $0x0;
	p0 =	sne.s32 s30, $0x5E800  }
.Ltmp0:
0x1a: {  	s1 =	sadd.s32 s1, s7;
	[sflag:s12] =	ssyncadd.s32 $0xFFFFF200;
	(pc) =	sbr.rel @p0 .LBB2_2-.Ltmp0, $3  }
0x1b: {  	[spmem:s1] =	stream.linear.scatter [tilespmem:s11], [sflag:$0x5], $0xE00, $0x38;
	[tilespmem:$0x1DE00] =	vst v63  }
0x1c: {  	s30 =	sadd.s32 $0x3800, s30;
	_ =	sdelay $0x1  }
0x1d: {  	_ =	swait.ge [sflag:s12], $0xE00  }
0x1e: {  	[sflag:s12] =	ssyncset.done $0x0  }
0x1f: {  	[sflag:s12] =	ssyncadd.s32 $0xFFFFF200  }
0x20: {  	s1 =	sadd.s32 $0x0, s9;
	[bflag:$0x0] =	sbarrier.arrive $0xFFFF  }
0x21: {  	[tilespmem:s13], [sflag:$0x5] =	stream.linear.gather [hbm4b:s1+s3], $0x400, $0x38;
	[tilespmem:$0x1DE00] =	vst v63  }
0x22: {  	_ =	swait.ge [sflag:s12], $0x400  }
0x23: {  	[sflag:s12] =	ssyncset.done $0x0  }
0x24: {  	s5 =	sadd.s32 $0x0, s8;
	[sflag:s12] =	ssyncadd.s32 $0xFFFFFC00  }
0x25: {  	[tilespmem:s14], [sflag:$0x5] =	stream.linear.gather [hbm4b:s5+s3], $0x400, $0x38;
	[tilespmem:$0x1DE00] =	vst v63  }
0x26: {  	_ =	swait.ge [sflag:s12], $0x400  }
0x27: {  	[sflag:s12] =	ssyncset.done $0x0  }
0x28: {  	[sflag:s12] =	ssyncadd.s32 $0xFFFFFC00  }
0x29: {  	[tilespmem:s16], [sflag:$0x1] =	stream.indirect.gather [hbm4b:s4+s15], $0x20, s13, s15, $0xb8;
	[tilespmem:$0x1DE00] =	vst v63  }
0x2a: {  	_ =	swait.ge [sflag:s17], $0x2000  }
0x2b: {  	[sflag:s17] =	ssyncset.done $0x0  }
0x2c: {  	[sflag:s17] =	ssyncadd.s32 $0xFFFFE000  }
0x2d: {  	[spmem:s2] =	stream.indirect.scatter.add.f32 [tilespmem:s16], [sflag:$0x3], $0x20, s14, s15, $0xb8;
	[tilespmem:$0x1DE00] =	vst v63  }
0x2e: {  	_ = 	snop  }
0x2f: {  	[tilespmem:s19], [sflag:$0x2] =	stream.indirect.gather [hbm4b:s4+s15], $0x20, s18, s15, $0xb8;
	[tilespmem:$0x1DE00] =	vst v63  }
0x30: {  	_ =	swait.ge [sflag:s20], $0x2000  }
0x31: {  	[sflag:s20] =	ssyncset.done $0x0  }
0x32: {  	[sflag:s20] =	ssyncadd.s32 $0xFFFFE000  }
0x33: {  	_ =	swait.ge [sflag:s21], $0x2000  }
0x34: {  	[sflag:s21] =	ssyncset.done $0x0  }
0x35: {  	[sflag:s21] =	ssyncadd.s32 $0xFFFFE000  }
0x36: {  	[spmem:s2] =	stream.indirect.scatter.add.f32 [tilespmem:s19], [sflag:$0x4], $0x20, s22, s15, $0xb8;
	[tilespmem:$0x1DE00] =	vst v63  }
0x37: {  	_ = 	snop  }
0x38: {  	[tilespmem:s16], [sflag:$0x1] =	stream.indirect.gather [hbm4b:s4+s15], $0x20, s23, s15, $0xb8;
	[tilespmem:$0x1DE00] =	vst v63  }
0x39: {  	_ =	swait.ge [sflag:s17], $0x2000  }
0x3a: {  	[sflag:s17] =	ssyncset.done $0x0  }
0x3b: {  	[sflag:s17] =	ssyncadd.s32 $0xFFFFE000  }
0x3c: {  	_ =	swait.ge [sflag:s24], $0x2000  }
0x3d: {  	[sflag:s24] =	ssyncset.done $0x0  }
0x3e: {  	[sflag:s24] =	ssyncadd.s32 $0xFFFFE000  }
0x3f: {  	[spmem:s2] =	stream.indirect.scatter.add.f32 [tilespmem:s16], [sflag:$0x3], $0x20, s25, s15, $0xb8;
	[tilespmem:$0x1DE00] =	vst v63  }
0x40: {  	_ = 	snop  }
0x41: {  	[tilespmem:s19], [sflag:$0x2] =	stream.indirect.gather [hbm4b:s4+s15], $0x20, s26, s15, $0xb8;
	[tilespmem:$0x1DE00] =	vst v63  }
0x42: {  	_ =	swait.ge [sflag:s20], $0x2000  }
0x43: {  	[sflag:s20] =	ssyncset.done $0x0  }
0x44: {  	[sflag:s20] =	ssyncadd.s32 $0xFFFFE000  }
0x45: {  	_ =	swait.ge [sflag:s21], $0x2000  }
0x46: {  	[sflag:s21] =	ssyncset.done $0x0  }
0x47: {  	[sflag:s21] =	ssyncadd.s32 $0xFFFFE000  }
0x48: {  	[spmem:s2] =	stream.indirect.scatter.add.f32 [tilespmem:s19], [sflag:$0x4], $0x20, s28, s15, $0xb8;
	[tilespmem:$0x1DE00] =	vst v63  }
0x49: {  	_ =	swait.ge [sflag:s24], $0x2000  }
0x4a: {  	s30 =	simm.s32 $0x80;
	s31 =	simm.s32 $0x100;
	[sflag:s24] =	ssyncset.done $0x0  }
.LBB2_4:
0x4b: {  	s0 =	sadd.s32 s30, s9  }
0x4c: {  	[sflag:s24] =	ssyncadd.s32 $0xFFFFE000;
	s5 =	smov.u32 s31;
	s1 =	sadd.s32 $0x80, s31  }
0x4d: {  	[tilespmem:s13], [sflag:$0x5] =	stream.linear.gather [hbm4b:s0+s3], $0x400, $0x38;
	[tilespmem:$0x1DE00] =	vst v63  }
0x4e: {  	p0 =	sne.s32 s31, $0x1800;
	_ =	swait.ge [sflag:s12], $0x400  }
0x4f: {  	[sflag:s12] =	ssyncset.done $0x0  }
0x50: {  	s0 =	sadd.s32 s30, s8;
	s30 =	smov.u32 s5;
	[sflag:s12] =	ssyncadd.s32 $0xFFFFFC00  }
0x51: {  	[tilespmem:s14], [sflag:$0x5] =	stream.linear.gather [hbm4b:s0+s3], $0x400, $0x38;
	[tilespmem:$0x1DE00] =	vst v63  }
0x52: {  	_ =	swait.ge [sflag:s12], $0x400  }
0x53: {  	[sflag:s12] =	ssyncset.done $0x0  }
0x54: {  	[sflag:s12] =	ssyncadd.s32 $0xFFFFFC00  }
0x55: {  	[tilespmem:s16], [sflag:$0x1] =	stream.indirect.gather [hbm4b:s4+s15], $0x20, s13, s15, $0xb8;
	[tilespmem:$0x1DE00] =	vst v63  }
0x56: {  	_ =	swait.ge [sflag:s17], $0x2000  }
0x57: {  	[sflag:s17] =	ssyncset.done $0x0  }
0x58: {  	[sflag:s17] =	ssyncadd.s32 $0xFFFFE000  }
0x59: {  	[spmem:s2] =	stream.indirect.scatter.add.f32 [tilespmem:s16], [sflag:$0x3], $0x20, s14, s15, $0xb8;
	[tilespmem:$0x1DE00] =	vst v63  }
0x5a: {  	_ = 	snop  }
0x5b: {  	[tilespmem:s19], [sflag:$0x2] =	stream.indirect.gather [hbm4b:s4+s15], $0x20, s18, s15, $0xb8;
	[tilespmem:$0x1DE00] =	vst v63  }
0x5c: {  	_ =	swait.ge [sflag:s20], $0x2000  }
0x5d: {  	[sflag:s20] =	ssyncset.done $0x0  }
0x5e: {  	[sflag:s20] =	ssyncadd.s32 $0xFFFFE000  }
0x5f: {  	_ =	swait.ge [sflag:s21], $0x2000  }
0x60: {  	[sflag:s21] =	ssyncset.done $0x0  }
0x61: {  	[sflag:s21] =	ssyncadd.s32 $0xFFFFE000  }
0x62: {  	[spmem:s2] =	stream.indirect.scatter.add.f32 [tilespmem:s19], [sflag:$0x4], $0x20, s22, s15, $0xb8;
	[tilespmem:$0x1DE00] =	vst v63  }
0x63: {  	_ = 	snop  }
0x64: {  	[tilespmem:s16], [sflag:$0x1] =	stream.indirect.gather [hbm4b:s4+s15], $0x20, s23, s15, $0xb8;
	[tilespmem:$0x1DE00] =	vst v63  }
0x65: {  	_ =	swait.ge [sflag:s17], $0x2000  }
0x66: {  	[sflag:s17] =	ssyncset.done $0x0  }
0x67: {  	[sflag:s17] =	ssyncadd.s32 $0xFFFFE000  }
0x68: {  	_ =	swait.ge [sflag:s24], $0x2000  }
0x69: {  	[sflag:s24] =	ssyncset.done $0x0  }
0x6a: {  	[sflag:s24] =	ssyncadd.s32 $0xFFFFE000  }
0x6b: {  	[spmem:s2] =	stream.indirect.scatter.add.f32 [tilespmem:s16], [sflag:$0x3], $0x20, s25, s15, $0xb8;
	[tilespmem:$0x1DE00] =	vst v63  }
0x6c: {  	_ = 	snop  }
0x6d: {  	[tilespmem:s19], [sflag:$0x2] =	stream.indirect.gather [hbm4b:s4+s15], $0x20, s26, s15, $0xb8;
	[tilespmem:$0x1DE00] =	vst v63  }
0x6e: {  	_ =	swait.ge [sflag:s20], $0x2000  }
0x6f: {  	[sflag:s20] =	ssyncset.done $0x0  }
0x70: {  	[sflag:s20] =	ssyncadd.s32 $0xFFFFE000  }
0x71: {  	_ =	swait.ge [sflag:s21], $0x2000  }
.Ltmp1:
0x72: {  	[sflag:s21] =	ssyncset.done $0x0;
	(pc) =	sbr.rel @p0 .LBB2_4-.Ltmp1, $4  }
0x73: {  	[sflag:s21] =	ssyncadd.s32 $0xFFFFE000  }
0x74: {  	[spmem:s2] =	stream.indirect.scatter.add.f32 [tilespmem:s19], [sflag:$0x4], $0x20, s28, s15, $0xb8;
	[tilespmem:$0x1DE00] =	vst v63  }
0x75: {  	_ =	swait.ge [sflag:s24], $0x2000  }
0x76: {  	s31 =	smov.u32 s1;
	[sflag:s24] =	ssyncset.done $0x0  }
0x77: {  	s0 =	sadd.s32 s30, s9;
	[sflag:s24] =	ssyncadd.s32 $0xFFFFE000  }
0x78: {  	[tilespmem:s13], [sflag:$0x5] =	stream.linear.gather [hbm4b:s0+s3], $0x400, $0x38;
	[tilespmem:$0x1DE00] =	vst v63  }
0x79: {  	_ =	swait.ge [sflag:s12], $0x400  }
0x7a: {  	[sflag:s12] =	ssyncset.done $0x0  }
0x7b: {  	s1 =	sadd.s32 s30, s8;
	[sflag:s12] =	ssyncadd.s32 $0xFFFFFC00  }
0x7c: {  	[tilespmem:s14], [sflag:$0x5] =	stream.linear.gather [hbm4b:s1+s3], $0x400, $0x38;
	[tilespmem:$0x1DE00] =	vst v63  }
0x7d: {  	_ =	swait.ge [sflag:s12], $0x400  }
0x7e: {  	[sflag:s12] =	ssyncset.done $0x0  }
0x7f: {  	[sflag:s12] =	ssyncadd.s32 $0xFFFFFC00  }
0x80: {  	[tilespmem:s16], [sflag:$0x1] =	stream.indirect.gather [hbm4b:s4+s15], $0x20, s13, s15, $0xb8;
	[tilespmem:$0x1DE00] =	vst v63  }
0x81: {  	_ =	swait.ge [sflag:s17], $0x2000  }
0x82: {  	[sflag:s17] =	ssyncset.done $0x0  }
0x83: {  	[sflag:s17] =	ssyncadd.s32 $0xFFFFE000  }
0x84: {  	[spmem:s2] =	stream.indirect.scatter.add.f32 [tilespmem:s16], [sflag:$0x3], $0x20, s14, s15, $0xb8;
	[tilespmem:$0x1DE00] =	vst v63  }
0x85: {  	_ = 	snop  }
0x86: {  	[tilespmem:s19], [sflag:$0x2] =	stream.indirect.gather [hbm4b:s4+s15], $0x20, s18, s15, $0xb8;
	[tilespmem:$0x1DE00] =	vst v63  }
0x87: {  	_ =	swait.ge [sflag:s20], $0x2000  }
0x88: {  	[sflag:s20] =	ssyncset.done $0x0  }
0x89: {  	[sflag:s20] =	ssyncadd.s32 $0xFFFFE000  }
0x8a: {  	_ =	swait.ge [sflag:s21], $0x2000  }
0x8b: {  	[sflag:s21] =	ssyncset.done $0x0  }
0x8c: {  	[sflag:s21] =	ssyncadd.s32 $0xFFFFE000  }
0x8d: {  	[spmem:s2] =	stream.indirect.scatter.add.f32 [tilespmem:s19], [sflag:$0x4], $0x20, s22, s15, $0xb8;
	[tilespmem:$0x1DE00] =	vst v63  }
0x8e: {  	_ = 	snop  }
0x8f: {  	[tilespmem:s16], [sflag:$0x1] =	stream.indirect.gather [hbm4b:s4+s15], $0x20, s23, s15, $0xb8;
	[tilespmem:$0x1DE00] =	vst v63  }
0x90: {  	_ =	swait.ge [sflag:s17], $0x2000  }
0x91: {  	[sflag:s17] =	ssyncset.done $0x0  }
0x92: {  	[sflag:s17] =	ssyncadd.s32 $0xFFFFE000  }
0x93: {  	_ =	swait.ge [sflag:s24], $0x2000  }
0x94: {  	[sflag:s24] =	ssyncset.done $0x0  }
0x95: {  	[sflag:s24] =	ssyncadd.s32 $0xFFFFE000  }
0x96: {  	[spmem:s2] =	stream.indirect.scatter.add.f32 [tilespmem:s16], [sflag:$0x3], $0x20, s25, s15, $0xb8;
	[tilespmem:$0x1DE00] =	vst v63  }
0x97: {  	_ = 	snop  }
0x98: {  	[tilespmem:s19], [sflag:$0x2] =	stream.indirect.gather [hbm4b:s4+s15], $0x20, s26, s15, $0xb8;
	[tilespmem:$0x1DE00] =	vst v63  }
0x99: {  	_ =	swait.ge [sflag:s20], $0x2000  }
0x9a: {  	[sflag:s20] =	ssyncset.done $0x0  }
0x9b: {  	[sflag:s20] =	ssyncadd.s32 $0xFFFFE000  }
0x9c: {  	_ =	swait.ge [sflag:s21], $0x2000  }
0x9d: {  	[sflag:s21] =	ssyncset.done $0x0  }
0x9e: {  	[sflag:s21] =	ssyncadd.s32 $0xFFFFE000  }
0x9f: {  	[spmem:s2] =	stream.indirect.scatter.add.f32 [tilespmem:s19], [sflag:$0x4], $0x20, s28, s15, $0xb8;
	[tilespmem:$0x1DE00] =	vst v63  }
0xa0: {  	_ =	swait.ge [sflag:s24], $0x2000  }
0xa1: {  	[sflag:s24] =	ssyncset.done $0x0  }
0xa2: {  	[sflag:s24] =	ssyncadd.s32 $0xFFFFE000  }
0xa3: {  	[bflag:$0x0] =	sbarrier.arrive $0xFFFF  }
0xa4: {  	[tilespmem:s11], [sflag:$0x5] =	stream.linear.gather [spmem:s7], $0xE00, $0x38;
	[tilespmem:$0x1DE00] =	vst v63  }
0xa5: {  	_ =	swait.ge [sflag:s12], $0xE00  }
0xa6: {  	[sflag:s12] =	ssyncset.done $0x0  }
0xa7: {  	s5 =	sadd.s32 $0x0, s10;
	[sflag:s12] =	ssyncadd.s32 $0xFFFFF200  }
0xa8: {  	[hbm4b:s5+s3] =	stream.linear.scatter [tilespmem:s11], [sflag:$0x5], $0xE00, $0x38;
	[tilespmem:$0x1DE00] =	vst v63  }
0xa9: {  	_ =	swait.ge [sflag:s12], $0xE00  }
0xaa: {  	s30 =	simm.s32 $0x1C0;
	s31 =	smov.u32 s7;
	[sflag:s12] =	ssyncset.done $0x0  }
.LBB2_6:
0xab: {  	p0 =	sne.s32 s30, $0x2F40;
	[sflag:s12] =	ssyncadd.s32 $0xFFFFF200;
	s31 =	sadd.s32 $0xE00, s31  }
0xac: {  	[tilespmem:s11], [sflag:$0x5] =	stream.linear.gather [spmem:s31], $0xE00, $0x38;
	[tilespmem:$0x1DE00] =	vst v63  }
0xad: {  	s0 =	smov.u32 s30;
	s30 =	sadd.s32 $0x1C0, s30;
	_ =	swait.ge [sflag:s12], $0xE00  }
.Ltmp2:
0xae: {  	[sflag:s12] =	ssyncset.done $0x0;
	(pc) =	sbr.rel @p0 .LBB2_6-.Ltmp2, $4  }
0xaf: {  	s0 =	sadd.s32 s0, s10;
	[sflag:s12] =	ssyncadd.s32 $0xFFFFF200  }
0xb0: {  	[hbm4b:s0+s3] =	stream.linear.scatter [tilespmem:s11], [sflag:$0x5], $0xE00, $0x38;
	[tilespmem:$0x1DE00] =	vst v63  }
0xb1: {  	_ =	swait.ge [sflag:s12], $0xE00  }
0xb2: {  	[sflag:s12] =	ssyncset.done $0x0  }
0xb3: {  	s29 =	sadd.s32 $0x1, s29  }
0xb4: {  	p0 =	sne.s32 s29, s6  }
.Ltmp3:
0xb5: {  	_ = 	snop;
	(pc) =	sbr.rel @p0 .LBB2_1-.Ltmp3, $2  }
0xb6: {  	_ =	sdelay $0x2  }
0xb7: {  	[sflag:s12] =	ssyncadd.s32 $0xFFFFF200  }
0xb8: {  	_ =	sfence.sel $0x180000  }
0xb9: {  	[bflag:$0x0] =	sbarrier.arrive $0xFFFF  }
0xba: {  	_ =	strace $0x90000050  }
0xbb: {  	s0 =	stileid.u32;
	[bflag:$0x2] =	sbarrier.arrive $0xFFFF  }
0xbc: {  	p0 =	sne.s32 s0, $0x0;
	s0 =	rddreg [dreg:$0x2]  }
0xbd: {  	s0 =	sadd.s32 @!p0 $0x100000, s0  }
0xbe: {  	[sflag:s0] =	ssyncadd.tile.s32 @!p0 $0x1;
	_ =	shalt  }
.Lfunc_end2:
_tile_overlayer_lowered:
.L_overlay_start_2:
0xbf: {  	(tag) =	ssettag $0x2  }
0xc0: {  	s0 =	rddreg [dreg:$0x0];
	s2 =	stileid.u32  }
0xc1: {  	s1 =	rddreg [dreg:$0x1];
	p0 =	sne.s32 s2, $0x0  }
0xc2: {  	s3 =	rddreg [dreg:$0x2];
	[bflag:$0x3] =	sbarrier.arrive $0xFFFF;
	s2 =	simm.s32 @!p0 $0x1C05  }
0xc3: {  	[timem:s3], [sflag:s2] =	dma.local @!p0 [hbm:s0], s1  }
0xc4: {  	s0 =	simm.s32 @!p0 $0x5  }
0xc5: {  	_ =	swait.ge @!p0 [sflag:s0], s1  }
0xc6: {  	s1 =	ssub.s32 @!p0 $0x0, s1;
	[sflag:s0] =	ssyncset.done @!p0 $0x0  }
0xc7: {  	[sflag:s0] =	ssyncadd.s32 @!p0 s1  }
0xc8: {  	[bflag:$0x3] =	sbarrier.arrive $0xFFFF  }
0xc9: {  	_ =	shalt  }

</sc_bundles>
